<compile_context>
chip_gen: v7x
topology: tpu7x:2x2x1
jax: 0.10.2.dev20260603
libtpu: 0.0.44.dev20260713+nightly
codegen_flags: <defaults>
</compile_context>

<pallas_src>
import jax
import jax.numpy as jnp
from jax import lax
from jax.experimental import pallas as pl
from jax.experimental.pallas import tpu as pltpu
from jax.experimental.pallas import tpu_sc as plsc

N_NODES = 10000
N_EDGES = 320000
D = 128

NC = 2
NS = 16
NW = NC * NS
L = 16
CHUNK = 64
CPW = 160
IB = 8
EPW = CPW * CHUNK
E_PAD = NW * EPW
N_ACC = 10240
RPS = N_ACC // NS
BLK_E = IB * CHUNK


def _sc_body(x_hbm, row_hbm, col_hbm, colf_hbm, zeros_hbm,
             acc_out, deg_out,
             row_v, col_v, colf_v, rows_v, deg_local,
             acc_s, sem):
    c = lax.axis_index("c")
    s = lax.axis_index("s")
    wid = s * NC + c

    pltpu.sync_copy(zeros_hbm, rows_v)

    for k in range(RPS // CHUNK):
        off = s * RPS + k * CHUNK
        pltpu.sync_copy(rows_v, acc_s.at[pl.ds(off, CHUNK)])

    zeros16 = jnp.zeros((L,), jnp.float32)

    @pl.loop(0, N_ACC // L)
    def _zero_deg(i):
        deg_local[pl.ds(i * L, L)] = zeros16

    plsc.subcore_barrier()

    ones16 = jnp.full((L,), 1.0, jnp.float32)

    for ib in range(CPW // IB):
        pltpu.sync_copy(row_hbm.at[wid, pl.ds(ib * IB, IB)], row_v)
        pltpu.sync_copy(col_hbm.at[wid, pl.ds(ib * IB, IB)], col_v)
        pltpu.sync_copy(colf_hbm.at[pl.ds(wid * EPW + ib * BLK_E, BLK_E)],
                        colf_v)

        @pl.loop(0, IB)
        def _edge_chunk(j):
            pltpu.async_copy(x_hbm.at[row_v.at[j]], rows_v, sem).wait()
            pltpu.sync_copy(rows_v, acc_s.at[col_v.at[j]], add=True)

        @pl.loop(0, BLK_E // L)
        def _deg(j):
            idx = colf_v[pl.ds(j * L, L)]
            plsc.addupdate_scatter(deg_local, [idx], ones16)

    plsc.subcore_barrier()

    out_off = s * RPS
    pltpu.sync_copy(acc_s.at[pl.ds(out_off, RPS)],
                    acc_out.at[c, pl.ds(out_off, RPS)])
    pltpu.sync_copy(deg_local, deg_out.at[pl.ds(wid * N_ACC, N_ACC)])


def _sc_aggregate(x, row_p, col_p, col_flat, zeros):
    mesh = plsc.VectorSubcoreMesh(core_axis_name="c", subcore_axis_name="s")
    return pl.kernel(
        _sc_body,
        out_type=(
            jax.ShapeDtypeStruct((NC, N_ACC, D), jnp.float32),
            jax.ShapeDtypeStruct((NW * N_ACC,), jnp.float32),
        ),
        mesh=mesh,
        compiler_params=pltpu.CompilerParams(needs_layout_passes=False),
        scratch_types=[
            pltpu.VMEM((IB, CHUNK), jnp.int32),
            pltpu.VMEM((IB, CHUNK), jnp.int32),
            pltpu.VMEM((BLK_E,), jnp.int32),
            pltpu.VMEM((CHUNK, D), jnp.float32),
            pltpu.VMEM((N_ACC,), jnp.float32),
            pltpu.VMEM_SHARED((N_ACC, D), jnp.float32),
            pltpu.SemaphoreType.DMA,
        ],
    )(x, row_p, col_p, col_flat, zeros)


BR = 1024


def _tc_body(acc_ref, deg_ref, w_ref, b_ref, o_ref):
    ssum = acc_ref[0] + acc_ref[1]
    dcol = jnp.sum(deg_ref[...], axis=0)[:, None]
    r = ssum / jnp.maximum(dcol, 1.0)
    o_ref[...] = jnp.dot(r, w_ref[...],
                         preferred_element_type=jnp.float32,
                         precision=jax.lax.Precision.HIGHEST) + b_ref[...]


def _tc_project(acc, deg, W, b2):
    return pl.pallas_call(
        _tc_body,
        grid=(N_ACC // BR,),
        in_specs=[
            pl.BlockSpec((NC, BR, D), lambda i: (0, i, 0)),
            pl.BlockSpec((NW, BR), lambda i: (0, i)),
            pl.BlockSpec((D, D), lambda i: (0, 0)),
            pl.BlockSpec((1, D), lambda i: (0, 0)),
        ],
        out_specs=pl.BlockSpec((BR, D), lambda i: (i, 0)),
        out_shape=jax.ShapeDtypeStruct((N_ACC, D), jnp.float32),
    )(acc, deg, W, b2)


@jax.jit
def kernel(x, edge_index, W, b):
    pad = E_PAD - N_EDGES
    dummy_rows = jnp.arange(pad, dtype=jnp.int32) % N_NODES
    row = jnp.concatenate(
        [edge_index[0], dummy_rows]).reshape(NW, CPW, CHUNK)
    dummy_cols = N_NODES + (jnp.arange(pad, dtype=jnp.int32)
                            % (N_ACC - N_NODES))
    col_flat = jnp.concatenate([edge_index[1], dummy_cols])
    col = col_flat.reshape(NW, CPW, CHUNK)
    zeros = jnp.zeros((CHUNK, D), jnp.float32)
    acc, deg = _sc_aggregate(x, row, col, col_flat, zeros)
    out = _tc_project(acc, deg.reshape(NW, N_ACC), W, b.reshape(1, D))
    return out[:N_NODES]

# --- scband reference (transcript-rebuilt; emitter-appended) ---
"""Pipeline reference for scband-graph-conv-layer-7275674599909 (READ-ONLY COPY).

The authoritative reference and input builder live on the scoring server;
editing this copy changes nothing except your own understanding.
"""

import jax, jax.numpy as jnp
import numpy as np

N = 10000
E = 320000
D_IN = 128
D_OUT = 128


def setup_inputs(seed: int = 0) -> dict:
    key = jax.random.key(seed)
    k1, k2, k3, k4 = jax.random.split(key, 4)
    x = jax.random.normal(k1, (N, D_IN), dtype=jnp.float32)
    edge_index = jax.random.randint(k2, (2, E), 0, N, dtype=jnp.int32)
    # nn.Linear(in_dim, out_dim): weight [out, in], bias [out]. Store as W [in, out] for x @ W + b.
    bound = 1.0 / np.sqrt(D_IN)
    W = jax.random.uniform(k3, (D_IN, D_OUT), dtype=jnp.float32, minval=-bound, maxval=bound)
    b = jax.random.uniform(k4, (D_OUT,), dtype=jnp.float32, minval=-bound, maxval=bound)
    return {"x": x, "edge_index": edge_index, "W": W, "b": b}


def reference(x, edge_index, W, b):
    row = edge_index[0]
    col = edge_index[1]
    # gather source node features along edges
    src = x[row]
    # scatter-add into destination nodes (index_add_)
    out = jnp.zeros_like(x).at[col].add(src)
    # degree normalization (bincount over destination indices)
    deg = jnp.bincount(col, minlength=x.shape[0], length=x.shape[0]).astype(jnp.float32)
    deg = jnp.maximum(deg, 1.0)[:, None]
    out = out / deg
    # final linear projection
    out = out @ W + b
    return out

if __name__ == "__main__":
    import jax
    _d = setup_inputs()
    print(jax.jit(kernel)(*tuple(_d.values())))

</pallas_src>

<mosaic_0001>
#map = affine_map<(d0, d1) -> (0, 0)>
#map1 = affine_map<(d0, d1) -> (0, 0, 0)>
#map2 = affine_map<(d0, d1) -> (0)>
module attributes {stable_mosaic.version = 14 : i64} {
  func.func @_sc_body(%arg0: i32, %arg1: i32, %arg2: memref<10000x128xf32, #tpu.memory_space<hbm>>, %arg3: memref<32x160x64xi32, #tpu.memory_space<hbm>>, %arg4: memref<32x160x64xi32, #tpu.memory_space<hbm>>, %arg5: memref<327680xi32, #tpu.memory_space<hbm>>, %arg6: memref<64x128xf32, #tpu.memory_space<hbm>>, %arg7: memref<2x10240x128xf32, #tpu.memory_space<hbm>>, %arg8: memref<327680xf32, #tpu.memory_space<hbm>>, %arg9: memref<8x64xi32, #tpu.memory_space<vmem>>, %arg10: memref<8x64xi32, #tpu.memory_space<vmem>>, %arg11: memref<512xi32, #tpu.memory_space<vmem>>, %arg12: memref<64x128xf32, #tpu.memory_space<vmem>>, %arg13: memref<10240xf32, #tpu.memory_space<vmem>>, %arg14: memref<10240x128xf32, #tpu.memory_space<vmem_shared>>, %arg15: memref<!tpu.dma_semaphore, #tpu.memory_space<semaphore_mem>>) attributes {dimension_semantics = [#tpu.dimension_semantics<core_parallel>, #tpu.dimension_semantics<subcore_parallel>], iteration_bounds = array<i64: 2, 16>, scalar_prefetch = 0 : i64, scratch_operands = 7 : i64, tpu.core_type = #tpu.core_type<sc_vector_subcore>, window_params = [{transform_indices = #map}, {transform_indices = #map1}, {transform_indices = #map1}, {transform_indices = #map2}, {transform_indices = #map}, {transform_indices = #map1}, {transform_indices = #map2}]} {
    %mul3A = arith.constant 2 : i32
    %mul3A_0 = arith.muli %arg1, %mul3A : i32
    %add3A = arith.addi %mul3A_0, %arg0 : i32
    "tpu.region"() ({
      %run_scoped3A = tpu.sem_alloc : memref<!tpu.dma_semaphore, #tpu.memory_space<semaphore_mem>>
      tpu.enqueue_dma source(%arg6 : memref<64x128xf32, #tpu.memory_space<hbm>>) target(%arg12 : memref<64x128xf32, #tpu.memory_space<vmem>>) target_semaphore(%run_scoped3A : memref<!tpu.dma_semaphore, #tpu.memory_space<semaphore_mem>>)
      tpu.wait_dma2 semaphore(%run_scoped3A : memref<!tpu.dma_semaphore, #tpu.memory_space<semaphore_mem>>) src(%arg6 : memref<64x128xf32, #tpu.memory_space<hbm>>) dst(%arg12 : memref<64x128xf32, #tpu.memory_space<vmem>>)
      tpu.yield
    }) : () -> ()
    %mul3A_1 = arith.constant 640 : i32
    %mul3A_2 = arith.muli %arg1, %mul3A_1 : i32
    %add3A_3 = arith.constant 0 : i32
    %add3A_4 = arith.addi %mul3A_2, %add3A_3 : i32
    "tpu.region"() ({
      %run_scoped3A = tpu.sem_alloc : memref<!tpu.dma_semaphore, #tpu.memory_space<semaphore_mem>>
      %dma_start3A = arith.constant 0 : i32
      %dma_start3A_333 = tpu.memref_slice %arg14[%add3A_4, %dma_start3A] : memref<10240x128xf32, #tpu.memory_space<vmem_shared>> -> memref<64x128xf32, #tpu.memory_space<vmem_shared>>
      %dma_start3A_334 = arith.constant 0 : i32
      %dma_start3A_335 = tpu.memref_slice %arg14[%add3A_4, %dma_start3A_334] : memref<10240x128xf32, #tpu.memory_space<vmem_shared>> -> memref<64x128xf32, #tpu.memory_space<vmem_shared>>
      tpu.enqueue_dma source(%arg12 : memref<64x128xf32, #tpu.memory_space<vmem>>) target(%dma_start3A_335 : memref<64x128xf32, #tpu.memory_space<vmem_shared>>) target_semaphore(%run_scoped3A : memref<!tpu.dma_semaphore, #tpu.memory_space<semaphore_mem>>)
      %dma_wait3A = arith.constant 0 : i32
      %dma_wait3A_336 = tpu.memref_slice %arg14[%add3A_4, %dma_wait3A] : memref<10240x128xf32, #tpu.memory_space<vmem_shared>> -> memref<64x128xf32, #tpu.memory_space<vmem_shared>>
      %dma_wait3A_337 = arith.constant 0 : i32
      %dma_wait3A_338 = tpu.memref_slice %arg14[%add3A_4, %dma_wait3A_337] : memref<10240x128xf32, #tpu.memory_space<vmem_shared>> -> memref<64x128xf32, #tpu.memory_space<vmem_shared>>
      tpu.wait_dma2 semaphore(%run_scoped3A : memref<!tpu.dma_semaphore, #tpu.memory_space<semaphore_mem>>) src(%arg12 : memref<64x128xf32, #tpu.memory_space<vmem>>) dst(%dma_wait3A_338 : memref<64x128xf32, #tpu.memory_space<vmem_shared>>)
      tpu.yield
    }) : () -> ()
    %mul3A_5 = arith.constant 640 : i32
    %mul3A_6 = arith.muli %arg1, %mul3A_5 : i32
    %add3A_7 = arith.constant 64 : i32
    %add3A_8 = arith.addi %mul3A_6, %add3A_7 : i32
    "tpu.region"() ({
      %run_scoped3A = tpu.sem_alloc : memref<!tpu.dma_semaphore, #tpu.memory_space<semaphore_mem>>
      %dma_start3A = arith.constant 0 : i32
      %dma_start3A_333 = tpu.memref_slice %arg14[%add3A_8, %dma_start3A] : memref<10240x128xf32, #tpu.memory_space<vmem_shared>> -> memref<64x128xf32, #tpu.memory_space<vmem_shared>>
      %dma_start3A_334 = arith.constant 0 : i32
      %dma_start3A_335 = tpu.memref_slice %arg14[%add3A_8, %dma_start3A_334] : memref<10240x128xf32, #tpu.memory_space<vmem_shared>> -> memref<64x128xf32, #tpu.memory_space<vmem_shared>>
      tpu.enqueue_dma source(%arg12 : memref<64x128xf32, #tpu.memory_space<vmem>>) target(%dma_start3A_335 : memref<64x128xf32, #tpu.memory_space<vmem_shared>>) target_semaphore(%run_scoped3A : memref<!tpu.dma_semaphore, #tpu.memory_space<semaphore_mem>>)
      %dma_wait3A = arith.constant 0 : i32
      %dma_wait3A_336 = tpu.memref_slice %arg14[%add3A_8, %dma_wait3A] : memref<10240x128xf32, #tpu.memory_space<vmem_shared>> -> memref<64x128xf32, #tpu.memory_space<vmem_shared>>
      %dma_wait3A_337 = arith.constant 0 : i32
      %dma_wait3A_338 = tpu.memref_slice %arg14[%add3A_8, %dma_wait3A_337] : memref<10240x128xf32, #tpu.memory_space<vmem_shared>> -> memref<64x128xf32, #tpu.memory_space<vmem_shared>>
      tpu.wait_dma2 semaphore(%run_scoped3A : memref<!tpu.dma_semaphore, #tpu.memory_space<semaphore_mem>>) src(%arg12 : memref<64x128xf32, #tpu.memory_space<vmem>>) dst(%dma_wait3A_338 : memref<64x128xf32, #tpu.memory_space<vmem_shared>>)
      tpu.yield
    }) : () -> ()
    %mul3A_9 = arith.constant 640 : i32
    %mul3A_10 = arith.muli %arg1, %mul3A_9 : i32
    %add3A_11 = arith.constant 128 : i32
    %add3A_12 = arith.addi %mul3A_10, %add3A_11 : i32
    "tpu.region"() ({
      %run_scoped3A = tpu.sem_alloc : memref<!tpu.dma_semaphore, #tpu.memory_space<semaphore_mem>>
      %dma_start3A = arith.constant 0 : i32
      %dma_start3A_333 = tpu.memref_slice %arg14[%add3A_12, %dma_start3A] : memref<10240x128xf32, #tpu.memory_space<vmem_shared>> -> memref<64x128xf32, #tpu.memory_space<vmem_shared>>
      %dma_start3A_334 = arith.constant 0 : i32
      %dma_start3A_335 = tpu.memref_slice %arg14[%add3A_12, %dma_start3A_334] : memref<10240x128xf32, #tpu.memory_space<vmem_shared>> -> memref<64x128xf32, #tpu.memory_space<vmem_shared>>
      tpu.enqueue_dma source(%arg12 : memref<64x128xf32, #tpu.memory_space<vmem>>) target(%dma_start3A_335 : memref<64x128xf32, #tpu.memory_space<vmem_shared>>) target_semaphore(%run_scoped3A : memref<!tpu.dma_semaphore, #tpu.memory_space<semaphore_mem>>)
      %dma_wait3A = arith.constant 0 : i32
      %dma_wait3A_336 = tpu.memref_slice %arg14[%add3A_12, %dma_wait3A] : memref<10240x128xf32, #tpu.memory_space<vmem_shared>> -> memref<64x128xf32, #tpu.memory_space<vmem_shared>>
      %dma_wait3A_337 = arith.constant 0 : i32
      %dma_wait3A_338 = tpu.memref_slice %arg14[%add3A_12, %dma_wait3A_337] : memref<10240x128xf32, #tpu.memory_space<vmem_shared>> -> memref<64x128xf32, #tpu.memory_space<vmem_shared>>
      tpu.wait_dma2 semaphore(%run_scoped3A : memref<!tpu.dma_semaphore, #tpu.memory_space<semaphore_mem>>) src(%arg12 : memref<64x128xf32, #tpu.memory_space<vmem>>) dst(%dma_wait3A_338 : memref<64x128xf32, #tpu.memory_space<vmem_shared>>)
      tpu.yield
    }) : () -> ()
    %mul3A_13 = arith.constant 640 : i32
    %mul3A_14 = arith.muli %arg1, %mul3A_13 : i32
    %add3A_15 = arith.constant 192 : i32
    %add3A_16 = arith.addi %mul3A_14, %add3A_15 : i32
    "tpu.region"() ({
      %run_scoped3A = tpu.sem_alloc : memref<!tpu.dma_semaphore, #tpu.memory_space<semaphore_mem>>
      %dma_start3A = arith.constant 0 : i32
      %dma_start3A_333 = tpu.memref_slice %arg14[%add3A_16, %dma_start3A] : memref<10240x128xf32, #tpu.memory_space<vmem_shared>> -> memref<64x128xf32, #tpu.memory_space<vmem_shared>>
      %dma_start3A_334 = arith.constant 0 : i32
      %dma_start3A_335 = tpu.memref_slice %arg14[%add3A_16, %dma_start3A_334] : memref<10240x128xf32, #tpu.memory_space<vmem_shared>> -> memref<64x128xf32, #tpu.memory_space<vmem_shared>>
      tpu.enqueue_dma source(%arg12 : memref<64x128xf32, #tpu.memory_space<vmem>>) target(%dma_start3A_335 : memref<64x128xf32, #tpu.memory_space<vmem_shared>>) target_semaphore(%run_scoped3A : memref<!tpu.dma_semaphore, #tpu.memory_space<semaphore_mem>>)
      %dma_wait3A = arith.constant 0 : i32
      %dma_wait3A_336 = tpu.memref_slice %arg14[%add3A_16, %dma_wait3A] : memref<10240x128xf32, #tpu.memory_space<vmem_shared>> -> memref<64x128xf32, #tpu.memory_space<vmem_shared>>
      %dma_wait3A_337 = arith.constant 0 : i32
      %dma_wait3A_338 = tpu.memref_slice %arg14[%add3A_16, %dma_wait3A_337] : memref<10240x128xf32, #tpu.memory_space<vmem_shared>> -> memref<64x128xf32, #tpu.memory_space<vmem_shared>>
      tpu.wait_dma2 semaphore(%run_scoped3A : memref<!tpu.dma_semaphore, #tpu.memory_space<semaphore_mem>>) src(%arg12 : memref<64x128xf32, #tpu.memory_space<vmem>>) dst(%dma_wait3A_338 : memref<64x128xf32, #tpu.memory_space<vmem_shared>>)
      tpu.yield
    }) : () -> ()
    %mul3A_17 = arith.constant 640 : i32
    %mul3A_18 = arith.muli %arg1, %mul3A_17 : i32
    %add3A_19 = arith.constant 256 : i32
    %add3A_20 = arith.addi %mul3A_18, %add3A_19 : i32
    "tpu.region"() ({
      %run_scoped3A = tpu.sem_alloc : memref<!tpu.dma_semaphore, #tpu.memory_space<semaphore_mem>>
      %dma_start3A = arith.constant 0 : i32
      %dma_start3A_333 = tpu.memref_slice %arg14[%add3A_20, %dma_start3A] : memref<10240x128xf32, #tpu.memory_space<vmem_shared>> -> memref<64x128xf32, #tpu.memory_space<vmem_shared>>
      %dma_start3A_334 = arith.constant 0 : i32
      %dma_start3A_335 = tpu.memref_slice %arg14[%add3A_20, %dma_start3A_334] : memref<10240x128xf32, #tpu.memory_space<vmem_shared>> -> memref<64x128xf32, #tpu.memory_space<vmem_shared>>
      tpu.enqueue_dma source(%arg12 : memref<64x128xf32, #tpu.memory_space<vmem>>) target(%dma_start3A_335 : memref<64x128xf32, #tpu.memory_space<vmem_shared>>) target_semaphore(%run_scoped3A : memref<!tpu.dma_semaphore, #tpu.memory_space<semaphore_mem>>)
      %dma_wait3A = arith.constant 0 : i32
      %dma_wait3A_336 = tpu.memref_slice %arg14[%add3A_20, %dma_wait3A] : memref<10240x128xf32, #tpu.memory_space<vmem_shared>> -> memref<64x128xf32, #tpu.memory_space<vmem_shared>>
      %dma_wait3A_337 = arith.constant 0 : i32
      %dma_wait3A_338 = tpu.memref_slice %arg14[%add3A_20, %dma_wait3A_337] : memref<10240x128xf32, #tpu.memory_space<vmem_shared>> -> memref<64x128xf32, #tpu.memory_space<vmem_shared>>
      tpu.wait_dma2 semaphore(%run_scoped3A : memref<!tpu.dma_semaphore, #tpu.memory_space<semaphore_mem>>) src(%arg12 : memref<64x128xf32, #tpu.memory_space<vmem>>) dst(%dma_wait3A_338 : memref<64x128xf32, #tpu.memory_space<vmem_shared>>)
      tpu.yield
    }) : () -> ()
    %mul3A_21 = arith.constant 640 : i32
    %mul3A_22 = arith.muli %arg1, %mul3A_21 : i32
    %add3A_23 = arith.constant 320 : i32
    %add3A_24 = arith.addi %mul3A_22, %add3A_23 : i32
    "tpu.region"() ({
      %run_scoped3A = tpu.sem_alloc : memref<!tpu.dma_semaphore, #tpu.memory_space<semaphore_mem>>
      %dma_start3A = arith.constant 0 : i32
      %dma_start3A_333 = tpu.memref_slice %arg14[%add3A_24, %dma_start3A] : memref<10240x128xf32, #tpu.memory_space<vmem_shared>> -> memref<64x128xf32, #tpu.memory_space<vmem_shared>>
      %dma_start3A_334 = arith.constant 0 : i32
      %dma_start3A_335 = tpu.memref_slice %arg14[%add3A_24, %dma_start3A_334] : memref<10240x128xf32, #tpu.memory_space<vmem_shared>> -> memref<64x128xf32, #tpu.memory_space<vmem_shared>>
      tpu.enqueue_dma source(%arg12 : memref<64x128xf32, #tpu.memory_space<vmem>>) target(%dma_start3A_335 : memref<64x128xf32, #tpu.memory_space<vmem_shared>>) target_semaphore(%run_scoped3A : memref<!tpu.dma_semaphore, #tpu.memory_space<semaphore_mem>>)
      %dma_wait3A = arith.constant 0 : i32
      %dma_wait3A_336 = tpu.memref_slice %arg14[%add3A_24, %dma_wait3A] : memref<10240x128xf32, #tpu.memory_space<vmem_shared>> -> memref<64x128xf32, #tpu.memory_space<vmem_shared>>
      %dma_wait3A_337 = arith.constant 0 : i32
      %dma_wait3A_338 = tpu.memref_slice %arg14[%add3A_24, %dma_wait3A_337] : memref<10240x128xf32, #tpu.memory_space<vmem_shared>> -> memref<64x128xf32, #tpu.memory_space<vmem_shared>>
      tpu.wait_dma2 semaphore(%run_scoped3A : memref<!tpu.dma_semaphore, #tpu.memory_space<semaphore_mem>>) src(%arg12 : memref<64x128xf32, #tpu.memory_space<vmem>>) dst(%dma_wait3A_338 : memref<64x128xf32, #tpu.memory_space<vmem_shared>>)
      tpu.yield
    }) : () -> ()
    %mul3A_25 = arith.constant 640 : i32
    %mul3A_26 = arith.muli %arg1, %mul3A_25 : i32
    %add3A_27 = arith.constant 384 : i32
    %add3A_28 = arith.addi %mul3A_26, %add3A_27 : i32
    "tpu.region"() ({
      %run_scoped3A = tpu.sem_alloc : memref<!tpu.dma_semaphore, #tpu.memory_space<semaphore_mem>>
      %dma_start3A = arith.constant 0 : i32
      %dma_start3A_333 = tpu.memref_slice %arg14[%add3A_28, %dma_start3A] : memref<10240x128xf32, #tpu.memory_space<vmem_shared>> -> memref<64x128xf32, #tpu.memory_space<vmem_shared>>
      %dma_start3A_334 = arith.constant 0 : i32
      %dma_start3A_335 = tpu.memref_slice %arg14[%add3A_28, %dma_start3A_334] : memref<10240x128xf32, #tpu.memory_space<vmem_shared>> -> memref<64x128xf32, #tpu.memory_space<vmem_shared>>
      tpu.enqueue_dma source(%arg12 : memref<64x128xf32, #tpu.memory_space<vmem>>) target(%dma_start3A_335 : memref<64x128xf32, #tpu.memory_space<vmem_shared>>) target_semaphore(%run_scoped3A : memref<!tpu.dma_semaphore, #tpu.memory_space<semaphore_mem>>)
      %dma_wait3A = arith.constant 0 : i32
      %dma_wait3A_336 = tpu.memref_slice %arg14[%add3A_28, %dma_wait3A] : memref<10240x128xf32, #tpu.memory_space<vmem_shared>> -> memref<64x128xf32, #tpu.memory_space<vmem_shared>>
      %dma_wait3A_337 = arith.constant 0 : i32
      %dma_wait3A_338 = tpu.memref_slice %arg14[%add3A_28, %dma_wait3A_337] : memref<10240x128xf32, #tpu.memory_space<vmem_shared>> -> memref<64x128xf32, #tpu.memory_space<vmem_shared>>
      tpu.wait_dma2 semaphore(%run_scoped3A : memref<!tpu.dma_semaphore, #tpu.memory_space<semaphore_mem>>) src(%arg12 : memref<64x128xf32, #tpu.memory_space<vmem>>) dst(%dma_wait3A_338 : memref<64x128xf32, #tpu.memory_space<vmem_shared>>)
      tpu.yield
    }) : () -> ()
    %mul3A_29 = arith.constant 640 : i32
    %mul3A_30 = arith.muli %arg1, %mul3A_29 : i32
    %add3A_31 = arith.constant 448 : i32
    %add3A_32 = arith.addi %mul3A_30, %add3A_31 : i32
    "tpu.region"() ({
      %run_scoped3A = tpu.sem_alloc : memref<!tpu.dma_semaphore, #tpu.memory_space<semaphore_mem>>
      %dma_start3A = arith.constant 0 : i32
      %dma_start3A_333 = tpu.memref_slice %arg14[%add3A_32, %dma_start3A] : memref<10240x128xf32, #tpu.memory_space<vmem_shared>> -> memref<64x128xf32, #tpu.memory_space<vmem_shared>>
      %dma_start3A_334 = arith.constant 0 : i32
      %dma_start3A_335 = tpu.memref_slice %arg14[%add3A_32, %dma_start3A_334] : memref<10240x128xf32, #tpu.memory_space<vmem_shared>> -> memref<64x128xf32, #tpu.memory_space<vmem_shared>>
      tpu.enqueue_dma source(%arg12 : memref<64x128xf32, #tpu.memory_space<vmem>>) target(%dma_start3A_335 : memref<64x128xf32, #tpu.memory_space<vmem_shared>>) target_semaphore(%run_scoped3A : memref<!tpu.dma_semaphore, #tpu.memory_space<semaphore_mem>>)
      %dma_wait3A = arith.constant 0 : i32
      %dma_wait3A_336 = tpu.memref_slice %arg14[%add3A_32, %dma_wait3A] : memref<10240x128xf32, #tpu.memory_space<vmem_shared>> -> memref<64x128xf32, #tpu.memory_space<vmem_shared>>
      %dma_wait3A_337 = arith.constant 0 : i32
      %dma_wait3A_338 = tpu.memref_slice %arg14[%add3A_32, %dma_wait3A_337] : memref<10240x128xf32, #tpu.memory_space<vmem_shared>> -> memref<64x128xf32, #tpu.memory_space<vmem_shared>>
      tpu.wait_dma2 semaphore(%run_scoped3A : memref<!tpu.dma_semaphore, #tpu.memory_space<semaphore_mem>>) src(%arg12 : memref<64x128xf32, #tpu.memory_space<vmem>>) dst(%dma_wait3A_338 : memref<64x128xf32, #tpu.memory_space<vmem_shared>>)
      tpu.yield
    }) : () -> ()
    %mul3A_33 = arith.constant 640 : i32
    %mul3A_34 = arith.muli %arg1, %mul3A_33 : i32
    %add3A_35 = arith.constant 512 : i32
    %add3A_36 = arith.addi %mul3A_34, %add3A_35 : i32
    "tpu.region"() ({
      %run_scoped3A = tpu.sem_alloc : memref<!tpu.dma_semaphore, #tpu.memory_space<semaphore_mem>>
      %dma_start3A = arith.constant 0 : i32
      %dma_start3A_333 = tpu.memref_slice %arg14[%add3A_36, %dma_start3A] : memref<10240x128xf32, #tpu.memory_space<vmem_shared>> -> memref<64x128xf32, #tpu.memory_space<vmem_shared>>
      %dma_start3A_334 = arith.constant 0 : i32
      %dma_start3A_335 = tpu.memref_slice %arg14[%add3A_36, %dma_start3A_334] : memref<10240x128xf32, #tpu.memory_space<vmem_shared>> -> memref<64x128xf32, #tpu.memory_space<vmem_shared>>
      tpu.enqueue_dma source(%arg12 : memref<64x128xf32, #tpu.memory_space<vmem>>) target(%dma_start3A_335 : memref<64x128xf32, #tpu.memory_space<vmem_shared>>) target_semaphore(%run_scoped3A : memref<!tpu.dma_semaphore, #tpu.memory_space<semaphore_mem>>)
      %dma_wait3A = arith.constant 0 : i32
      %dma_wait3A_336 = tpu.memref_slice %arg14[%add3A_36, %dma_wait3A] : memref<10240x128xf32, #tpu.memory_space<vmem_shared>> -> memref<64x128xf32, #tpu.memory_space<vmem_shared>>
      %dma_wait3A_337 = arith.constant 0 : i32
      %dma_wait3A_338 = tpu.memref_slice %arg14[%add3A_36, %dma_wait3A_337] : memref<10240x128xf32, #tpu.memory_space<vmem_shared>> -> memref<64x128xf32, #tpu.memory_space<vmem_shared>>
      tpu.wait_dma2 semaphore(%run_scoped3A : memref<!tpu.dma_semaphore, #tpu.memory_space<semaphore_mem>>) src(%arg12 : memref<64x128xf32, #tpu.memory_space<vmem>>) dst(%dma_wait3A_338 : memref<64x128xf32, #tpu.memory_space<vmem_shared>>)
      tpu.yield
    }) : () -> ()
    %mul3A_37 = arith.constant 640 : i32
    %mul3A_38 = arith.muli %arg1, %mul3A_37 : i32
    %add3A_39 = arith.constant 576 : i32
    %add3A_40 = arith.addi %mul3A_38, %add3A_39 : i32
    "tpu.region"() ({
      %run_scoped3A = tpu.sem_alloc : memref<!tpu.dma_semaphore, #tpu.memory_space<semaphore_mem>>
      %dma_start3A = arith.constant 0 : i32
      %dma_start3A_333 = tpu.memref_slice %arg14[%add3A_40, %dma_start3A] : memref<10240x128xf32, #tpu.memory_space<vmem_shared>> -> memref<64x128xf32, #tpu.memory_space<vmem_shared>>
      %dma_start3A_334 = arith.constant 0 : i32
      %dma_start3A_335 = tpu.memref_slice %arg14[%add3A_40, %dma_start3A_334] : memref<10240x128xf32, #tpu.memory_space<vmem_shared>> -> memref<64x128xf32, #tpu.memory_space<vmem_shared>>
      tpu.enqueue_dma source(%arg12 : memref<64x128xf32, #tpu.memory_space<vmem>>) target(%dma_start3A_335 : memref<64x128xf32, #tpu.memory_space<vmem_shared>>) target_semaphore(%run_scoped3A : memref<!tpu.dma_semaphore, #tpu.memory_space<semaphore_mem>>)
      %dma_wait3A = arith.constant 0 : i32
      %dma_wait3A_336 = tpu.memref_slice %arg14[%add3A_40, %dma_wait3A] : memref<10240x128xf32, #tpu.memory_space<vmem_shared>> -> memref<64x128xf32, #tpu.memory_space<vmem_shared>>
      %dma_wait3A_337 = arith.constant 0 : i32
      %dma_wait3A_338 = tpu.memref_slice %arg14[%add3A_40, %dma_wait3A_337] : memref<10240x128xf32, #tpu.memory_space<vmem_shared>> -> memref<64x128xf32, #tpu.memory_space<vmem_shared>>
      tpu.wait_dma2 semaphore(%run_scoped3A : memref<!tpu.dma_semaphore, #tpu.memory_space<semaphore_mem>>) src(%arg12 : memref<64x128xf32, #tpu.memory_space<vmem>>) dst(%dma_wait3A_338 : memref<64x128xf32, #tpu.memory_space<vmem_shared>>)
      tpu.yield
    }) : () -> ()
    %broadcast_in_dim3A = arith.constant 0.000000e+00 : f32
    %broadcast_in_dim3A_41 = vector.broadcast %broadcast_in_dim3A : f32 to vector<16xf32>
    %scan3A = arith.constant 0 : i32
    %scan3A_42 = arith.constant 640 : i32
    %scan3A_43 = arith.addi %scan3A, %scan3A_42 : i32
    %scan3A_44 = arith.constant 1 : i32
    scf.for %scan3A_333 = %scan3A to %scan3A_43 step %scan3A_44  : i32 {
      %mul3A_334 = arith.constant 1 : i32
      %mul3A_335 = arith.muli %scan3A_333, %mul3A_334 : i32
      %add3A_336 = arith.constant 0 : i32
      %add3A_337 = arith.addi %add3A_336, %mul3A_335 : i32
      %mul3A_338 = arith.constant 16 : i32
      %mul3A_339 = arith.muli %add3A_337, %mul3A_338 : i32
      %swap3A = arith.index_cast %mul3A_339 : i32 to index
      %swap3A_340 = tpu.vector_load %arg13[%swap3A] {strides = array<i32>} : memref<10240xf32, #tpu.memory_space<vmem>>, vector<16xf32>,
      tpu.vector_store %arg13[%swap3A], %broadcast_in_dim3A_41 {strides = array<i32>} : memref<10240xf32, #tpu.memory_space<vmem>>, vector<16xf32>,
    }
    %scan3A_45 = arith.constant 640 : i32
    %barrier3A = arith.constant 0 : index
    tpu.barrier barrier_id(%barrier3A)
    %broadcast_in_dim3A_46 = arith.constant 1.000000e+00 : f32
    %broadcast_in_dim3A_47 = vector.broadcast %broadcast_in_dim3A_46 : f32 to vector<16xf32>
    "tpu.region"() ({
      %run_scoped3A = tpu.sem_alloc : memref<!tpu.dma_semaphore, #tpu.memory_space<semaphore_mem>>
      %dma_start3A = arith.constant 0 : i32
      %dma_start3A_333 = arith.constant 0 : i32
      %dma_start3A_334 = tpu.memref_slice %arg3[%add3A, %dma_start3A, %dma_start3A_333] : memref<32x160x64xi32, #tpu.memory_space<hbm>> -> memref<1x8x64xi32, #tpu.memory_space<hbm>>
      %dma_start3A_335 = tpu.memref_squeeze %dma_start3A_334 : memref<1x8x64xi32, #tpu.memory_space<hbm>> -> memref<8x64xi32, #tpu.memory_space<hbm>>
      %dma_start3A_336 = arith.constant 0 : i32
      %dma_start3A_337 = arith.constant 0 : i32
      %dma_start3A_338 = tpu.memref_slice %arg3[%add3A, %dma_start3A_336, %dma_start3A_337] : memref<32x160x64xi32, #tpu.memory_space<hbm>> -> memref<1x8x64xi32, #tpu.memory_space<hbm>>
      %dma_start3A_339 = tpu.memref_squeeze %dma_start3A_338 : memref<1x8x64xi32, #tpu.memory_space<hbm>> -> memref<8x64xi32, #tpu.memory_space<hbm>>
      tpu.enqueue_dma source(%dma_start3A_339 : memref<8x64xi32, #tpu.memory_space<hbm>>) target(%arg9 : memref<8x64xi32, #tpu.memory_space<vmem>>) target_semaphore(%run_scoped3A : memref<!tpu.dma_semaphore, #tpu.memory_space<semaphore_mem>>)
      %dma_wait3A = arith.constant 0 : i32
      %dma_wait3A_340 = arith.constant 0 : i32
      %dma_wait3A_341 = tpu.memref_slice %arg3[%add3A, %dma_wait3A, %dma_wait3A_340] : memref<32x160x64xi32, #tpu.memory_space<hbm>> -> memref<1x8x64xi32, #tpu.memory_space<hbm>>
      %dma_wait3A_342 = tpu.memref_squeeze %dma_wait3A_341 : memref<1x8x64xi32, #tpu.memory_space<hbm>> -> memref<8x64xi32, #tpu.memory_space<hbm>>
      %dma_wait3A_343 = arith.constant 0 : i32
      %dma_wait3A_344 = arith.constant 0 : i32
      %dma_wait3A_345 = tpu.memref_slice %arg3[%add3A, %dma_wait3A_343, %dma_wait3A_344] : memref<32x160x64xi32, #tpu.memory_space<hbm>> -> memref<1x8x64xi32, #tpu.memory_space<hbm>>
      %dma_wait3A_346 = tpu.memref_squeeze %dma_wait3A_345 : memref<1x8x64xi32, #tpu.memory_space<hbm>> -> memref<8x64xi32, #tpu.memory_space<hbm>>
      tpu.wait_dma2 semaphore(%run_scoped3A : memref<!tpu.dma_semaphore, #tpu.memory_space<semaphore_mem>>) src(%dma_wait3A_346 : memref<8x64xi32, #tpu.memory_space<hbm>>) dst(%arg9 : memref<8x64xi32, #tpu.memory_space<vmem>>)
      tpu.yield
    }) : () -> ()
    "tpu.region"() ({
      %run_scoped3A = tpu.sem_alloc : memref<!tpu.dma_semaphore, #tpu.memory_space<semaphore_mem>>
      %dma_start3A = arith.constant 0 : i32
      %dma_start3A_333 = arith.constant 0 : i32
      %dma_start3A_334 = tpu.memref_slice %arg4[%add3A, %dma_start3A, %dma_start3A_333] : memref<32x160x64xi32, #tpu.memory_space<hbm>> -> memref<1x8x64xi32, #tpu.memory_space<hbm>>
      %dma_start3A_335 = tpu.memref_squeeze %dma_start3A_334 : memref<1x8x64xi32, #tpu.memory_space<hbm>> -> memref<8x64xi32, #tpu.memory_space<hbm>>
      %dma_start3A_336 = arith.constant 0 : i32
      %dma_start3A_337 = arith.constant 0 : i32
      %dma_start3A_338 = tpu.memref_slice %arg4[%add3A, %dma_start3A_336, %dma_start3A_337] : memref<32x160x64xi32, #tpu.memory_space<hbm>> -> memref<1x8x64xi32, #tpu.memory_space<hbm>>
      %dma_start3A_339 = tpu.memref_squeeze %dma_start3A_338 : memref<1x8x64xi32, #tpu.memory_space<hbm>> -> memref<8x64xi32, #tpu.memory_space<hbm>>
      tpu.enqueue_dma source(%dma_start3A_339 : memref<8x64xi32, #tpu.memory_space<hbm>>) target(%arg10 : memref<8x64xi32, #tpu.memory_space<vmem>>) target_semaphore(%run_scoped3A : memref<!tpu.dma_semaphore, #tpu.memory_space<semaphore_mem>>)
      %dma_wait3A = arith.constant 0 : i32
      %dma_wait3A_340 = arith.constant 0 : i32
      %dma_wait3A_341 = tpu.memref_slice %arg4[%add3A, %dma_wait3A, %dma_wait3A_340] : memref<32x160x64xi32, #tpu.memory_space<hbm>> -> memref<1x8x64xi32, #tpu.memory_space<hbm>>
      %dma_wait3A_342 = tpu.memref_squeeze %dma_wait3A_341 : memref<1x8x64xi32, #tpu.memory_space<hbm>> -> memref<8x64xi32, #tpu.memory_space<hbm>>
      %dma_wait3A_343 = arith.constant 0 : i32
      %dma_wait3A_344 = arith.constant 0 : i32
      %dma_wait3A_345 = tpu.memref_slice %arg4[%add3A, %dma_wait3A_343, %dma_wait3A_344] : memref<32x160x64xi32, #tpu.memory_space<hbm>> -> memref<1x8x64xi32, #tpu.memory_space<hbm>>
      %dma_wait3A_346 = tpu.memref_squeeze %dma_wait3A_345 : memref<1x8x64xi32, #tpu.memory_space<hbm>> -> memref<8x64xi32, #tpu.memory_space<hbm>>
      tpu.wait_dma2 semaphore(%run_scoped3A : memref<!tpu.dma_semaphore, #tpu.memory_space<semaphore_mem>>) src(%dma_wait3A_346 : memref<8x64xi32, #tpu.memory_space<hbm>>) dst(%arg10 : memref<8x64xi32, #tpu.memory_space<vmem>>)
      tpu.yield
    }) : () -> ()
    %mul3A_48 = arith.constant 10240 : i32
    %mul3A_49 = arith.muli %add3A, %mul3A_48 : i32
    %add3A_50 = arith.constant 0 : i32
    %add3A_51 = arith.addi %mul3A_49, %add3A_50 : i32
    "tpu.region"() ({
      %run_scoped3A = tpu.sem_alloc : memref<!tpu.dma_semaphore, #tpu.memory_space<semaphore_mem>>
      %dma_start3A = tpu.memref_slice %arg5[%add3A_51] : memref<327680xi32, #tpu.memory_space<hbm>> -> memref<512xi32, #tpu.memory_space<hbm>>
      %dma_start3A_333 = tpu.memref_slice %arg5[%add3A_51] : memref<327680xi32, #tpu.memory_space<hbm>> -> memref<512xi32, #tpu.memory_space<hbm>>
      tpu.enqueue_dma source(%dma_start3A_333 : memref<512xi32, #tpu.memory_space<hbm>>) target(%arg11 : memref<512xi32, #tpu.memory_space<vmem>>) target_semaphore(%run_scoped3A : memref<!tpu.dma_semaphore, #tpu.memory_space<semaphore_mem>>)
      %dma_wait3A = tpu.memref_slice %arg5[%add3A_51] : memref<327680xi32, #tpu.memory_space<hbm>> -> memref<512xi32, #tpu.memory_space<hbm>>
      %dma_wait3A_334 = tpu.memref_slice %arg5[%add3A_51] : memref<327680xi32, #tpu.memory_space<hbm>> -> memref<512xi32, #tpu.memory_space<hbm>>
      tpu.wait_dma2 semaphore(%run_scoped3A : memref<!tpu.dma_semaphore, #tpu.memory_space<semaphore_mem>>) src(%dma_wait3A_334 : memref<512xi32, #tpu.memory_space<hbm>>) dst(%arg11 : memref<512xi32, #tpu.memory_space<vmem>>)
      tpu.yield
    }) : () -> ()
    %scan3A_52 = arith.constant 0 : i32
    %scan3A_53 = arith.constant 8 : i32
    %scan3A_54 = arith.addi %scan3A_52, %scan3A_53 : i32
    %scan3A_55 = arith.constant 1 : i32
    scf.for %scan3A_333 = %scan3A_52 to %scan3A_54 step %scan3A_55  : i32 {
      %mul3A_334 = arith.constant 1 : i32
      %mul3A_335 = arith.muli %scan3A_333, %mul3A_334 : i32
      %add3A_336 = arith.constant 0 : i32
      %add3A_337 = arith.addi %add3A_336, %mul3A_335 : i32
      %dma_start3A = arith.constant 0 : i32
      %dma_start3A_338 = tpu.memref_slice %arg9[%add3A_337, %dma_start3A] : memref<8x64xi32, #tpu.memory_space<vmem>> -> memref<1x64xi32, #tpu.memory_space<vmem>>
      %dma_start3A_339 = tpu.memref_squeeze %dma_start3A_338 : memref<1x64xi32, #tpu.memory_space<vmem>> -> memref<64xi32, #tpu.memory_space<vmem>>
      %dma_start3A_340 = arith.constant 0 : i32
      %dma_start3A_341 = arith.constant 0 : i32
      %dma_start3A_342 = tpu.memref_slice %arg2[%dma_start3A_340, %dma_start3A_341] : memref<10000x128xf32, #tpu.memory_space<hbm>> -> memref<10000x128xf32, #tpu.memory_space<hbm>>
      tpu.enqueue_indirect_dma source(%dma_start3A_342 : memref<10000x128xf32, #tpu.memory_space<hbm>>) target(%arg12 : memref<64x128xf32, #tpu.memory_space<vmem>>) offsets(%dma_start3A_339 : memref<64xi32, #tpu.memory_space<vmem>>) semaphore(%arg15 : memref<!tpu.dma_semaphore, #tpu.memory_space<semaphore_mem>>)
      %dma_wait3A = arith.constant 0 : i32
      %dma_wait3A_343 = tpu.memref_slice %arg9[%add3A_337, %dma_wait3A] : memref<8x64xi32, #tpu.memory_space<vmem>> -> memref<1x64xi32, #tpu.memory_space<vmem>>
      %dma_wait3A_344 = tpu.memref_squeeze %dma_wait3A_343 : memref<1x64xi32, #tpu.memory_space<vmem>> -> memref<64xi32, #tpu.memory_space<vmem>>
      %dma_wait3A_345 = arith.constant 0 : i32
      %dma_wait3A_346 = arith.constant 0 : i32
      %dma_wait3A_347 = tpu.memref_slice %arg2[%dma_wait3A_345, %dma_wait3A_346] : memref<10000x128xf32, #tpu.memory_space<hbm>> -> memref<10000x128xf32, #tpu.memory_space<hbm>>
      tpu.wait_indirect_dma semaphore(%arg15 : memref<!tpu.dma_semaphore, #tpu.memory_space<semaphore_mem>>) src(%dma_wait3A_347 : memref<10000x128xf32, #tpu.memory_space<hbm>>) dst(%arg12 : memref<64x128xf32, #tpu.memory_space<vmem>>)
      "tpu.region"() ({
        %run_scoped3A = tpu.sem_alloc : memref<!tpu.dma_semaphore, #tpu.memory_space<semaphore_mem>>
        %dma_start3A_348 = arith.constant 0 : i32
        %dma_start3A_349 = tpu.memref_slice %arg10[%add3A_337, %dma_start3A_348] : memref<8x64xi32, #tpu.memory_space<vmem>> -> memref<1x64xi32, #tpu.memory_space<vmem>>
        %dma_start3A_350 = tpu.memref_squeeze %dma_start3A_349 : memref<1x64xi32, #tpu.memory_space<vmem>> -> memref<64xi32, #tpu.memory_space<vmem>>
        %dma_start3A_351 = arith.constant 0 : i32
        %dma_start3A_352 = arith.constant 0 : i32
        %dma_start3A_353 = tpu.memref_slice %arg14[%dma_start3A_351, %dma_start3A_352] : memref<10240x128xf32, #tpu.memory_space<vmem_shared>> -> memref<10240x128xf32, #tpu.memory_space<vmem_shared>>
        tpu.enqueue_indirect_dma source(%arg12 : memref<64x128xf32, #tpu.memory_space<vmem>>) target(%dma_start3A_353 : memref<10240x128xf32, #tpu.memory_space<vmem_shared>>) offsets(%dma_start3A_350 : memref<64xi32, #tpu.memory_space<vmem>>) semaphore(%run_scoped3A : memref<!tpu.dma_semaphore, #tpu.memory_space<semaphore_mem>>) {add = true}
        %dma_wait3A_354 = arith.constant 0 : i32
        %dma_wait3A_355 = tpu.memref_slice %arg10[%add3A_337, %dma_wait3A_354] : memref<8x64xi32, #tpu.memory_space<vmem>> -> memref<1x64xi32, #tpu.memory_space<vmem>>
        %dma_wait3A_356 = tpu.memref_squeeze %dma_wait3A_355 : memref<1x64xi32, #tpu.memory_space<vmem>> -> memref<64xi32, #tpu.memory_space<vmem>>
        %dma_wait3A_357 = arith.constant 0 : i32
        %dma_wait3A_358 = arith.constant 0 : i32
        %dma_wait3A_359 = tpu.memref_slice %arg14[%dma_wait3A_357, %dma_wait3A_358] : memref<10240x128xf32, #tpu.memory_space<vmem_shared>> -> memref<10240x128xf32, #tpu.memory_space<vmem_shared>>
        tpu.wait_indirect_dma semaphore(%run_scoped3A : memref<!tpu.dma_semaphore, #tpu.memory_space<semaphore_mem>>) src(%arg12 : memref<64x128xf32, #tpu.memory_space<vmem>>) dst(%dma_wait3A_359 : memref<10240x128xf32, #tpu.memory_space<vmem_shared>>)
        tpu.yield
      }) : () -> ()
    }
    %scan3A_56 = arith.constant 8 : i32
    %scan3A_57 = arith.constant 0 : i32
    %scan3A_58 = arith.constant 32 : i32
    %scan3A_59 = arith.addi %scan3A_57, %scan3A_58 : i32
    %scan3A_60 = arith.constant 1 : i32
    scf.for %scan3A_333 = %scan3A_57 to %scan3A_59 step %scan3A_60  : i32 {
      %mul3A_334 = arith.constant 1 : i32
      %mul3A_335 = arith.muli %scan3A_333, %mul3A_334 : i32
      %add3A_336 = arith.constant 0 : i32
      %add3A_337 = arith.addi %add3A_336, %mul3A_335 : i32
      %mul3A_338 = arith.constant 16 : i32
      %mul3A_339 = arith.muli %add3A_337, %mul3A_338 : i32
      %get3A = arith.index_cast %mul3A_339 : i32 to index
      %get3A_340 = tpu.vector_load %arg11[%get3A] {strides = array<i32>} : memref<512xi32, #tpu.memory_space<vmem>>, vector<16xi32>,
      tpu.vector_store_idx %arg13[%get3A_340], %broadcast_in_dim3A_47 {add = true} : memref<10240xf32, #tpu.memory_space<vmem>>[vector<16xi32>], vector<16xf32>,
    }
    %scan3A_61 = arith.constant 32 : i32
    "tpu.region"() ({
      %run_scoped3A = tpu.sem_alloc : memref<!tpu.dma_semaphore, #tpu.memory_space<semaphore_mem>>
      %dma_start3A = arith.constant 8 : i32
      %dma_start3A_333 = arith.constant 0 : i32
      %dma_start3A_334 = tpu.memref_slice %arg3[%add3A, %dma_start3A, %dma_start3A_333] : memref<32x160x64xi32, #tpu.memory_space<hbm>> -> memref<1x8x64xi32, #tpu.memory_space<hbm>>
      %dma_start3A_335 = tpu.memref_squeeze %dma_start3A_334 : memref<1x8x64xi32, #tpu.memory_space<hbm>> -> memref<8x64xi32, #tpu.memory_space<hbm>>
      %dma_start3A_336 = arith.constant 8 : i32
      %dma_start3A_337 = arith.constant 0 : i32
      %dma_start3A_338 = tpu.memref_slice %arg3[%add3A, %dma_start3A_336, %dma_start3A_337] : memref<32x160x64xi32, #tpu.memory_space<hbm>> -> memref<1x8x64xi32, #tpu.memory_space<hbm>>
      %dma_start3A_339 = tpu.memref_squeeze %dma_start3A_338 : memref<1x8x64xi32, #tpu.memory_space<hbm>> -> memref<8x64xi32, #tpu.memory_space<hbm>>
      tpu.enqueue_dma source(%dma_start3A_339 : memref<8x64xi32, #tpu.memory_space<hbm>>) target(%arg9 : memref<8x64xi32, #tpu.memory_space<vmem>>) target_semaphore(%run_scoped3A : memref<!tpu.dma_semaphore, #tpu.memory_space<semaphore_mem>>)
      %dma_wait3A = arith.constant 8 : i32
      %dma_wait3A_340 = arith.constant 0 : i32
      %dma_wait3A_341 = tpu.memref_slice %arg3[%add3A, %dma_wait3A, %dma_wait3A_340] : memref<32x160x64xi32, #tpu.memory_space<hbm>> -> memref<1x8x64xi32, #tpu.memory_space<hbm>>
      %dma_wait3A_342 = tpu.memref_squeeze %dma_wait3A_341 : memref<1x8x64xi32, #tpu.memory_space<hbm>> -> memref<8x64xi32, #tpu.memory_space<hbm>>
      %dma_wait3A_343 = arith.constant 8 : i32
      %dma_wait3A_344 = arith.constant 0 : i32
      %dma_wait3A_345 = tpu.memref_slice %arg3[%add3A, %dma_wait3A_343, %dma_wait3A_344] : memref<32x160x64xi32, #tpu.memory_space<hbm>> -> memref<1x8x64xi32, #tpu.memory_space<hbm>>
      %dma_wait3A_346 = tpu.memref_squeeze %dma_wait3A_345 : memref<1x8x64xi32, #tpu.memory_space<hbm>> -> memref<8x64xi32, #tpu.memory_space<hbm>>
      tpu.wait_dma2 semaphore(%run_scoped3A : memref<!tpu.dma_semaphore, #tpu.memory_space<semaphore_mem>>) src(%dma_wait3A_346 : memref<8x64xi32, #tpu.memory_space<hbm>>) dst(%arg9 : memref<8x64xi32, #tpu.memory_space<vmem>>)
      tpu.yield
    }) : () -> ()
    "tpu.region"() ({
      %run_scoped3A = tpu.sem_alloc : memref<!tpu.dma_semaphore, #tpu.memory_space<semaphore_mem>>
      %dma_start3A = arith.constant 8 : i32
      %dma_start3A_333 = arith.constant 0 : i32
      %dma_start3A_334 = tpu.memref_slice %arg4[%add3A, %dma_start3A, %dma_start3A_333] : memref<32x160x64xi32, #tpu.memory_space<hbm>> -> memref<1x8x64xi32, #tpu.memory_space<hbm>>
      %dma_start3A_335 = tpu.memref_squeeze %dma_start3A_334 : memref<1x8x64xi32, #tpu.memory_space<hbm>> -> memref<8x64xi32, #tpu.memory_space<hbm>>
      %dma_start3A_336 = arith.constant 8 : i32
      %dma_start3A_337 = arith.constant 0 : i32
      %dma_start3A_338 = tpu.memref_slice %arg4[%add3A, %dma_start3A_336, %dma_start3A_337] : memref<32x160x64xi32, #tpu.memory_space<hbm>> -> memref<1x8x64xi32, #tpu.memory_space<hbm>>
      %dma_start3A_339 = tpu.memref_squeeze %dma_start3A_338 : memref<1x8x64xi32, #tpu.memory_space<hbm>> -> memref<8x64xi32, #tpu.memory_space<hbm>>
      tpu.enqueue_dma source(%dma_start3A_339 : memref<8x64xi32, #tpu.memory_space<hbm>>) target(%arg10 : memref<8x64xi32, #tpu.memory_space<vmem>>) target_semaphore(%run_scoped3A : memref<!tpu.dma_semaphore, #tpu.memory_space<semaphore_mem>>)
      %dma_wait3A = arith.constant 8 : i32
      %dma_wait3A_340 = arith.constant 0 : i32
      %dma_wait3A_341 = tpu.memref_slice %arg4[%add3A, %dma_wait3A, %dma_wait3A_340] : memref<32x160x64xi32, #tpu.memory_space<hbm>> -> memref<1x8x64xi32, #tpu.memory_space<hbm>>
      %dma_wait3A_342 = tpu.memref_squeeze %dma_wait3A_341 : memref<1x8x64xi32, #tpu.memory_space<hbm>> -> memref<8x64xi32, #tpu.memory_space<hbm>>
      %dma_wait3A_343 = arith.constant 8 : i32
      %dma_wait3A_344 = arith.constant 0 : i32
      %dma_wait3A_345 = tpu.memref_slice %arg4[%add3A, %dma_wait3A_343, %dma_wait3A_344] : memref<32x160x64xi32, #tpu.memory_space<hbm>> -> memref<1x8x64xi32, #tpu.memory_space<hbm>>
      %dma_wait3A_346 = tpu.memref_squeeze %dma_wait3A_345 : memref<1x8x64xi32, #tpu.memory_space<hbm>> -> memref<8x64xi32, #tpu.memory_space<hbm>>
      tpu.wait_dma2 semaphore(%run_scoped3A : memref<!tpu.dma_semaphore, #tpu.memory_space<semaphore_mem>>) src(%dma_wait3A_346 : memref<8x64xi32, #tpu.memory_space<hbm>>) dst(%arg10 : memref<8x64xi32, #tpu.memory_space<vmem>>)
      tpu.yield
    }) : () -> ()
    %mul3A_62 = arith.constant 10240 : i32
    %mul3A_63 = arith.muli %add3A, %mul3A_62 : i32
    %add3A_64 = arith.constant 512 : i32
    %add3A_65 = arith.addi %mul3A_63, %add3A_64 : i32
    "tpu.region"() ({
      %run_scoped3A = tpu.sem_alloc : memref<!tpu.dma_semaphore, #tpu.memory_space<semaphore_mem>>
      %dma_start3A = tpu.memref_slice %arg5[%add3A_65] : memref<327680xi32, #tpu.memory_space<hbm>> -> memref<512xi32, #tpu.memory_space<hbm>>
      %dma_start3A_333 = tpu.memref_slice %arg5[%add3A_65] : memref<327680xi32, #tpu.memory_space<hbm>> -> memref<512xi32, #tpu.memory_space<hbm>>
      tpu.enqueue_dma source(%dma_start3A_333 : memref<512xi32, #tpu.memory_space<hbm>>) target(%arg11 : memref<512xi32, #tpu.memory_space<vmem>>) target_semaphore(%run_scoped3A : memref<!tpu.dma_semaphore, #tpu.memory_space<semaphore_mem>>)
      %dma_wait3A = tpu.memref_slice %arg5[%add3A_65] : memref<327680xi32, #tpu.memory_space<hbm>> -> memref<512xi32, #tpu.memory_space<hbm>>
      %dma_wait3A_334 = tpu.memref_slice %arg5[%add3A_65] : memref<327680xi32, #tpu.memory_space<hbm>> -> memref<512xi32, #tpu.memory_space<hbm>>
      tpu.wait_dma2 semaphore(%run_scoped3A : memref<!tpu.dma_semaphore, #tpu.memory_space<semaphore_mem>>) src(%dma_wait3A_334 : memref<512xi32, #tpu.memory_space<hbm>>) dst(%arg11 : memref<512xi32, #tpu.memory_space<vmem>>)
      tpu.yield
    }) : () -> ()
    %scan3A_66 = arith.constant 0 : i32
    %scan3A_67 = arith.constant 8 : i32
    %scan3A_68 = arith.addi %scan3A_66, %scan3A_67 : i32
    %scan3A_69 = arith.constant 1 : i32
    scf.for %scan3A_333 = %scan3A_66 to %scan3A_68 step %scan3A_69  : i32 {
      %mul3A_334 = arith.constant 1 : i32
      %mul3A_335 = arith.muli %scan3A_333, %mul3A_334 : i32
      %add3A_336 = arith.constant 0 : i32
      %add3A_337 = arith.addi %add3A_336, %mul3A_335 : i32
      %dma_start3A = arith.constant 0 : i32
      %dma_start3A_338 = tpu.memref_slice %arg9[%add3A_337, %dma_start3A] : memref<8x64xi32, #tpu.memory_space<vmem>> -> memref<1x64xi32, #tpu.memory_space<vmem>>
      %dma_start3A_339 = tpu.memref_squeeze %dma_start3A_338 : memref<1x64xi32, #tpu.memory_space<vmem>> -> memref<64xi32, #tpu.memory_space<vmem>>
      %dma_start3A_340 = arith.constant 0 : i32
      %dma_start3A_341 = arith.constant 0 : i32
      %dma_start3A_342 = tpu.memref_slice %arg2[%dma_start3A_340, %dma_start3A_341] : memref<10000x128xf32, #tpu.memory_space<hbm>> -> memref<10000x128xf32, #tpu.memory_space<hbm>>
      tpu.enqueue_indirect_dma source(%dma_start3A_342 : memref<10000x128xf32, #tpu.memory_space<hbm>>) target(%arg12 : memref<64x128xf32, #tpu.memory_space<vmem>>) offsets(%dma_start3A_339 : memref<64xi32, #tpu.memory_space<vmem>>) semaphore(%arg15 : memref<!tpu.dma_semaphore, #tpu.memory_space<semaphore_mem>>)
      %dma_wait3A = arith.constant 0 : i32
      %dma_wait3A_343 = tpu.memref_slice %arg9[%add3A_337, %dma_wait3A] : memref<8x64xi32, #tpu.memory_space<vmem>> -> memref<1x64xi32, #tpu.memory_space<vmem>>
      %dma_wait3A_344 = tpu.memref_squeeze %dma_wait3A_343 : memref<1x64xi32, #tpu.memory_space<vmem>> -> memref<64xi32, #tpu.memory_space<vmem>>
      %dma_wait3A_345 = arith.constant 0 : i32
      %dma_wait3A_346 = arith.constant 0 : i32
      %dma_wait3A_347 = tpu.memref_slice %arg2[%dma_wait3A_345, %dma_wait3A_346] : memref<10000x128xf32, #tpu.memory_space<hbm>> -> memref<10000x128xf32, #tpu.memory_space<hbm>>
      tpu.wait_indirect_dma semaphore(%arg15 : memref<!tpu.dma_semaphore, #tpu.memory_space<semaphore_mem>>) src(%dma_wait3A_347 : memref<10000x128xf32, #tpu.memory_space<hbm>>) dst(%arg12 : memref<64x128xf32, #tpu.memory_space<vmem>>)
      "tpu.region"() ({
        %run_scoped3A = tpu.sem_alloc : memref<!tpu.dma_semaphore, #tpu.memory_space<semaphore_mem>>
        %dma_start3A_348 = arith.constant 0 : i32
        %dma_start3A_349 = tpu.memref_slice %arg10[%add3A_337, %dma_start3A_348] : memref<8x64xi32, #tpu.memory_space<vmem>> -> memref<1x64xi32, #tpu.memory_space<vmem>>
        %dma_start3A_350 = tpu.memref_squeeze %dma_start3A_349 : memref<1x64xi32, #tpu.memory_space<vmem>> -> memref<64xi32, #tpu.memory_space<vmem>>
        %dma_start3A_351 = arith.constant 0 : i32
        %dma_start3A_352 = arith.constant 0 : i32
        %dma_start3A_353 = tpu.memref_slice %arg14[%dma_start3A_351, %dma_start3A_352] : memref<10240x128xf32, #tpu.memory_space<vmem_shared>> -> memref<10240x128xf32, #tpu.memory_space<vmem_shared>>
        tpu.enqueue_indirect_dma source(%arg12 : memref<64x128xf32, #tpu.memory_space<vmem>>) target(%dma_start3A_353 : memref<10240x128xf32, #tpu.memory_space<vmem_shared>>) offsets(%dma_start3A_350 : memref<64xi32, #tpu.memory_space<vmem>>) semaphore(%run_scoped3A : memref<!tpu.dma_semaphore, #tpu.memory_space<semaphore_mem>>) {add = true}
        %dma_wait3A_354 = arith.constant 0 : i32
        %dma_wait3A_355 = tpu.memref_slice %arg10[%add3A_337, %dma_wait3A_354] : memref<8x64xi32, #tpu.memory_space<vmem>> -> memref<1x64xi32, #tpu.memory_space<vmem>>
        %dma_wait3A_356 = tpu.memref_squeeze %dma_wait3A_355 : memref<1x64xi32, #tpu.memory_space<vmem>> -> memref<64xi32, #tpu.memory_space<vmem>>
        %dma_wait3A_357 = arith.constant 0 : i32
        %dma_wait3A_358 = arith.constant 0 : i32
        %dma_wait3A_359 = tpu.memref_slice %arg14[%dma_wait3A_357, %dma_wait3A_358] : memref<10240x128xf32, #tpu.memory_space<vmem_shared>> -> memref<10240x128xf32, #tpu.memory_space<vmem_shared>>
        tpu.wait_indirect_dma semaphore(%run_scoped3A : memref<!tpu.dma_semaphore, #tpu.memory_space<semaphore_mem>>) src(%arg12 : memref<64x128xf32, #tpu.memory_space<vmem>>) dst(%dma_wait3A_359 : memref<10240x128xf32, #tpu.memory_space<vmem_shared>>)
        tpu.yield
      }) : () -> ()
    }
    %scan3A_70 = arith.constant 8 : i32
    %scan3A_71 = arith.constant 0 : i32
    %scan3A_72 = arith.constant 32 : i32
    %scan3A_73 = arith.addi %scan3A_71, %scan3A_72 : i32
    %scan3A_74 = arith.constant 1 : i32
    scf.for %scan3A_333 = %scan3A_71 to %scan3A_73 step %scan3A_74  : i32 {
      %mul3A_334 = arith.constant 1 : i32
      %mul3A_335 = arith.muli %scan3A_333, %mul3A_334 : i32
      %add3A_336 = arith.constant 0 : i32
      %add3A_337 = arith.addi %add3A_336, %mul3A_335 : i32
      %mul3A_338 = arith.constant 16 : i32
      %mul3A_339 = arith.muli %add3A_337, %mul3A_338 : i32
      %get3A = arith.index_cast %mul3A_339 : i32 to index
      %get3A_340 = tpu.vector_load %arg11[%get3A] {strides = array<i32>} : memref<512xi32, #tpu.memory_space<vmem>>, vector<16xi32>,
      tpu.vector_store_idx %arg13[%get3A_340], %broadcast_in_dim3A_47 {add = true} : memref<10240xf32, #tpu.memory_space<vmem>>[vector<16xi32>], vector<16xf32>,
    }
    %scan3A_75 = arith.constant 32 : i32
    "tpu.region"() ({
      %run_scoped3A = tpu.sem_alloc : memref<!tpu.dma_semaphore, #tpu.memory_space<semaphore_mem>>
      %dma_start3A = arith.constant 16 : i32
      %dma_start3A_333 = arith.constant 0 : i32
      %dma_start3A_334 = tpu.memref_slice %arg3[%add3A, %dma_start3A, %dma_start3A_333] : memref<32x160x64xi32, #tpu.memory_space<hbm>> -> memref<1x8x64xi32, #tpu.memory_space<hbm>>
      %dma_start3A_335 = tpu.memref_squeeze %dma_start3A_334 : memref<1x8x64xi32, #tpu.memory_space<hbm>> -> memref<8x64xi32, #tpu.memory_space<hbm>>
      %dma_start3A_336 = arith.constant 16 : i32
      %dma_start3A_337 = arith.constant 0 : i32
      %dma_start3A_338 = tpu.memref_slice %arg3[%add3A, %dma_start3A_336, %dma_start3A_337] : memref<32x160x64xi32, #tpu.memory_space<hbm>> -> memref<1x8x64xi32, #tpu.memory_space<hbm>>
      %dma_start3A_339 = tpu.memref_squeeze %dma_start3A_338 : memref<1x8x64xi32, #tpu.memory_space<hbm>> -> memref<8x64xi32, #tpu.memory_space<hbm>>
      tpu.enqueue_dma source(%dma_start3A_339 : memref<8x64xi32, #tpu.memory_space<hbm>>) target(%arg9 : memref<8x64xi32, #tpu.memory_space<vmem>>) target_semaphore(%run_scoped3A : memref<!tpu.dma_semaphore, #tpu.memory_space<semaphore_mem>>)
      %dma_wait3A = arith.constant 16 : i32
      %dma_wait3A_340 = arith.constant 0 : i32
      %dma_wait3A_341 = tpu.memref_slice %arg3[%add3A, %dma_wait3A, %dma_wait3A_340] : memref<32x160x64xi32, #tpu.memory_space<hbm>> -> memref<1x8x64xi32, #tpu.memory_space<hbm>>
      %dma_wait3A_342 = tpu.memref_squeeze %dma_wait3A_341 : memref<1x8x64xi32, #tpu.memory_space<hbm>> -> memref<8x64xi32, #tpu.memory_space<hbm>>
      %dma_wait3A_343 = arith.constant 16 : i32
      %dma_wait3A_344 = arith.constant 0 : i32
      %dma_wait3A_345 = tpu.memref_slice %arg3[%add3A, %dma_wait3A_343, %dma_wait3A_344] : memref<32x160x64xi32, #tpu.memory_space<hbm>> -> memref<1x8x64xi32, #tpu.memory_space<hbm>>
      %dma_wait3A_346 = tpu.memref_squeeze %dma_wait3A_345 : memref<1x8x64xi32, #tpu.memory_space<hbm>> -> memref<8x64xi32, #tpu.memory_space<hbm>>
      tpu.wait_dma2 semaphore(%run_scoped3A : memref<!tpu.dma_semaphore, #tpu.memory_space<semaphore_mem>>) src(%dma_wait3A_346 : memref<8x64xi32, #tpu.memory_space<hbm>>) dst(%arg9 : memref<8x64xi32, #tpu.memory_space<vmem>>)
      tpu.yield
    }) : () -> ()
    "tpu.region"() ({
      %run_scoped3A = tpu.sem_alloc : memref<!tpu.dma_semaphore, #tpu.memory_space<semaphore_mem>>
      %dma_start3A = arith.constant 16 : i32
      %dma_start3A_333 = arith.constant 0 : i32
      %dma_start3A_334 = tpu.memref_slice %arg4[%add3A, %dma_start3A, %dma_start3A_333] : memref<32x160x64xi32, #tpu.memory_space<hbm>> -> memref<1x8x64xi32, #tpu.memory_space<hbm>>
      %dma_start3A_335 = tpu.memref_squeeze %dma_start3A_334 : memref<1x8x64xi32, #tpu.memory_space<hbm>> -> memref<8x64xi32, #tpu.memory_space<hbm>>
      %dma_start3A_336 = arith.constant 16 : i32
      %dma_start3A_337 = arith.constant 0 : i32
      %dma_start3A_338 = tpu.memref_slice %arg4[%add3A, %dma_start3A_336, %dma_start3A_337] : memref<32x160x64xi32, #tpu.memory_space<hbm>> -> memref<1x8x64xi32, #tpu.memory_space<hbm>>
      %dma_start3A_339 = tpu.memref_squeeze %dma_start3A_338 : memref<1x8x64xi32, #tpu.memory_space<hbm>> -> memref<8x64xi32, #tpu.memory_space<hbm>>
      tpu.enqueue_dma source(%dma_start3A_339 : memref<8x64xi32, #tpu.memory_space<hbm>>) target(%arg10 : memref<8x64xi32, #tpu.memory_space<vmem>>) target_semaphore(%run_scoped3A : memref<!tpu.dma_semaphore, #tpu.memory_space<semaphore_mem>>)
      %dma_wait3A = arith.constant 16 : i32
      %dma_wait3A_340 = arith.constant 0 : i32
      %dma_wait3A_341 = tpu.memref_slice %arg4[%add3A, %dma_wait3A, %dma_wait3A_340] : memref<32x160x64xi32, #tpu.memory_space<hbm>> -> memref<1x8x64xi32, #tpu.memory_space<hbm>>
      %dma_wait3A_342 = tpu.memref_squeeze %dma_wait3A_341 : memref<1x8x64xi32, #tpu.memory_space<hbm>> -> memref<8x64xi32, #tpu.memory_space<hbm>>
      %dma_wait3A_343 = arith.constant 16 : i32
      %dma_wait3A_344 = arith.constant 0 : i32
      %dma_wait3A_345 = tpu.memref_slice %arg4[%add3A, %dma_wait3A_343, %dma_wait3A_344] : memref<32x160x64xi32, #tpu.memory_space<hbm>> -> memref<1x8x64xi32, #tpu.memory_space<hbm>>
      %dma_wait3A_346 = tpu.memref_squeeze %dma_wait3A_345 : memref<1x8x64xi32, #tpu.memory_space<hbm>> -> memref<8x64xi32, #tpu.memory_space<hbm>>
      tpu.wait_dma2 semaphore(%run_scoped3A : memref<!tpu.dma_semaphore, #tpu.memory_space<semaphore_mem>>) src(%dma_wait3A_346 : memref<8x64xi32, #tpu.memory_space<hbm>>) dst(%arg10 : memref<8x64xi32, #tpu.memory_space<vmem>>)
      tpu.yield
    }) : () -> ()
    %mul3A_76 = arith.constant 10240 : i32
    %mul3A_77 = arith.muli %add3A, %mul3A_76 : i32
    %add3A_78 = arith.constant 1024 : i32
    %add3A_79 = arith.addi %mul3A_77, %add3A_78 : i32
    "tpu.region"() ({
      %run_scoped3A = tpu.sem_alloc : memref<!tpu.dma_semaphore, #tpu.memory_space<semaphore_mem>>
      %dma_start3A = tpu.memref_slice %arg5[%add3A_79] : memref<327680xi32, #tpu.memory_space<hbm>> -> memref<512xi32, #tpu.memory_space<hbm>>
      %dma_start3A_333 = tpu.memref_slice %arg5[%add3A_79] : memref<327680xi32, #tpu.memory_space<hbm>> -> memref<512xi32, #tpu.memory_space<hbm>>
      tpu.enqueue_dma source(%dma_start3A_333 : memref<512xi32, #tpu.memory_space<hbm>>) target(%arg11 : memref<512xi32, #tpu.memory_space<vmem>>) target_semaphore(%run_scoped3A : memref<!tpu.dma_semaphore, #tpu.memory_space<semaphore_mem>>)
      %dma_wait3A = tpu.memref_slice %arg5[%add3A_79] : memref<327680xi32, #tpu.memory_space<hbm>> -> memref<512xi32, #tpu.memory_space<hbm>>
      %dma_wait3A_334 = tpu.memref_slice %arg5[%add3A_79] : memref<327680xi32, #tpu.memory_space<hbm>> -> memref<512xi32, #tpu.memory_space<hbm>>
      tpu.wait_dma2 semaphore(%run_scoped3A : memref<!tpu.dma_semaphore, #tpu.memory_space<semaphore_mem>>) src(%dma_wait3A_334 : memref<512xi32, #tpu.memory_space<hbm>>) dst(%arg11 : memref<512xi32, #tpu.memory_space<vmem>>)
      tpu.yield
    }) : () -> ()
    %scan3A_80 = arith.constant 0 : i32
    %scan3A_81 = arith.constant 8 : i32
    %scan3A_82 = arith.addi %scan3A_80, %scan3A_81 : i32
    %scan3A_83 = arith.constant 1 : i32
    scf.for %scan3A_333 = %scan3A_80 to %scan3A_82 step %scan3A_83  : i32 {
      %mul3A_334 = arith.constant 1 : i32
      %mul3A_335 = arith.muli %scan3A_333, %mul3A_334 : i32
      %add3A_336 = arith.constant 0 : i32
      %add3A_337 = arith.addi %add3A_336, %mul3A_335 : i32
      %dma_start3A = arith.constant 0 : i32
      %dma_start3A_338 = tpu.memref_slice %arg9[%add3A_337, %dma_start3A] : memref<8x64xi32, #tpu.memory_space<vmem>> -> memref<1x64xi32, #tpu.memory_space<vmem>>
      %dma_start3A_339 = tpu.memref_squeeze %dma_start3A_338 : memref<1x64xi32, #tpu.memory_space<vmem>> -> memref<64xi32, #tpu.memory_space<vmem>>
      %dma_start3A_340 = arith.constant 0 : i32
      %dma_start3A_341 = arith.constant 0 : i32
      %dma_start3A_342 = tpu.memref_slice %arg2[%dma_start3A_340, %dma_start3A_341] : memref<10000x128xf32, #tpu.memory_space<hbm>> -> memref<10000x128xf32, #tpu.memory_space<hbm>>
      tpu.enqueue_indirect_dma source(%dma_start3A_342 : memref<10000x128xf32, #tpu.memory_space<hbm>>) target(%arg12 : memref<64x128xf32, #tpu.memory_space<vmem>>) offsets(%dma_start3A_339 : memref<64xi32, #tpu.memory_space<vmem>>) semaphore(%arg15 : memref<!tpu.dma_semaphore, #tpu.memory_space<semaphore_mem>>)
      %dma_wait3A = arith.constant 0 : i32
      %dma_wait3A_343 = tpu.memref_slice %arg9[%add3A_337, %dma_wait3A] : memref<8x64xi32, #tpu.memory_space<vmem>> -> memref<1x64xi32, #tpu.memory_space<vmem>>
      %dma_wait3A_344 = tpu.memref_squeeze %dma_wait3A_343 : memref<1x64xi32, #tpu.memory_space<vmem>> -> memref<64xi32, #tpu.memory_space<vmem>>
      %dma_wait3A_345 = arith.constant 0 : i32
      %dma_wait3A_346 = arith.constant 0 : i32
      %dma_wait3A_347 = tpu.memref_slice %arg2[%dma_wait3A_345, %dma_wait3A_346] : memref<10000x128xf32, #tpu.memory_space<hbm>> -> memref<10000x128xf32, #tpu.memory_space<hbm>>
      tpu.wait_indirect_dma semaphore(%arg15 : memref<!tpu.dma_semaphore, #tpu.memory_space<semaphore_mem>>) src(%dma_wait3A_347 : memref<10000x128xf32, #tpu.memory_space<hbm>>) dst(%arg12 : memref<64x128xf32, #tpu.memory_space<vmem>>)
      "tpu.region"() ({
        %run_scoped3A = tpu.sem_alloc : memref<!tpu.dma_semaphore, #tpu.memory_space<semaphore_mem>>
        %dma_start3A_348 = arith.constant 0 : i32
        %dma_start3A_349 = tpu.memref_slice %arg10[%add3A_337, %dma_start3A_348] : memref<8x64xi32, #tpu.memory_space<vmem>> -> memref<1x64xi32, #tpu.memory_space<vmem>>
        %dma_start3A_350 = tpu.memref_squeeze %dma_start3A_349 : memref<1x64xi32, #tpu.memory_space<vmem>> -> memref<64xi32, #tpu.memory_space<vmem>>
        %dma_start3A_351 = arith.constant 0 : i32
        %dma_start3A_352 = arith.constant 0 : i32
        %dma_start3A_353 = tpu.memref_slice %arg14[%dma_start3A_351, %dma_start3A_352] : memref<10240x128xf32, #tpu.memory_space<vmem_shared>> -> memref<10240x128xf32, #tpu.memory_space<vmem_shared>>
        tpu.enqueue_indirect_dma source(%arg12 : memref<64x128xf32, #tpu.memory_space<vmem>>) target(%dma_start3A_353 : memref<10240x128xf32, #tpu.memory_space<vmem_shared>>) offsets(%dma_start3A_350 : memref<64xi32, #tpu.memory_space<vmem>>) semaphore(%run_scoped3A : memref<!tpu.dma_semaphore, #tpu.memory_space<semaphore_mem>>) {add = true}
        %dma_wait3A_354 = arith.constant 0 : i32
        %dma_wait3A_355 = tpu.memref_slice %arg10[%add3A_337, %dma_wait3A_354] : memref<8x64xi32, #tpu.memory_space<vmem>> -> memref<1x64xi32, #tpu.memory_space<vmem>>
        %dma_wait3A_356 = tpu.memref_squeeze %dma_wait3A_355 : memref<1x64xi32, #tpu.memory_space<vmem>> -> memref<64xi32, #tpu.memory_space<vmem>>
        %dma_wait3A_357 = arith.constant 0 : i32
        %dma_wait3A_358 = arith.constant 0 : i32
        %dma_wait3A_359 = tpu.memref_slice %arg14[%dma_wait3A_357, %dma_wait3A_358] : memref<10240x128xf32, #tpu.memory_space<vmem_shared>> -> memref<10240x128xf32, #tpu.memory_space<vmem_shared>>
        tpu.wait_indirect_dma semaphore(%run_scoped3A : memref<!tpu.dma_semaphore, #tpu.memory_space<semaphore_mem>>) src(%arg12 : memref<64x128xf32, #tpu.memory_space<vmem>>) dst(%dma_wait3A_359 : memref<10240x128xf32, #tpu.memory_space<vmem_shared>>)
        tpu.yield
      }) : () -> ()
    }
    %scan3A_84 = arith.constant 8 : i32
    %scan3A_85 = arith.constant 0 : i32
    %scan3A_86 = arith.constant 32 : i32
    %scan3A_87 = arith.addi %scan3A_85, %scan3A_86 : i32
    %scan3A_88 = arith.constant 1 : i32
    scf.for %scan3A_333 = %scan3A_85 to %scan3A_87 step %scan3A_88  : i32 {
      %mul3A_334 = arith.constant 1 : i32
      %mul3A_335 = arith.muli %scan3A_333, %mul3A_334 : i32
      %add3A_336 = arith.constant 0 : i32
      %add3A_337 = arith.addi %add3A_336, %mul3A_335 : i32
      %mul3A_338 = arith.constant 16 : i32
      %mul3A_339 = arith.muli %add3A_337, %mul3A_338 : i32
      %get3A = arith.index_cast %mul3A_339 : i32 to index
      %get3A_340 = tpu.vector_load %arg11[%get3A] {strides = array<i32>} : memref<512xi32, #tpu.memory_space<vmem>>, vector<16xi32>,
      tpu.vector_store_idx %arg13[%get3A_340], %broadcast_in_dim3A_47 {add = true} : memref<10240xf32, #tpu.memory_space<vmem>>[vector<16xi32>], vector<16xf32>,
    }
    %scan3A_89 = arith.constant 32 : i32
    "tpu.region"() ({
      %run_scoped3A = tpu.sem_alloc : memref<!tpu.dma_semaphore, #tpu.memory_space<semaphore_mem>>
      %dma_start3A = arith.constant 24 : i32
      %dma_start3A_333 = arith.constant 0 : i32
      %dma_start3A_334 = tpu.memref_slice %arg3[%add3A, %dma_start3A, %dma_start3A_333] : memref<32x160x64xi32, #tpu.memory_space<hbm>> -> memref<1x8x64xi32, #tpu.memory_space<hbm>>
      %dma_start3A_335 = tpu.memref_squeeze %dma_start3A_334 : memref<1x8x64xi32, #tpu.memory_space<hbm>> -> memref<8x64xi32, #tpu.memory_space<hbm>>
      %dma_start3A_336 = arith.constant 24 : i32
      %dma_start3A_337 = arith.constant 0 : i32
      %dma_start3A_338 = tpu.memref_slice %arg3[%add3A, %dma_start3A_336, %dma_start3A_337] : memref<32x160x64xi32, #tpu.memory_space<hbm>> -> memref<1x8x64xi32, #tpu.memory_space<hbm>>
      %dma_start3A_339 = tpu.memref_squeeze %dma_start3A_338 : memref<1x8x64xi32, #tpu.memory_space<hbm>> -> memref<8x64xi32, #tpu.memory_space<hbm>>
      tpu.enqueue_dma source(%dma_start3A_339 : memref<8x64xi32, #tpu.memory_space<hbm>>) target(%arg9 : memref<8x64xi32, #tpu.memory_space<vmem>>) target_semaphore(%run_scoped3A : memref<!tpu.dma_semaphore, #tpu.memory_space<semaphore_mem>>)
      %dma_wait3A = arith.constant 24 : i32
      %dma_wait3A_340 = arith.constant 0 : i32
      %dma_wait3A_341 = tpu.memref_slice %arg3[%add3A, %dma_wait3A, %dma_wait3A_340] : memref<32x160x64xi32, #tpu.memory_space<hbm>> -> memref<1x8x64xi32, #tpu.memory_space<hbm>>
      %dma_wait3A_342 = tpu.memref_squeeze %dma_wait3A_341 : memref<1x8x64xi32, #tpu.memory_space<hbm>> -> memref<8x64xi32, #tpu.memory_space<hbm>>
      %dma_wait3A_343 = arith.constant 24 : i32
      %dma_wait3A_344 = arith.constant 0 : i32
      %dma_wait3A_345 = tpu.memref_slice %arg3[%add3A, %dma_wait3A_343, %dma_wait3A_344] : memref<32x160x64xi32, #tpu.memory_space<hbm>> -> memref<1x8x64xi32, #tpu.memory_space<hbm>>
      %dma_wait3A_346 = tpu.memref_squeeze %dma_wait3A_345 : memref<1x8x64xi32, #tpu.memory_space<hbm>> -> memref<8x64xi32, #tpu.memory_space<hbm>>
      tpu.wait_dma2 semaphore(%run_scoped3A : memref<!tpu.dma_semaphore, #tpu.memory_space<semaphore_mem>>) src(%dma_wait3A_346 : memref<8x64xi32, #tpu.memory_space<hbm>>) dst(%arg9 : memref<8x64xi32, #tpu.memory_space<vmem>>)
      tpu.yield
    }) : () -> ()
    "tpu.region"() ({
      %run_scoped3A = tpu.sem_alloc : memref<!tpu.dma_semaphore, #tpu.memory_space<semaphore_mem>>
      %dma_start3A = arith.constant 24 : i32
      %dma_start3A_333 = arith.constant 0 : i32
      %dma_start3A_334 = tpu.memref_slice %arg4[%add3A, %dma_start3A, %dma_start3A_333] : memref<32x160x64xi32, #tpu.memory_space<hbm>> -> memref<1x8x64xi32, #tpu.memory_space<hbm>>
      %dma_start3A_335 = tpu.memref_squeeze %dma_start3A_334 : memref<1x8x64xi32, #tpu.memory_space<hbm>> -> memref<8x64xi32, #tpu.memory_space<hbm>>
      %dma_start3A_336 = arith.constant 24 : i32
      %dma_start3A_337 = arith.constant 0 : i32
      %dma_start3A_338 = tpu.memref_slice %arg4[%add3A, %dma_start3A_336, %dma_start3A_337] : memref<32x160x64xi32, #tpu.memory_space<hbm>> -> memref<1x8x64xi32, #tpu.memory_space<hbm>>
      %dma_start3A_339 = tpu.memref_squeeze %dma_start3A_338 : memref<1x8x64xi32, #tpu.memory_space<hbm>> -> memref<8x64xi32, #tpu.memory_space<hbm>>
      tpu.enqueue_dma source(%dma_start3A_339 : memref<8x64xi32, #tpu.memory_space<hbm>>) target(%arg10 : memref<8x64xi32, #tpu.memory_space<vmem>>) target_semaphore(%run_scoped3A : memref<!tpu.dma_semaphore, #tpu.memory_space<semaphore_mem>>)
      %dma_wait3A = arith.constant 24 : i32
      %dma_wait3A_340 = arith.constant 0 : i32
      %dma_wait3A_341 = tpu.memref_slice %arg4[%add3A, %dma_wait3A, %dma_wait3A_340] : memref<32x160x64xi32, #tpu.memory_space<hbm>> -> memref<1x8x64xi32, #tpu.memory_space<hbm>>
      %dma_wait3A_342 = tpu.memref_squeeze %dma_wait3A_341 : memref<1x8x64xi32, #tpu.memory_space<hbm>> -> memref<8x64xi32, #tpu.memory_space<hbm>>
      %dma_wait3A_343 = arith.constant 24 : i32
      %dma_wait3A_344 = arith.constant 0 : i32
      %dma_wait3A_345 = tpu.memref_slice %arg4[%add3A, %dma_wait3A_343, %dma_wait3A_344] : memref<32x160x64xi32, #tpu.memory_space<hbm>> -> memref<1x8x64xi32, #tpu.memory_space<hbm>>
      %dma_wait3A_346 = tpu.memref_squeeze %dma_wait3A_345 : memref<1x8x64xi32, #tpu.memory_space<hbm>> -> memref<8x64xi32, #tpu.memory_space<hbm>>
      tpu.wait_dma2 semaphore(%run_scoped3A : memref<!tpu.dma_semaphore, #tpu.memory_space<semaphore_mem>>) src(%dma_wait3A_346 : memref<8x64xi32, #tpu.memory_space<hbm>>) dst(%arg10 : memref<8x64xi32, #tpu.memory_space<vmem>>)
      tpu.yield
    }) : () -> ()
    %mul3A_90 = arith.constant 10240 : i32
    %mul3A_91 = arith.muli %add3A, %mul3A_90 : i32
    %add3A_92 = arith.constant 1536 : i32
    %add3A_93 = arith.addi %mul3A_91, %add3A_92 : i32
    "tpu.region"() ({
      %run_scoped3A = tpu.sem_alloc : memref<!tpu.dma_semaphore, #tpu.memory_space<semaphore_mem>>
      %dma_start3A = tpu.memref_slice %arg5[%add3A_93] : memref<327680xi32, #tpu.memory_space<hbm>> -> memref<512xi32, #tpu.memory_space<hbm>>
      %dma_start3A_333 = tpu.memref_slice %arg5[%add3A_93] : memref<327680xi32, #tpu.memory_space<hbm>> -> memref<512xi32, #tpu.memory_space<hbm>>
      tpu.enqueue_dma source(%dma_start3A_333 : memref<512xi32, #tpu.memory_space<hbm>>) target(%arg11 : memref<512xi32, #tpu.memory_space<vmem>>) target_semaphore(%run_scoped3A : memref<!tpu.dma_semaphore, #tpu.memory_space<semaphore_mem>>)
      %dma_wait3A = tpu.memref_slice %arg5[%add3A_93] : memref<327680xi32, #tpu.memory_space<hbm>> -> memref<512xi32, #tpu.memory_space<hbm>>
      %dma_wait3A_334 = tpu.memref_slice %arg5[%add3A_93] : memref<327680xi32, #tpu.memory_space<hbm>> -> memref<512xi32, #tpu.memory_space<hbm>>
      tpu.wait_dma2 semaphore(%run_scoped3A : memref<!tpu.dma_semaphore, #tpu.memory_space<semaphore_mem>>) src(%dma_wait3A_334 : memref<512xi32, #tpu.memory_space<hbm>>) dst(%arg11 : memref<512xi32, #tpu.memory_space<vmem>>)
      tpu.yield
    }) : () -> ()
    %scan3A_94 = arith.constant 0 : i32
    %scan3A_95 = arith.constant 8 : i32
    %scan3A_96 = arith.addi %scan3A_94, %scan3A_95 : i32
    %scan3A_97 = arith.constant 1 : i32
    scf.for %scan3A_333 = %scan3A_94 to %scan3A_96 step %scan3A_97  : i32 {
      %mul3A_334 = arith.constant 1 : i32
      %mul3A_335 = arith.muli %scan3A_333, %mul3A_334 : i32
      %add3A_336 = arith.constant 0 : i32
      %add3A_337 = arith.addi %add3A_336, %mul3A_335 : i32
      %dma_start3A = arith.constant 0 : i32
      %dma_start3A_338 = tpu.memref_slice %arg9[%add3A_337, %dma_start3A] : memref<8x64xi32, #tpu.memory_space<vmem>> -> memref<1x64xi32, #tpu.memory_space<vmem>>
      %dma_start3A_339 = tpu.memref_squeeze %dma_start3A_338 : memref<1x64xi32, #tpu.memory_space<vmem>> -> memref<64xi32, #tpu.memory_space<vmem>>
      %dma_start3A_340 = arith.constant 0 : i32
      %dma_start3A_341 = arith.constant 0 : i32
      %dma_start3A_342 = tpu.memref_slice %arg2[%dma_start3A_340, %dma_start3A_341] : memref<10000x128xf32, #tpu.memory_space<hbm>> -> memref<10000x128xf32, #tpu.memory_space<hbm>>
      tpu.enqueue_indirect_dma source(%dma_start3A_342 : memref<10000x128xf32, #tpu.memory_space<hbm>>) target(%arg12 : memref<64x128xf32, #tpu.memory_space<vmem>>) offsets(%dma_start3A_339 : memref<64xi32, #tpu.memory_space<vmem>>) semaphore(%arg15 : memref<!tpu.dma_semaphore, #tpu.memory_space<semaphore_mem>>)
      %dma_wait3A = arith.constant 0 : i32
      %dma_wait3A_343 = tpu.memref_slice %arg9[%add3A_337, %dma_wait3A] : memref<8x64xi32, #tpu.memory_space<vmem>> -> memref<1x64xi32, #tpu.memory_space<vmem>>
      %dma_wait3A_344 = tpu.memref_squeeze %dma_wait3A_343 : memref<1x64xi32, #tpu.memory_space<vmem>> -> memref<64xi32, #tpu.memory_space<vmem>>
      %dma_wait3A_345 = arith.constant 0 : i32
      %dma_wait3A_346 = arith.constant 0 : i32
      %dma_wait3A_347 = tpu.memref_slice %arg2[%dma_wait3A_345, %dma_wait3A_346] : memref<10000x128xf32, #tpu.memory_space<hbm>> -> memref<10000x128xf32, #tpu.memory_space<hbm>>
      tpu.wait_indirect_dma semaphore(%arg15 : memref<!tpu.dma_semaphore, #tpu.memory_space<semaphore_mem>>) src(%dma_wait3A_347 : memref<10000x128xf32, #tpu.memory_space<hbm>>) dst(%arg12 : memref<64x128xf32, #tpu.memory_space<vmem>>)
      "tpu.region"() ({
        %run_scoped3A = tpu.sem_alloc : memref<!tpu.dma_semaphore, #tpu.memory_space<semaphore_mem>>
        %dma_start3A_348 = arith.constant 0 : i32
        %dma_start3A_349 = tpu.memref_slice %arg10[%add3A_337, %dma_start3A_348] : memref<8x64xi32, #tpu.memory_space<vmem>> -> memref<1x64xi32, #tpu.memory_space<vmem>>
        %dma_start3A_350 = tpu.memref_squeeze %dma_start3A_349 : memref<1x64xi32, #tpu.memory_space<vmem>> -> memref<64xi32, #tpu.memory_space<vmem>>
        %dma_start3A_351 = arith.constant 0 : i32
        %dma_start3A_352 = arith.constant 0 : i32
        %dma_start3A_353 = tpu.memref_slice %arg14[%dma_start3A_351, %dma_start3A_352] : memref<10240x128xf32, #tpu.memory_space<vmem_shared>> -> memref<10240x128xf32, #tpu.memory_space<vmem_shared>>
        tpu.enqueue_indirect_dma source(%arg12 : memref<64x128xf32, #tpu.memory_space<vmem>>) target(%dma_start3A_353 : memref<10240x128xf32, #tpu.memory_space<vmem_shared>>) offsets(%dma_start3A_350 : memref<64xi32, #tpu.memory_space<vmem>>) semaphore(%run_scoped3A : memref<!tpu.dma_semaphore, #tpu.memory_space<semaphore_mem>>) {add = true}
        %dma_wait3A_354 = arith.constant 0 : i32
        %dma_wait3A_355 = tpu.memref_slice %arg10[%add3A_337, %dma_wait3A_354] : memref<8x64xi32, #tpu.memory_space<vmem>> -> memref<1x64xi32, #tpu.memory_space<vmem>>
        %dma_wait3A_356 = tpu.memref_squeeze %dma_wait3A_355 : memref<1x64xi32, #tpu.memory_space<vmem>> -> memref<64xi32, #tpu.memory_space<vmem>>
        %dma_wait3A_357 = arith.constant 0 : i32
        %dma_wait3A_358 = arith.constant 0 : i32
        %dma_wait3A_359 = tpu.memref_slice %arg14[%dma_wait3A_357, %dma_wait3A_358] : memref<10240x128xf32, #tpu.memory_space<vmem_shared>> -> memref<10240x128xf32, #tpu.memory_space<vmem_shared>>
        tpu.wait_indirect_dma semaphore(%run_scoped3A : memref<!tpu.dma_semaphore, #tpu.memory_space<semaphore_mem>>) src(%arg12 : memref<64x128xf32, #tpu.memory_space<vmem>>) dst(%dma_wait3A_359 : memref<10240x128xf32, #tpu.memory_space<vmem_shared>>)
        tpu.yield
      }) : () -> ()
    }
    %scan3A_98 = arith.constant 8 : i32
    %scan3A_99 = arith.constant 0 : i32
    %scan3A_100 = arith.constant 32 : i32
    %scan3A_101 = arith.addi %scan3A_99, %scan3A_100 : i32
    %scan3A_102 = arith.constant 1 : i32
    scf.for %scan3A_333 = %scan3A_99 to %scan3A_101 step %scan3A_102  : i32 {
      %mul3A_334 = arith.constant 1 : i32
      %mul3A_335 = arith.muli %scan3A_333, %mul3A_334 : i32
      %add3A_336 = arith.constant 0 : i32
      %add3A_337 = arith.addi %add3A_336, %mul3A_335 : i32
      %mul3A_338 = arith.constant 16 : i32
      %mul3A_339 = arith.muli %add3A_337, %mul3A_338 : i32
      %get3A = arith.index_cast %mul3A_339 : i32 to index
      %get3A_340 = tpu.vector_load %arg11[%get3A] {strides = array<i32>} : memref<512xi32, #tpu.memory_space<vmem>>, vector<16xi32>,
      tpu.vector_store_idx %arg13[%get3A_340], %broadcast_in_dim3A_47 {add = true} : memref<10240xf32, #tpu.memory_space<vmem>>[vector<16xi32>], vector<16xf32>,
    }
    %scan3A_103 = arith.constant 32 : i32
    "tpu.region"() ({
      %run_scoped3A = tpu.sem_alloc : memref<!tpu.dma_semaphore, #tpu.memory_space<semaphore_mem>>
      %dma_start3A = arith.constant 32 : i32
      %dma_start3A_333 = arith.constant 0 : i32
      %dma_start3A_334 = tpu.memref_slice %arg3[%add3A, %dma_start3A, %dma_start3A_333] : memref<32x160x64xi32, #tpu.memory_space<hbm>> -> memref<1x8x64xi32, #tpu.memory_space<hbm>>
      %dma_start3A_335 = tpu.memref_squeeze %dma_start3A_334 : memref<1x8x64xi32, #tpu.memory_space<hbm>> -> memref<8x64xi32, #tpu.memory_space<hbm>>
      %dma_start3A_336 = arith.constant 32 : i32
      %dma_start3A_337 = arith.constant 0 : i32
      %dma_start3A_338 = tpu.memref_slice %arg3[%add3A, %dma_start3A_336, %dma_start3A_337] : memref<32x160x64xi32, #tpu.memory_space<hbm>> -> memref<1x8x64xi32, #tpu.memory_space<hbm>>
      %dma_start3A_339 = tpu.memref_squeeze %dma_start3A_338 : memref<1x8x64xi32, #tpu.memory_space<hbm>> -> memref<8x64xi32, #tpu.memory_space<hbm>>
      tpu.enqueue_dma source(%dma_start3A_339 : memref<8x64xi32, #tpu.memory_space<hbm>>) target(%arg9 : memref<8x64xi32, #tpu.memory_space<vmem>>) target_semaphore(%run_scoped3A : memref<!tpu.dma_semaphore, #tpu.memory_space<semaphore_mem>>)
      %dma_wait3A = arith.constant 32 : i32
      %dma_wait3A_340 = arith.constant 0 : i32
      %dma_wait3A_341 = tpu.memref_slice %arg3[%add3A, %dma_wait3A, %dma_wait3A_340] : memref<32x160x64xi32, #tpu.memory_space<hbm>> -> memref<1x8x64xi32, #tpu.memory_space<hbm>>
      %dma_wait3A_342 = tpu.memref_squeeze %dma_wait3A_341 : memref<1x8x64xi32, #tpu.memory_space<hbm>> -> memref<8x64xi32, #tpu.memory_space<hbm>>
      %dma_wait3A_343 = arith.constant 32 : i32
      %dma_wait3A_344 = arith.constant 0 : i32
      %dma_wait3A_345 = tpu.memref_slice %arg3[%add3A, %dma_wait3A_343, %dma_wait3A_344] : memref<32x160x64xi32, #tpu.memory_space<hbm>> -> memref<1x8x64xi32, #tpu.memory_space<hbm>>
      %dma_wait3A_346 = tpu.memref_squeeze %dma_wait3A_345 : memref<1x8x64xi32, #tpu.memory_space<hbm>> -> memref<8x64xi32, #tpu.memory_space<hbm>>
      tpu.wait_dma2 semaphore(%run_scoped3A : memref<!tpu.dma_semaphore, #tpu.memory_space<semaphore_mem>>) src(%dma_wait3A_346 : memref<8x64xi32, #tpu.memory_space<hbm>>) dst(%arg9 : memref<8x64xi32, #tpu.memory_space<vmem>>)
      tpu.yield
    }) : () -> ()
    "tpu.region"() ({
      %run_scoped3A = tpu.sem_alloc : memref<!tpu.dma_semaphore, #tpu.memory_space<semaphore_mem>>
      %dma_start3A = arith.constant 32 : i32
      %dma_start3A_333 = arith.constant 0 : i32
      %dma_start3A_334 = tpu.memref_slice %arg4[%add3A, %dma_start3A, %dma_start3A_333] : memref<32x160x64xi32, #tpu.memory_space<hbm>> -> memref<1x8x64xi32, #tpu.memory_space<hbm>>
      %dma_start3A_335 = tpu.memref_squeeze %dma_start3A_334 : memref<1x8x64xi32, #tpu.memory_space<hbm>> -> memref<8x64xi32, #tpu.memory_space<hbm>>
      %dma_start3A_336 = arith.constant 32 : i32
      %dma_start3A_337 = arith.constant 0 : i32
      %dma_start3A_338 = tpu.memref_slice %arg4[%add3A, %dma_start3A_336, %dma_start3A_337] : memref<32x160x64xi32, #tpu.memory_space<hbm>> -> memref<1x8x64xi32, #tpu.memory_space<hbm>>
      %dma_start3A_339 = tpu.memref_squeeze %dma_start3A_338 : memref<1x8x64xi32, #tpu.memory_space<hbm>> -> memref<8x64xi32, #tpu.memory_space<hbm>>
      tpu.enqueue_dma source(%dma_start3A_339 : memref<8x64xi32, #tpu.memory_space<hbm>>) target(%arg10 : memref<8x64xi32, #tpu.memory_space<vmem>>) target_semaphore(%run_scoped3A : memref<!tpu.dma_semaphore, #tpu.memory_space<semaphore_mem>>)
      %dma_wait3A = arith.constant 32 : i32
      %dma_wait3A_340 = arith.constant 0 : i32
      %dma_wait3A_341 = tpu.memref_slice %arg4[%add3A, %dma_wait3A, %dma_wait3A_340] : memref<32x160x64xi32, #tpu.memory_space<hbm>> -> memref<1x8x64xi32, #tpu.memory_space<hbm>>
      %dma_wait3A_342 = tpu.memref_squeeze %dma_wait3A_341 : memref<1x8x64xi32, #tpu.memory_space<hbm>> -> memref<8x64xi32, #tpu.memory_space<hbm>>
      %dma_wait3A_343 = arith.constant 32 : i32
      %dma_wait3A_344 = arith.constant 0 : i32
      %dma_wait3A_345 = tpu.memref_slice %arg4[%add3A, %dma_wait3A_343, %dma_wait3A_344] : memref<32x160x64xi32, #tpu.memory_space<hbm>> -> memref<1x8x64xi32, #tpu.memory_space<hbm>>
      %dma_wait3A_346 = tpu.memref_squeeze %dma_wait3A_345 : memref<1x8x64xi32, #tpu.memory_space<hbm>> -> memref<8x64xi32, #tpu.memory_space<hbm>>
      tpu.wait_dma2 semaphore(%run_scoped3A : memref<!tpu.dma_semaphore, #tpu.memory_space<semaphore_mem>>) src(%dma_wait3A_346 : memref<8x64xi32, #tpu.memory_space<hbm>>) dst(%arg10 : memref<8x64xi32, #tpu.memory_space<vmem>>)
      tpu.yield
    }) : () -> ()
    %mul3A_104 = arith.constant 10240 : i32
    %mul3A_105 = arith.muli %add3A, %mul3A_104 : i32
    %add3A_106 = arith.constant 2048 : i32
    %add3A_107 = arith.addi %mul3A_105, %add3A_106 : i32
    "tpu.region"() ({
      %run_scoped3A = tpu.sem_alloc : memref<!tpu.dma_semaphore, #tpu.memory_space<semaphore_mem>>
      %dma_start3A = tpu.memref_slice %arg5[%add3A_107] : memref<327680xi32, #tpu.memory_space<hbm>> -> memref<512xi32, #tpu.memory_space<hbm>>
      %dma_start3A_333 = tpu.memref_slice %arg5[%add3A_107] : memref<327680xi32, #tpu.memory_space<hbm>> -> memref<512xi32, #tpu.memory_space<hbm>>
      tpu.enqueue_dma source(%dma_start3A_333 : memref<512xi32, #tpu.memory_space<hbm>>) target(%arg11 : memref<512xi32, #tpu.memory_space<vmem>>) target_semaphore(%run_scoped3A : memref<!tpu.dma_semaphore, #tpu.memory_space<semaphore_mem>>)
      %dma_wait3A = tpu.memref_slice %arg5[%add3A_107] : memref<327680xi32, #tpu.memory_space<hbm>> -> memref<512xi32, #tpu.memory_space<hbm>>
      %dma_wait3A_334 = tpu.memref_slice %arg5[%add3A_107] : memref<327680xi32, #tpu.memory_space<hbm>> -> memref<512xi32, #tpu.memory_space<hbm>>
      tpu.wait_dma2 semaphore(%run_scoped3A : memref<!tpu.dma_semaphore, #tpu.memory_space<semaphore_mem>>) src(%dma_wait3A_334 : memref<512xi32, #tpu.memory_space<hbm>>) dst(%arg11 : memref<512xi32, #tpu.memory_space<vmem>>)
      tpu.yield
    }) : () -> ()
    %scan3A_108 = arith.constant 0 : i32
    %scan3A_109 = arith.constant 8 : i32
    %scan3A_110 = arith.addi %scan3A_108, %scan3A_109 : i32
    %scan3A_111 = arith.constant 1 : i32
    scf.for %scan3A_333 = %scan3A_108 to %scan3A_110 step %scan3A_111  : i32 {
      %mul3A_334 = arith.constant 1 : i32
      %mul3A_335 = arith.muli %scan3A_333, %mul3A_334 : i32
      %add3A_336 = arith.constant 0 : i32
      %add3A_337 = arith.addi %add3A_336, %mul3A_335 : i32
      %dma_start3A = arith.constant 0 : i32
      %dma_start3A_338 = tpu.memref_slice %arg9[%add3A_337, %dma_start3A] : memref<8x64xi32, #tpu.memory_space<vmem>> -> memref<1x64xi32, #tpu.memory_space<vmem>>
      %dma_start3A_339 = tpu.memref_squeeze %dma_start3A_338 : memref<1x64xi32, #tpu.memory_space<vmem>> -> memref<64xi32, #tpu.memory_space<vmem>>
      %dma_start3A_340 = arith.constant 0 : i32
      %dma_start3A_341 = arith.constant 0 : i32
      %dma_start3A_342 = tpu.memref_slice %arg2[%dma_start3A_340, %dma_start3A_341] : memref<10000x128xf32, #tpu.memory_space<hbm>> -> memref<10000x128xf32, #tpu.memory_space<hbm>>
      tpu.enqueue_indirect_dma source(%dma_start3A_342 : memref<10000x128xf32, #tpu.memory_space<hbm>>) target(%arg12 : memref<64x128xf32, #tpu.memory_space<vmem>>) offsets(%dma_start3A_339 : memref<64xi32, #tpu.memory_space<vmem>>) semaphore(%arg15 : memref<!tpu.dma_semaphore, #tpu.memory_space<semaphore_mem>>)
      %dma_wait3A = arith.constant 0 : i32
      %dma_wait3A_343 = tpu.memref_slice %arg9[%add3A_337, %dma_wait3A] : memref<8x64xi32, #tpu.memory_space<vmem>> -> memref<1x64xi32, #tpu.memory_space<vmem>>
      %dma_wait3A_344 = tpu.memref_squeeze %dma_wait3A_343 : memref<1x64xi32, #tpu.memory_space<vmem>> -> memref<64xi32, #tpu.memory_space<vmem>>
      %dma_wait3A_345 = arith.constant 0 : i32
      %dma_wait3A_346 = arith.constant 0 : i32
      %dma_wait3A_347 = tpu.memref_slice %arg2[%dma_wait3A_345, %dma_wait3A_346] : memref<10000x128xf32, #tpu.memory_space<hbm>> -> memref<10000x128xf32, #tpu.memory_space<hbm>>
      tpu.wait_indirect_dma semaphore(%arg15 : memref<!tpu.dma_semaphore, #tpu.memory_space<semaphore_mem>>) src(%dma_wait3A_347 : memref<10000x128xf32, #tpu.memory_space<hbm>>) dst(%arg12 : memref<64x128xf32, #tpu.memory_space<vmem>>)
      "tpu.region"() ({
        %run_scoped3A = tpu.sem_alloc : memref<!tpu.dma_semaphore, #tpu.memory_space<semaphore_mem>>
        %dma_start3A_348 = arith.constant 0 : i32
        %dma_start3A_349 = tpu.memref_slice %arg10[%add3A_337, %dma_start3A_348] : memref<8x64xi32, #tpu.memory_space<vmem>> -> memref<1x64xi32, #tpu.memory_space<vmem>>
        %dma_start3A_350 = tpu.memref_squeeze %dma_start3A_349 : memref<1x64xi32, #tpu.memory_space<vmem>> -> memref<64xi32, #tpu.memory_space<vmem>>
        %dma_start3A_351 = arith.constant 0 : i32
        %dma_start3A_352 = arith.constant 0 : i32
        %dma_start3A_353 = tpu.memref_slice %arg14[%dma_start3A_351, %dma_start3A_352] : memref<10240x128xf32, #tpu.memory_space<vmem_shared>> -> memref<10240x128xf32, #tpu.memory_space<vmem_shared>>
        tpu.enqueue_indirect_dma source(%arg12 : memref<64x128xf32, #tpu.memory_space<vmem>>) target(%dma_start3A_353 : memref<10240x128xf32, #tpu.memory_space<vmem_shared>>) offsets(%dma_start3A_350 : memref<64xi32, #tpu.memory_space<vmem>>) semaphore(%run_scoped3A : memref<!tpu.dma_semaphore, #tpu.memory_space<semaphore_mem>>) {add = true}
        %dma_wait3A_354 = arith.constant 0 : i32
        %dma_wait3A_355 = tpu.memref_slice %arg10[%add3A_337, %dma_wait3A_354] : memref<8x64xi32, #tpu.memory_space<vmem>> -> memref<1x64xi32, #tpu.memory_space<vmem>>
        %dma_wait3A_356 = tpu.memref_squeeze %dma_wait3A_355 : memref<1x64xi32, #tpu.memory_space<vmem>> -> memref<64xi32, #tpu.memory_space<vmem>>
        %dma_wait3A_357 = arith.constant 0 : i32
        %dma_wait3A_358 = arith.constant 0 : i32
        %dma_wait3A_359 = tpu.memref_slice %arg14[%dma_wait3A_357, %dma_wait3A_358] : memref<10240x128xf32, #tpu.memory_space<vmem_shared>> -> memref<10240x128xf32, #tpu.memory_space<vmem_shared>>
        tpu.wait_indirect_dma semaphore(%run_scoped3A : memref<!tpu.dma_semaphore, #tpu.memory_space<semaphore_mem>>) src(%arg12 : memref<64x128xf32, #tpu.memory_space<vmem>>) dst(%dma_wait3A_359 : memref<10240x128xf32, #tpu.memory_space<vmem_shared>>)
        tpu.yield
      }) : () -> ()
    }
    %scan3A_112 = arith.constant 8 : i32
    %scan3A_113 = arith.constant 0 : i32
    %scan3A_114 = arith.constant 32 : i32
    %scan3A_115 = arith.addi %scan3A_113, %scan3A_114 : i32
    %scan3A_116 = arith.constant 1 : i32
    scf.for %scan3A_333 = %scan3A_113 to %scan3A_115 step %scan3A_116  : i32 {
      %mul3A_334 = arith.constant 1 : i32
      %mul3A_335 = arith.muli %scan3A_333, %mul3A_334 : i32
      %add3A_336 = arith.constant 0 : i32
      %add3A_337 = arith.addi %add3A_336, %mul3A_335 : i32
      %mul3A_338 = arith.constant 16 : i32
      %mul3A_339 = arith.muli %add3A_337, %mul3A_338 : i32
      %get3A = arith.index_cast %mul3A_339 : i32 to index
      %get3A_340 = tpu.vector_load %arg11[%get3A] {strides = array<i32>} : memref<512xi32, #tpu.memory_space<vmem>>, vector<16xi32>,
      tpu.vector_store_idx %arg13[%get3A_340], %broadcast_in_dim3A_47 {add = true} : memref<10240xf32, #tpu.memory_space<vmem>>[vector<16xi32>], vector<16xf32>,
    }
    %scan3A_117 = arith.constant 32 : i32
    "tpu.region"() ({
      %run_scoped3A = tpu.sem_alloc : memref<!tpu.dma_semaphore, #tpu.memory_space<semaphore_mem>>
      %dma_start3A = arith.constant 40 : i32
      %dma_start3A_333 = arith.constant 0 : i32
      %dma_start3A_334 = tpu.memref_slice %arg3[%add3A, %dma_start3A, %dma_start3A_333] : memref<32x160x64xi32, #tpu.memory_space<hbm>> -> memref<1x8x64xi32, #tpu.memory_space<hbm>>
      %dma_start3A_335 = tpu.memref_squeeze %dma_start3A_334 : memref<1x8x64xi32, #tpu.memory_space<hbm>> -> memref<8x64xi32, #tpu.memory_space<hbm>>
      %dma_start3A_336 = arith.constant 40 : i32
      %dma_start3A_337 = arith.constant 0 : i32
      %dma_start3A_338 = tpu.memref_slice %arg3[%add3A, %dma_start3A_336, %dma_start3A_337] : memref<32x160x64xi32, #tpu.memory_space<hbm>> -> memref<1x8x64xi32, #tpu.memory_space<hbm>>
      %dma_start3A_339 = tpu.memref_squeeze %dma_start3A_338 : memref<1x8x64xi32, #tpu.memory_space<hbm>> -> memref<8x64xi32, #tpu.memory_space<hbm>>
      tpu.enqueue_dma source(%dma_start3A_339 : memref<8x64xi32, #tpu.memory_space<hbm>>) target(%arg9 : memref<8x64xi32, #tpu.memory_space<vmem>>) target_semaphore(%run_scoped3A : memref<!tpu.dma_semaphore, #tpu.memory_space<semaphore_mem>>)
      %dma_wait3A = arith.constant 40 : i32
      %dma_wait3A_340 = arith.constant 0 : i32
      %dma_wait3A_341 = tpu.memref_slice %arg3[%add3A, %dma_wait3A, %dma_wait3A_340] : memref<32x160x64xi32, #tpu.memory_space<hbm>> -> memref<1x8x64xi32, #tpu.memory_space<hbm>>
      %dma_wait3A_342 = tpu.memref_squeeze %dma_wait3A_341 : memref<1x8x64xi32, #tpu.memory_space<hbm>> -> memref<8x64xi32, #tpu.memory_space<hbm>>
      %dma_wait3A_343 = arith.constant 40 : i32
      %dma_wait3A_344 = arith.constant 0 : i32
      %dma_wait3A_345 = tpu.memref_slice %arg3[%add3A, %dma_wait3A_343, %dma_wait3A_344] : memref<32x160x64xi32, #tpu.memory_space<hbm>> -> memref<1x8x64xi32, #tpu.memory_space<hbm>>
      %dma_wait3A_346 = tpu.memref_squeeze %dma_wait3A_345 : memref<1x8x64xi32, #tpu.memory_space<hbm>> -> memref<8x64xi32, #tpu.memory_space<hbm>>
      tpu.wait_dma2 semaphore(%run_scoped3A : memref<!tpu.dma_semaphore, #tpu.memory_space<semaphore_mem>>) src(%dma_wait3A_346 : memref<8x64xi32, #tpu.memory_space<hbm>>) dst(%arg9 : memref<8x64xi32, #tpu.memory_space<vmem>>)
      tpu.yield
    }) : () -> ()
    "tpu.region"() ({
      %run_scoped3A = tpu.sem_alloc : memref<!tpu.dma_semaphore, #tpu.memory_space<semaphore_mem>>
      %dma_start3A = arith.constant 40 : i32
      %dma_start3A_333 = arith.constant 0 : i32
      %dma_start3A_334 = tpu.memref_slice %arg4[%add3A, %dma_start3A, %dma_start3A_333] : memref<32x160x64xi32, #tpu.memory_space<hbm>> -> memref<1x8x64xi32, #tpu.memory_space<hbm>>
      %dma_start3A_335 = tpu.memref_squeeze %dma_start3A_334 : memref<1x8x64xi32, #tpu.memory_space<hbm>> -> memref<8x64xi32, #tpu.memory_space<hbm>>
      %dma_start3A_336 = arith.constant 40 : i32
      %dma_start3A_337 = arith.constant 0 : i32
      %dma_start3A_338 = tpu.memref_slice %arg4[%add3A, %dma_start3A_336, %dma_start3A_337] : memref<32x160x64xi32, #tpu.memory_space<hbm>> -> memref<1x8x64xi32, #tpu.memory_space<hbm>>
      %dma_start3A_339 = tpu.memref_squeeze %dma_start3A_338 : memref<1x8x64xi32, #tpu.memory_space<hbm>> -> memref<8x64xi32, #tpu.memory_space<hbm>>
      tpu.enqueue_dma source(%dma_start3A_339 : memref<8x64xi32, #tpu.memory_space<hbm>>) target(%arg10 : memref<8x64xi32, #tpu.memory_space<vmem>>) target_semaphore(%run_scoped3A : memref<!tpu.dma_semaphore, #tpu.memory_space<semaphore_mem>>)
      %dma_wait3A = arith.constant 40 : i32
      %dma_wait3A_340 = arith.constant 0 : i32
      %dma_wait3A_341 = tpu.memref_slice %arg4[%add3A, %dma_wait3A, %dma_wait3A_340] : memref<32x160x64xi32, #tpu.memory_space<hbm>> -> memref<1x8x64xi32, #tpu.memory_space<hbm>>
      %dma_wait3A_342 = tpu.memref_squeeze %dma_wait3A_341 : memref<1x8x64xi32, #tpu.memory_space<hbm>> -> memref<8x64xi32, #tpu.memory_space<hbm>>
      %dma_wait3A_343 = arith.constant 40 : i32
      %dma_wait3A_344 = arith.constant 0 : i32
      %dma_wait3A_345 = tpu.memref_slice %arg4[%add3A, %dma_wait3A_343, %dma_wait3A_344] : memref<32x160x64xi32, #tpu.memory_space<hbm>> -> memref<1x8x64xi32, #tpu.memory_space<hbm>>
      %dma_wait3A_346 = tpu.memref_squeeze %dma_wait3A_345 : memref<1x8x64xi32, #tpu.memory_space<hbm>> -> memref<8x64xi32, #tpu.memory_space<hbm>>
      tpu.wait_dma2 semaphore(%run_scoped3A : memref<!tpu.dma_semaphore, #tpu.memory_space<semaphore_mem>>) src(%dma_wait3A_346 : memref<8x64xi32, #tpu.memory_space<hbm>>) dst(%arg10 : memref<8x64xi32, #tpu.memory_space<vmem>>)
      tpu.yield
    }) : () -> ()
    %mul3A_118 = arith.constant 10240 : i32
    %mul3A_119 = arith.muli %add3A, %mul3A_118 : i32
    %add3A_120 = arith.constant 2560 : i32
    %add3A_121 = arith.addi %mul3A_119, %add3A_120 : i32
    "tpu.region"() ({
      %run_scoped3A = tpu.sem_alloc : memref<!tpu.dma_semaphore, #tpu.memory_space<semaphore_mem>>
      %dma_start3A = tpu.memref_slice %arg5[%add3A_121] : memref<327680xi32, #tpu.memory_space<hbm>> -> memref<512xi32, #tpu.memory_space<hbm>>
      %dma_start3A_333 = tpu.memref_slice %arg5[%add3A_121] : memref<327680xi32, #tpu.memory_space<hbm>> -> memref<512xi32, #tpu.memory_space<hbm>>
      tpu.enqueue_dma source(%dma_start3A_333 : memref<512xi32, #tpu.memory_space<hbm>>) target(%arg11 : memref<512xi32, #tpu.memory_space<vmem>>) target_semaphore(%run_scoped3A : memref<!tpu.dma_semaphore, #tpu.memory_space<semaphore_mem>>)
      %dma_wait3A = tpu.memref_slice %arg5[%add3A_121] : memref<327680xi32, #tpu.memory_space<hbm>> -> memref<512xi32, #tpu.memory_space<hbm>>
      %dma_wait3A_334 = tpu.memref_slice %arg5[%add3A_121] : memref<327680xi32, #tpu.memory_space<hbm>> -> memref<512xi32, #tpu.memory_space<hbm>>
      tpu.wait_dma2 semaphore(%run_scoped3A : memref<!tpu.dma_semaphore, #tpu.memory_space<semaphore_mem>>) src(%dma_wait3A_334 : memref<512xi32, #tpu.memory_space<hbm>>) dst(%arg11 : memref<512xi32, #tpu.memory_space<vmem>>)
      tpu.yield
    }) : () -> ()
    %scan3A_122 = arith.constant 0 : i32
    %scan3A_123 = arith.constant 8 : i32
    %scan3A_124 = arith.addi %scan3A_122, %scan3A_123 : i32
    %scan3A_125 = arith.constant 1 : i32
    scf.for %scan3A_333 = %scan3A_122 to %scan3A_124 step %scan3A_125  : i32 {
      %mul3A_334 = arith.constant 1 : i32
      %mul3A_335 = arith.muli %scan3A_333, %mul3A_334 : i32
      %add3A_336 = arith.constant 0 : i32
      %add3A_337 = arith.addi %add3A_336, %mul3A_335 : i32
      %dma_start3A = arith.constant 0 : i32
      %dma_start3A_338 = tpu.memref_slice %arg9[%add3A_337, %dma_start3A] : memref<8x64xi32, #tpu.memory_space<vmem>> -> memref<1x64xi32, #tpu.memory_space<vmem>>
      %dma_start3A_339 = tpu.memref_squeeze %dma_start3A_338 : memref<1x64xi32, #tpu.memory_space<vmem>> -> memref<64xi32, #tpu.memory_space<vmem>>
      %dma_start3A_340 = arith.constant 0 : i32
      %dma_start3A_341 = arith.constant 0 : i32
      %dma_start3A_342 = tpu.memref_slice %arg2[%dma_start3A_340, %dma_start3A_341] : memref<10000x128xf32, #tpu.memory_space<hbm>> -> memref<10000x128xf32, #tpu.memory_space<hbm>>
      tpu.enqueue_indirect_dma source(%dma_start3A_342 : memref<10000x128xf32, #tpu.memory_space<hbm>>) target(%arg12 : memref<64x128xf32, #tpu.memory_space<vmem>>) offsets(%dma_start3A_339 : memref<64xi32, #tpu.memory_space<vmem>>) semaphore(%arg15 : memref<!tpu.dma_semaphore, #tpu.memory_space<semaphore_mem>>)
      %dma_wait3A = arith.constant 0 : i32
      %dma_wait3A_343 = tpu.memref_slice %arg9[%add3A_337, %dma_wait3A] : memref<8x64xi32, #tpu.memory_space<vmem>> -> memref<1x64xi32, #tpu.memory_space<vmem>>
      %dma_wait3A_344 = tpu.memref_squeeze %dma_wait3A_343 : memref<1x64xi32, #tpu.memory_space<vmem>> -> memref<64xi32, #tpu.memory_space<vmem>>
      %dma_wait3A_345 = arith.constant 0 : i32
      %dma_wait3A_346 = arith.constant 0 : i32
      %dma_wait3A_347 = tpu.memref_slice %arg2[%dma_wait3A_345, %dma_wait3A_346] : memref<10000x128xf32, #tpu.memory_space<hbm>> -> memref<10000x128xf32, #tpu.memory_space<hbm>>
      tpu.wait_indirect_dma semaphore(%arg15 : memref<!tpu.dma_semaphore, #tpu.memory_space<semaphore_mem>>) src(%dma_wait3A_347 : memref<10000x128xf32, #tpu.memory_space<hbm>>) dst(%arg12 : memref<64x128xf32, #tpu.memory_space<vmem>>)
      "tpu.region"() ({
        %run_scoped3A = tpu.sem_alloc : memref<!tpu.dma_semaphore, #tpu.memory_space<semaphore_mem>>
        %dma_start3A_348 = arith.constant 0 : i32
        %dma_start3A_349 = tpu.memref_slice %arg10[%add3A_337, %dma_start3A_348] : memref<8x64xi32, #tpu.memory_space<vmem>> -> memref<1x64xi32, #tpu.memory_space<vmem>>
        %dma_start3A_350 = tpu.memref_squeeze %dma_start3A_349 : memref<1x64xi32, #tpu.memory_space<vmem>> -> memref<64xi32, #tpu.memory_space<vmem>>
        %dma_start3A_351 = arith.constant 0 : i32
        %dma_start3A_352 = arith.constant 0 : i32
        %dma_start3A_353 = tpu.memref_slice %arg14[%dma_start3A_351, %dma_start3A_352] : memref<10240x128xf32, #tpu.memory_space<vmem_shared>> -> memref<10240x128xf32, #tpu.memory_space<vmem_shared>>
        tpu.enqueue_indirect_dma source(%arg12 : memref<64x128xf32, #tpu.memory_space<vmem>>) target(%dma_start3A_353 : memref<10240x128xf32, #tpu.memory_space<vmem_shared>>) offsets(%dma_start3A_350 : memref<64xi32, #tpu.memory_space<vmem>>) semaphore(%run_scoped3A : memref<!tpu.dma_semaphore, #tpu.memory_space<semaphore_mem>>) {add = true}
        %dma_wait3A_354 = arith.constant 0 : i32
        %dma_wait3A_355 = tpu.memref_slice %arg10[%add3A_337, %dma_wait3A_354] : memref<8x64xi32, #tpu.memory_space<vmem>> -> memref<1x64xi32, #tpu.memory_space<vmem>>
        %dma_wait3A_356 = tpu.memref_squeeze %dma_wait3A_355 : memref<1x64xi32, #tpu.memory_space<vmem>> -> memref<64xi32, #tpu.memory_space<vmem>>
        %dma_wait3A_357 = arith.constant 0 : i32
        %dma_wait3A_358 = arith.constant 0 : i32
        %dma_wait3A_359 = tpu.memref_slice %arg14[%dma_wait3A_357, %dma_wait3A_358] : memref<10240x128xf32, #tpu.memory_space<vmem_shared>> -> memref<10240x128xf32, #tpu.memory_space<vmem_shared>>
        tpu.wait_indirect_dma semaphore(%run_scoped3A : memref<!tpu.dma_semaphore, #tpu.memory_space<semaphore_mem>>) src(%arg12 : memref<64x128xf32, #tpu.memory_space<vmem>>) dst(%dma_wait3A_359 : memref<10240x128xf32, #tpu.memory_space<vmem_shared>>)
        tpu.yield
      }) : () -> ()
    }
    %scan3A_126 = arith.constant 8 : i32
    %scan3A_127 = arith.constant 0 : i32
    %scan3A_128 = arith.constant 32 : i32
    %scan3A_129 = arith.addi %scan3A_127, %scan3A_128 : i32
    %scan3A_130 = arith.constant 1 : i32
    scf.for %scan3A_333 = %scan3A_127 to %scan3A_129 step %scan3A_130  : i32 {
      %mul3A_334 = arith.constant 1 : i32
      %mul3A_335 = arith.muli %scan3A_333, %mul3A_334 : i32
      %add3A_336 = arith.constant 0 : i32
      %add3A_337 = arith.addi %add3A_336, %mul3A_335 : i32
      %mul3A_338 = arith.constant 16 : i32
      %mul3A_339 = arith.muli %add3A_337, %mul3A_338 : i32
      %get3A = arith.index_cast %mul3A_339 : i32 to index
      %get3A_340 = tpu.vector_load %arg11[%get3A] {strides = array<i32>} : memref<512xi32, #tpu.memory_space<vmem>>, vector<16xi32>,
      tpu.vector_store_idx %arg13[%get3A_340], %broadcast_in_dim3A_47 {add = true} : memref<10240xf32, #tpu.memory_space<vmem>>[vector<16xi32>], vector<16xf32>,
    }
    %scan3A_131 = arith.constant 32 : i32
    "tpu.region"() ({
      %run_scoped3A = tpu.sem_alloc : memref<!tpu.dma_semaphore, #tpu.memory_space<semaphore_mem>>
      %dma_start3A = arith.constant 48 : i32
      %dma_start3A_333 = arith.constant 0 : i32
      %dma_start3A_334 = tpu.memref_slice %arg3[%add3A, %dma_start3A, %dma_start3A_333] : memref<32x160x64xi32, #tpu.memory_space<hbm>> -> memref<1x8x64xi32, #tpu.memory_space<hbm>>
      %dma_start3A_335 = tpu.memref_squeeze %dma_start3A_334 : memref<1x8x64xi32, #tpu.memory_space<hbm>> -> memref<8x64xi32, #tpu.memory_space<hbm>>
      %dma_start3A_336 = arith.constant 48 : i32
      %dma_start3A_337 = arith.constant 0 : i32
      %dma_start3A_338 = tpu.memref_slice %arg3[%add3A, %dma_start3A_336, %dma_start3A_337] : memref<32x160x64xi32, #tpu.memory_space<hbm>> -> memref<1x8x64xi32, #tpu.memory_space<hbm>>
      %dma_start3A_339 = tpu.memref_squeeze %dma_start3A_338 : memref<1x8x64xi32, #tpu.memory_space<hbm>> -> memref<8x64xi32, #tpu.memory_space<hbm>>
      tpu.enqueue_dma source(%dma_start3A_339 : memref<8x64xi32, #tpu.memory_space<hbm>>) target(%arg9 : memref<8x64xi32, #tpu.memory_space<vmem>>) target_semaphore(%run_scoped3A : memref<!tpu.dma_semaphore, #tpu.memory_space<semaphore_mem>>)
      %dma_wait3A = arith.constant 48 : i32
      %dma_wait3A_340 = arith.constant 0 : i32
      %dma_wait3A_341 = tpu.memref_slice %arg3[%add3A, %dma_wait3A, %dma_wait3A_340] : memref<32x160x64xi32, #tpu.memory_space<hbm>> -> memref<1x8x64xi32, #tpu.memory_space<hbm>>
      %dma_wait3A_342 = tpu.memref_squeeze %dma_wait3A_341 : memref<1x8x64xi32, #tpu.memory_space<hbm>> -> memref<8x64xi32, #tpu.memory_space<hbm>>
      %dma_wait3A_343 = arith.constant 48 : i32
      %dma_wait3A_344 = arith.constant 0 : i32
      %dma_wait3A_345 = tpu.memref_slice %arg3[%add3A, %dma_wait3A_343, %dma_wait3A_344] : memref<32x160x64xi32, #tpu.memory_space<hbm>> -> memref<1x8x64xi32, #tpu.memory_space<hbm>>
      %dma_wait3A_346 = tpu.memref_squeeze %dma_wait3A_345 : memref<1x8x64xi32, #tpu.memory_space<hbm>> -> memref<8x64xi32, #tpu.memory_space<hbm>>
      tpu.wait_dma2 semaphore(%run_scoped3A : memref<!tpu.dma_semaphore, #tpu.memory_space<semaphore_mem>>) src(%dma_wait3A_346 : memref<8x64xi32, #tpu.memory_space<hbm>>) dst(%arg9 : memref<8x64xi32, #tpu.memory_space<vmem>>)
      tpu.yield
    }) : () -> ()
    "tpu.region"() ({
      %run_scoped3A = tpu.sem_alloc : memref<!tpu.dma_semaphore, #tpu.memory_space<semaphore_mem>>
      %dma_start3A = arith.constant 48 : i32
      %dma_start3A_333 = arith.constant 0 : i32
      %dma_start3A_334 = tpu.memref_slice %arg4[%add3A, %dma_start3A, %dma_start3A_333] : memref<32x160x64xi32, #tpu.memory_space<hbm>> -> memref<1x8x64xi32, #tpu.memory_space<hbm>>
      %dma_start3A_335 = tpu.memref_squeeze %dma_start3A_334 : memref<1x8x64xi32, #tpu.memory_space<hbm>> -> memref<8x64xi32, #tpu.memory_space<hbm>>
      %dma_start3A_336 = arith.constant 48 : i32
      %dma_start3A_337 = arith.constant 0 : i32
      %dma_start3A_338 = tpu.memref_slice %arg4[%add3A, %dma_start3A_336, %dma_start3A_337] : memref<32x160x64xi32, #tpu.memory_space<hbm>> -> memref<1x8x64xi32, #tpu.memory_space<hbm>>
      %dma_start3A_339 = tpu.memref_squeeze %dma_start3A_338 : memref<1x8x64xi32, #tpu.memory_space<hbm>> -> memref<8x64xi32, #tpu.memory_space<hbm>>
      tpu.enqueue_dma source(%dma_start3A_339 : memref<8x64xi32, #tpu.memory_space<hbm>>) target(%arg10 : memref<8x64xi32, #tpu.memory_space<vmem>>) target_semaphore(%run_scoped3A : memref<!tpu.dma_semaphore, #tpu.memory_space<semaphore_mem>>)
      %dma_wait3A = arith.constant 48 : i32
      %dma_wait3A_340 = arith.constant 0 : i32
      %dma_wait3A_341 = tpu.memref_slice %arg4[%add3A, %dma_wait3A, %dma_wait3A_340] : memref<32x160x64xi32, #tpu.memory_space<hbm>> -> memref<1x8x64xi32, #tpu.memory_space<hbm>>
      %dma_wait3A_342 = tpu.memref_squeeze %dma_wait3A_341 : memref<1x8x64xi32, #tpu.memory_space<hbm>> -> memref<8x64xi32, #tpu.memory_space<hbm>>
      %dma_wait3A_343 = arith.constant 48 : i32
      %dma_wait3A_344 = arith.constant 0 : i32
      %dma_wait3A_345 = tpu.memref_slice %arg4[%add3A, %dma_wait3A_343, %dma_wait3A_344] : memref<32x160x64xi32, #tpu.memory_space<hbm>> -> memref<1x8x64xi32, #tpu.memory_space<hbm>>
      %dma_wait3A_346 = tpu.memref_squeeze %dma_wait3A_345 : memref<1x8x64xi32, #tpu.memory_space<hbm>> -> memref<8x64xi32, #tpu.memory_space<hbm>>
      tpu.wait_dma2 semaphore(%run_scoped3A : memref<!tpu.dma_semaphore, #tpu.memory_space<semaphore_mem>>) src(%dma_wait3A_346 : memref<8x64xi32, #tpu.memory_space<hbm>>) dst(%arg10 : memref<8x64xi32, #tpu.memory_space<vmem>>)
      tpu.yield
    }) : () -> ()
    %mul3A_132 = arith.constant 10240 : i32
    %mul3A_133 = arith.muli %add3A, %mul3A_132 : i32
    %add3A_134 = arith.constant 3072 : i32
    %add3A_135 = arith.addi %mul3A_133, %add3A_134 : i32
    "tpu.region"() ({
      %run_scoped3A = tpu.sem_alloc : memref<!tpu.dma_semaphore, #tpu.memory_space<semaphore_mem>>
      %dma_start3A = tpu.memref_slice %arg5[%add3A_135] : memref<327680xi32, #tpu.memory_space<hbm>> -> memref<512xi32, #tpu.memory_space<hbm>>
      %dma_start3A_333 = tpu.memref_slice %arg5[%add3A_135] : memref<327680xi32, #tpu.memory_space<hbm>> -> memref<512xi32, #tpu.memory_space<hbm>>
      tpu.enqueue_dma source(%dma_start3A_333 : memref<512xi32, #tpu.memory_space<hbm>>) target(%arg11 : memref<512xi32, #tpu.memory_space<vmem>>) target_semaphore(%run_scoped3A : memref<!tpu.dma_semaphore, #tpu.memory_space<semaphore_mem>>)
      %dma_wait3A = tpu.memref_slice %arg5[%add3A_135] : memref<327680xi32, #tpu.memory_space<hbm>> -> memref<512xi32, #tpu.memory_space<hbm>>
      %dma_wait3A_334 = tpu.memref_slice %arg5[%add3A_135] : memref<327680xi32, #tpu.memory_space<hbm>> -> memref<512xi32, #tpu.memory_space<hbm>>
      tpu.wait_dma2 semaphore(%run_scoped3A : memref<!tpu.dma_semaphore, #tpu.memory_space<semaphore_mem>>) src(%dma_wait3A_334 : memref<512xi32, #tpu.memory_space<hbm>>) dst(%arg11 : memref<512xi32, #tpu.memory_space<vmem>>)
      tpu.yield
    }) : () -> ()
    %scan3A_136 = arith.constant 0 : i32
    %scan3A_137 = arith.constant 8 : i32
    %scan3A_138 = arith.addi %scan3A_136, %scan3A_137 : i32
    %scan3A_139 = arith.constant 1 : i32
    scf.for %scan3A_333 = %scan3A_136 to %scan3A_138 step %scan3A_139  : i32 {
      %mul3A_334 = arith.constant 1 : i32
      %mul3A_335 = arith.muli %scan3A_333, %mul3A_334 : i32
      %add3A_336 = arith.constant 0 : i32
      %add3A_337 = arith.addi %add3A_336, %mul3A_335 : i32
      %dma_start3A = arith.constant 0 : i32
      %dma_start3A_338 = tpu.memref_slice %arg9[%add3A_337, %dma_start3A] : memref<8x64xi32, #tpu.memory_space<vmem>> -> memref<1x64xi32, #tpu.memory_space<vmem>>
      %dma_start3A_339 = tpu.memref_squeeze %dma_start3A_338 : memref<1x64xi32, #tpu.memory_space<vmem>> -> memref<64xi32, #tpu.memory_space<vmem>>
      %dma_start3A_340 = arith.constant 0 : i32
      %dma_start3A_341 = arith.constant 0 : i32
      %dma_start3A_342 = tpu.memref_slice %arg2[%dma_start3A_340, %dma_start3A_341] : memref<10000x128xf32, #tpu.memory_space<hbm>> -> memref<10000x128xf32, #tpu.memory_space<hbm>>
      tpu.enqueue_indirect_dma source(%dma_start3A_342 : memref<10000x128xf32, #tpu.memory_space<hbm>>) target(%arg12 : memref<64x128xf32, #tpu.memory_space<vmem>>) offsets(%dma_start3A_339 : memref<64xi32, #tpu.memory_space<vmem>>) semaphore(%arg15 : memref<!tpu.dma_semaphore, #tpu.memory_space<semaphore_mem>>)
      %dma_wait3A = arith.constant 0 : i32
      %dma_wait3A_343 = tpu.memref_slice %arg9[%add3A_337, %dma_wait3A] : memref<8x64xi32, #tpu.memory_space<vmem>> -> memref<1x64xi32, #tpu.memory_space<vmem>>
      %dma_wait3A_344 = tpu.memref_squeeze %dma_wait3A_343 : memref<1x64xi32, #tpu.memory_space<vmem>> -> memref<64xi32, #tpu.memory_space<vmem>>
      %dma_wait3A_345 = arith.constant 0 : i32
      %dma_wait3A_346 = arith.constant 0 : i32
      %dma_wait3A_347 = tpu.memref_slice %arg2[%dma_wait3A_345, %dma_wait3A_346] : memref<10000x128xf32, #tpu.memory_space<hbm>> -> memref<10000x128xf32, #tpu.memory_space<hbm>>
      tpu.wait_indirect_dma semaphore(%arg15 : memref<!tpu.dma_semaphore, #tpu.memory_space<semaphore_mem>>) src(%dma_wait3A_347 : memref<10000x128xf32, #tpu.memory_space<hbm>>) dst(%arg12 : memref<64x128xf32, #tpu.memory_space<vmem>>)
      "tpu.region"() ({
        %run_scoped3A = tpu.sem_alloc : memref<!tpu.dma_semaphore, #tpu.memory_space<semaphore_mem>>
        %dma_start3A_348 = arith.constant 0 : i32
        %dma_start3A_349 = tpu.memref_slice %arg10[%add3A_337, %dma_start3A_348] : memref<8x64xi32, #tpu.memory_space<vmem>> -> memref<1x64xi32, #tpu.memory_space<vmem>>
        %dma_start3A_350 = tpu.memref_squeeze %dma_start3A_349 : memref<1x64xi32, #tpu.memory_space<vmem>> -> memref<64xi32, #tpu.memory_space<vmem>>
        %dma_start3A_351 = arith.constant 0 : i32
        %dma_start3A_352 = arith.constant 0 : i32
        %dma_start3A_353 = tpu.memref_slice %arg14[%dma_start3A_351, %dma_start3A_352] : memref<10240x128xf32, #tpu.memory_space<vmem_shared>> -> memref<10240x128xf32, #tpu.memory_space<vmem_shared>>
        tpu.enqueue_indirect_dma source(%arg12 : memref<64x128xf32, #tpu.memory_space<vmem>>) target(%dma_start3A_353 : memref<10240x128xf32, #tpu.memory_space<vmem_shared>>) offsets(%dma_start3A_350 : memref<64xi32, #tpu.memory_space<vmem>>) semaphore(%run_scoped3A : memref<!tpu.dma_semaphore, #tpu.memory_space<semaphore_mem>>) {add = true}
        %dma_wait3A_354 = arith.constant 0 : i32
        %dma_wait3A_355 = tpu.memref_slice %arg10[%add3A_337, %dma_wait3A_354] : memref<8x64xi32, #tpu.memory_space<vmem>> -> memref<1x64xi32, #tpu.memory_space<vmem>>
        %dma_wait3A_356 = tpu.memref_squeeze %dma_wait3A_355 : memref<1x64xi32, #tpu.memory_space<vmem>> -> memref<64xi32, #tpu.memory_space<vmem>>
        %dma_wait3A_357 = arith.constant 0 : i32
        %dma_wait3A_358 = arith.constant 0 : i32
        %dma_wait3A_359 = tpu.memref_slice %arg14[%dma_wait3A_357, %dma_wait3A_358] : memref<10240x128xf32, #tpu.memory_space<vmem_shared>> -> memref<10240x128xf32, #tpu.memory_space<vmem_shared>>
        tpu.wait_indirect_dma semaphore(%run_scoped3A : memref<!tpu.dma_semaphore, #tpu.memory_space<semaphore_mem>>) src(%arg12 : memref<64x128xf32, #tpu.memory_space<vmem>>) dst(%dma_wait3A_359 : memref<10240x128xf32, #tpu.memory_space<vmem_shared>>)
        tpu.yield
      }) : () -> ()
    }
    %scan3A_140 = arith.constant 8 : i32
    %scan3A_141 = arith.constant 0 : i32
    %scan3A_142 = arith.constant 32 : i32
    %scan3A_143 = arith.addi %scan3A_141, %scan3A_142 : i32
    %scan3A_144 = arith.constant 1 : i32
    scf.for %scan3A_333 = %scan3A_141 to %scan3A_143 step %scan3A_144  : i32 {
      %mul3A_334 = arith.constant 1 : i32
      %mul3A_335 = arith.muli %scan3A_333, %mul3A_334 : i32
      %add3A_336 = arith.constant 0 : i32
      %add3A_337 = arith.addi %add3A_336, %mul3A_335 : i32
      %mul3A_338 = arith.constant 16 : i32
      %mul3A_339 = arith.muli %add3A_337, %mul3A_338 : i32
      %get3A = arith.index_cast %mul3A_339 : i32 to index
      %get3A_340 = tpu.vector_load %arg11[%get3A] {strides = array<i32>} : memref<512xi32, #tpu.memory_space<vmem>>, vector<16xi32>,
      tpu.vector_store_idx %arg13[%get3A_340], %broadcast_in_dim3A_47 {add = true} : memref<10240xf32, #tpu.memory_space<vmem>>[vector<16xi32>], vector<16xf32>,
    }
    %scan3A_145 = arith.constant 32 : i32
    "tpu.region"() ({
      %run_scoped3A = tpu.sem_alloc : memref<!tpu.dma_semaphore, #tpu.memory_space<semaphore_mem>>
      %dma_start3A = arith.constant 56 : i32
      %dma_start3A_333 = arith.constant 0 : i32
      %dma_start3A_334 = tpu.memref_slice %arg3[%add3A, %dma_start3A, %dma_start3A_333] : memref<32x160x64xi32, #tpu.memory_space<hbm>> -> memref<1x8x64xi32, #tpu.memory_space<hbm>>
      %dma_start3A_335 = tpu.memref_squeeze %dma_start3A_334 : memref<1x8x64xi32, #tpu.memory_space<hbm>> -> memref<8x64xi32, #tpu.memory_space<hbm>>
      %dma_start3A_336 = arith.constant 56 : i32
      %dma_start3A_337 = arith.constant 0 : i32
      %dma_start3A_338 = tpu.memref_slice %arg3[%add3A, %dma_start3A_336, %dma_start3A_337] : memref<32x160x64xi32, #tpu.memory_space<hbm>> -> memref<1x8x64xi32, #tpu.memory_space<hbm>>
      %dma_start3A_339 = tpu.memref_squeeze %dma_start3A_338 : memref<1x8x64xi32, #tpu.memory_space<hbm>> -> memref<8x64xi32, #tpu.memory_space<hbm>>
      tpu.enqueue_dma source(%dma_start3A_339 : memref<8x64xi32, #tpu.memory_space<hbm>>) target(%arg9 : memref<8x64xi32, #tpu.memory_space<vmem>>) target_semaphore(%run_scoped3A : memref<!tpu.dma_semaphore, #tpu.memory_space<semaphore_mem>>)
      %dma_wait3A = arith.constant 56 : i32
      %dma_wait3A_340 = arith.constant 0 : i32
      %dma_wait3A_341 = tpu.memref_slice %arg3[%add3A, %dma_wait3A, %dma_wait3A_340] : memref<32x160x64xi32, #tpu.memory_space<hbm>> -> memref<1x8x64xi32, #tpu.memory_space<hbm>>
      %dma_wait3A_342 = tpu.memref_squeeze %dma_wait3A_341 : memref<1x8x64xi32, #tpu.memory_space<hbm>> -> memref<8x64xi32, #tpu.memory_space<hbm>>
      %dma_wait3A_343 = arith.constant 56 : i32
      %dma_wait3A_344 = arith.constant 0 : i32
      %dma_wait3A_345 = tpu.memref_slice %arg3[%add3A, %dma_wait3A_343, %dma_wait3A_344] : memref<32x160x64xi32, #tpu.memory_space<hbm>> -> memref<1x8x64xi32, #tpu.memory_space<hbm>>
      %dma_wait3A_346 = tpu.memref_squeeze %dma_wait3A_345 : memref<1x8x64xi32, #tpu.memory_space<hbm>> -> memref<8x64xi32, #tpu.memory_space<hbm>>
      tpu.wait_dma2 semaphore(%run_scoped3A : memref<!tpu.dma_semaphore, #tpu.memory_space<semaphore_mem>>) src(%dma_wait3A_346 : memref<8x64xi32, #tpu.memory_space<hbm>>) dst(%arg9 : memref<8x64xi32, #tpu.memory_space<vmem>>)
      tpu.yield
    }) : () -> ()
    "tpu.region"() ({
      %run_scoped3A = tpu.sem_alloc : memref<!tpu.dma_semaphore, #tpu.memory_space<semaphore_mem>>
      %dma_start3A = arith.constant 56 : i32
      %dma_start3A_333 = arith.constant 0 : i32
      %dma_start3A_334 = tpu.memref_slice %arg4[%add3A, %dma_start3A, %dma_start3A_333] : memref<32x160x64xi32, #tpu.memory_space<hbm>> -> memref<1x8x64xi32, #tpu.memory_space<hbm>>
      %dma_start3A_335 = tpu.memref_squeeze %dma_start3A_334 : memref<1x8x64xi32, #tpu.memory_space<hbm>> -> memref<8x64xi32, #tpu.memory_space<hbm>>
      %dma_start3A_336 = arith.constant 56 : i32
      %dma_start3A_337 = arith.constant 0 : i32
      %dma_start3A_338 = tpu.memref_slice %arg4[%add3A, %dma_start3A_336, %dma_start3A_337] : memref<32x160x64xi32, #tpu.memory_space<hbm>> -> memref<1x8x64xi32, #tpu.memory_space<hbm>>
      %dma_start3A_339 = tpu.memref_squeeze %dma_start3A_338 : memref<1x8x64xi32, #tpu.memory_space<hbm>> -> memref<8x64xi32, #tpu.memory_space<hbm>>
      tpu.enqueue_dma source(%dma_start3A_339 : memref<8x64xi32, #tpu.memory_space<hbm>>) target(%arg10 : memref<8x64xi32, #tpu.memory_space<vmem>>) target_semaphore(%run_scoped3A : memref<!tpu.dma_semaphore, #tpu.memory_space<semaphore_mem>>)
      %dma_wait3A = arith.constant 56 : i32
      %dma_wait3A_340 = arith.constant 0 : i32
      %dma_wait3A_341 = tpu.memref_slice %arg4[%add3A, %dma_wait3A, %dma_wait3A_340] : memref<32x160x64xi32, #tpu.memory_space<hbm>> -> memref<1x8x64xi32, #tpu.memory_space<hbm>>
      %dma_wait3A_342 = tpu.memref_squeeze %dma_wait3A_341 : memref<1x8x64xi32, #tpu.memory_space<hbm>> -> memref<8x64xi32, #tpu.memory_space<hbm>>
      %dma_wait3A_343 = arith.constant 56 : i32
      %dma_wait3A_344 = arith.constant 0 : i32
      %dma_wait3A_345 = tpu.memref_slice %arg4[%add3A, %dma_wait3A_343, %dma_wait3A_344] : memref<32x160x64xi32, #tpu.memory_space<hbm>> -> memref<1x8x64xi32, #tpu.memory_space<hbm>>
      %dma_wait3A_346 = tpu.memref_squeeze %dma_wait3A_345 : memref<1x8x64xi32, #tpu.memory_space<hbm>> -> memref<8x64xi32, #tpu.memory_space<hbm>>
      tpu.wait_dma2 semaphore(%run_scoped3A : memref<!tpu.dma_semaphore, #tpu.memory_space<semaphore_mem>>) src(%dma_wait3A_346 : memref<8x64xi32, #tpu.memory_space<hbm>>) dst(%arg10 : memref<8x64xi32, #tpu.memory_space<vmem>>)
      tpu.yield
    }) : () -> ()
    %mul3A_146 = arith.constant 10240 : i32
    %mul3A_147 = arith.muli %add3A, %mul3A_146 : i32
    %add3A_148 = arith.constant 3584 : i32
    %add3A_149 = arith.addi %mul3A_147, %add3A_148 : i32
    "tpu.region"() ({
      %run_scoped3A = tpu.sem_alloc : memref<!tpu.dma_semaphore, #tpu.memory_space<semaphore_mem>>
      %dma_start3A = tpu.memref_slice %arg5[%add3A_149] : memref<327680xi32, #tpu.memory_space<hbm>> -> memref<512xi32, #tpu.memory_space<hbm>>
      %dma_start3A_333 = tpu.memref_slice %arg5[%add3A_149] : memref<327680xi32, #tpu.memory_space<hbm>> -> memref<512xi32, #tpu.memory_space<hbm>>
      tpu.enqueue_dma source(%dma_start3A_333 : memref<512xi32, #tpu.memory_space<hbm>>) target(%arg11 : memref<512xi32, #tpu.memory_space<vmem>>) target_semaphore(%run_scoped3A : memref<!tpu.dma_semaphore, #tpu.memory_space<semaphore_mem>>)
      %dma_wait3A = tpu.memref_slice %arg5[%add3A_149] : memref<327680xi32, #tpu.memory_space<hbm>> -> memref<512xi32, #tpu.memory_space<hbm>>
      %dma_wait3A_334 = tpu.memref_slice %arg5[%add3A_149] : memref<327680xi32, #tpu.memory_space<hbm>> -> memref<512xi32, #tpu.memory_space<hbm>>
      tpu.wait_dma2 semaphore(%run_scoped3A : memref<!tpu.dma_semaphore, #tpu.memory_space<semaphore_mem>>) src(%dma_wait3A_334 : memref<512xi32, #tpu.memory_space<hbm>>) dst(%arg11 : memref<512xi32, #tpu.memory_space<vmem>>)
      tpu.yield
    }) : () -> ()
    %scan3A_150 = arith.constant 0 : i32
    %scan3A_151 = arith.constant 8 : i32
    %scan3A_152 = arith.addi %scan3A_150, %scan3A_151 : i32
    %scan3A_153 = arith.constant 1 : i32
    scf.for %scan3A_333 = %scan3A_150 to %scan3A_152 step %scan3A_153  : i32 {
      %mul3A_334 = arith.constant 1 : i32
      %mul3A_335 = arith.muli %scan3A_333, %mul3A_334 : i32
      %add3A_336 = arith.constant 0 : i32
      %add3A_337 = arith.addi %add3A_336, %mul3A_335 : i32
      %dma_start3A = arith.constant 0 : i32
      %dma_start3A_338 = tpu.memref_slice %arg9[%add3A_337, %dma_start3A] : memref<8x64xi32, #tpu.memory_space<vmem>> -> memref<1x64xi32, #tpu.memory_space<vmem>>
      %dma_start3A_339 = tpu.memref_squeeze %dma_start3A_338 : memref<1x64xi32, #tpu.memory_space<vmem>> -> memref<64xi32, #tpu.memory_space<vmem>>
      %dma_start3A_340 = arith.constant 0 : i32
      %dma_start3A_341 = arith.constant 0 : i32
      %dma_start3A_342 = tpu.memref_slice %arg2[%dma_start3A_340, %dma_start3A_341] : memref<10000x128xf32, #tpu.memory_space<hbm>> -> memref<10000x128xf32, #tpu.memory_space<hbm>>
      tpu.enqueue_indirect_dma source(%dma_start3A_342 : memref<10000x128xf32, #tpu.memory_space<hbm>>) target(%arg12 : memref<64x128xf32, #tpu.memory_space<vmem>>) offsets(%dma_start3A_339 : memref<64xi32, #tpu.memory_space<vmem>>) semaphore(%arg15 : memref<!tpu.dma_semaphore, #tpu.memory_space<semaphore_mem>>)
      %dma_wait3A = arith.constant 0 : i32
      %dma_wait3A_343 = tpu.memref_slice %arg9[%add3A_337, %dma_wait3A] : memref<8x64xi32, #tpu.memory_space<vmem>> -> memref<1x64xi32, #tpu.memory_space<vmem>>
      %dma_wait3A_344 = tpu.memref_squeeze %dma_wait3A_343 : memref<1x64xi32, #tpu.memory_space<vmem>> -> memref<64xi32, #tpu.memory_space<vmem>>
      %dma_wait3A_345 = arith.constant 0 : i32
      %dma_wait3A_346 = arith.constant 0 : i32
      %dma_wait3A_347 = tpu.memref_slice %arg2[%dma_wait3A_345, %dma_wait3A_346] : memref<10000x128xf32, #tpu.memory_space<hbm>> -> memref<10000x128xf32, #tpu.memory_space<hbm>>
      tpu.wait_indirect_dma semaphore(%arg15 : memref<!tpu.dma_semaphore, #tpu.memory_space<semaphore_mem>>) src(%dma_wait3A_347 : memref<10000x128xf32, #tpu.memory_space<hbm>>) dst(%arg12 : memref<64x128xf32, #tpu.memory_space<vmem>>)
      "tpu.region"() ({
        %run_scoped3A = tpu.sem_alloc : memref<!tpu.dma_semaphore, #tpu.memory_space<semaphore_mem>>
        %dma_start3A_348 = arith.constant 0 : i32
        %dma_start3A_349 = tpu.memref_slice %arg10[%add3A_337, %dma_start3A_348] : memref<8x64xi32, #tpu.memory_space<vmem>> -> memref<1x64xi32, #tpu.memory_space<vmem>>
        %dma_start3A_350 = tpu.memref_squeeze %dma_start3A_349 : memref<1x64xi32, #tpu.memory_space<vmem>> -> memref<64xi32, #tpu.memory_space<vmem>>
        %dma_start3A_351 = arith.constant 0 : i32
        %dma_start3A_352 = arith.constant 0 : i32
        %dma_start3A_353 = tpu.memref_slice %arg14[%dma_start3A_351, %dma_start3A_352] : memref<10240x128xf32, #tpu.memory_space<vmem_shared>> -> memref<10240x128xf32, #tpu.memory_space<vmem_shared>>
        tpu.enqueue_indirect_dma source(%arg12 : memref<64x128xf32, #tpu.memory_space<vmem>>) target(%dma_start3A_353 : memref<10240x128xf32, #tpu.memory_space<vmem_shared>>) offsets(%dma_start3A_350 : memref<64xi32, #tpu.memory_space<vmem>>) semaphore(%run_scoped3A : memref<!tpu.dma_semaphore, #tpu.memory_space<semaphore_mem>>) {add = true}
        %dma_wait3A_354 = arith.constant 0 : i32
        %dma_wait3A_355 = tpu.memref_slice %arg10[%add3A_337, %dma_wait3A_354] : memref<8x64xi32, #tpu.memory_space<vmem>> -> memref<1x64xi32, #tpu.memory_space<vmem>>
        %dma_wait3A_356 = tpu.memref_squeeze %dma_wait3A_355 : memref<1x64xi32, #tpu.memory_space<vmem>> -> memref<64xi32, #tpu.memory_space<vmem>>
        %dma_wait3A_357 = arith.constant 0 : i32
        %dma_wait3A_358 = arith.constant 0 : i32
        %dma_wait3A_359 = tpu.memref_slice %arg14[%dma_wait3A_357, %dma_wait3A_358] : memref<10240x128xf32, #tpu.memory_space<vmem_shared>> -> memref<10240x128xf32, #tpu.memory_space<vmem_shared>>
        tpu.wait_indirect_dma semaphore(%run_scoped3A : memref<!tpu.dma_semaphore, #tpu.memory_space<semaphore_mem>>) src(%arg12 : memref<64x128xf32, #tpu.memory_space<vmem>>) dst(%dma_wait3A_359 : memref<10240x128xf32, #tpu.memory_space<vmem_shared>>)
        tpu.yield
      }) : () -> ()
    }
    %scan3A_154 = arith.constant 8 : i32
    %scan3A_155 = arith.constant 0 : i32
    %scan3A_156 = arith.constant 32 : i32
    %scan3A_157 = arith.addi %scan3A_155, %scan3A_156 : i32
    %scan3A_158 = arith.constant 1 : i32
    scf.for %scan3A_333 = %scan3A_155 to %scan3A_157 step %scan3A_158  : i32 {
      %mul3A_334 = arith.constant 1 : i32
      %mul3A_335 = arith.muli %scan3A_333, %mul3A_334 : i32
      %add3A_336 = arith.constant 0 : i32
      %add3A_337 = arith.addi %add3A_336, %mul3A_335 : i32
      %mul3A_338 = arith.constant 16 : i32
      %mul3A_339 = arith.muli %add3A_337, %mul3A_338 : i32
      %get3A = arith.index_cast %mul3A_339 : i32 to index
      %get3A_340 = tpu.vector_load %arg11[%get3A] {strides = array<i32>} : memref<512xi32, #tpu.memory_space<vmem>>, vector<16xi32>,
      tpu.vector_store_idx %arg13[%get3A_340], %broadcast_in_dim3A_47 {add = true} : memref<10240xf32, #tpu.memory_space<vmem>>[vector<16xi32>], vector<16xf32>,
    }
    %scan3A_159 = arith.constant 32 : i32
    "tpu.region"() ({
      %run_scoped3A = tpu.sem_alloc : memref<!tpu.dma_semaphore, #tpu.memory_space<semaphore_mem>>
      %dma_start3A = arith.constant 64 : i32
      %dma_start3A_333 = arith.constant 0 : i32
      %dma_start3A_334 = tpu.memref_slice %arg3[%add3A, %dma_start3A, %dma_start3A_333] : memref<32x160x64xi32, #tpu.memory_space<hbm>> -> memref<1x8x64xi32, #tpu.memory_space<hbm>>
      %dma_start3A_335 = tpu.memref_squeeze %dma_start3A_334 : memref<1x8x64xi32, #tpu.memory_space<hbm>> -> memref<8x64xi32, #tpu.memory_space<hbm>>
      %dma_start3A_336 = arith.constant 64 : i32
      %dma_start3A_337 = arith.constant 0 : i32
      %dma_start3A_338 = tpu.memref_slice %arg3[%add3A, %dma_start3A_336, %dma_start3A_337] : memref<32x160x64xi32, #tpu.memory_space<hbm>> -> memref<1x8x64xi32, #tpu.memory_space<hbm>>
      %dma_start3A_339 = tpu.memref_squeeze %dma_start3A_338 : memref<1x8x64xi32, #tpu.memory_space<hbm>> -> memref<8x64xi32, #tpu.memory_space<hbm>>
      tpu.enqueue_dma source(%dma_start3A_339 : memref<8x64xi32, #tpu.memory_space<hbm>>) target(%arg9 : memref<8x64xi32, #tpu.memory_space<vmem>>) target_semaphore(%run_scoped3A : memref<!tpu.dma_semaphore, #tpu.memory_space<semaphore_mem>>)
      %dma_wait3A = arith.constant 64 : i32
      %dma_wait3A_340 = arith.constant 0 : i32
      %dma_wait3A_341 = tpu.memref_slice %arg3[%add3A, %dma_wait3A, %dma_wait3A_340] : memref<32x160x64xi32, #tpu.memory_space<hbm>> -> memref<1x8x64xi32, #tpu.memory_space<hbm>>
      %dma_wait3A_342 = tpu.memref_squeeze %dma_wait3A_341 : memref<1x8x64xi32, #tpu.memory_space<hbm>> -> memref<8x64xi32, #tpu.memory_space<hbm>>
      %dma_wait3A_343 = arith.constant 64 : i32
      %dma_wait3A_344 = arith.constant 0 : i32
      %dma_wait3A_345 = tpu.memref_slice %arg3[%add3A, %dma_wait3A_343, %dma_wait3A_344] : memref<32x160x64xi32, #tpu.memory_space<hbm>> -> memref<1x8x64xi32, #tpu.memory_space<hbm>>
      %dma_wait3A_346 = tpu.memref_squeeze %dma_wait3A_345 : memref<1x8x64xi32, #tpu.memory_space<hbm>> -> memref<8x64xi32, #tpu.memory_space<hbm>>
      tpu.wait_dma2 semaphore(%run_scoped3A : memref<!tpu.dma_semaphore, #tpu.memory_space<semaphore_mem>>) src(%dma_wait3A_346 : memref<8x64xi32, #tpu.memory_space<hbm>>) dst(%arg9 : memref<8x64xi32, #tpu.memory_space<vmem>>)
      tpu.yield
    }) : () -> ()
    "tpu.region"() ({
      %run_scoped3A = tpu.sem_alloc : memref<!tpu.dma_semaphore, #tpu.memory_space<semaphore_mem>>
      %dma_start3A = arith.constant 64 : i32
      %dma_start3A_333 = arith.constant 0 : i32
      %dma_start3A_334 = tpu.memref_slice %arg4[%add3A, %dma_start3A, %dma_start3A_333] : memref<32x160x64xi32, #tpu.memory_space<hbm>> -> memref<1x8x64xi32, #tpu.memory_space<hbm>>
      %dma_start3A_335 = tpu.memref_squeeze %dma_start3A_334 : memref<1x8x64xi32, #tpu.memory_space<hbm>> -> memref<8x64xi32, #tpu.memory_space<hbm>>
      %dma_start3A_336 = arith.constant 64 : i32
      %dma_start3A_337 = arith.constant 0 : i32
      %dma_start3A_338 = tpu.memref_slice %arg4[%add3A, %dma_start3A_336, %dma_start3A_337] : memref<32x160x64xi32, #tpu.memory_space<hbm>> -> memref<1x8x64xi32, #tpu.memory_space<hbm>>
      %dma_start3A_339 = tpu.memref_squeeze %dma_start3A_338 : memref<1x8x64xi32, #tpu.memory_space<hbm>> -> memref<8x64xi32, #tpu.memory_space<hbm>>
      tpu.enqueue_dma source(%dma_start3A_339 : memref<8x64xi32, #tpu.memory_space<hbm>>) target(%arg10 : memref<8x64xi32, #tpu.memory_space<vmem>>) target_semaphore(%run_scoped3A : memref<!tpu.dma_semaphore, #tpu.memory_space<semaphore_mem>>)
      %dma_wait3A = arith.constant 64 : i32
      %dma_wait3A_340 = arith.constant 0 : i32
      %dma_wait3A_341 = tpu.memref_slice %arg4[%add3A, %dma_wait3A, %dma_wait3A_340] : memref<32x160x64xi32, #tpu.memory_space<hbm>> -> memref<1x8x64xi32, #tpu.memory_space<hbm>>
      %dma_wait3A_342 = tpu.memref_squeeze %dma_wait3A_341 : memref<1x8x64xi32, #tpu.memory_space<hbm>> -> memref<8x64xi32, #tpu.memory_space<hbm>>
      %dma_wait3A_343 = arith.constant 64 : i32
      %dma_wait3A_344 = arith.constant 0 : i32
      %dma_wait3A_345 = tpu.memref_slice %arg4[%add3A, %dma_wait3A_343, %dma_wait3A_344] : memref<32x160x64xi32, #tpu.memory_space<hbm>> -> memref<1x8x64xi32, #tpu.memory_space<hbm>>
      %dma_wait3A_346 = tpu.memref_squeeze %dma_wait3A_345 : memref<1x8x64xi32, #tpu.memory_space<hbm>> -> memref<8x64xi32, #tpu.memory_space<hbm>>
      tpu.wait_dma2 semaphore(%run_scoped3A : memref<!tpu.dma_semaphore, #tpu.memory_space<semaphore_mem>>) src(%dma_wait3A_346 : memref<8x64xi32, #tpu.memory_space<hbm>>) dst(%arg10 : memref<8x64xi32, #tpu.memory_space<vmem>>)
      tpu.yield
    }) : () -> ()
    %mul3A_160 = arith.constant 10240 : i32
    %mul3A_161 = arith.muli %add3A, %mul3A_160 : i32
    %add3A_162 = arith.constant 4096 : i32
    %add3A_163 = arith.addi %mul3A_161, %add3A_162 : i32
    "tpu.region"() ({
      %run_scoped3A = tpu.sem_alloc : memref<!tpu.dma_semaphore, #tpu.memory_space<semaphore_mem>>
      %dma_start3A = tpu.memref_slice %arg5[%add3A_163] : memref<327680xi32, #tpu.memory_space<hbm>> -> memref<512xi32, #tpu.memory_space<hbm>>
      %dma_start3A_333 = tpu.memref_slice %arg5[%add3A_163] : memref<327680xi32, #tpu.memory_space<hbm>> -> memref<512xi32, #tpu.memory_space<hbm>>
      tpu.enqueue_dma source(%dma_start3A_333 : memref<512xi32, #tpu.memory_space<hbm>>) target(%arg11 : memref<512xi32, #tpu.memory_space<vmem>>) target_semaphore(%run_scoped3A : memref<!tpu.dma_semaphore, #tpu.memory_space<semaphore_mem>>)
      %dma_wait3A = tpu.memref_slice %arg5[%add3A_163] : memref<327680xi32, #tpu.memory_space<hbm>> -> memref<512xi32, #tpu.memory_space<hbm>>
      %dma_wait3A_334 = tpu.memref_slice %arg5[%add3A_163] : memref<327680xi32, #tpu.memory_space<hbm>> -> memref<512xi32, #tpu.memory_space<hbm>>
      tpu.wait_dma2 semaphore(%run_scoped3A : memref<!tpu.dma_semaphore, #tpu.memory_space<semaphore_mem>>) src(%dma_wait3A_334 : memref<512xi32, #tpu.memory_space<hbm>>) dst(%arg11 : memref<512xi32, #tpu.memory_space<vmem>>)
      tpu.yield
    }) : () -> ()
    %scan3A_164 = arith.constant 0 : i32
    %scan3A_165 = arith.constant 8 : i32
    %scan3A_166 = arith.addi %scan3A_164, %scan3A_165 : i32
    %scan3A_167 = arith.constant 1 : i32
    scf.for %scan3A_333 = %scan3A_164 to %scan3A_166 step %scan3A_167  : i32 {
      %mul3A_334 = arith.constant 1 : i32
      %mul3A_335 = arith.muli %scan3A_333, %mul3A_334 : i32
      %add3A_336 = arith.constant 0 : i32
      %add3A_337 = arith.addi %add3A_336, %mul3A_335 : i32
      %dma_start3A = arith.constant 0 : i32
      %dma_start3A_338 = tpu.memref_slice %arg9[%add3A_337, %dma_start3A] : memref<8x64xi32, #tpu.memory_space<vmem>> -> memref<1x64xi32, #tpu.memory_space<vmem>>
      %dma_start3A_339 = tpu.memref_squeeze %dma_start3A_338 : memref<1x64xi32, #tpu.memory_space<vmem>> -> memref<64xi32, #tpu.memory_space<vmem>>
      %dma_start3A_340 = arith.constant 0 : i32
      %dma_start3A_341 = arith.constant 0 : i32
      %dma_start3A_342 = tpu.memref_slice %arg2[%dma_start3A_340, %dma_start3A_341] : memref<10000x128xf32, #tpu.memory_space<hbm>> -> memref<10000x128xf32, #tpu.memory_space<hbm>>
      tpu.enqueue_indirect_dma source(%dma_start3A_342 : memref<10000x128xf32, #tpu.memory_space<hbm>>) target(%arg12 : memref<64x128xf32, #tpu.memory_space<vmem>>) offsets(%dma_start3A_339 : memref<64xi32, #tpu.memory_space<vmem>>) semaphore(%arg15 : memref<!tpu.dma_semaphore, #tpu.memory_space<semaphore_mem>>)
      %dma_wait3A = arith.constant 0 : i32
      %dma_wait3A_343 = tpu.memref_slice %arg9[%add3A_337, %dma_wait3A] : memref<8x64xi32, #tpu.memory_space<vmem>> -> memref<1x64xi32, #tpu.memory_space<vmem>>
      %dma_wait3A_344 = tpu.memref_squeeze %dma_wait3A_343 : memref<1x64xi32, #tpu.memory_space<vmem>> -> memref<64xi32, #tpu.memory_space<vmem>>
      %dma_wait3A_345 = arith.constant 0 : i32
      %dma_wait3A_346 = arith.constant 0 : i32
      %dma_wait3A_347 = tpu.memref_slice %arg2[%dma_wait3A_345, %dma_wait3A_346] : memref<10000x128xf32, #tpu.memory_space<hbm>> -> memref<10000x128xf32, #tpu.memory_space<hbm>>
      tpu.wait_indirect_dma semaphore(%arg15 : memref<!tpu.dma_semaphore, #tpu.memory_space<semaphore_mem>>) src(%dma_wait3A_347 : memref<10000x128xf32, #tpu.memory_space<hbm>>) dst(%arg12 : memref<64x128xf32, #tpu.memory_space<vmem>>)
      "tpu.region"() ({
        %run_scoped3A = tpu.sem_alloc : memref<!tpu.dma_semaphore, #tpu.memory_space<semaphore_mem>>
        %dma_start3A_348 = arith.constant 0 : i32
        %dma_start3A_349 = tpu.memref_slice %arg10[%add3A_337, %dma_start3A_348] : memref<8x64xi32, #tpu.memory_space<vmem>> -> memref<1x64xi32, #tpu.memory_space<vmem>>
        %dma_start3A_350 = tpu.memref_squeeze %dma_start3A_349 : memref<1x64xi32, #tpu.memory_space<vmem>> -> memref<64xi32, #tpu.memory_space<vmem>>
        %dma_start3A_351 = arith.constant 0 : i32
        %dma_start3A_352 = arith.constant 0 : i32
        %dma_start3A_353 = tpu.memref_slice %arg14[%dma_start3A_351, %dma_start3A_352] : memref<10240x128xf32, #tpu.memory_space<vmem_shared>> -> memref<10240x128xf32, #tpu.memory_space<vmem_shared>>
        tpu.enqueue_indirect_dma source(%arg12 : memref<64x128xf32, #tpu.memory_space<vmem>>) target(%dma_start3A_353 : memref<10240x128xf32, #tpu.memory_space<vmem_shared>>) offsets(%dma_start3A_350 : memref<64xi32, #tpu.memory_space<vmem>>) semaphore(%run_scoped3A : memref<!tpu.dma_semaphore, #tpu.memory_space<semaphore_mem>>) {add = true}
        %dma_wait3A_354 = arith.constant 0 : i32
        %dma_wait3A_355 = tpu.memref_slice %arg10[%add3A_337, %dma_wait3A_354] : memref<8x64xi32, #tpu.memory_space<vmem>> -> memref<1x64xi32, #tpu.memory_space<vmem>>
        %dma_wait3A_356 = tpu.memref_squeeze %dma_wait3A_355 : memref<1x64xi32, #tpu.memory_space<vmem>> -> memref<64xi32, #tpu.memory_space<vmem>>
        %dma_wait3A_357 = arith.constant 0 : i32
        %dma_wait3A_358 = arith.constant 0 : i32
        %dma_wait3A_359 = tpu.memref_slice %arg14[%dma_wait3A_357, %dma_wait3A_358] : memref<10240x128xf32, #tpu.memory_space<vmem_shared>> -> memref<10240x128xf32, #tpu.memory_space<vmem_shared>>
        tpu.wait_indirect_dma semaphore(%run_scoped3A : memref<!tpu.dma_semaphore, #tpu.memory_space<semaphore_mem>>) src(%arg12 : memref<64x128xf32, #tpu.memory_space<vmem>>) dst(%dma_wait3A_359 : memref<10240x128xf32, #tpu.memory_space<vmem_shared>>)
        tpu.yield
      }) : () -> ()
    }
    %scan3A_168 = arith.constant 8 : i32
    %scan3A_169 = arith.constant 0 : i32
    %scan3A_170 = arith.constant 32 : i32
    %scan3A_171 = arith.addi %scan3A_169, %scan3A_170 : i32
    %scan3A_172 = arith.constant 1 : i32
    scf.for %scan3A_333 = %scan3A_169 to %scan3A_171 step %scan3A_172  : i32 {
      %mul3A_334 = arith.constant 1 : i32
      %mul3A_335 = arith.muli %scan3A_333, %mul3A_334 : i32
      %add3A_336 = arith.constant 0 : i32
      %add3A_337 = arith.addi %add3A_336, %mul3A_335 : i32
      %mul3A_338 = arith.constant 16 : i32
      %mul3A_339 = arith.muli %add3A_337, %mul3A_338 : i32
      %get3A = arith.index_cast %mul3A_339 : i32 to index
      %get3A_340 = tpu.vector_load %arg11[%get3A] {strides = array<i32>} : memref<512xi32, #tpu.memory_space<vmem>>, vector<16xi32>,
      tpu.vector_store_idx %arg13[%get3A_340], %broadcast_in_dim3A_47 {add = true} : memref<10240xf32, #tpu.memory_space<vmem>>[vector<16xi32>], vector<16xf32>,
    }
    %scan3A_173 = arith.constant 32 : i32
    "tpu.region"() ({
      %run_scoped3A = tpu.sem_alloc : memref<!tpu.dma_semaphore, #tpu.memory_space<semaphore_mem>>
      %dma_start3A = arith.constant 72 : i32
      %dma_start3A_333 = arith.constant 0 : i32
      %dma_start3A_334 = tpu.memref_slice %arg3[%add3A, %dma_start3A, %dma_start3A_333] : memref<32x160x64xi32, #tpu.memory_space<hbm>> -> memref<1x8x64xi32, #tpu.memory_space<hbm>>
      %dma_start3A_335 = tpu.memref_squeeze %dma_start3A_334 : memref<1x8x64xi32, #tpu.memory_space<hbm>> -> memref<8x64xi32, #tpu.memory_space<hbm>>
      %dma_start3A_336 = arith.constant 72 : i32
      %dma_start3A_337 = arith.constant 0 : i32
      %dma_start3A_338 = tpu.memref_slice %arg3[%add3A, %dma_start3A_336, %dma_start3A_337] : memref<32x160x64xi32, #tpu.memory_space<hbm>> -> memref<1x8x64xi32, #tpu.memory_space<hbm>>
      %dma_start3A_339 = tpu.memref_squeeze %dma_start3A_338 : memref<1x8x64xi32, #tpu.memory_space<hbm>> -> memref<8x64xi32, #tpu.memory_space<hbm>>
      tpu.enqueue_dma source(%dma_start3A_339 : memref<8x64xi32, #tpu.memory_space<hbm>>) target(%arg9 : memref<8x64xi32, #tpu.memory_space<vmem>>) target_semaphore(%run_scoped3A : memref<!tpu.dma_semaphore, #tpu.memory_space<semaphore_mem>>)
      %dma_wait3A = arith.constant 72 : i32
      %dma_wait3A_340 = arith.constant 0 : i32
      %dma_wait3A_341 = tpu.memref_slice %arg3[%add3A, %dma_wait3A, %dma_wait3A_340] : memref<32x160x64xi32, #tpu.memory_space<hbm>> -> memref<1x8x64xi32, #tpu.memory_space<hbm>>
      %dma_wait3A_342 = tpu.memref_squeeze %dma_wait3A_341 : memref<1x8x64xi32, #tpu.memory_space<hbm>> -> memref<8x64xi32, #tpu.memory_space<hbm>>
      %dma_wait3A_343 = arith.constant 72 : i32
      %dma_wait3A_344 = arith.constant 0 : i32
      %dma_wait3A_345 = tpu.memref_slice %arg3[%add3A, %dma_wait3A_343, %dma_wait3A_344] : memref<32x160x64xi32, #tpu.memory_space<hbm>> -> memref<1x8x64xi32, #tpu.memory_space<hbm>>
      %dma_wait3A_346 = tpu.memref_squeeze %dma_wait3A_345 : memref<1x8x64xi32, #tpu.memory_space<hbm>> -> memref<8x64xi32, #tpu.memory_space<hbm>>
      tpu.wait_dma2 semaphore(%run_scoped3A : memref<!tpu.dma_semaphore, #tpu.memory_space<semaphore_mem>>) src(%dma_wait3A_346 : memref<8x64xi32, #tpu.memory_space<hbm>>) dst(%arg9 : memref<8x64xi32, #tpu.memory_space<vmem>>)
      tpu.yield
    }) : () -> ()
    "tpu.region"() ({
      %run_scoped3A = tpu.sem_alloc : memref<!tpu.dma_semaphore, #tpu.memory_space<semaphore_mem>>
      %dma_start3A = arith.constant 72 : i32
      %dma_start3A_333 = arith.constant 0 : i32
      %dma_start3A_334 = tpu.memref_slice %arg4[%add3A, %dma_start3A, %dma_start3A_333] : memref<32x160x64xi32, #tpu.memory_space<hbm>> -> memref<1x8x64xi32, #tpu.memory_space<hbm>>
      %dma_start3A_335 = tpu.memref_squeeze %dma_start3A_334 : memref<1x8x64xi32, #tpu.memory_space<hbm>> -> memref<8x64xi32, #tpu.memory_space<hbm>>
      %dma_start3A_336 = arith.constant 72 : i32
      %dma_start3A_337 = arith.constant 0 : i32
      %dma_start3A_338 = tpu.memref_slice %arg4[%add3A, %dma_start3A_336, %dma_start3A_337] : memref<32x160x64xi32, #tpu.memory_space<hbm>> -> memref<1x8x64xi32, #tpu.memory_space<hbm>>
      %dma_start3A_339 = tpu.memref_squeeze %dma_start3A_338 : memref<1x8x64xi32, #tpu.memory_space<hbm>> -> memref<8x64xi32, #tpu.memory_space<hbm>>
      tpu.enqueue_dma source(%dma_start3A_339 : memref<8x64xi32, #tpu.memory_space<hbm>>) target(%arg10 : memref<8x64xi32, #tpu.memory_space<vmem>>) target_semaphore(%run_scoped3A : memref<!tpu.dma_semaphore, #tpu.memory_space<semaphore_mem>>)
      %dma_wait3A = arith.constant 72 : i32
      %dma_wait3A_340 = arith.constant 0 : i32
      %dma_wait3A_341 = tpu.memref_slice %arg4[%add3A, %dma_wait3A, %dma_wait3A_340] : memref<32x160x64xi32, #tpu.memory_space<hbm>> -> memref<1x8x64xi32, #tpu.memory_space<hbm>>
      %dma_wait3A_342 = tpu.memref_squeeze %dma_wait3A_341 : memref<1x8x64xi32, #tpu.memory_space<hbm>> -> memref<8x64xi32, #tpu.memory_space<hbm>>
      %dma_wait3A_343 = arith.constant 72 : i32
      %dma_wait3A_344 = arith.constant 0 : i32
      %dma_wait3A_345 = tpu.memref_slice %arg4[%add3A, %dma_wait3A_343, %dma_wait3A_344] : memref<32x160x64xi32, #tpu.memory_space<hbm>> -> memref<1x8x64xi32, #tpu.memory_space<hbm>>
      %dma_wait3A_346 = tpu.memref_squeeze %dma_wait3A_345 : memref<1x8x64xi32, #tpu.memory_space<hbm>> -> memref<8x64xi32, #tpu.memory_space<hbm>>
      tpu.wait_dma2 semaphore(%run_scoped3A : memref<!tpu.dma_semaphore, #tpu.memory_space<semaphore_mem>>) src(%dma_wait3A_346 : memref<8x64xi32, #tpu.memory_space<hbm>>) dst(%arg10 : memref<8x64xi32, #tpu.memory_space<vmem>>)
      tpu.yield
    }) : () -> ()
    %mul3A_174 = arith.constant 10240 : i32
    %mul3A_175 = arith.muli %add3A, %mul3A_174 : i32
    %add3A_176 = arith.constant 4608 : i32
    %add3A_177 = arith.addi %mul3A_175, %add3A_176 : i32
    "tpu.region"() ({
      %run_scoped3A = tpu.sem_alloc : memref<!tpu.dma_semaphore, #tpu.memory_space<semaphore_mem>>
      %dma_start3A = tpu.memref_slice %arg5[%add3A_177] : memref<327680xi32, #tpu.memory_space<hbm>> -> memref<512xi32, #tpu.memory_space<hbm>>
      %dma_start3A_333 = tpu.memref_slice %arg5[%add3A_177] : memref<327680xi32, #tpu.memory_space<hbm>> -> memref<512xi32, #tpu.memory_space<hbm>>
      tpu.enqueue_dma source(%dma_start3A_333 : memref<512xi32, #tpu.memory_space<hbm>>) target(%arg11 : memref<512xi32, #tpu.memory_space<vmem>>) target_semaphore(%run_scoped3A : memref<!tpu.dma_semaphore, #tpu.memory_space<semaphore_mem>>)
      %dma_wait3A = tpu.memref_slice %arg5[%add3A_177] : memref<327680xi32, #tpu.memory_space<hbm>> -> memref<512xi32, #tpu.memory_space<hbm>>
      %dma_wait3A_334 = tpu.memref_slice %arg5[%add3A_177] : memref<327680xi32, #tpu.memory_space<hbm>> -> memref<512xi32, #tpu.memory_space<hbm>>
      tpu.wait_dma2 semaphore(%run_scoped3A : memref<!tpu.dma_semaphore, #tpu.memory_space<semaphore_mem>>) src(%dma_wait3A_334 : memref<512xi32, #tpu.memory_space<hbm>>) dst(%arg11 : memref<512xi32, #tpu.memory_space<vmem>>)
      tpu.yield
    }) : () -> ()
    %scan3A_178 = arith.constant 0 : i32
    %scan3A_179 = arith.constant 8 : i32
    %scan3A_180 = arith.addi %scan3A_178, %scan3A_179 : i32
    %scan3A_181 = arith.constant 1 : i32
    scf.for %scan3A_333 = %scan3A_178 to %scan3A_180 step %scan3A_181  : i32 {
      %mul3A_334 = arith.constant 1 : i32
      %mul3A_335 = arith.muli %scan3A_333, %mul3A_334 : i32
      %add3A_336 = arith.constant 0 : i32
      %add3A_337 = arith.addi %add3A_336, %mul3A_335 : i32
      %dma_start3A = arith.constant 0 : i32
      %dma_start3A_338 = tpu.memref_slice %arg9[%add3A_337, %dma_start3A] : memref<8x64xi32, #tpu.memory_space<vmem>> -> memref<1x64xi32, #tpu.memory_space<vmem>>
      %dma_start3A_339 = tpu.memref_squeeze %dma_start3A_338 : memref<1x64xi32, #tpu.memory_space<vmem>> -> memref<64xi32, #tpu.memory_space<vmem>>
      %dma_start3A_340 = arith.constant 0 : i32
      %dma_start3A_341 = arith.constant 0 : i32
      %dma_start3A_342 = tpu.memref_slice %arg2[%dma_start3A_340, %dma_start3A_341] : memref<10000x128xf32, #tpu.memory_space<hbm>> -> memref<10000x128xf32, #tpu.memory_space<hbm>>
      tpu.enqueue_indirect_dma source(%dma_start3A_342 : memref<10000x128xf32, #tpu.memory_space<hbm>>) target(%arg12 : memref<64x128xf32, #tpu.memory_space<vmem>>) offsets(%dma_start3A_339 : memref<64xi32, #tpu.memory_space<vmem>>) semaphore(%arg15 : memref<!tpu.dma_semaphore, #tpu.memory_space<semaphore_mem>>)
      %dma_wait3A = arith.constant 0 : i32
      %dma_wait3A_343 = tpu.memref_slice %arg9[%add3A_337, %dma_wait3A] : memref<8x64xi32, #tpu.memory_space<vmem>> -> memref<1x64xi32, #tpu.memory_space<vmem>>
      %dma_wait3A_344 = tpu.memref_squeeze %dma_wait3A_343 : memref<1x64xi32, #tpu.memory_space<vmem>> -> memref<64xi32, #tpu.memory_space<vmem>>
      %dma_wait3A_345 = arith.constant 0 : i32
      %dma_wait3A_346 = arith.constant 0 : i32
      %dma_wait3A_347 = tpu.memref_slice %arg2[%dma_wait3A_345, %dma_wait3A_346] : memref<10000x128xf32, #tpu.memory_space<hbm>> -> memref<10000x128xf32, #tpu.memory_space<hbm>>
      tpu.wait_indirect_dma semaphore(%arg15 : memref<!tpu.dma_semaphore, #tpu.memory_space<semaphore_mem>>) src(%dma_wait3A_347 : memref<10000x128xf32, #tpu.memory_space<hbm>>) dst(%arg12 : memref<64x128xf32, #tpu.memory_space<vmem>>)
      "tpu.region"() ({
        %run_scoped3A = tpu.sem_alloc : memref<!tpu.dma_semaphore, #tpu.memory_space<semaphore_mem>>
        %dma_start3A_348 = arith.constant 0 : i32
        %dma_start3A_349 = tpu.memref_slice %arg10[%add3A_337, %dma_start3A_348] : memref<8x64xi32, #tpu.memory_space<vmem>> -> memref<1x64xi32, #tpu.memory_space<vmem>>
        %dma_start3A_350 = tpu.memref_squeeze %dma_start3A_349 : memref<1x64xi32, #tpu.memory_space<vmem>> -> memref<64xi32, #tpu.memory_space<vmem>>
        %dma_start3A_351 = arith.constant 0 : i32
        %dma_start3A_352 = arith.constant 0 : i32
        %dma_start3A_353 = tpu.memref_slice %arg14[%dma_start3A_351, %dma_start3A_352] : memref<10240x128xf32, #tpu.memory_space<vmem_shared>> -> memref<10240x128xf32, #tpu.memory_space<vmem_shared>>
        tpu.enqueue_indirect_dma source(%arg12 : memref<64x128xf32, #tpu.memory_space<vmem>>) target(%dma_start3A_353 : memref<10240x128xf32, #tpu.memory_space<vmem_shared>>) offsets(%dma_start3A_350 : memref<64xi32, #tpu.memory_space<vmem>>) semaphore(%run_scoped3A : memref<!tpu.dma_semaphore, #tpu.memory_space<semaphore_mem>>) {add = true}
        %dma_wait3A_354 = arith.constant 0 : i32
        %dma_wait3A_355 = tpu.memref_slice %arg10[%add3A_337, %dma_wait3A_354] : memref<8x64xi32, #tpu.memory_space<vmem>> -> memref<1x64xi32, #tpu.memory_space<vmem>>
        %dma_wait3A_356 = tpu.memref_squeeze %dma_wait3A_355 : memref<1x64xi32, #tpu.memory_space<vmem>> -> memref<64xi32, #tpu.memory_space<vmem>>
        %dma_wait3A_357 = arith.constant 0 : i32
        %dma_wait3A_358 = arith.constant 0 : i32
        %dma_wait3A_359 = tpu.memref_slice %arg14[%dma_wait3A_357, %dma_wait3A_358] : memref<10240x128xf32, #tpu.memory_space<vmem_shared>> -> memref<10240x128xf32, #tpu.memory_space<vmem_shared>>
        tpu.wait_indirect_dma semaphore(%run_scoped3A : memref<!tpu.dma_semaphore, #tpu.memory_space<semaphore_mem>>) src(%arg12 : memref<64x128xf32, #tpu.memory_space<vmem>>) dst(%dma_wait3A_359 : memref<10240x128xf32, #tpu.memory_space<vmem_shared>>)
        tpu.yield
      }) : () -> ()
    }
    %scan3A_182 = arith.constant 8 : i32
    %scan3A_183 = arith.constant 0 : i32
    %scan3A_184 = arith.constant 32 : i32
    %scan3A_185 = arith.addi %scan3A_183, %scan3A_184 : i32
    %scan3A_186 = arith.constant 1 : i32
    scf.for %scan3A_333 = %scan3A_183 to %scan3A_185 step %scan3A_186  : i32 {
      %mul3A_334 = arith.constant 1 : i32
      %mul3A_335 = arith.muli %scan3A_333, %mul3A_334 : i32
      %add3A_336 = arith.constant 0 : i32
      %add3A_337 = arith.addi %add3A_336, %mul3A_335 : i32
      %mul3A_338 = arith.constant 16 : i32
      %mul3A_339 = arith.muli %add3A_337, %mul3A_338 : i32
      %get3A = arith.index_cast %mul3A_339 : i32 to index
      %get3A_340 = tpu.vector_load %arg11[%get3A] {strides = array<i32>} : memref<512xi32, #tpu.memory_space<vmem>>, vector<16xi32>,
      tpu.vector_store_idx %arg13[%get3A_340], %broadcast_in_dim3A_47 {add = true} : memref<10240xf32, #tpu.memory_space<vmem>>[vector<16xi32>], vector<16xf32>,
    }
    %scan3A_187 = arith.constant 32 : i32
    "tpu.region"() ({
      %run_scoped3A = tpu.sem_alloc : memref<!tpu.dma_semaphore, #tpu.memory_space<semaphore_mem>>
      %dma_start3A = arith.constant 80 : i32
      %dma_start3A_333 = arith.constant 0 : i32
      %dma_start3A_334 = tpu.memref_slice %arg3[%add3A, %dma_start3A, %dma_start3A_333] : memref<32x160x64xi32, #tpu.memory_space<hbm>> -> memref<1x8x64xi32, #tpu.memory_space<hbm>>
      %dma_start3A_335 = tpu.memref_squeeze %dma_start3A_334 : memref<1x8x64xi32, #tpu.memory_space<hbm>> -> memref<8x64xi32, #tpu.memory_space<hbm>>
      %dma_start3A_336 = arith.constant 80 : i32
      %dma_start3A_337 = arith.constant 0 : i32
      %dma_start3A_338 = tpu.memref_slice %arg3[%add3A, %dma_start3A_336, %dma_start3A_337] : memref<32x160x64xi32, #tpu.memory_space<hbm>> -> memref<1x8x64xi32, #tpu.memory_space<hbm>>
      %dma_start3A_339 = tpu.memref_squeeze %dma_start3A_338 : memref<1x8x64xi32, #tpu.memory_space<hbm>> -> memref<8x64xi32, #tpu.memory_space<hbm>>
      tpu.enqueue_dma source(%dma_start3A_339 : memref<8x64xi32, #tpu.memory_space<hbm>>) target(%arg9 : memref<8x64xi32, #tpu.memory_space<vmem>>) target_semaphore(%run_scoped3A : memref<!tpu.dma_semaphore, #tpu.memory_space<semaphore_mem>>)
      %dma_wait3A = arith.constant 80 : i32
      %dma_wait3A_340 = arith.constant 0 : i32
      %dma_wait3A_341 = tpu.memref_slice %arg3[%add3A, %dma_wait3A, %dma_wait3A_340] : memref<32x160x64xi32, #tpu.memory_space<hbm>> -> memref<1x8x64xi32, #tpu.memory_space<hbm>>
      %dma_wait3A_342 = tpu.memref_squeeze %dma_wait3A_341 : memref<1x8x64xi32, #tpu.memory_space<hbm>> -> memref<8x64xi32, #tpu.memory_space<hbm>>
      %dma_wait3A_343 = arith.constant 80 : i32
      %dma_wait3A_344 = arith.constant 0 : i32
      %dma_wait3A_345 = tpu.memref_slice %arg3[%add3A, %dma_wait3A_343, %dma_wait3A_344] : memref<32x160x64xi32, #tpu.memory_space<hbm>> -> memref<1x8x64xi32, #tpu.memory_space<hbm>>
      %dma_wait3A_346 = tpu.memref_squeeze %dma_wait3A_345 : memref<1x8x64xi32, #tpu.memory_space<hbm>> -> memref<8x64xi32, #tpu.memory_space<hbm>>
      tpu.wait_dma2 semaphore(%run_scoped3A : memref<!tpu.dma_semaphore, #tpu.memory_space<semaphore_mem>>) src(%dma_wait3A_346 : memref<8x64xi32, #tpu.memory_space<hbm>>) dst(%arg9 : memref<8x64xi32, #tpu.memory_space<vmem>>)
      tpu.yield
    }) : () -> ()
    "tpu.region"() ({
      %run_scoped3A = tpu.sem_alloc : memref<!tpu.dma_semaphore, #tpu.memory_space<semaphore_mem>>
      %dma_start3A = arith.constant 80 : i32
      %dma_start3A_333 = arith.constant 0 : i32
      %dma_start3A_334 = tpu.memref_slice %arg4[%add3A, %dma_start3A, %dma_start3A_333] : memref<32x160x64xi32, #tpu.memory_space<hbm>> -> memref<1x8x64xi32, #tpu.memory_space<hbm>>
      %dma_start3A_335 = tpu.memref_squeeze %dma_start3A_334 : memref<1x8x64xi32, #tpu.memory_space<hbm>> -> memref<8x64xi32, #tpu.memory_space<hbm>>
      %dma_start3A_336 = arith.constant 80 : i32
      %dma_start3A_337 = arith.constant 0 : i32
      %dma_start3A_338 = tpu.memref_slice %arg4[%add3A, %dma_start3A_336, %dma_start3A_337] : memref<32x160x64xi32, #tpu.memory_space<hbm>> -> memref<1x8x64xi32, #tpu.memory_space<hbm>>
      %dma_start3A_339 = tpu.memref_squeeze %dma_start3A_338 : memref<1x8x64xi32, #tpu.memory_space<hbm>> -> memref<8x64xi32, #tpu.memory_space<hbm>>
      tpu.enqueue_dma source(%dma_start3A_339 : memref<8x64xi32, #tpu.memory_space<hbm>>) target(%arg10 : memref<8x64xi32, #tpu.memory_space<vmem>>) target_semaphore(%run_scoped3A : memref<!tpu.dma_semaphore, #tpu.memory_space<semaphore_mem>>)
      %dma_wait3A = arith.constant 80 : i32
      %dma_wait3A_340 = arith.constant 0 : i32
      %dma_wait3A_341 = tpu.memref_slice %arg4[%add3A, %dma_wait3A, %dma_wait3A_340] : memref<32x160x64xi32, #tpu.memory_space<hbm>> -> memref<1x8x64xi32, #tpu.memory_space<hbm>>
      %dma_wait3A_342 = tpu.memref_squeeze %dma_wait3A_341 : memref<1x8x64xi32, #tpu.memory_space<hbm>> -> memref<8x64xi32, #tpu.memory_space<hbm>>
      %dma_wait3A_343 = arith.constant 80 : i32
      %dma_wait3A_344 = arith.constant 0 : i32
      %dma_wait3A_345 = tpu.memref_slice %arg4[%add3A, %dma_wait3A_343, %dma_wait3A_344] : memref<32x160x64xi32, #tpu.memory_space<hbm>> -> memref<1x8x64xi32, #tpu.memory_space<hbm>>
      %dma_wait3A_346 = tpu.memref_squeeze %dma_wait3A_345 : memref<1x8x64xi32, #tpu.memory_space<hbm>> -> memref<8x64xi32, #tpu.memory_space<hbm>>
      tpu.wait_dma2 semaphore(%run_scoped3A : memref<!tpu.dma_semaphore, #tpu.memory_space<semaphore_mem>>) src(%dma_wait3A_346 : memref<8x64xi32, #tpu.memory_space<hbm>>) dst(%arg10 : memref<8x64xi32, #tpu.memory_space<vmem>>)
      tpu.yield
    }) : () -> ()
    %mul3A_188 = arith.constant 10240 : i32
    %mul3A_189 = arith.muli %add3A, %mul3A_188 : i32
    %add3A_190 = arith.constant 5120 : i32
    %add3A_191 = arith.addi %mul3A_189, %add3A_190 : i32
    "tpu.region"() ({
      %run_scoped3A = tpu.sem_alloc : memref<!tpu.dma_semaphore, #tpu.memory_space<semaphore_mem>>
      %dma_start3A = tpu.memref_slice %arg5[%add3A_191] : memref<327680xi32, #tpu.memory_space<hbm>> -> memref<512xi32, #tpu.memory_space<hbm>>
      %dma_start3A_333 = tpu.memref_slice %arg5[%add3A_191] : memref<327680xi32, #tpu.memory_space<hbm>> -> memref<512xi32, #tpu.memory_space<hbm>>
      tpu.enqueue_dma source(%dma_start3A_333 : memref<512xi32, #tpu.memory_space<hbm>>) target(%arg11 : memref<512xi32, #tpu.memory_space<vmem>>) target_semaphore(%run_scoped3A : memref<!tpu.dma_semaphore, #tpu.memory_space<semaphore_mem>>)
      %dma_wait3A = tpu.memref_slice %arg5[%add3A_191] : memref<327680xi32, #tpu.memory_space<hbm>> -> memref<512xi32, #tpu.memory_space<hbm>>
      %dma_wait3A_334 = tpu.memref_slice %arg5[%add3A_191] : memref<327680xi32, #tpu.memory_space<hbm>> -> memref<512xi32, #tpu.memory_space<hbm>>
      tpu.wait_dma2 semaphore(%run_scoped3A : memref<!tpu.dma_semaphore, #tpu.memory_space<semaphore_mem>>) src(%dma_wait3A_334 : memref<512xi32, #tpu.memory_space<hbm>>) dst(%arg11 : memref<512xi32, #tpu.memory_space<vmem>>)
      tpu.yield
    }) : () -> ()
    %scan3A_192 = arith.constant 0 : i32
    %scan3A_193 = arith.constant 8 : i32
    %scan3A_194 = arith.addi %scan3A_192, %scan3A_193 : i32
    %scan3A_195 = arith.constant 1 : i32
    scf.for %scan3A_333 = %scan3A_192 to %scan3A_194 step %scan3A_195  : i32 {
      %mul3A_334 = arith.constant 1 : i32
      %mul3A_335 = arith.muli %scan3A_333, %mul3A_334 : i32
      %add3A_336 = arith.constant 0 : i32
      %add3A_337 = arith.addi %add3A_336, %mul3A_335 : i32
      %dma_start3A = arith.constant 0 : i32
      %dma_start3A_338 = tpu.memref_slice %arg9[%add3A_337, %dma_start3A] : memref<8x64xi32, #tpu.memory_space<vmem>> -> memref<1x64xi32, #tpu.memory_space<vmem>>
      %dma_start3A_339 = tpu.memref_squeeze %dma_start3A_338 : memref<1x64xi32, #tpu.memory_space<vmem>> -> memref<64xi32, #tpu.memory_space<vmem>>
      %dma_start3A_340 = arith.constant 0 : i32
      %dma_start3A_341 = arith.constant 0 : i32
      %dma_start3A_342 = tpu.memref_slice %arg2[%dma_start3A_340, %dma_start3A_341] : memref<10000x128xf32, #tpu.memory_space<hbm>> -> memref<10000x128xf32, #tpu.memory_space<hbm>>
      tpu.enqueue_indirect_dma source(%dma_start3A_342 : memref<10000x128xf32, #tpu.memory_space<hbm>>) target(%arg12 : memref<64x128xf32, #tpu.memory_space<vmem>>) offsets(%dma_start3A_339 : memref<64xi32, #tpu.memory_space<vmem>>) semaphore(%arg15 : memref<!tpu.dma_semaphore, #tpu.memory_space<semaphore_mem>>)
      %dma_wait3A = arith.constant 0 : i32
      %dma_wait3A_343 = tpu.memref_slice %arg9[%add3A_337, %dma_wait3A] : memref<8x64xi32, #tpu.memory_space<vmem>> -> memref<1x64xi32, #tpu.memory_space<vmem>>
      %dma_wait3A_344 = tpu.memref_squeeze %dma_wait3A_343 : memref<1x64xi32, #tpu.memory_space<vmem>> -> memref<64xi32, #tpu.memory_space<vmem>>
      %dma_wait3A_345 = arith.constant 0 : i32
      %dma_wait3A_346 = arith.constant 0 : i32
      %dma_wait3A_347 = tpu.memref_slice %arg2[%dma_wait3A_345, %dma_wait3A_346] : memref<10000x128xf32, #tpu.memory_space<hbm>> -> memref<10000x128xf32, #tpu.memory_space<hbm>>
      tpu.wait_indirect_dma semaphore(%arg15 : memref<!tpu.dma_semaphore, #tpu.memory_space<semaphore_mem>>) src(%dma_wait3A_347 : memref<10000x128xf32, #tpu.memory_space<hbm>>) dst(%arg12 : memref<64x128xf32, #tpu.memory_space<vmem>>)
      "tpu.region"() ({
        %run_scoped3A = tpu.sem_alloc : memref<!tpu.dma_semaphore, #tpu.memory_space<semaphore_mem>>
        %dma_start3A_348 = arith.constant 0 : i32
        %dma_start3A_349 = tpu.memref_slice %arg10[%add3A_337, %dma_start3A_348] : memref<8x64xi32, #tpu.memory_space<vmem>> -> memref<1x64xi32, #tpu.memory_space<vmem>>
        %dma_start3A_350 = tpu.memref_squeeze %dma_start3A_349 : memref<1x64xi32, #tpu.memory_space<vmem>> -> memref<64xi32, #tpu.memory_space<vmem>>
        %dma_start3A_351 = arith.constant 0 : i32
        %dma_start3A_352 = arith.constant 0 : i32
        %dma_start3A_353 = tpu.memref_slice %arg14[%dma_start3A_351, %dma_start3A_352] : memref<10240x128xf32, #tpu.memory_space<vmem_shared>> -> memref<10240x128xf32, #tpu.memory_space<vmem_shared>>
        tpu.enqueue_indirect_dma source(%arg12 : memref<64x128xf32, #tpu.memory_space<vmem>>) target(%dma_start3A_353 : memref<10240x128xf32, #tpu.memory_space<vmem_shared>>) offsets(%dma_start3A_350 : memref<64xi32, #tpu.memory_space<vmem>>) semaphore(%run_scoped3A : memref<!tpu.dma_semaphore, #tpu.memory_space<semaphore_mem>>) {add = true}
        %dma_wait3A_354 = arith.constant 0 : i32
        %dma_wait3A_355 = tpu.memref_slice %arg10[%add3A_337, %dma_wait3A_354] : memref<8x64xi32, #tpu.memory_space<vmem>> -> memref<1x64xi32, #tpu.memory_space<vmem>>
        %dma_wait3A_356 = tpu.memref_squeeze %dma_wait3A_355 : memref<1x64xi32, #tpu.memory_space<vmem>> -> memref<64xi32, #tpu.memory_space<vmem>>
        %dma_wait3A_357 = arith.constant 0 : i32
        %dma_wait3A_358 = arith.constant 0 : i32
        %dma_wait3A_359 = tpu.memref_slice %arg14[%dma_wait3A_357, %dma_wait3A_358] : memref<10240x128xf32, #tpu.memory_space<vmem_shared>> -> memref<10240x128xf32, #tpu.memory_space<vmem_shared>>
        tpu.wait_indirect_dma semaphore(%run_scoped3A : memref<!tpu.dma_semaphore, #tpu.memory_space<semaphore_mem>>) src(%arg12 : memref<64x128xf32, #tpu.memory_space<vmem>>) dst(%dma_wait3A_359 : memref<10240x128xf32, #tpu.memory_space<vmem_shared>>)
        tpu.yield
      }) : () -> ()
    }
    %scan3A_196 = arith.constant 8 : i32
    %scan3A_197 = arith.constant 0 : i32
    %scan3A_198 = arith.constant 32 : i32
    %scan3A_199 = arith.addi %scan3A_197, %scan3A_198 : i32
    %scan3A_200 = arith.constant 1 : i32
    scf.for %scan3A_333 = %scan3A_197 to %scan3A_199 step %scan3A_200  : i32 {
      %mul3A_334 = arith.constant 1 : i32
      %mul3A_335 = arith.muli %scan3A_333, %mul3A_334 : i32
      %add3A_336 = arith.constant 0 : i32
      %add3A_337 = arith.addi %add3A_336, %mul3A_335 : i32
      %mul3A_338 = arith.constant 16 : i32
      %mul3A_339 = arith.muli %add3A_337, %mul3A_338 : i32
      %get3A = arith.index_cast %mul3A_339 : i32 to index
      %get3A_340 = tpu.vector_load %arg11[%get3A] {strides = array<i32>} : memref<512xi32, #tpu.memory_space<vmem>>, vector<16xi32>,
      tpu.vector_store_idx %arg13[%get3A_340], %broadcast_in_dim3A_47 {add = true} : memref<10240xf32, #tpu.memory_space<vmem>>[vector<16xi32>], vector<16xf32>,
    }
    %scan3A_201 = arith.constant 32 : i32
    "tpu.region"() ({
      %run_scoped3A = tpu.sem_alloc : memref<!tpu.dma_semaphore, #tpu.memory_space<semaphore_mem>>
      %dma_start3A = arith.constant 88 : i32
      %dma_start3A_333 = arith.constant 0 : i32
      %dma_start3A_334 = tpu.memref_slice %arg3[%add3A, %dma_start3A, %dma_start3A_333] : memref<32x160x64xi32, #tpu.memory_space<hbm>> -> memref<1x8x64xi32, #tpu.memory_space<hbm>>
      %dma_start3A_335 = tpu.memref_squeeze %dma_start3A_334 : memref<1x8x64xi32, #tpu.memory_space<hbm>> -> memref<8x64xi32, #tpu.memory_space<hbm>>
      %dma_start3A_336 = arith.constant 88 : i32
      %dma_start3A_337 = arith.constant 0 : i32
      %dma_start3A_338 = tpu.memref_slice %arg3[%add3A, %dma_start3A_336, %dma_start3A_337] : memref<32x160x64xi32, #tpu.memory_space<hbm>> -> memref<1x8x64xi32, #tpu.memory_space<hbm>>
      %dma_start3A_339 = tpu.memref_squeeze %dma_start3A_338 : memref<1x8x64xi32, #tpu.memory_space<hbm>> -> memref<8x64xi32, #tpu.memory_space<hbm>>
      tpu.enqueue_dma source(%dma_start3A_339 : memref<8x64xi32, #tpu.memory_space<hbm>>) target(%arg9 : memref<8x64xi32, #tpu.memory_space<vmem>>) target_semaphore(%run_scoped3A : memref<!tpu.dma_semaphore, #tpu.memory_space<semaphore_mem>>)
      %dma_wait3A = arith.constant 88 : i32
      %dma_wait3A_340 = arith.constant 0 : i32
      %dma_wait3A_341 = tpu.memref_slice %arg3[%add3A, %dma_wait3A, %dma_wait3A_340] : memref<32x160x64xi32, #tpu.memory_space<hbm>> -> memref<1x8x64xi32, #tpu.memory_space<hbm>>
      %dma_wait3A_342 = tpu.memref_squeeze %dma_wait3A_341 : memref<1x8x64xi32, #tpu.memory_space<hbm>> -> memref<8x64xi32, #tpu.memory_space<hbm>>
      %dma_wait3A_343 = arith.constant 88 : i32
      %dma_wait3A_344 = arith.constant 0 : i32
      %dma_wait3A_345 = tpu.memref_slice %arg3[%add3A, %dma_wait3A_343, %dma_wait3A_344] : memref<32x160x64xi32, #tpu.memory_space<hbm>> -> memref<1x8x64xi32, #tpu.memory_space<hbm>>
      %dma_wait3A_346 = tpu.memref_squeeze %dma_wait3A_345 : memref<1x8x64xi32, #tpu.memory_space<hbm>> -> memref<8x64xi32, #tpu.memory_space<hbm>>
      tpu.wait_dma2 semaphore(%run_scoped3A : memref<!tpu.dma_semaphore, #tpu.memory_space<semaphore_mem>>) src(%dma_wait3A_346 : memref<8x64xi32, #tpu.memory_space<hbm>>) dst(%arg9 : memref<8x64xi32, #tpu.memory_space<vmem>>)
      tpu.yield
    }) : () -> ()
    "tpu.region"() ({
      %run_scoped3A = tpu.sem_alloc : memref<!tpu.dma_semaphore, #tpu.memory_space<semaphore_mem>>
      %dma_start3A = arith.constant 88 : i32
      %dma_start3A_333 = arith.constant 0 : i32
      %dma_start3A_334 = tpu.memref_slice %arg4[%add3A, %dma_start3A, %dma_start3A_333] : memref<32x160x64xi32, #tpu.memory_space<hbm>> -> memref<1x8x64xi32, #tpu.memory_space<hbm>>
      %dma_start3A_335 = tpu.memref_squeeze %dma_start3A_334 : memref<1x8x64xi32, #tpu.memory_space<hbm>> -> memref<8x64xi32, #tpu.memory_space<hbm>>
      %dma_start3A_336 = arith.constant 88 : i32
      %dma_start3A_337 = arith.constant 0 : i32
      %dma_start3A_338 = tpu.memref_slice %arg4[%add3A, %dma_start3A_336, %dma_start3A_337] : memref<32x160x64xi32, #tpu.memory_space<hbm>> -> memref<1x8x64xi32, #tpu.memory_space<hbm>>
      %dma_start3A_339 = tpu.memref_squeeze %dma_start3A_338 : memref<1x8x64xi32, #tpu.memory_space<hbm>> -> memref<8x64xi32, #tpu.memory_space<hbm>>
      tpu.enqueue_dma source(%dma_start3A_339 : memref<8x64xi32, #tpu.memory_space<hbm>>) target(%arg10 : memref<8x64xi32, #tpu.memory_space<vmem>>) target_semaphore(%run_scoped3A : memref<!tpu.dma_semaphore, #tpu.memory_space<semaphore_mem>>)
      %dma_wait3A = arith.constant 88 : i32
      %dma_wait3A_340 = arith.constant 0 : i32
      %dma_wait3A_341 = tpu.memref_slice %arg4[%add3A, %dma_wait3A, %dma_wait3A_340] : memref<32x160x64xi32, #tpu.memory_space<hbm>> -> memref<1x8x64xi32, #tpu.memory_space<hbm>>
      %dma_wait3A_342 = tpu.memref_squeeze %dma_wait3A_341 : memref<1x8x64xi32, #tpu.memory_space<hbm>> -> memref<8x64xi32, #tpu.memory_space<hbm>>
      %dma_wait3A_343 = arith.constant 88 : i32
      %dma_wait3A_344 = arith.constant 0 : i32
      %dma_wait3A_345 = tpu.memref_slice %arg4[%add3A, %dma_wait3A_343, %dma_wait3A_344] : memref<32x160x64xi32, #tpu.memory_space<hbm>> -> memref<1x8x64xi32, #tpu.memory_space<hbm>>
      %dma_wait3A_346 = tpu.memref_squeeze %dma_wait3A_345 : memref<1x8x64xi32, #tpu.memory_space<hbm>> -> memref<8x64xi32, #tpu.memory_space<hbm>>
      tpu.wait_dma2 semaphore(%run_scoped3A : memref<!tpu.dma_semaphore, #tpu.memory_space<semaphore_mem>>) src(%dma_wait3A_346 : memref<8x64xi32, #tpu.memory_space<hbm>>) dst(%arg10 : memref<8x64xi32, #tpu.memory_space<vmem>>)
      tpu.yield
    }) : () -> ()
    %mul3A_202 = arith.constant 10240 : i32
    %mul3A_203 = arith.muli %add3A, %mul3A_202 : i32
    %add3A_204 = arith.constant 5632 : i32
    %add3A_205 = arith.addi %mul3A_203, %add3A_204 : i32
    "tpu.region"() ({
      %run_scoped3A = tpu.sem_alloc : memref<!tpu.dma_semaphore, #tpu.memory_space<semaphore_mem>>
      %dma_start3A = tpu.memref_slice %arg5[%add3A_205] : memref<327680xi32, #tpu.memory_space<hbm>> -> memref<512xi32, #tpu.memory_space<hbm>>
      %dma_start3A_333 = tpu.memref_slice %arg5[%add3A_205] : memref<327680xi32, #tpu.memory_space<hbm>> -> memref<512xi32, #tpu.memory_space<hbm>>
      tpu.enqueue_dma source(%dma_start3A_333 : memref<512xi32, #tpu.memory_space<hbm>>) target(%arg11 : memref<512xi32, #tpu.memory_space<vmem>>) target_semaphore(%run_scoped3A : memref<!tpu.dma_semaphore, #tpu.memory_space<semaphore_mem>>)
      %dma_wait3A = tpu.memref_slice %arg5[%add3A_205] : memref<327680xi32, #tpu.memory_space<hbm>> -> memref<512xi32, #tpu.memory_space<hbm>>
      %dma_wait3A_334 = tpu.memref_slice %arg5[%add3A_205] : memref<327680xi32, #tpu.memory_space<hbm>> -> memref<512xi32, #tpu.memory_space<hbm>>
      tpu.wait_dma2 semaphore(%run_scoped3A : memref<!tpu.dma_semaphore, #tpu.memory_space<semaphore_mem>>) src(%dma_wait3A_334 : memref<512xi32, #tpu.memory_space<hbm>>) dst(%arg11 : memref<512xi32, #tpu.memory_space<vmem>>)
      tpu.yield
    }) : () -> ()
    %scan3A_206 = arith.constant 0 : i32
    %scan3A_207 = arith.constant 8 : i32
    %scan3A_208 = arith.addi %scan3A_206, %scan3A_207 : i32
    %scan3A_209 = arith.constant 1 : i32
    scf.for %scan3A_333 = %scan3A_206 to %scan3A_208 step %scan3A_209  : i32 {
      %mul3A_334 = arith.constant 1 : i32
      %mul3A_335 = arith.muli %scan3A_333, %mul3A_334 : i32
      %add3A_336 = arith.constant 0 : i32
      %add3A_337 = arith.addi %add3A_336, %mul3A_335 : i32
      %dma_start3A = arith.constant 0 : i32
      %dma_start3A_338 = tpu.memref_slice %arg9[%add3A_337, %dma_start3A] : memref<8x64xi32, #tpu.memory_space<vmem>> -> memref<1x64xi32, #tpu.memory_space<vmem>>
      %dma_start3A_339 = tpu.memref_squeeze %dma_start3A_338 : memref<1x64xi32, #tpu.memory_space<vmem>> -> memref<64xi32, #tpu.memory_space<vmem>>
      %dma_start3A_340 = arith.constant 0 : i32
      %dma_start3A_341 = arith.constant 0 : i32
      %dma_start3A_342 = tpu.memref_slice %arg2[%dma_start3A_340, %dma_start3A_341] : memref<10000x128xf32, #tpu.memory_space<hbm>> -> memref<10000x128xf32, #tpu.memory_space<hbm>>
      tpu.enqueue_indirect_dma source(%dma_start3A_342 : memref<10000x128xf32, #tpu.memory_space<hbm>>) target(%arg12 : memref<64x128xf32, #tpu.memory_space<vmem>>) offsets(%dma_start3A_339 : memref<64xi32, #tpu.memory_space<vmem>>) semaphore(%arg15 : memref<!tpu.dma_semaphore, #tpu.memory_space<semaphore_mem>>)
      %dma_wait3A = arith.constant 0 : i32
      %dma_wait3A_343 = tpu.memref_slice %arg9[%add3A_337, %dma_wait3A] : memref<8x64xi32, #tpu.memory_space<vmem>> -> memref<1x64xi32, #tpu.memory_space<vmem>>
      %dma_wait3A_344 = tpu.memref_squeeze %dma_wait3A_343 : memref<1x64xi32, #tpu.memory_space<vmem>> -> memref<64xi32, #tpu.memory_space<vmem>>
      %dma_wait3A_345 = arith.constant 0 : i32
      %dma_wait3A_346 = arith.constant 0 : i32
      %dma_wait3A_347 = tpu.memref_slice %arg2[%dma_wait3A_345, %dma_wait3A_346] : memref<10000x128xf32, #tpu.memory_space<hbm>> -> memref<10000x128xf32, #tpu.memory_space<hbm>>
      tpu.wait_indirect_dma semaphore(%arg15 : memref<!tpu.dma_semaphore, #tpu.memory_space<semaphore_mem>>) src(%dma_wait3A_347 : memref<10000x128xf32, #tpu.memory_space<hbm>>) dst(%arg12 : memref<64x128xf32, #tpu.memory_space<vmem>>)
      "tpu.region"() ({
        %run_scoped3A = tpu.sem_alloc : memref<!tpu.dma_semaphore, #tpu.memory_space<semaphore_mem>>
        %dma_start3A_348 = arith.constant 0 : i32
        %dma_start3A_349 = tpu.memref_slice %arg10[%add3A_337, %dma_start3A_348] : memref<8x64xi32, #tpu.memory_space<vmem>> -> memref<1x64xi32, #tpu.memory_space<vmem>>
        %dma_start3A_350 = tpu.memref_squeeze %dma_start3A_349 : memref<1x64xi32, #tpu.memory_space<vmem>> -> memref<64xi32, #tpu.memory_space<vmem>>
        %dma_start3A_351 = arith.constant 0 : i32
        %dma_start3A_352 = arith.constant 0 : i32
        %dma_start3A_353 = tpu.memref_slice %arg14[%dma_start3A_351, %dma_start3A_352] : memref<10240x128xf32, #tpu.memory_space<vmem_shared>> -> memref<10240x128xf32, #tpu.memory_space<vmem_shared>>
        tpu.enqueue_indirect_dma source(%arg12 : memref<64x128xf32, #tpu.memory_space<vmem>>) target(%dma_start3A_353 : memref<10240x128xf32, #tpu.memory_space<vmem_shared>>) offsets(%dma_start3A_350 : memref<64xi32, #tpu.memory_space<vmem>>) semaphore(%run_scoped3A : memref<!tpu.dma_semaphore, #tpu.memory_space<semaphore_mem>>) {add = true}
        %dma_wait3A_354 = arith.constant 0 : i32
        %dma_wait3A_355 = tpu.memref_slice %arg10[%add3A_337, %dma_wait3A_354] : memref<8x64xi32, #tpu.memory_space<vmem>> -> memref<1x64xi32, #tpu.memory_space<vmem>>
        %dma_wait3A_356 = tpu.memref_squeeze %dma_wait3A_355 : memref<1x64xi32, #tpu.memory_space<vmem>> -> memref<64xi32, #tpu.memory_space<vmem>>
        %dma_wait3A_357 = arith.constant 0 : i32
        %dma_wait3A_358 = arith.constant 0 : i32
        %dma_wait3A_359 = tpu.memref_slice %arg14[%dma_wait3A_357, %dma_wait3A_358] : memref<10240x128xf32, #tpu.memory_space<vmem_shared>> -> memref<10240x128xf32, #tpu.memory_space<vmem_shared>>
        tpu.wait_indirect_dma semaphore(%run_scoped3A : memref<!tpu.dma_semaphore, #tpu.memory_space<semaphore_mem>>) src(%arg12 : memref<64x128xf32, #tpu.memory_space<vmem>>) dst(%dma_wait3A_359 : memref<10240x128xf32, #tpu.memory_space<vmem_shared>>)
        tpu.yield
      }) : () -> ()
    }
    %scan3A_210 = arith.constant 8 : i32
    %scan3A_211 = arith.constant 0 : i32
    %scan3A_212 = arith.constant 32 : i32
    %scan3A_213 = arith.addi %scan3A_211, %scan3A_212 : i32
    %scan3A_214 = arith.constant 1 : i32
    scf.for %scan3A_333 = %scan3A_211 to %scan3A_213 step %scan3A_214  : i32 {
      %mul3A_334 = arith.constant 1 : i32
      %mul3A_335 = arith.muli %scan3A_333, %mul3A_334 : i32
      %add3A_336 = arith.constant 0 : i32
      %add3A_337 = arith.addi %add3A_336, %mul3A_335 : i32
      %mul3A_338 = arith.constant 16 : i32
      %mul3A_339 = arith.muli %add3A_337, %mul3A_338 : i32
      %get3A = arith.index_cast %mul3A_339 : i32 to index
      %get3A_340 = tpu.vector_load %arg11[%get3A] {strides = array<i32>} : memref<512xi32, #tpu.memory_space<vmem>>, vector<16xi32>,
      tpu.vector_store_idx %arg13[%get3A_340], %broadcast_in_dim3A_47 {add = true} : memref<10240xf32, #tpu.memory_space<vmem>>[vector<16xi32>], vector<16xf32>,
    }
    %scan3A_215 = arith.constant 32 : i32
    "tpu.region"() ({
      %run_scoped3A = tpu.sem_alloc : memref<!tpu.dma_semaphore, #tpu.memory_space<semaphore_mem>>
      %dma_start3A = arith.constant 96 : i32
      %dma_start3A_333 = arith.constant 0 : i32
      %dma_start3A_334 = tpu.memref_slice %arg3[%add3A, %dma_start3A, %dma_start3A_333] : memref<32x160x64xi32, #tpu.memory_space<hbm>> -> memref<1x8x64xi32, #tpu.memory_space<hbm>>
      %dma_start3A_335 = tpu.memref_squeeze %dma_start3A_334 : memref<1x8x64xi32, #tpu.memory_space<hbm>> -> memref<8x64xi32, #tpu.memory_space<hbm>>
      %dma_start3A_336 = arith.constant 96 : i32
      %dma_start3A_337 = arith.constant 0 : i32
      %dma_start3A_338 = tpu.memref_slice %arg3[%add3A, %dma_start3A_336, %dma_start3A_337] : memref<32x160x64xi32, #tpu.memory_space<hbm>> -> memref<1x8x64xi32, #tpu.memory_space<hbm>>
      %dma_start3A_339 = tpu.memref_squeeze %dma_start3A_338 : memref<1x8x64xi32, #tpu.memory_space<hbm>> -> memref<8x64xi32, #tpu.memory_space<hbm>>
      tpu.enqueue_dma source(%dma_start3A_339 : memref<8x64xi32, #tpu.memory_space<hbm>>) target(%arg9 : memref<8x64xi32, #tpu.memory_space<vmem>>) target_semaphore(%run_scoped3A : memref<!tpu.dma_semaphore, #tpu.memory_space<semaphore_mem>>)
      %dma_wait3A = arith.constant 96 : i32
      %dma_wait3A_340 = arith.constant 0 : i32
      %dma_wait3A_341 = tpu.memref_slice %arg3[%add3A, %dma_wait3A, %dma_wait3A_340] : memref<32x160x64xi32, #tpu.memory_space<hbm>> -> memref<1x8x64xi32, #tpu.memory_space<hbm>>
      %dma_wait3A_342 = tpu.memref_squeeze %dma_wait3A_341 : memref<1x8x64xi32, #tpu.memory_space<hbm>> -> memref<8x64xi32, #tpu.memory_space<hbm>>
      %dma_wait3A_343 = arith.constant 96 : i32
      %dma_wait3A_344 = arith.constant 0 : i32
      %dma_wait3A_345 = tpu.memref_slice %arg3[%add3A, %dma_wait3A_343, %dma_wait3A_344] : memref<32x160x64xi32, #tpu.memory_space<hbm>> -> memref<1x8x64xi32, #tpu.memory_space<hbm>>
      %dma_wait3A_346 = tpu.memref_squeeze %dma_wait3A_345 : memref<1x8x64xi32, #tpu.memory_space<hbm>> -> memref<8x64xi32, #tpu.memory_space<hbm>>
      tpu.wait_dma2 semaphore(%run_scoped3A : memref<!tpu.dma_semaphore, #tpu.memory_space<semaphore_mem>>) src(%dma_wait3A_346 : memref<8x64xi32, #tpu.memory_space<hbm>>) dst(%arg9 : memref<8x64xi32, #tpu.memory_space<vmem>>)
      tpu.yield
    }) : () -> ()
    "tpu.region"() ({
      %run_scoped3A = tpu.sem_alloc : memref<!tpu.dma_semaphore, #tpu.memory_space<semaphore_mem>>
      %dma_start3A = arith.constant 96 : i32
      %dma_start3A_333 = arith.constant 0 : i32
      %dma_start3A_334 = tpu.memref_slice %arg4[%add3A, %dma_start3A, %dma_start3A_333] : memref<32x160x64xi32, #tpu.memory_space<hbm>> -> memref<1x8x64xi32, #tpu.memory_space<hbm>>
      %dma_start3A_335 = tpu.memref_squeeze %dma_start3A_334 : memref<1x8x64xi32, #tpu.memory_space<hbm>> -> memref<8x64xi32, #tpu.memory_space<hbm>>
      %dma_start3A_336 = arith.constant 96 : i32
      %dma_start3A_337 = arith.constant 0 : i32
      %dma_start3A_338 = tpu.memref_slice %arg4[%add3A, %dma_start3A_336, %dma_start3A_337] : memref<32x160x64xi32, #tpu.memory_space<hbm>> -> memref<1x8x64xi32, #tpu.memory_space<hbm>>
      %dma_start3A_339 = tpu.memref_squeeze %dma_start3A_338 : memref<1x8x64xi32, #tpu.memory_space<hbm>> -> memref<8x64xi32, #tpu.memory_space<hbm>>
      tpu.enqueue_dma source(%dma_start3A_339 : memref<8x64xi32, #tpu.memory_space<hbm>>) target(%arg10 : memref<8x64xi32, #tpu.memory_space<vmem>>) target_semaphore(%run_scoped3A : memref<!tpu.dma_semaphore, #tpu.memory_space<semaphore_mem>>)
      %dma_wait3A = arith.constant 96 : i32
      %dma_wait3A_340 = arith.constant 0 : i32
      %dma_wait3A_341 = tpu.memref_slice %arg4[%add3A, %dma_wait3A, %dma_wait3A_340] : memref<32x160x64xi32, #tpu.memory_space<hbm>> -> memref<1x8x64xi32, #tpu.memory_space<hbm>>
      %dma_wait3A_342 = tpu.memref_squeeze %dma_wait3A_341 : memref<1x8x64xi32, #tpu.memory_space<hbm>> -> memref<8x64xi32, #tpu.memory_space<hbm>>
      %dma_wait3A_343 = arith.constant 96 : i32
      %dma_wait3A_344 = arith.constant 0 : i32
      %dma_wait3A_345 = tpu.memref_slice %arg4[%add3A, %dma_wait3A_343, %dma_wait3A_344] : memref<32x160x64xi32, #tpu.memory_space<hbm>> -> memref<1x8x64xi32, #tpu.memory_space<hbm>>
      %dma_wait3A_346 = tpu.memref_squeeze %dma_wait3A_345 : memref<1x8x64xi32, #tpu.memory_space<hbm>> -> memref<8x64xi32, #tpu.memory_space<hbm>>
      tpu.wait_dma2 semaphore(%run_scoped3A : memref<!tpu.dma_semaphore, #tpu.memory_space<semaphore_mem>>) src(%dma_wait3A_346 : memref<8x64xi32, #tpu.memory_space<hbm>>) dst(%arg10 : memref<8x64xi32, #tpu.memory_space<vmem>>)
      tpu.yield
    }) : () -> ()
    %mul3A_216 = arith.constant 10240 : i32
    %mul3A_217 = arith.muli %add3A, %mul3A_216 : i32
    %add3A_218 = arith.constant 6144 : i32
    %add3A_219 = arith.addi %mul3A_217, %add3A_218 : i32
    "tpu.region"() ({
      %run_scoped3A = tpu.sem_alloc : memref<!tpu.dma_semaphore, #tpu.memory_space<semaphore_mem>>
      %dma_start3A = tpu.memref_slice %arg5[%add3A_219] : memref<327680xi32, #tpu.memory_space<hbm>> -> memref<512xi32, #tpu.memory_space<hbm>>
      %dma_start3A_333 = tpu.memref_slice %arg5[%add3A_219] : memref<327680xi32, #tpu.memory_space<hbm>> -> memref<512xi32, #tpu.memory_space<hbm>>
      tpu.enqueue_dma source(%dma_start3A_333 : memref<512xi32, #tpu.memory_space<hbm>>) target(%arg11 : memref<512xi32, #tpu.memory_space<vmem>>) target_semaphore(%run_scoped3A : memref<!tpu.dma_semaphore, #tpu.memory_space<semaphore_mem>>)
      %dma_wait3A = tpu.memref_slice %arg5[%add3A_219] : memref<327680xi32, #tpu.memory_space<hbm>> -> memref<512xi32, #tpu.memory_space<hbm>>
      %dma_wait3A_334 = tpu.memref_slice %arg5[%add3A_219] : memref<327680xi32, #tpu.memory_space<hbm>> -> memref<512xi32, #tpu.memory_space<hbm>>
      tpu.wait_dma2 semaphore(%run_scoped3A : memref<!tpu.dma_semaphore, #tpu.memory_space<semaphore_mem>>) src(%dma_wait3A_334 : memref<512xi32, #tpu.memory_space<hbm>>) dst(%arg11 : memref<512xi32, #tpu.memory_space<vmem>>)
      tpu.yield
    }) : () -> ()
    %scan3A_220 = arith.constant 0 : i32
    %scan3A_221 = arith.constant 8 : i32
    %scan3A_222 = arith.addi %scan3A_220, %scan3A_221 : i32
    %scan3A_223 = arith.constant 1 : i32
    scf.for %scan3A_333 = %scan3A_220 to %scan3A_222 step %scan3A_223  : i32 {
      %mul3A_334 = arith.constant 1 : i32
      %mul3A_335 = arith.muli %scan3A_333, %mul3A_334 : i32
      %add3A_336 = arith.constant 0 : i32
      %add3A_337 = arith.addi %add3A_336, %mul3A_335 : i32
      %dma_start3A = arith.constant 0 : i32
      %dma_start3A_338 = tpu.memref_slice %arg9[%add3A_337, %dma_start3A] : memref<8x64xi32, #tpu.memory_space<vmem>> -> memref<1x64xi32, #tpu.memory_space<vmem>>
      %dma_start3A_339 = tpu.memref_squeeze %dma_start3A_338 : memref<1x64xi32, #tpu.memory_space<vmem>> -> memref<64xi32, #tpu.memory_space<vmem>>
      %dma_start3A_340 = arith.constant 0 : i32
      %dma_start3A_341 = arith.constant 0 : i32
      %dma_start3A_342 = tpu.memref_slice %arg2[%dma_start3A_340, %dma_start3A_341] : memref<10000x128xf32, #tpu.memory_space<hbm>> -> memref<10000x128xf32, #tpu.memory_space<hbm>>
      tpu.enqueue_indirect_dma source(%dma_start3A_342 : memref<10000x128xf32, #tpu.memory_space<hbm>>) target(%arg12 : memref<64x128xf32, #tpu.memory_space<vmem>>) offsets(%dma_start3A_339 : memref<64xi32, #tpu.memory_space<vmem>>) semaphore(%arg15 : memref<!tpu.dma_semaphore, #tpu.memory_space<semaphore_mem>>)
      %dma_wait3A = arith.constant 0 : i32
      %dma_wait3A_343 = tpu.memref_slice %arg9[%add3A_337, %dma_wait3A] : memref<8x64xi32, #tpu.memory_space<vmem>> -> memref<1x64xi32, #tpu.memory_space<vmem>>
      %dma_wait3A_344 = tpu.memref_squeeze %dma_wait3A_343 : memref<1x64xi32, #tpu.memory_space<vmem>> -> memref<64xi32, #tpu.memory_space<vmem>>
      %dma_wait3A_345 = arith.constant 0 : i32
      %dma_wait3A_346 = arith.constant 0 : i32
      %dma_wait3A_347 = tpu.memref_slice %arg2[%dma_wait3A_345, %dma_wait3A_346] : memref<10000x128xf32, #tpu.memory_space<hbm>> -> memref<10000x128xf32, #tpu.memory_space<hbm>>
      tpu.wait_indirect_dma semaphore(%arg15 : memref<!tpu.dma_semaphore, #tpu.memory_space<semaphore_mem>>) src(%dma_wait3A_347 : memref<10000x128xf32, #tpu.memory_space<hbm>>) dst(%arg12 : memref<64x128xf32, #tpu.memory_space<vmem>>)
      "tpu.region"() ({
        %run_scoped3A = tpu.sem_alloc : memref<!tpu.dma_semaphore, #tpu.memory_space<semaphore_mem>>
        %dma_start3A_348 = arith.constant 0 : i32
        %dma_start3A_349 = tpu.memref_slice %arg10[%add3A_337, %dma_start3A_348] : memref<8x64xi32, #tpu.memory_space<vmem>> -> memref<1x64xi32, #tpu.memory_space<vmem>>
        %dma_start3A_350 = tpu.memref_squeeze %dma_start3A_349 : memref<1x64xi32, #tpu.memory_space<vmem>> -> memref<64xi32, #tpu.memory_space<vmem>>
        %dma_start3A_351 = arith.constant 0 : i32
        %dma_start3A_352 = arith.constant 0 : i32
        %dma_start3A_353 = tpu.memref_slice %arg14[%dma_start3A_351, %dma_start3A_352] : memref<10240x128xf32, #tpu.memory_space<vmem_shared>> -> memref<10240x128xf32, #tpu.memory_space<vmem_shared>>
        tpu.enqueue_indirect_dma source(%arg12 : memref<64x128xf32, #tpu.memory_space<vmem>>) target(%dma_start3A_353 : memref<10240x128xf32, #tpu.memory_space<vmem_shared>>) offsets(%dma_start3A_350 : memref<64xi32, #tpu.memory_space<vmem>>) semaphore(%run_scoped3A : memref<!tpu.dma_semaphore, #tpu.memory_space<semaphore_mem>>) {add = true}
        %dma_wait3A_354 = arith.constant 0 : i32
        %dma_wait3A_355 = tpu.memref_slice %arg10[%add3A_337, %dma_wait3A_354] : memref<8x64xi32, #tpu.memory_space<vmem>> -> memref<1x64xi32, #tpu.memory_space<vmem>>
        %dma_wait3A_356 = tpu.memref_squeeze %dma_wait3A_355 : memref<1x64xi32, #tpu.memory_space<vmem>> -> memref<64xi32, #tpu.memory_space<vmem>>
        %dma_wait3A_357 = arith.constant 0 : i32
        %dma_wait3A_358 = arith.constant 0 : i32
        %dma_wait3A_359 = tpu.memref_slice %arg14[%dma_wait3A_357, %dma_wait3A_358] : memref<10240x128xf32, #tpu.memory_space<vmem_shared>> -> memref<10240x128xf32, #tpu.memory_space<vmem_shared>>
        tpu.wait_indirect_dma semaphore(%run_scoped3A : memref<!tpu.dma_semaphore, #tpu.memory_space<semaphore_mem>>) src(%arg12 : memref<64x128xf32, #tpu.memory_space<vmem>>) dst(%dma_wait3A_359 : memref<10240x128xf32, #tpu.memory_space<vmem_shared>>)
        tpu.yield
      }) : () -> ()
    }
    %scan3A_224 = arith.constant 8 : i32
    %scan3A_225 = arith.constant 0 : i32
    %scan3A_226 = arith.constant 32 : i32
    %scan3A_227 = arith.addi %scan3A_225, %scan3A_226 : i32
    %scan3A_228 = arith.constant 1 : i32
    scf.for %scan3A_333 = %scan3A_225 to %scan3A_227 step %scan3A_228  : i32 {
      %mul3A_334 = arith.constant 1 : i32
      %mul3A_335 = arith.muli %scan3A_333, %mul3A_334 : i32
      %add3A_336 = arith.constant 0 : i32
      %add3A_337 = arith.addi %add3A_336, %mul3A_335 : i32
      %mul3A_338 = arith.constant 16 : i32
      %mul3A_339 = arith.muli %add3A_337, %mul3A_338 : i32
      %get3A = arith.index_cast %mul3A_339 : i32 to index
      %get3A_340 = tpu.vector_load %arg11[%get3A] {strides = array<i32>} : memref<512xi32, #tpu.memory_space<vmem>>, vector<16xi32>,
      tpu.vector_store_idx %arg13[%get3A_340], %broadcast_in_dim3A_47 {add = true} : memref<10240xf32, #tpu.memory_space<vmem>>[vector<16xi32>], vector<16xf32>,
    }
    %scan3A_229 = arith.constant 32 : i32
    "tpu.region"() ({
      %run_scoped3A = tpu.sem_alloc : memref<!tpu.dma_semaphore, #tpu.memory_space<semaphore_mem>>
      %dma_start3A = arith.constant 104 : i32
      %dma_start3A_333 = arith.constant 0 : i32
      %dma_start3A_334 = tpu.memref_slice %arg3[%add3A, %dma_start3A, %dma_start3A_333] : memref<32x160x64xi32, #tpu.memory_space<hbm>> -> memref<1x8x64xi32, #tpu.memory_space<hbm>>
      %dma_start3A_335 = tpu.memref_squeeze %dma_start3A_334 : memref<1x8x64xi32, #tpu.memory_space<hbm>> -> memref<8x64xi32, #tpu.memory_space<hbm>>
      %dma_start3A_336 = arith.constant 104 : i32
      %dma_start3A_337 = arith.constant 0 : i32
      %dma_start3A_338 = tpu.memref_slice %arg3[%add3A, %dma_start3A_336, %dma_start3A_337] : memref<32x160x64xi32, #tpu.memory_space<hbm>> -> memref<1x8x64xi32, #tpu.memory_space<hbm>>
      %dma_start3A_339 = tpu.memref_squeeze %dma_start3A_338 : memref<1x8x64xi32, #tpu.memory_space<hbm>> -> memref<8x64xi32, #tpu.memory_space<hbm>>
      tpu.enqueue_dma source(%dma_start3A_339 : memref<8x64xi32, #tpu.memory_space<hbm>>) target(%arg9 : memref<8x64xi32, #tpu.memory_space<vmem>>) target_semaphore(%run_scoped3A : memref<!tpu.dma_semaphore, #tpu.memory_space<semaphore_mem>>)
      %dma_wait3A = arith.constant 104 : i32
      %dma_wait3A_340 = arith.constant 0 : i32
      %dma_wait3A_341 = tpu.memref_slice %arg3[%add3A, %dma_wait3A, %dma_wait3A_340] : memref<32x160x64xi32, #tpu.memory_space<hbm>> -> memref<1x8x64xi32, #tpu.memory_space<hbm>>
      %dma_wait3A_342 = tpu.memref_squeeze %dma_wait3A_341 : memref<1x8x64xi32, #tpu.memory_space<hbm>> -> memref<8x64xi32, #tpu.memory_space<hbm>>
      %dma_wait3A_343 = arith.constant 104 : i32
      %dma_wait3A_344 = arith.constant 0 : i32
      %dma_wait3A_345 = tpu.memref_slice %arg3[%add3A, %dma_wait3A_343, %dma_wait3A_344] : memref<32x160x64xi32, #tpu.memory_space<hbm>> -> memref<1x8x64xi32, #tpu.memory_space<hbm>>
      %dma_wait3A_346 = tpu.memref_squeeze %dma_wait3A_345 : memref<1x8x64xi32, #tpu.memory_space<hbm>> -> memref<8x64xi32, #tpu.memory_space<hbm>>
      tpu.wait_dma2 semaphore(%run_scoped3A : memref<!tpu.dma_semaphore, #tpu.memory_space<semaphore_mem>>) src(%dma_wait3A_346 : memref<8x64xi32, #tpu.memory_space<hbm>>) dst(%arg9 : memref<8x64xi32, #tpu.memory_space<vmem>>)
      tpu.yield
    }) : () -> ()
    "tpu.region"() ({
      %run_scoped3A = tpu.sem_alloc : memref<!tpu.dma_semaphore, #tpu.memory_space<semaphore_mem>>
      %dma_start3A = arith.constant 104 : i32
      %dma_start3A_333 = arith.constant 0 : i32
      %dma_start3A_334 = tpu.memref_slice %arg4[%add3A, %dma_start3A, %dma_start3A_333] : memref<32x160x64xi32, #tpu.memory_space<hbm>> -> memref<1x8x64xi32, #tpu.memory_space<hbm>>
      %dma_start3A_335 = tpu.memref_squeeze %dma_start3A_334 : memref<1x8x64xi32, #tpu.memory_space<hbm>> -> memref<8x64xi32, #tpu.memory_space<hbm>>
      %dma_start3A_336 = arith.constant 104 : i32
      %dma_start3A_337 = arith.constant 0 : i32
      %dma_start3A_338 = tpu.memref_slice %arg4[%add3A, %dma_start3A_336, %dma_start3A_337] : memref<32x160x64xi32, #tpu.memory_space<hbm>> -> memref<1x8x64xi32, #tpu.memory_space<hbm>>
      %dma_start3A_339 = tpu.memref_squeeze %dma_start3A_338 : memref<1x8x64xi32, #tpu.memory_space<hbm>> -> memref<8x64xi32, #tpu.memory_space<hbm>>
      tpu.enqueue_dma source(%dma_start3A_339 : memref<8x64xi32, #tpu.memory_space<hbm>>) target(%arg10 : memref<8x64xi32, #tpu.memory_space<vmem>>) target_semaphore(%run_scoped3A : memref<!tpu.dma_semaphore, #tpu.memory_space<semaphore_mem>>)
      %dma_wait3A = arith.constant 104 : i32
      %dma_wait3A_340 = arith.constant 0 : i32
      %dma_wait3A_341 = tpu.memref_slice %arg4[%add3A, %dma_wait3A, %dma_wait3A_340] : memref<32x160x64xi32, #tpu.memory_space<hbm>> -> memref<1x8x64xi32, #tpu.memory_space<hbm>>
      %dma_wait3A_342 = tpu.memref_squeeze %dma_wait3A_341 : memref<1x8x64xi32, #tpu.memory_space<hbm>> -> memref<8x64xi32, #tpu.memory_space<hbm>>
      %dma_wait3A_343 = arith.constant 104 : i32
      %dma_wait3A_344 = arith.constant 0 : i32
      %dma_wait3A_345 = tpu.memref_slice %arg4[%add3A, %dma_wait3A_343, %dma_wait3A_344] : memref<32x160x64xi32, #tpu.memory_space<hbm>> -> memref<1x8x64xi32, #tpu.memory_space<hbm>>
      %dma_wait3A_346 = tpu.memref_squeeze %dma_wait3A_345 : memref<1x8x64xi32, #tpu.memory_space<hbm>> -> memref<8x64xi32, #tpu.memory_space<hbm>>
      tpu.wait_dma2 semaphore(%run_scoped3A : memref<!tpu.dma_semaphore, #tpu.memory_space<semaphore_mem>>) src(%dma_wait3A_346 : memref<8x64xi32, #tpu.memory_space<hbm>>) dst(%arg10 : memref<8x64xi32, #tpu.memory_space<vmem>>)
      tpu.yield
    }) : () -> ()
    %mul3A_230 = arith.constant 10240 : i32
    %mul3A_231 = arith.muli %add3A, %mul3A_230 : i32
    %add3A_232 = arith.constant 6656 : i32
    %add3A_233 = arith.addi %mul3A_231, %add3A_232 : i32
    "tpu.region"() ({
      %run_scoped3A = tpu.sem_alloc : memref<!tpu.dma_semaphore, #tpu.memory_space<semaphore_mem>>
      %dma_start3A = tpu.memref_slice %arg5[%add3A_233] : memref<327680xi32, #tpu.memory_space<hbm>> -> memref<512xi32, #tpu.memory_space<hbm>>
      %dma_start3A_333 = tpu.memref_slice %arg5[%add3A_233] : memref<327680xi32, #tpu.memory_space<hbm>> -> memref<512xi32, #tpu.memory_space<hbm>>
      tpu.enqueue_dma source(%dma_start3A_333 : memref<512xi32, #tpu.memory_space<hbm>>) target(%arg11 : memref<512xi32, #tpu.memory_space<vmem>>) target_semaphore(%run_scoped3A : memref<!tpu.dma_semaphore, #tpu.memory_space<semaphore_mem>>)
      %dma_wait3A = tpu.memref_slice %arg5[%add3A_233] : memref<327680xi32, #tpu.memory_space<hbm>> -> memref<512xi32, #tpu.memory_space<hbm>>
      %dma_wait3A_334 = tpu.memref_slice %arg5[%add3A_233] : memref<327680xi32, #tpu.memory_space<hbm>> -> memref<512xi32, #tpu.memory_space<hbm>>
      tpu.wait_dma2 semaphore(%run_scoped3A : memref<!tpu.dma_semaphore, #tpu.memory_space<semaphore_mem>>) src(%dma_wait3A_334 : memref<512xi32, #tpu.memory_space<hbm>>) dst(%arg11 : memref<512xi32, #tpu.memory_space<vmem>>)
      tpu.yield
    }) : () -> ()
    %scan3A_234 = arith.constant 0 : i32
    %scan3A_235 = arith.constant 8 : i32
    %scan3A_236 = arith.addi %scan3A_234, %scan3A_235 : i32
    %scan3A_237 = arith.constant 1 : i32
    scf.for %scan3A_333 = %scan3A_234 to %scan3A_236 step %scan3A_237  : i32 {
      %mul3A_334 = arith.constant 1 : i32
      %mul3A_335 = arith.muli %scan3A_333, %mul3A_334 : i32
      %add3A_336 = arith.constant 0 : i32
      %add3A_337 = arith.addi %add3A_336, %mul3A_335 : i32
      %dma_start3A = arith.constant 0 : i32
      %dma_start3A_338 = tpu.memref_slice %arg9[%add3A_337, %dma_start3A] : memref<8x64xi32, #tpu.memory_space<vmem>> -> memref<1x64xi32, #tpu.memory_space<vmem>>
      %dma_start3A_339 = tpu.memref_squeeze %dma_start3A_338 : memref<1x64xi32, #tpu.memory_space<vmem>> -> memref<64xi32, #tpu.memory_space<vmem>>
      %dma_start3A_340 = arith.constant 0 : i32
      %dma_start3A_341 = arith.constant 0 : i32
      %dma_start3A_342 = tpu.memref_slice %arg2[%dma_start3A_340, %dma_start3A_341] : memref<10000x128xf32, #tpu.memory_space<hbm>> -> memref<10000x128xf32, #tpu.memory_space<hbm>>
      tpu.enqueue_indirect_dma source(%dma_start3A_342 : memref<10000x128xf32, #tpu.memory_space<hbm>>) target(%arg12 : memref<64x128xf32, #tpu.memory_space<vmem>>) offsets(%dma_start3A_339 : memref<64xi32, #tpu.memory_space<vmem>>) semaphore(%arg15 : memref<!tpu.dma_semaphore, #tpu.memory_space<semaphore_mem>>)
      %dma_wait3A = arith.constant 0 : i32
      %dma_wait3A_343 = tpu.memref_slice %arg9[%add3A_337, %dma_wait3A] : memref<8x64xi32, #tpu.memory_space<vmem>> -> memref<1x64xi32, #tpu.memory_space<vmem>>
      %dma_wait3A_344 = tpu.memref_squeeze %dma_wait3A_343 : memref<1x64xi32, #tpu.memory_space<vmem>> -> memref<64xi32, #tpu.memory_space<vmem>>
      %dma_wait3A_345 = arith.constant 0 : i32
      %dma_wait3A_346 = arith.constant 0 : i32
      %dma_wait3A_347 = tpu.memref_slice %arg2[%dma_wait3A_345, %dma_wait3A_346] : memref<10000x128xf32, #tpu.memory_space<hbm>> -> memref<10000x128xf32, #tpu.memory_space<hbm>>
      tpu.wait_indirect_dma semaphore(%arg15 : memref<!tpu.dma_semaphore, #tpu.memory_space<semaphore_mem>>) src(%dma_wait3A_347 : memref<10000x128xf32, #tpu.memory_space<hbm>>) dst(%arg12 : memref<64x128xf32, #tpu.memory_space<vmem>>)
      "tpu.region"() ({
        %run_scoped3A = tpu.sem_alloc : memref<!tpu.dma_semaphore, #tpu.memory_space<semaphore_mem>>
        %dma_start3A_348 = arith.constant 0 : i32
        %dma_start3A_349 = tpu.memref_slice %arg10[%add3A_337, %dma_start3A_348] : memref<8x64xi32, #tpu.memory_space<vmem>> -> memref<1x64xi32, #tpu.memory_space<vmem>>
        %dma_start3A_350 = tpu.memref_squeeze %dma_start3A_349 : memref<1x64xi32, #tpu.memory_space<vmem>> -> memref<64xi32, #tpu.memory_space<vmem>>
        %dma_start3A_351 = arith.constant 0 : i32
        %dma_start3A_352 = arith.constant 0 : i32
        %dma_start3A_353 = tpu.memref_slice %arg14[%dma_start3A_351, %dma_start3A_352] : memref<10240x128xf32, #tpu.memory_space<vmem_shared>> -> memref<10240x128xf32, #tpu.memory_space<vmem_shared>>
        tpu.enqueue_indirect_dma source(%arg12 : memref<64x128xf32, #tpu.memory_space<vmem>>) target(%dma_start3A_353 : memref<10240x128xf32, #tpu.memory_space<vmem_shared>>) offsets(%dma_start3A_350 : memref<64xi32, #tpu.memory_space<vmem>>) semaphore(%run_scoped3A : memref<!tpu.dma_semaphore, #tpu.memory_space<semaphore_mem>>) {add = true}
        %dma_wait3A_354 = arith.constant 0 : i32
        %dma_wait3A_355 = tpu.memref_slice %arg10[%add3A_337, %dma_wait3A_354] : memref<8x64xi32, #tpu.memory_space<vmem>> -> memref<1x64xi32, #tpu.memory_space<vmem>>
        %dma_wait3A_356 = tpu.memref_squeeze %dma_wait3A_355 : memref<1x64xi32, #tpu.memory_space<vmem>> -> memref<64xi32, #tpu.memory_space<vmem>>
        %dma_wait3A_357 = arith.constant 0 : i32
        %dma_wait3A_358 = arith.constant 0 : i32
        %dma_wait3A_359 = tpu.memref_slice %arg14[%dma_wait3A_357, %dma_wait3A_358] : memref<10240x128xf32, #tpu.memory_space<vmem_shared>> -> memref<10240x128xf32, #tpu.memory_space<vmem_shared>>
        tpu.wait_indirect_dma semaphore(%run_scoped3A : memref<!tpu.dma_semaphore, #tpu.memory_space<semaphore_mem>>) src(%arg12 : memref<64x128xf32, #tpu.memory_space<vmem>>) dst(%dma_wait3A_359 : memref<10240x128xf32, #tpu.memory_space<vmem_shared>>)
        tpu.yield
      }) : () -> ()
    }
    %scan3A_238 = arith.constant 8 : i32
    %scan3A_239 = arith.constant 0 : i32
    %scan3A_240 = arith.constant 32 : i32
    %scan3A_241 = arith.addi %scan3A_239, %scan3A_240 : i32
    %scan3A_242 = arith.constant 1 : i32
    scf.for %scan3A_333 = %scan3A_239 to %scan3A_241 step %scan3A_242  : i32 {
      %mul3A_334 = arith.constant 1 : i32
      %mul3A_335 = arith.muli %scan3A_333, %mul3A_334 : i32
      %add3A_336 = arith.constant 0 : i32
      %add3A_337 = arith.addi %add3A_336, %mul3A_335 : i32
      %mul3A_338 = arith.constant 16 : i32
      %mul3A_339 = arith.muli %add3A_337, %mul3A_338 : i32
      %get3A = arith.index_cast %mul3A_339 : i32 to index
      %get3A_340 = tpu.vector_load %arg11[%get3A] {strides = array<i32>} : memref<512xi32, #tpu.memory_space<vmem>>, vector<16xi32>,
      tpu.vector_store_idx %arg13[%get3A_340], %broadcast_in_dim3A_47 {add = true} : memref<10240xf32, #tpu.memory_space<vmem>>[vector<16xi32>], vector<16xf32>,
    }
    %scan3A_243 = arith.constant 32 : i32
    "tpu.region"() ({
      %run_scoped3A = tpu.sem_alloc : memref<!tpu.dma_semaphore, #tpu.memory_space<semaphore_mem>>
      %dma_start3A = arith.constant 112 : i32
      %dma_start3A_333 = arith.constant 0 : i32
      %dma_start3A_334 = tpu.memref_slice %arg3[%add3A, %dma_start3A, %dma_start3A_333] : memref<32x160x64xi32, #tpu.memory_space<hbm>> -> memref<1x8x64xi32, #tpu.memory_space<hbm>>
      %dma_start3A_335 = tpu.memref_squeeze %dma_start3A_334 : memref<1x8x64xi32, #tpu.memory_space<hbm>> -> memref<8x64xi32, #tpu.memory_space<hbm>>
      %dma_start3A_336 = arith.constant 112 : i32
      %dma_start3A_337 = arith.constant 0 : i32
      %dma_start3A_338 = tpu.memref_slice %arg3[%add3A, %dma_start3A_336, %dma_start3A_337] : memref<32x160x64xi32, #tpu.memory_space<hbm>> -> memref<1x8x64xi32, #tpu.memory_space<hbm>>
      %dma_start3A_339 = tpu.memref_squeeze %dma_start3A_338 : memref<1x8x64xi32, #tpu.memory_space<hbm>> -> memref<8x64xi32, #tpu.memory_space<hbm>>
      tpu.enqueue_dma source(%dma_start3A_339 : memref<8x64xi32, #tpu.memory_space<hbm>>) target(%arg9 : memref<8x64xi32, #tpu.memory_space<vmem>>) target_semaphore(%run_scoped3A : memref<!tpu.dma_semaphore, #tpu.memory_space<semaphore_mem>>)
      %dma_wait3A = arith.constant 112 : i32
      %dma_wait3A_340 = arith.constant 0 : i32
      %dma_wait3A_341 = tpu.memref_slice %arg3[%add3A, %dma_wait3A, %dma_wait3A_340] : memref<32x160x64xi32, #tpu.memory_space<hbm>> -> memref<1x8x64xi32, #tpu.memory_space<hbm>>
      %dma_wait3A_342 = tpu.memref_squeeze %dma_wait3A_341 : memref<1x8x64xi32, #tpu.memory_space<hbm>> -> memref<8x64xi32, #tpu.memory_space<hbm>>
      %dma_wait3A_343 = arith.constant 112 : i32
      %dma_wait3A_344 = arith.constant 0 : i32
      %dma_wait3A_345 = tpu.memref_slice %arg3[%add3A, %dma_wait3A_343, %dma_wait3A_344] : memref<32x160x64xi32, #tpu.memory_space<hbm>> -> memref<1x8x64xi32, #tpu.memory_space<hbm>>
      %dma_wait3A_346 = tpu.memref_squeeze %dma_wait3A_345 : memref<1x8x64xi32, #tpu.memory_space<hbm>> -> memref<8x64xi32, #tpu.memory_space<hbm>>
      tpu.wait_dma2 semaphore(%run_scoped3A : memref<!tpu.dma_semaphore, #tpu.memory_space<semaphore_mem>>) src(%dma_wait3A_346 : memref<8x64xi32, #tpu.memory_space<hbm>>) dst(%arg9 : memref<8x64xi32, #tpu.memory_space<vmem>>)
      tpu.yield
    }) : () -> ()
    "tpu.region"() ({
      %run_scoped3A = tpu.sem_alloc : memref<!tpu.dma_semaphore, #tpu.memory_space<semaphore_mem>>
      %dma_start3A = arith.constant 112 : i32
      %dma_start3A_333 = arith.constant 0 : i32
      %dma_start3A_334 = tpu.memref_slice %arg4[%add3A, %dma_start3A, %dma_start3A_333] : memref<32x160x64xi32, #tpu.memory_space<hbm>> -> memref<1x8x64xi32, #tpu.memory_space<hbm>>
      %dma_start3A_335 = tpu.memref_squeeze %dma_start3A_334 : memref<1x8x64xi32, #tpu.memory_space<hbm>> -> memref<8x64xi32, #tpu.memory_space<hbm>>
      %dma_start3A_336 = arith.constant 112 : i32
      %dma_start3A_337 = arith.constant 0 : i32
      %dma_start3A_338 = tpu.memref_slice %arg4[%add3A, %dma_start3A_336, %dma_start3A_337] : memref<32x160x64xi32, #tpu.memory_space<hbm>> -> memref<1x8x64xi32, #tpu.memory_space<hbm>>
      %dma_start3A_339 = tpu.memref_squeeze %dma_start3A_338 : memref<1x8x64xi32, #tpu.memory_space<hbm>> -> memref<8x64xi32, #tpu.memory_space<hbm>>
      tpu.enqueue_dma source(%dma_start3A_339 : memref<8x64xi32, #tpu.memory_space<hbm>>) target(%arg10 : memref<8x64xi32, #tpu.memory_space<vmem>>) target_semaphore(%run_scoped3A : memref<!tpu.dma_semaphore, #tpu.memory_space<semaphore_mem>>)
      %dma_wait3A = arith.constant 112 : i32
      %dma_wait3A_340 = arith.constant 0 : i32
      %dma_wait3A_341 = tpu.memref_slice %arg4[%add3A, %dma_wait3A, %dma_wait3A_340] : memref<32x160x64xi32, #tpu.memory_space<hbm>> -> memref<1x8x64xi32, #tpu.memory_space<hbm>>
      %dma_wait3A_342 = tpu.memref_squeeze %dma_wait3A_341 : memref<1x8x64xi32, #tpu.memory_space<hbm>> -> memref<8x64xi32, #tpu.memory_space<hbm>>
      %dma_wait3A_343 = arith.constant 112 : i32
      %dma_wait3A_344 = arith.constant 0 : i32
      %dma_wait3A_345 = tpu.memref_slice %arg4[%add3A, %dma_wait3A_343, %dma_wait3A_344] : memref<32x160x64xi32, #tpu.memory_space<hbm>> -> memref<1x8x64xi32, #tpu.memory_space<hbm>>
      %dma_wait3A_346 = tpu.memref_squeeze %dma_wait3A_345 : memref<1x8x64xi32, #tpu.memory_space<hbm>> -> memref<8x64xi32, #tpu.memory_space<hbm>>
      tpu.wait_dma2 semaphore(%run_scoped3A : memref<!tpu.dma_semaphore, #tpu.memory_space<semaphore_mem>>) src(%dma_wait3A_346 : memref<8x64xi32, #tpu.memory_space<hbm>>) dst(%arg10 : memref<8x64xi32, #tpu.memory_space<vmem>>)
      tpu.yield
    }) : () -> ()
    %mul3A_244 = arith.constant 10240 : i32
    %mul3A_245 = arith.muli %add3A, %mul3A_244 : i32
    %add3A_246 = arith.constant 7168 : i32
    %add3A_247 = arith.addi %mul3A_245, %add3A_246 : i32
    "tpu.region"() ({
      %run_scoped3A = tpu.sem_alloc : memref<!tpu.dma_semaphore, #tpu.memory_space<semaphore_mem>>
      %dma_start3A = tpu.memref_slice %arg5[%add3A_247] : memref<327680xi32, #tpu.memory_space<hbm>> -> memref<512xi32, #tpu.memory_space<hbm>>
      %dma_start3A_333 = tpu.memref_slice %arg5[%add3A_247] : memref<327680xi32, #tpu.memory_space<hbm>> -> memref<512xi32, #tpu.memory_space<hbm>>
      tpu.enqueue_dma source(%dma_start3A_333 : memref<512xi32, #tpu.memory_space<hbm>>) target(%arg11 : memref<512xi32, #tpu.memory_space<vmem>>) target_semaphore(%run_scoped3A : memref<!tpu.dma_semaphore, #tpu.memory_space<semaphore_mem>>)
      %dma_wait3A = tpu.memref_slice %arg5[%add3A_247] : memref<327680xi32, #tpu.memory_space<hbm>> -> memref<512xi32, #tpu.memory_space<hbm>>
      %dma_wait3A_334 = tpu.memref_slice %arg5[%add3A_247] : memref<327680xi32, #tpu.memory_space<hbm>> -> memref<512xi32, #tpu.memory_space<hbm>>
      tpu.wait_dma2 semaphore(%run_scoped3A : memref<!tpu.dma_semaphore, #tpu.memory_space<semaphore_mem>>) src(%dma_wait3A_334 : memref<512xi32, #tpu.memory_space<hbm>>) dst(%arg11 : memref<512xi32, #tpu.memory_space<vmem>>)
      tpu.yield
    }) : () -> ()
    %scan3A_248 = arith.constant 0 : i32
    %scan3A_249 = arith.constant 8 : i32
    %scan3A_250 = arith.addi %scan3A_248, %scan3A_249 : i32
    %scan3A_251 = arith.constant 1 : i32
    scf.for %scan3A_333 = %scan3A_248 to %scan3A_250 step %scan3A_251  : i32 {
      %mul3A_334 = arith.constant 1 : i32
      %mul3A_335 = arith.muli %scan3A_333, %mul3A_334 : i32
      %add3A_336 = arith.constant 0 : i32
      %add3A_337 = arith.addi %add3A_336, %mul3A_335 : i32
      %dma_start3A = arith.constant 0 : i32
      %dma_start3A_338 = tpu.memref_slice %arg9[%add3A_337, %dma_start3A] : memref<8x64xi32, #tpu.memory_space<vmem>> -> memref<1x64xi32, #tpu.memory_space<vmem>>
      %dma_start3A_339 = tpu.memref_squeeze %dma_start3A_338 : memref<1x64xi32, #tpu.memory_space<vmem>> -> memref<64xi32, #tpu.memory_space<vmem>>
      %dma_start3A_340 = arith.constant 0 : i32
      %dma_start3A_341 = arith.constant 0 : i32
      %dma_start3A_342 = tpu.memref_slice %arg2[%dma_start3A_340, %dma_start3A_341] : memref<10000x128xf32, #tpu.memory_space<hbm>> -> memref<10000x128xf32, #tpu.memory_space<hbm>>
      tpu.enqueue_indirect_dma source(%dma_start3A_342 : memref<10000x128xf32, #tpu.memory_space<hbm>>) target(%arg12 : memref<64x128xf32, #tpu.memory_space<vmem>>) offsets(%dma_start3A_339 : memref<64xi32, #tpu.memory_space<vmem>>) semaphore(%arg15 : memref<!tpu.dma_semaphore, #tpu.memory_space<semaphore_mem>>)
      %dma_wait3A = arith.constant 0 : i32
      %dma_wait3A_343 = tpu.memref_slice %arg9[%add3A_337, %dma_wait3A] : memref<8x64xi32, #tpu.memory_space<vmem>> -> memref<1x64xi32, #tpu.memory_space<vmem>>
      %dma_wait3A_344 = tpu.memref_squeeze %dma_wait3A_343 : memref<1x64xi32, #tpu.memory_space<vmem>> -> memref<64xi32, #tpu.memory_space<vmem>>
      %dma_wait3A_345 = arith.constant 0 : i32
      %dma_wait3A_346 = arith.constant 0 : i32
      %dma_wait3A_347 = tpu.memref_slice %arg2[%dma_wait3A_345, %dma_wait3A_346] : memref<10000x128xf32, #tpu.memory_space<hbm>> -> memref<10000x128xf32, #tpu.memory_space<hbm>>
      tpu.wait_indirect_dma semaphore(%arg15 : memref<!tpu.dma_semaphore, #tpu.memory_space<semaphore_mem>>) src(%dma_wait3A_347 : memref<10000x128xf32, #tpu.memory_space<hbm>>) dst(%arg12 : memref<64x128xf32, #tpu.memory_space<vmem>>)
      "tpu.region"() ({
        %run_scoped3A = tpu.sem_alloc : memref<!tpu.dma_semaphore, #tpu.memory_space<semaphore_mem>>
        %dma_start3A_348 = arith.constant 0 : i32
        %dma_start3A_349 = tpu.memref_slice %arg10[%add3A_337, %dma_start3A_348] : memref<8x64xi32, #tpu.memory_space<vmem>> -> memref<1x64xi32, #tpu.memory_space<vmem>>
        %dma_start3A_350 = tpu.memref_squeeze %dma_start3A_349 : memref<1x64xi32, #tpu.memory_space<vmem>> -> memref<64xi32, #tpu.memory_space<vmem>>
        %dma_start3A_351 = arith.constant 0 : i32
        %dma_start3A_352 = arith.constant 0 : i32
        %dma_start3A_353 = tpu.memref_slice %arg14[%dma_start3A_351, %dma_start3A_352] : memref<10240x128xf32, #tpu.memory_space<vmem_shared>> -> memref<10240x128xf32, #tpu.memory_space<vmem_shared>>
        tpu.enqueue_indirect_dma source(%arg12 : memref<64x128xf32, #tpu.memory_space<vmem>>) target(%dma_start3A_353 : memref<10240x128xf32, #tpu.memory_space<vmem_shared>>) offsets(%dma_start3A_350 : memref<64xi32, #tpu.memory_space<vmem>>) semaphore(%run_scoped3A : memref<!tpu.dma_semaphore, #tpu.memory_space<semaphore_mem>>) {add = true}
        %dma_wait3A_354 = arith.constant 0 : i32
        %dma_wait3A_355 = tpu.memref_slice %arg10[%add3A_337, %dma_wait3A_354] : memref<8x64xi32, #tpu.memory_space<vmem>> -> memref<1x64xi32, #tpu.memory_space<vmem>>
        %dma_wait3A_356 = tpu.memref_squeeze %dma_wait3A_355 : memref<1x64xi32, #tpu.memory_space<vmem>> -> memref<64xi32, #tpu.memory_space<vmem>>
        %dma_wait3A_357 = arith.constant 0 : i32
        %dma_wait3A_358 = arith.constant 0 : i32
        %dma_wait3A_359 = tpu.memref_slice %arg14[%dma_wait3A_357, %dma_wait3A_358] : memref<10240x128xf32, #tpu.memory_space<vmem_shared>> -> memref<10240x128xf32, #tpu.memory_space<vmem_shared>>
        tpu.wait_indirect_dma semaphore(%run_scoped3A : memref<!tpu.dma_semaphore, #tpu.memory_space<semaphore_mem>>) src(%arg12 : memref<64x128xf32, #tpu.memory_space<vmem>>) dst(%dma_wait3A_359 : memref<10240x128xf32, #tpu.memory_space<vmem_shared>>)
        tpu.yield
      }) : () -> ()
    }
    %scan3A_252 = arith.constant 8 : i32
    %scan3A_253 = arith.constant 0 : i32
    %scan3A_254 = arith.constant 32 : i32
    %scan3A_255 = arith.addi %scan3A_253, %scan3A_254 : i32
    %scan3A_256 = arith.constant 1 : i32
    scf.for %scan3A_333 = %scan3A_253 to %scan3A_255 step %scan3A_256  : i32 {
      %mul3A_334 = arith.constant 1 : i32
      %mul3A_335 = arith.muli %scan3A_333, %mul3A_334 : i32
      %add3A_336 = arith.constant 0 : i32
      %add3A_337 = arith.addi %add3A_336, %mul3A_335 : i32
      %mul3A_338 = arith.constant 16 : i32
      %mul3A_339 = arith.muli %add3A_337, %mul3A_338 : i32
      %get3A = arith.index_cast %mul3A_339 : i32 to index
      %get3A_340 = tpu.vector_load %arg11[%get3A] {strides = array<i32>} : memref<512xi32, #tpu.memory_space<vmem>>, vector<16xi32>,
      tpu.vector_store_idx %arg13[%get3A_340], %broadcast_in_dim3A_47 {add = true} : memref<10240xf32, #tpu.memory_space<vmem>>[vector<16xi32>], vector<16xf32>,
    }
    %scan3A_257 = arith.constant 32 : i32
    "tpu.region"() ({
      %run_scoped3A = tpu.sem_alloc : memref<!tpu.dma_semaphore, #tpu.memory_space<semaphore_mem>>
      %dma_start3A = arith.constant 120 : i32
      %dma_start3A_333 = arith.constant 0 : i32
      %dma_start3A_334 = tpu.memref_slice %arg3[%add3A, %dma_start3A, %dma_start3A_333] : memref<32x160x64xi32, #tpu.memory_space<hbm>> -> memref<1x8x64xi32, #tpu.memory_space<hbm>>
      %dma_start3A_335 = tpu.memref_squeeze %dma_start3A_334 : memref<1x8x64xi32, #tpu.memory_space<hbm>> -> memref<8x64xi32, #tpu.memory_space<hbm>>
      %dma_start3A_336 = arith.constant 120 : i32
      %dma_start3A_337 = arith.constant 0 : i32
      %dma_start3A_338 = tpu.memref_slice %arg3[%add3A, %dma_start3A_336, %dma_start3A_337] : memref<32x160x64xi32, #tpu.memory_space<hbm>> -> memref<1x8x64xi32, #tpu.memory_space<hbm>>
      %dma_start3A_339 = tpu.memref_squeeze %dma_start3A_338 : memref<1x8x64xi32, #tpu.memory_space<hbm>> -> memref<8x64xi32, #tpu.memory_space<hbm>>
      tpu.enqueue_dma source(%dma_start3A_339 : memref<8x64xi32, #tpu.memory_space<hbm>>) target(%arg9 : memref<8x64xi32, #tpu.memory_space<vmem>>) target_semaphore(%run_scoped3A : memref<!tpu.dma_semaphore, #tpu.memory_space<semaphore_mem>>)
      %dma_wait3A = arith.constant 120 : i32
      %dma_wait3A_340 = arith.constant 0 : i32
      %dma_wait3A_341 = tpu.memref_slice %arg3[%add3A, %dma_wait3A, %dma_wait3A_340] : memref<32x160x64xi32, #tpu.memory_space<hbm>> -> memref<1x8x64xi32, #tpu.memory_space<hbm>>
      %dma_wait3A_342 = tpu.memref_squeeze %dma_wait3A_341 : memref<1x8x64xi32, #tpu.memory_space<hbm>> -> memref<8x64xi32, #tpu.memory_space<hbm>>
      %dma_wait3A_343 = arith.constant 120 : i32
      %dma_wait3A_344 = arith.constant 0 : i32
      %dma_wait3A_345 = tpu.memref_slice %arg3[%add3A, %dma_wait3A_343, %dma_wait3A_344] : memref<32x160x64xi32, #tpu.memory_space<hbm>> -> memref<1x8x64xi32, #tpu.memory_space<hbm>>
      %dma_wait3A_346 = tpu.memref_squeeze %dma_wait3A_345 : memref<1x8x64xi32, #tpu.memory_space<hbm>> -> memref<8x64xi32, #tpu.memory_space<hbm>>
      tpu.wait_dma2 semaphore(%run_scoped3A : memref<!tpu.dma_semaphore, #tpu.memory_space<semaphore_mem>>) src(%dma_wait3A_346 : memref<8x64xi32, #tpu.memory_space<hbm>>) dst(%arg9 : memref<8x64xi32, #tpu.memory_space<vmem>>)
      tpu.yield
    }) : () -> ()
    "tpu.region"() ({
      %run_scoped3A = tpu.sem_alloc : memref<!tpu.dma_semaphore, #tpu.memory_space<semaphore_mem>>
      %dma_start3A = arith.constant 120 : i32
      %dma_start3A_333 = arith.constant 0 : i32
      %dma_start3A_334 = tpu.memref_slice %arg4[%add3A, %dma_start3A, %dma_start3A_333] : memref<32x160x64xi32, #tpu.memory_space<hbm>> -> memref<1x8x64xi32, #tpu.memory_space<hbm>>
      %dma_start3A_335 = tpu.memref_squeeze %dma_start3A_334 : memref<1x8x64xi32, #tpu.memory_space<hbm>> -> memref<8x64xi32, #tpu.memory_space<hbm>>
      %dma_start3A_336 = arith.constant 120 : i32
      %dma_start3A_337 = arith.constant 0 : i32
      %dma_start3A_338 = tpu.memref_slice %arg4[%add3A, %dma_start3A_336, %dma_start3A_337] : memref<32x160x64xi32, #tpu.memory_space<hbm>> -> memref<1x8x64xi32, #tpu.memory_space<hbm>>
      %dma_start3A_339 = tpu.memref_squeeze %dma_start3A_338 : memref<1x8x64xi32, #tpu.memory_space<hbm>> -> memref<8x64xi32, #tpu.memory_space<hbm>>
      tpu.enqueue_dma source(%dma_start3A_339 : memref<8x64xi32, #tpu.memory_space<hbm>>) target(%arg10 : memref<8x64xi32, #tpu.memory_space<vmem>>) target_semaphore(%run_scoped3A : memref<!tpu.dma_semaphore, #tpu.memory_space<semaphore_mem>>)
      %dma_wait3A = arith.constant 120 : i32
      %dma_wait3A_340 = arith.constant 0 : i32
      %dma_wait3A_341 = tpu.memref_slice %arg4[%add3A, %dma_wait3A, %dma_wait3A_340] : memref<32x160x64xi32, #tpu.memory_space<hbm>> -> memref<1x8x64xi32, #tpu.memory_space<hbm>>
      %dma_wait3A_342 = tpu.memref_squeeze %dma_wait3A_341 : memref<1x8x64xi32, #tpu.memory_space<hbm>> -> memref<8x64xi32, #tpu.memory_space<hbm>>
      %dma_wait3A_343 = arith.constant 120 : i32
      %dma_wait3A_344 = arith.constant 0 : i32
      %dma_wait3A_345 = tpu.memref_slice %arg4[%add3A, %dma_wait3A_343, %dma_wait3A_344] : memref<32x160x64xi32, #tpu.memory_space<hbm>> -> memref<1x8x64xi32, #tpu.memory_space<hbm>>
      %dma_wait3A_346 = tpu.memref_squeeze %dma_wait3A_345 : memref<1x8x64xi32, #tpu.memory_space<hbm>> -> memref<8x64xi32, #tpu.memory_space<hbm>>
      tpu.wait_dma2 semaphore(%run_scoped3A : memref<!tpu.dma_semaphore, #tpu.memory_space<semaphore_mem>>) src(%dma_wait3A_346 : memref<8x64xi32, #tpu.memory_space<hbm>>) dst(%arg10 : memref<8x64xi32, #tpu.memory_space<vmem>>)
      tpu.yield
    }) : () -> ()
    %mul3A_258 = arith.constant 10240 : i32
    %mul3A_259 = arith.muli %add3A, %mul3A_258 : i32
    %add3A_260 = arith.constant 7680 : i32
    %add3A_261 = arith.addi %mul3A_259, %add3A_260 : i32
    "tpu.region"() ({
      %run_scoped3A = tpu.sem_alloc : memref<!tpu.dma_semaphore, #tpu.memory_space<semaphore_mem>>
      %dma_start3A = tpu.memref_slice %arg5[%add3A_261] : memref<327680xi32, #tpu.memory_space<hbm>> -> memref<512xi32, #tpu.memory_space<hbm>>
      %dma_start3A_333 = tpu.memref_slice %arg5[%add3A_261] : memref<327680xi32, #tpu.memory_space<hbm>> -> memref<512xi32, #tpu.memory_space<hbm>>
      tpu.enqueue_dma source(%dma_start3A_333 : memref<512xi32, #tpu.memory_space<hbm>>) target(%arg11 : memref<512xi32, #tpu.memory_space<vmem>>) target_semaphore(%run_scoped3A : memref<!tpu.dma_semaphore, #tpu.memory_space<semaphore_mem>>)
      %dma_wait3A = tpu.memref_slice %arg5[%add3A_261] : memref<327680xi32, #tpu.memory_space<hbm>> -> memref<512xi32, #tpu.memory_space<hbm>>
      %dma_wait3A_334 = tpu.memref_slice %arg5[%add3A_261] : memref<327680xi32, #tpu.memory_space<hbm>> -> memref<512xi32, #tpu.memory_space<hbm>>
      tpu.wait_dma2 semaphore(%run_scoped3A : memref<!tpu.dma_semaphore, #tpu.memory_space<semaphore_mem>>) src(%dma_wait3A_334 : memref<512xi32, #tpu.memory_space<hbm>>) dst(%arg11 : memref<512xi32, #tpu.memory_space<vmem>>)
      tpu.yield
    }) : () -> ()
    %scan3A_262 = arith.constant 0 : i32
    %scan3A_263 = arith.constant 8 : i32
    %scan3A_264 = arith.addi %scan3A_262, %scan3A_263 : i32
    %scan3A_265 = arith.constant 1 : i32
    scf.for %scan3A_333 = %scan3A_262 to %scan3A_264 step %scan3A_265  : i32 {
      %mul3A_334 = arith.constant 1 : i32
      %mul3A_335 = arith.muli %scan3A_333, %mul3A_334 : i32
      %add3A_336 = arith.constant 0 : i32
      %add3A_337 = arith.addi %add3A_336, %mul3A_335 : i32
      %dma_start3A = arith.constant 0 : i32
      %dma_start3A_338 = tpu.memref_slice %arg9[%add3A_337, %dma_start3A] : memref<8x64xi32, #tpu.memory_space<vmem>> -> memref<1x64xi32, #tpu.memory_space<vmem>>
      %dma_start3A_339 = tpu.memref_squeeze %dma_start3A_338 : memref<1x64xi32, #tpu.memory_space<vmem>> -> memref<64xi32, #tpu.memory_space<vmem>>
      %dma_start3A_340 = arith.constant 0 : i32
      %dma_start3A_341 = arith.constant 0 : i32
      %dma_start3A_342 = tpu.memref_slice %arg2[%dma_start3A_340, %dma_start3A_341] : memref<10000x128xf32, #tpu.memory_space<hbm>> -> memref<10000x128xf32, #tpu.memory_space<hbm>>
      tpu.enqueue_indirect_dma source(%dma_start3A_342 : memref<10000x128xf32, #tpu.memory_space<hbm>>) target(%arg12 : memref<64x128xf32, #tpu.memory_space<vmem>>) offsets(%dma_start3A_339 : memref<64xi32, #tpu.memory_space<vmem>>) semaphore(%arg15 : memref<!tpu.dma_semaphore, #tpu.memory_space<semaphore_mem>>)
      %dma_wait3A = arith.constant 0 : i32
      %dma_wait3A_343 = tpu.memref_slice %arg9[%add3A_337, %dma_wait3A] : memref<8x64xi32, #tpu.memory_space<vmem>> -> memref<1x64xi32, #tpu.memory_space<vmem>>
      %dma_wait3A_344 = tpu.memref_squeeze %dma_wait3A_343 : memref<1x64xi32, #tpu.memory_space<vmem>> -> memref<64xi32, #tpu.memory_space<vmem>>
      %dma_wait3A_345 = arith.constant 0 : i32
      %dma_wait3A_346 = arith.constant 0 : i32
      %dma_wait3A_347 = tpu.memref_slice %arg2[%dma_wait3A_345, %dma_wait3A_346] : memref<10000x128xf32, #tpu.memory_space<hbm>> -> memref<10000x128xf32, #tpu.memory_space<hbm>>
      tpu.wait_indirect_dma semaphore(%arg15 : memref<!tpu.dma_semaphore, #tpu.memory_space<semaphore_mem>>) src(%dma_wait3A_347 : memref<10000x128xf32, #tpu.memory_space<hbm>>) dst(%arg12 : memref<64x128xf32, #tpu.memory_space<vmem>>)
      "tpu.region"() ({
        %run_scoped3A = tpu.sem_alloc : memref<!tpu.dma_semaphore, #tpu.memory_space<semaphore_mem>>
        %dma_start3A_348 = arith.constant 0 : i32
        %dma_start3A_349 = tpu.memref_slice %arg10[%add3A_337, %dma_start3A_348] : memref<8x64xi32, #tpu.memory_space<vmem>> -> memref<1x64xi32, #tpu.memory_space<vmem>>
        %dma_start3A_350 = tpu.memref_squeeze %dma_start3A_349 : memref<1x64xi32, #tpu.memory_space<vmem>> -> memref<64xi32, #tpu.memory_space<vmem>>
        %dma_start3A_351 = arith.constant 0 : i32
        %dma_start3A_352 = arith.constant 0 : i32
        %dma_start3A_353 = tpu.memref_slice %arg14[%dma_start3A_351, %dma_start3A_352] : memref<10240x128xf32, #tpu.memory_space<vmem_shared>> -> memref<10240x128xf32, #tpu.memory_space<vmem_shared>>
        tpu.enqueue_indirect_dma source(%arg12 : memref<64x128xf32, #tpu.memory_space<vmem>>) target(%dma_start3A_353 : memref<10240x128xf32, #tpu.memory_space<vmem_shared>>) offsets(%dma_start3A_350 : memref<64xi32, #tpu.memory_space<vmem>>) semaphore(%run_scoped3A : memref<!tpu.dma_semaphore, #tpu.memory_space<semaphore_mem>>) {add = true}
        %dma_wait3A_354 = arith.constant 0 : i32
        %dma_wait3A_355 = tpu.memref_slice %arg10[%add3A_337, %dma_wait3A_354] : memref<8x64xi32, #tpu.memory_space<vmem>> -> memref<1x64xi32, #tpu.memory_space<vmem>>
        %dma_wait3A_356 = tpu.memref_squeeze %dma_wait3A_355 : memref<1x64xi32, #tpu.memory_space<vmem>> -> memref<64xi32, #tpu.memory_space<vmem>>
        %dma_wait3A_357 = arith.constant 0 : i32
        %dma_wait3A_358 = arith.constant 0 : i32
        %dma_wait3A_359 = tpu.memref_slice %arg14[%dma_wait3A_357, %dma_wait3A_358] : memref<10240x128xf32, #tpu.memory_space<vmem_shared>> -> memref<10240x128xf32, #tpu.memory_space<vmem_shared>>
        tpu.wait_indirect_dma semaphore(%run_scoped3A : memref<!tpu.dma_semaphore, #tpu.memory_space<semaphore_mem>>) src(%arg12 : memref<64x128xf32, #tpu.memory_space<vmem>>) dst(%dma_wait3A_359 : memref<10240x128xf32, #tpu.memory_space<vmem_shared>>)
        tpu.yield
      }) : () -> ()
    }
    %scan3A_266 = arith.constant 8 : i32
    %scan3A_267 = arith.constant 0 : i32
    %scan3A_268 = arith.constant 32 : i32
    %scan3A_269 = arith.addi %scan3A_267, %scan3A_268 : i32
    %scan3A_270 = arith.constant 1 : i32
    scf.for %scan3A_333 = %scan3A_267 to %scan3A_269 step %scan3A_270  : i32 {
      %mul3A_334 = arith.constant 1 : i32
      %mul3A_335 = arith.muli %scan3A_333, %mul3A_334 : i32
      %add3A_336 = arith.constant 0 : i32
      %add3A_337 = arith.addi %add3A_336, %mul3A_335 : i32
      %mul3A_338 = arith.constant 16 : i32
      %mul3A_339 = arith.muli %add3A_337, %mul3A_338 : i32
      %get3A = arith.index_cast %mul3A_339 : i32 to index
      %get3A_340 = tpu.vector_load %arg11[%get3A] {strides = array<i32>} : memref<512xi32, #tpu.memory_space<vmem>>, vector<16xi32>,
      tpu.vector_store_idx %arg13[%get3A_340], %broadcast_in_dim3A_47 {add = true} : memref<10240xf32, #tpu.memory_space<vmem>>[vector<16xi32>], vector<16xf32>,
    }
    %scan3A_271 = arith.constant 32 : i32
    "tpu.region"() ({
      %run_scoped3A = tpu.sem_alloc : memref<!tpu.dma_semaphore, #tpu.memory_space<semaphore_mem>>
      %dma_start3A = arith.constant 128 : i32
      %dma_start3A_333 = arith.constant 0 : i32
      %dma_start3A_334 = tpu.memref_slice %arg3[%add3A, %dma_start3A, %dma_start3A_333] : memref<32x160x64xi32, #tpu.memory_space<hbm>> -> memref<1x8x64xi32, #tpu.memory_space<hbm>>
      %dma_start3A_335 = tpu.memref_squeeze %dma_start3A_334 : memref<1x8x64xi32, #tpu.memory_space<hbm>> -> memref<8x64xi32, #tpu.memory_space<hbm>>
      %dma_start3A_336 = arith.constant 128 : i32
      %dma_start3A_337 = arith.constant 0 : i32
      %dma_start3A_338 = tpu.memref_slice %arg3[%add3A, %dma_start3A_336, %dma_start3A_337] : memref<32x160x64xi32, #tpu.memory_space<hbm>> -> memref<1x8x64xi32, #tpu.memory_space<hbm>>
      %dma_start3A_339 = tpu.memref_squeeze %dma_start3A_338 : memref<1x8x64xi32, #tpu.memory_space<hbm>> -> memref<8x64xi32, #tpu.memory_space<hbm>>
      tpu.enqueue_dma source(%dma_start3A_339 : memref<8x64xi32, #tpu.memory_space<hbm>>) target(%arg9 : memref<8x64xi32, #tpu.memory_space<vmem>>) target_semaphore(%run_scoped3A : memref<!tpu.dma_semaphore, #tpu.memory_space<semaphore_mem>>)
      %dma_wait3A = arith.constant 128 : i32
      %dma_wait3A_340 = arith.constant 0 : i32
      %dma_wait3A_341 = tpu.memref_slice %arg3[%add3A, %dma_wait3A, %dma_wait3A_340] : memref<32x160x64xi32, #tpu.memory_space<hbm>> -> memref<1x8x64xi32, #tpu.memory_space<hbm>>
      %dma_wait3A_342 = tpu.memref_squeeze %dma_wait3A_341 : memref<1x8x64xi32, #tpu.memory_space<hbm>> -> memref<8x64xi32, #tpu.memory_space<hbm>>
      %dma_wait3A_343 = arith.constant 128 : i32
      %dma_wait3A_344 = arith.constant 0 : i32
      %dma_wait3A_345 = tpu.memref_slice %arg3[%add3A, %dma_wait3A_343, %dma_wait3A_344] : memref<32x160x64xi32, #tpu.memory_space<hbm>> -> memref<1x8x64xi32, #tpu.memory_space<hbm>>
      %dma_wait3A_346 = tpu.memref_squeeze %dma_wait3A_345 : memref<1x8x64xi32, #tpu.memory_space<hbm>> -> memref<8x64xi32, #tpu.memory_space<hbm>>
      tpu.wait_dma2 semaphore(%run_scoped3A : memref<!tpu.dma_semaphore, #tpu.memory_space<semaphore_mem>>) src(%dma_wait3A_346 : memref<8x64xi32, #tpu.memory_space<hbm>>) dst(%arg9 : memref<8x64xi32, #tpu.memory_space<vmem>>)
      tpu.yield
    }) : () -> ()
    "tpu.region"() ({
      %run_scoped3A = tpu.sem_alloc : memref<!tpu.dma_semaphore, #tpu.memory_space<semaphore_mem>>
      %dma_start3A = arith.constant 128 : i32
      %dma_start3A_333 = arith.constant 0 : i32
      %dma_start3A_334 = tpu.memref_slice %arg4[%add3A, %dma_start3A, %dma_start3A_333] : memref<32x160x64xi32, #tpu.memory_space<hbm>> -> memref<1x8x64xi32, #tpu.memory_space<hbm>>
      %dma_start3A_335 = tpu.memref_squeeze %dma_start3A_334 : memref<1x8x64xi32, #tpu.memory_space<hbm>> -> memref<8x64xi32, #tpu.memory_space<hbm>>
      %dma_start3A_336 = arith.constant 128 : i32
      %dma_start3A_337 = arith.constant 0 : i32
      %dma_start3A_338 = tpu.memref_slice %arg4[%add3A, %dma_start3A_336, %dma_start3A_337] : memref<32x160x64xi32, #tpu.memory_space<hbm>> -> memref<1x8x64xi32, #tpu.memory_space<hbm>>
      %dma_start3A_339 = tpu.memref_squeeze %dma_start3A_338 : memref<1x8x64xi32, #tpu.memory_space<hbm>> -> memref<8x64xi32, #tpu.memory_space<hbm>>
      tpu.enqueue_dma source(%dma_start3A_339 : memref<8x64xi32, #tpu.memory_space<hbm>>) target(%arg10 : memref<8x64xi32, #tpu.memory_space<vmem>>) target_semaphore(%run_scoped3A : memref<!tpu.dma_semaphore, #tpu.memory_space<semaphore_mem>>)
      %dma_wait3A = arith.constant 128 : i32
      %dma_wait3A_340 = arith.constant 0 : i32
      %dma_wait3A_341 = tpu.memref_slice %arg4[%add3A, %dma_wait3A, %dma_wait3A_340] : memref<32x160x64xi32, #tpu.memory_space<hbm>> -> memref<1x8x64xi32, #tpu.memory_space<hbm>>
      %dma_wait3A_342 = tpu.memref_squeeze %dma_wait3A_341 : memref<1x8x64xi32, #tpu.memory_space<hbm>> -> memref<8x64xi32, #tpu.memory_space<hbm>>
      %dma_wait3A_343 = arith.constant 128 : i32
      %dma_wait3A_344 = arith.constant 0 : i32
      %dma_wait3A_345 = tpu.memref_slice %arg4[%add3A, %dma_wait3A_343, %dma_wait3A_344] : memref<32x160x64xi32, #tpu.memory_space<hbm>> -> memref<1x8x64xi32, #tpu.memory_space<hbm>>
      %dma_wait3A_346 = tpu.memref_squeeze %dma_wait3A_345 : memref<1x8x64xi32, #tpu.memory_space<hbm>> -> memref<8x64xi32, #tpu.memory_space<hbm>>
      tpu.wait_dma2 semaphore(%run_scoped3A : memref<!tpu.dma_semaphore, #tpu.memory_space<semaphore_mem>>) src(%dma_wait3A_346 : memref<8x64xi32, #tpu.memory_space<hbm>>) dst(%arg10 : memref<8x64xi32, #tpu.memory_space<vmem>>)
      tpu.yield
    }) : () -> ()
    %mul3A_272 = arith.constant 10240 : i32
    %mul3A_273 = arith.muli %add3A, %mul3A_272 : i32
    %add3A_274 = arith.constant 8192 : i32
    %add3A_275 = arith.addi %mul3A_273, %add3A_274 : i32
    "tpu.region"() ({
      %run_scoped3A = tpu.sem_alloc : memref<!tpu.dma_semaphore, #tpu.memory_space<semaphore_mem>>
      %dma_start3A = tpu.memref_slice %arg5[%add3A_275] : memref<327680xi32, #tpu.memory_space<hbm>> -> memref<512xi32, #tpu.memory_space<hbm>>
      %dma_start3A_333 = tpu.memref_slice %arg5[%add3A_275] : memref<327680xi32, #tpu.memory_space<hbm>> -> memref<512xi32, #tpu.memory_space<hbm>>
      tpu.enqueue_dma source(%dma_start3A_333 : memref<512xi32, #tpu.memory_space<hbm>>) target(%arg11 : memref<512xi32, #tpu.memory_space<vmem>>) target_semaphore(%run_scoped3A : memref<!tpu.dma_semaphore, #tpu.memory_space<semaphore_mem>>)
      %dma_wait3A = tpu.memref_slice %arg5[%add3A_275] : memref<327680xi32, #tpu.memory_space<hbm>> -> memref<512xi32, #tpu.memory_space<hbm>>
      %dma_wait3A_334 = tpu.memref_slice %arg5[%add3A_275] : memref<327680xi32, #tpu.memory_space<hbm>> -> memref<512xi32, #tpu.memory_space<hbm>>
      tpu.wait_dma2 semaphore(%run_scoped3A : memref<!tpu.dma_semaphore, #tpu.memory_space<semaphore_mem>>) src(%dma_wait3A_334 : memref<512xi32, #tpu.memory_space<hbm>>) dst(%arg11 : memref<512xi32, #tpu.memory_space<vmem>>)
      tpu.yield
    }) : () -> ()
    %scan3A_276 = arith.constant 0 : i32
    %scan3A_277 = arith.constant 8 : i32
    %scan3A_278 = arith.addi %scan3A_276, %scan3A_277 : i32
    %scan3A_279 = arith.constant 1 : i32
    scf.for %scan3A_333 = %scan3A_276 to %scan3A_278 step %scan3A_279  : i32 {
      %mul3A_334 = arith.constant 1 : i32
      %mul3A_335 = arith.muli %scan3A_333, %mul3A_334 : i32
      %add3A_336 = arith.constant 0 : i32
      %add3A_337 = arith.addi %add3A_336, %mul3A_335 : i32
      %dma_start3A = arith.constant 0 : i32
      %dma_start3A_338 = tpu.memref_slice %arg9[%add3A_337, %dma_start3A] : memref<8x64xi32, #tpu.memory_space<vmem>> -> memref<1x64xi32, #tpu.memory_space<vmem>>
      %dma_start3A_339 = tpu.memref_squeeze %dma_start3A_338 : memref<1x64xi32, #tpu.memory_space<vmem>> -> memref<64xi32, #tpu.memory_space<vmem>>
      %dma_start3A_340 = arith.constant 0 : i32
      %dma_start3A_341 = arith.constant 0 : i32
      %dma_start3A_342 = tpu.memref_slice %arg2[%dma_start3A_340, %dma_start3A_341] : memref<10000x128xf32, #tpu.memory_space<hbm>> -> memref<10000x128xf32, #tpu.memory_space<hbm>>
      tpu.enqueue_indirect_dma source(%dma_start3A_342 : memref<10000x128xf32, #tpu.memory_space<hbm>>) target(%arg12 : memref<64x128xf32, #tpu.memory_space<vmem>>) offsets(%dma_start3A_339 : memref<64xi32, #tpu.memory_space<vmem>>) semaphore(%arg15 : memref<!tpu.dma_semaphore, #tpu.memory_space<semaphore_mem>>)
      %dma_wait3A = arith.constant 0 : i32
      %dma_wait3A_343 = tpu.memref_slice %arg9[%add3A_337, %dma_wait3A] : memref<8x64xi32, #tpu.memory_space<vmem>> -> memref<1x64xi32, #tpu.memory_space<vmem>>
      %dma_wait3A_344 = tpu.memref_squeeze %dma_wait3A_343 : memref<1x64xi32, #tpu.memory_space<vmem>> -> memref<64xi32, #tpu.memory_space<vmem>>
      %dma_wait3A_345 = arith.constant 0 : i32
      %dma_wait3A_346 = arith.constant 0 : i32
      %dma_wait3A_347 = tpu.memref_slice %arg2[%dma_wait3A_345, %dma_wait3A_346] : memref<10000x128xf32, #tpu.memory_space<hbm>> -> memref<10000x128xf32, #tpu.memory_space<hbm>>
      tpu.wait_indirect_dma semaphore(%arg15 : memref<!tpu.dma_semaphore, #tpu.memory_space<semaphore_mem>>) src(%dma_wait3A_347 : memref<10000x128xf32, #tpu.memory_space<hbm>>) dst(%arg12 : memref<64x128xf32, #tpu.memory_space<vmem>>)
      "tpu.region"() ({
        %run_scoped3A = tpu.sem_alloc : memref<!tpu.dma_semaphore, #tpu.memory_space<semaphore_mem>>
        %dma_start3A_348 = arith.constant 0 : i32
        %dma_start3A_349 = tpu.memref_slice %arg10[%add3A_337, %dma_start3A_348] : memref<8x64xi32, #tpu.memory_space<vmem>> -> memref<1x64xi32, #tpu.memory_space<vmem>>
        %dma_start3A_350 = tpu.memref_squeeze %dma_start3A_349 : memref<1x64xi32, #tpu.memory_space<vmem>> -> memref<64xi32, #tpu.memory_space<vmem>>
        %dma_start3A_351 = arith.constant 0 : i32
        %dma_start3A_352 = arith.constant 0 : i32
        %dma_start3A_353 = tpu.memref_slice %arg14[%dma_start3A_351, %dma_start3A_352] : memref<10240x128xf32, #tpu.memory_space<vmem_shared>> -> memref<10240x128xf32, #tpu.memory_space<vmem_shared>>
        tpu.enqueue_indirect_dma source(%arg12 : memref<64x128xf32, #tpu.memory_space<vmem>>) target(%dma_start3A_353 : memref<10240x128xf32, #tpu.memory_space<vmem_shared>>) offsets(%dma_start3A_350 : memref<64xi32, #tpu.memory_space<vmem>>) semaphore(%run_scoped3A : memref<!tpu.dma_semaphore, #tpu.memory_space<semaphore_mem>>) {add = true}
        %dma_wait3A_354 = arith.constant 0 : i32
        %dma_wait3A_355 = tpu.memref_slice %arg10[%add3A_337, %dma_wait3A_354] : memref<8x64xi32, #tpu.memory_space<vmem>> -> memref<1x64xi32, #tpu.memory_space<vmem>>
        %dma_wait3A_356 = tpu.memref_squeeze %dma_wait3A_355 : memref<1x64xi32, #tpu.memory_space<vmem>> -> memref<64xi32, #tpu.memory_space<vmem>>
        %dma_wait3A_357 = arith.constant 0 : i32
        %dma_wait3A_358 = arith.constant 0 : i32
        %dma_wait3A_359 = tpu.memref_slice %arg14[%dma_wait3A_357, %dma_wait3A_358] : memref<10240x128xf32, #tpu.memory_space<vmem_shared>> -> memref<10240x128xf32, #tpu.memory_space<vmem_shared>>
        tpu.wait_indirect_dma semaphore(%run_scoped3A : memref<!tpu.dma_semaphore, #tpu.memory_space<semaphore_mem>>) src(%arg12 : memref<64x128xf32, #tpu.memory_space<vmem>>) dst(%dma_wait3A_359 : memref<10240x128xf32, #tpu.memory_space<vmem_shared>>)
        tpu.yield
      }) : () -> ()
    }
    %scan3A_280 = arith.constant 8 : i32
    %scan3A_281 = arith.constant 0 : i32
    %scan3A_282 = arith.constant 32 : i32
    %scan3A_283 = arith.addi %scan3A_281, %scan3A_282 : i32
    %scan3A_284 = arith.constant 1 : i32
    scf.for %scan3A_333 = %scan3A_281 to %scan3A_283 step %scan3A_284  : i32 {
      %mul3A_334 = arith.constant 1 : i32
      %mul3A_335 = arith.muli %scan3A_333, %mul3A_334 : i32
      %add3A_336 = arith.constant 0 : i32
      %add3A_337 = arith.addi %add3A_336, %mul3A_335 : i32
      %mul3A_338 = arith.constant 16 : i32
      %mul3A_339 = arith.muli %add3A_337, %mul3A_338 : i32
      %get3A = arith.index_cast %mul3A_339 : i32 to index
      %get3A_340 = tpu.vector_load %arg11[%get3A] {strides = array<i32>} : memref<512xi32, #tpu.memory_space<vmem>>, vector<16xi32>,
      tpu.vector_store_idx %arg13[%get3A_340], %broadcast_in_dim3A_47 {add = true} : memref<10240xf32, #tpu.memory_space<vmem>>[vector<16xi32>], vector<16xf32>,
    }
    %scan3A_285 = arith.constant 32 : i32
    "tpu.region"() ({
      %run_scoped3A = tpu.sem_alloc : memref<!tpu.dma_semaphore, #tpu.memory_space<semaphore_mem>>
      %dma_start3A = arith.constant 136 : i32
      %dma_start3A_333 = arith.constant 0 : i32
      %dma_start3A_334 = tpu.memref_slice %arg3[%add3A, %dma_start3A, %dma_start3A_333] : memref<32x160x64xi32, #tpu.memory_space<hbm>> -> memref<1x8x64xi32, #tpu.memory_space<hbm>>
      %dma_start3A_335 = tpu.memref_squeeze %dma_start3A_334 : memref<1x8x64xi32, #tpu.memory_space<hbm>> -> memref<8x64xi32, #tpu.memory_space<hbm>>
      %dma_start3A_336 = arith.constant 136 : i32
      %dma_start3A_337 = arith.constant 0 : i32
      %dma_start3A_338 = tpu.memref_slice %arg3[%add3A, %dma_start3A_336, %dma_start3A_337] : memref<32x160x64xi32, #tpu.memory_space<hbm>> -> memref<1x8x64xi32, #tpu.memory_space<hbm>>
      %dma_start3A_339 = tpu.memref_squeeze %dma_start3A_338 : memref<1x8x64xi32, #tpu.memory_space<hbm>> -> memref<8x64xi32, #tpu.memory_space<hbm>>
      tpu.enqueue_dma source(%dma_start3A_339 : memref<8x64xi32, #tpu.memory_space<hbm>>) target(%arg9 : memref<8x64xi32, #tpu.memory_space<vmem>>) target_semaphore(%run_scoped3A : memref<!tpu.dma_semaphore, #tpu.memory_space<semaphore_mem>>)
      %dma_wait3A = arith.constant 136 : i32
      %dma_wait3A_340 = arith.constant 0 : i32
      %dma_wait3A_341 = tpu.memref_slice %arg3[%add3A, %dma_wait3A, %dma_wait3A_340] : memref<32x160x64xi32, #tpu.memory_space<hbm>> -> memref<1x8x64xi32, #tpu.memory_space<hbm>>
      %dma_wait3A_342 = tpu.memref_squeeze %dma_wait3A_341 : memref<1x8x64xi32, #tpu.memory_space<hbm>> -> memref<8x64xi32, #tpu.memory_space<hbm>>
      %dma_wait3A_343 = arith.constant 136 : i32
      %dma_wait3A_344 = arith.constant 0 : i32
      %dma_wait3A_345 = tpu.memref_slice %arg3[%add3A, %dma_wait3A_343, %dma_wait3A_344] : memref<32x160x64xi32, #tpu.memory_space<hbm>> -> memref<1x8x64xi32, #tpu.memory_space<hbm>>
      %dma_wait3A_346 = tpu.memref_squeeze %dma_wait3A_345 : memref<1x8x64xi32, #tpu.memory_space<hbm>> -> memref<8x64xi32, #tpu.memory_space<hbm>>
      tpu.wait_dma2 semaphore(%run_scoped3A : memref<!tpu.dma_semaphore, #tpu.memory_space<semaphore_mem>>) src(%dma_wait3A_346 : memref<8x64xi32, #tpu.memory_space<hbm>>) dst(%arg9 : memref<8x64xi32, #tpu.memory_space<vmem>>)
      tpu.yield
    }) : () -> ()
    "tpu.region"() ({
      %run_scoped3A = tpu.sem_alloc : memref<!tpu.dma_semaphore, #tpu.memory_space<semaphore_mem>>
      %dma_start3A = arith.constant 136 : i32
      %dma_start3A_333 = arith.constant 0 : i32
      %dma_start3A_334 = tpu.memref_slice %arg4[%add3A, %dma_start3A, %dma_start3A_333] : memref<32x160x64xi32, #tpu.memory_space<hbm>> -> memref<1x8x64xi32, #tpu.memory_space<hbm>>
      %dma_start3A_335 = tpu.memref_squeeze %dma_start3A_334 : memref<1x8x64xi32, #tpu.memory_space<hbm>> -> memref<8x64xi32, #tpu.memory_space<hbm>>
      %dma_start3A_336 = arith.constant 136 : i32
      %dma_start3A_337 = arith.constant 0 : i32
      %dma_start3A_338 = tpu.memref_slice %arg4[%add3A, %dma_start3A_336, %dma_start3A_337] : memref<32x160x64xi32, #tpu.memory_space<hbm>> -> memref<1x8x64xi32, #tpu.memory_space<hbm>>
      %dma_start3A_339 = tpu.memref_squeeze %dma_start3A_338 : memref<1x8x64xi32, #tpu.memory_space<hbm>> -> memref<8x64xi32, #tpu.memory_space<hbm>>
      tpu.enqueue_dma source(%dma_start3A_339 : memref<8x64xi32, #tpu.memory_space<hbm>>) target(%arg10 : memref<8x64xi32, #tpu.memory_space<vmem>>) target_semaphore(%run_scoped3A : memref<!tpu.dma_semaphore, #tpu.memory_space<semaphore_mem>>)
      %dma_wait3A = arith.constant 136 : i32
      %dma_wait3A_340 = arith.constant 0 : i32
      %dma_wait3A_341 = tpu.memref_slice %arg4[%add3A, %dma_wait3A, %dma_wait3A_340] : memref<32x160x64xi32, #tpu.memory_space<hbm>> -> memref<1x8x64xi32, #tpu.memory_space<hbm>>
      %dma_wait3A_342 = tpu.memref_squeeze %dma_wait3A_341 : memref<1x8x64xi32, #tpu.memory_space<hbm>> -> memref<8x64xi32, #tpu.memory_space<hbm>>
      %dma_wait3A_343 = arith.constant 136 : i32
      %dma_wait3A_344 = arith.constant 0 : i32
      %dma_wait3A_345 = tpu.memref_slice %arg4[%add3A, %dma_wait3A_343, %dma_wait3A_344] : memref<32x160x64xi32, #tpu.memory_space<hbm>> -> memref<1x8x64xi32, #tpu.memory_space<hbm>>
      %dma_wait3A_346 = tpu.memref_squeeze %dma_wait3A_345 : memref<1x8x64xi32, #tpu.memory_space<hbm>> -> memref<8x64xi32, #tpu.memory_space<hbm>>
      tpu.wait_dma2 semaphore(%run_scoped3A : memref<!tpu.dma_semaphore, #tpu.memory_space<semaphore_mem>>) src(%dma_wait3A_346 : memref<8x64xi32, #tpu.memory_space<hbm>>) dst(%arg10 : memref<8x64xi32, #tpu.memory_space<vmem>>)
      tpu.yield
    }) : () -> ()
    %mul3A_286 = arith.constant 10240 : i32
    %mul3A_287 = arith.muli %add3A, %mul3A_286 : i32
    %add3A_288 = arith.constant 8704 : i32
    %add3A_289 = arith.addi %mul3A_287, %add3A_288 : i32
    "tpu.region"() ({
      %run_scoped3A = tpu.sem_alloc : memref<!tpu.dma_semaphore, #tpu.memory_space<semaphore_mem>>
      %dma_start3A = tpu.memref_slice %arg5[%add3A_289] : memref<327680xi32, #tpu.memory_space<hbm>> -> memref<512xi32, #tpu.memory_space<hbm>>
      %dma_start3A_333 = tpu.memref_slice %arg5[%add3A_289] : memref<327680xi32, #tpu.memory_space<hbm>> -> memref<512xi32, #tpu.memory_space<hbm>>
      tpu.enqueue_dma source(%dma_start3A_333 : memref<512xi32, #tpu.memory_space<hbm>>) target(%arg11 : memref<512xi32, #tpu.memory_space<vmem>>) target_semaphore(%run_scoped3A : memref<!tpu.dma_semaphore, #tpu.memory_space<semaphore_mem>>)
      %dma_wait3A = tpu.memref_slice %arg5[%add3A_289] : memref<327680xi32, #tpu.memory_space<hbm>> -> memref<512xi32, #tpu.memory_space<hbm>>
      %dma_wait3A_334 = tpu.memref_slice %arg5[%add3A_289] : memref<327680xi32, #tpu.memory_space<hbm>> -> memref<512xi32, #tpu.memory_space<hbm>>
      tpu.wait_dma2 semaphore(%run_scoped3A : memref<!tpu.dma_semaphore, #tpu.memory_space<semaphore_mem>>) src(%dma_wait3A_334 : memref<512xi32, #tpu.memory_space<hbm>>) dst(%arg11 : memref<512xi32, #tpu.memory_space<vmem>>)
      tpu.yield
    }) : () -> ()
    %scan3A_290 = arith.constant 0 : i32
    %scan3A_291 = arith.constant 8 : i32
    %scan3A_292 = arith.addi %scan3A_290, %scan3A_291 : i32
    %scan3A_293 = arith.constant 1 : i32
    scf.for %scan3A_333 = %scan3A_290 to %scan3A_292 step %scan3A_293  : i32 {
      %mul3A_334 = arith.constant 1 : i32
      %mul3A_335 = arith.muli %scan3A_333, %mul3A_334 : i32
      %add3A_336 = arith.constant 0 : i32
      %add3A_337 = arith.addi %add3A_336, %mul3A_335 : i32
      %dma_start3A = arith.constant 0 : i32
      %dma_start3A_338 = tpu.memref_slice %arg9[%add3A_337, %dma_start3A] : memref<8x64xi32, #tpu.memory_space<vmem>> -> memref<1x64xi32, #tpu.memory_space<vmem>>
      %dma_start3A_339 = tpu.memref_squeeze %dma_start3A_338 : memref<1x64xi32, #tpu.memory_space<vmem>> -> memref<64xi32, #tpu.memory_space<vmem>>
      %dma_start3A_340 = arith.constant 0 : i32
      %dma_start3A_341 = arith.constant 0 : i32
      %dma_start3A_342 = tpu.memref_slice %arg2[%dma_start3A_340, %dma_start3A_341] : memref<10000x128xf32, #tpu.memory_space<hbm>> -> memref<10000x128xf32, #tpu.memory_space<hbm>>
      tpu.enqueue_indirect_dma source(%dma_start3A_342 : memref<10000x128xf32, #tpu.memory_space<hbm>>) target(%arg12 : memref<64x128xf32, #tpu.memory_space<vmem>>) offsets(%dma_start3A_339 : memref<64xi32, #tpu.memory_space<vmem>>) semaphore(%arg15 : memref<!tpu.dma_semaphore, #tpu.memory_space<semaphore_mem>>)
      %dma_wait3A = arith.constant 0 : i32
      %dma_wait3A_343 = tpu.memref_slice %arg9[%add3A_337, %dma_wait3A] : memref<8x64xi32, #tpu.memory_space<vmem>> -> memref<1x64xi32, #tpu.memory_space<vmem>>
      %dma_wait3A_344 = tpu.memref_squeeze %dma_wait3A_343 : memref<1x64xi32, #tpu.memory_space<vmem>> -> memref<64xi32, #tpu.memory_space<vmem>>
      %dma_wait3A_345 = arith.constant 0 : i32
      %dma_wait3A_346 = arith.constant 0 : i32
      %dma_wait3A_347 = tpu.memref_slice %arg2[%dma_wait3A_345, %dma_wait3A_346] : memref<10000x128xf32, #tpu.memory_space<hbm>> -> memref<10000x128xf32, #tpu.memory_space<hbm>>
      tpu.wait_indirect_dma semaphore(%arg15 : memref<!tpu.dma_semaphore, #tpu.memory_space<semaphore_mem>>) src(%dma_wait3A_347 : memref<10000x128xf32, #tpu.memory_space<hbm>>) dst(%arg12 : memref<64x128xf32, #tpu.memory_space<vmem>>)
      "tpu.region"() ({
        %run_scoped3A = tpu.sem_alloc : memref<!tpu.dma_semaphore, #tpu.memory_space<semaphore_mem>>
        %dma_start3A_348 = arith.constant 0 : i32
        %dma_start3A_349 = tpu.memref_slice %arg10[%add3A_337, %dma_start3A_348] : memref<8x64xi32, #tpu.memory_space<vmem>> -> memref<1x64xi32, #tpu.memory_space<vmem>>
        %dma_start3A_350 = tpu.memref_squeeze %dma_start3A_349 : memref<1x64xi32, #tpu.memory_space<vmem>> -> memref<64xi32, #tpu.memory_space<vmem>>
        %dma_start3A_351 = arith.constant 0 : i32
        %dma_start3A_352 = arith.constant 0 : i32
        %dma_start3A_353 = tpu.memref_slice %arg14[%dma_start3A_351, %dma_start3A_352] : memref<10240x128xf32, #tpu.memory_space<vmem_shared>> -> memref<10240x128xf32, #tpu.memory_space<vmem_shared>>
        tpu.enqueue_indirect_dma source(%arg12 : memref<64x128xf32, #tpu.memory_space<vmem>>) target(%dma_start3A_353 : memref<10240x128xf32, #tpu.memory_space<vmem_shared>>) offsets(%dma_start3A_350 : memref<64xi32, #tpu.memory_space<vmem>>) semaphore(%run_scoped3A : memref<!tpu.dma_semaphore, #tpu.memory_space<semaphore_mem>>) {add = true}
        %dma_wait3A_354 = arith.constant 0 : i32
        %dma_wait3A_355 = tpu.memref_slice %arg10[%add3A_337, %dma_wait3A_354] : memref<8x64xi32, #tpu.memory_space<vmem>> -> memref<1x64xi32, #tpu.memory_space<vmem>>
        %dma_wait3A_356 = tpu.memref_squeeze %dma_wait3A_355 : memref<1x64xi32, #tpu.memory_space<vmem>> -> memref<64xi32, #tpu.memory_space<vmem>>
        %dma_wait3A_357 = arith.constant 0 : i32
        %dma_wait3A_358 = arith.constant 0 : i32
        %dma_wait3A_359 = tpu.memref_slice %arg14[%dma_wait3A_357, %dma_wait3A_358] : memref<10240x128xf32, #tpu.memory_space<vmem_shared>> -> memref<10240x128xf32, #tpu.memory_space<vmem_shared>>
        tpu.wait_indirect_dma semaphore(%run_scoped3A : memref<!tpu.dma_semaphore, #tpu.memory_space<semaphore_mem>>) src(%arg12 : memref<64x128xf32, #tpu.memory_space<vmem>>) dst(%dma_wait3A_359 : memref<10240x128xf32, #tpu.memory_space<vmem_shared>>)
        tpu.yield
      }) : () -> ()
    }
    %scan3A_294 = arith.constant 8 : i32
    %scan3A_295 = arith.constant 0 : i32
    %scan3A_296 = arith.constant 32 : i32
    %scan3A_297 = arith.addi %scan3A_295, %scan3A_296 : i32
    %scan3A_298 = arith.constant 1 : i32
    scf.for %scan3A_333 = %scan3A_295 to %scan3A_297 step %scan3A_298  : i32 {
      %mul3A_334 = arith.constant 1 : i32
      %mul3A_335 = arith.muli %scan3A_333, %mul3A_334 : i32
      %add3A_336 = arith.constant 0 : i32
      %add3A_337 = arith.addi %add3A_336, %mul3A_335 : i32
      %mul3A_338 = arith.constant 16 : i32
      %mul3A_339 = arith.muli %add3A_337, %mul3A_338 : i32
      %get3A = arith.index_cast %mul3A_339 : i32 to index
      %get3A_340 = tpu.vector_load %arg11[%get3A] {strides = array<i32>} : memref<512xi32, #tpu.memory_space<vmem>>, vector<16xi32>,
      tpu.vector_store_idx %arg13[%get3A_340], %broadcast_in_dim3A_47 {add = true} : memref<10240xf32, #tpu.memory_space<vmem>>[vector<16xi32>], vector<16xf32>,
    }
    %scan3A_299 = arith.constant 32 : i32
    "tpu.region"() ({
      %run_scoped3A = tpu.sem_alloc : memref<!tpu.dma_semaphore, #tpu.memory_space<semaphore_mem>>
      %dma_start3A = arith.constant 144 : i32
      %dma_start3A_333 = arith.constant 0 : i32
      %dma_start3A_334 = tpu.memref_slice %arg3[%add3A, %dma_start3A, %dma_start3A_333] : memref<32x160x64xi32, #tpu.memory_space<hbm>> -> memref<1x8x64xi32, #tpu.memory_space<hbm>>
      %dma_start3A_335 = tpu.memref_squeeze %dma_start3A_334 : memref<1x8x64xi32, #tpu.memory_space<hbm>> -> memref<8x64xi32, #tpu.memory_space<hbm>>
      %dma_start3A_336 = arith.constant 144 : i32
      %dma_start3A_337 = arith.constant 0 : i32
      %dma_start3A_338 = tpu.memref_slice %arg3[%add3A, %dma_start3A_336, %dma_start3A_337] : memref<32x160x64xi32, #tpu.memory_space<hbm>> -> memref<1x8x64xi32, #tpu.memory_space<hbm>>
      %dma_start3A_339 = tpu.memref_squeeze %dma_start3A_338 : memref<1x8x64xi32, #tpu.memory_space<hbm>> -> memref<8x64xi32, #tpu.memory_space<hbm>>
      tpu.enqueue_dma source(%dma_start3A_339 : memref<8x64xi32, #tpu.memory_space<hbm>>) target(%arg9 : memref<8x64xi32, #tpu.memory_space<vmem>>) target_semaphore(%run_scoped3A : memref<!tpu.dma_semaphore, #tpu.memory_space<semaphore_mem>>)
      %dma_wait3A = arith.constant 144 : i32
      %dma_wait3A_340 = arith.constant 0 : i32
      %dma_wait3A_341 = tpu.memref_slice %arg3[%add3A, %dma_wait3A, %dma_wait3A_340] : memref<32x160x64xi32, #tpu.memory_space<hbm>> -> memref<1x8x64xi32, #tpu.memory_space<hbm>>
      %dma_wait3A_342 = tpu.memref_squeeze %dma_wait3A_341 : memref<1x8x64xi32, #tpu.memory_space<hbm>> -> memref<8x64xi32, #tpu.memory_space<hbm>>
      %dma_wait3A_343 = arith.constant 144 : i32
      %dma_wait3A_344 = arith.constant 0 : i32
      %dma_wait3A_345 = tpu.memref_slice %arg3[%add3A, %dma_wait3A_343, %dma_wait3A_344] : memref<32x160x64xi32, #tpu.memory_space<hbm>> -> memref<1x8x64xi32, #tpu.memory_space<hbm>>
      %dma_wait3A_346 = tpu.memref_squeeze %dma_wait3A_345 : memref<1x8x64xi32, #tpu.memory_space<hbm>> -> memref<8x64xi32, #tpu.memory_space<hbm>>
      tpu.wait_dma2 semaphore(%run_scoped3A : memref<!tpu.dma_semaphore, #tpu.memory_space<semaphore_mem>>) src(%dma_wait3A_346 : memref<8x64xi32, #tpu.memory_space<hbm>>) dst(%arg9 : memref<8x64xi32, #tpu.memory_space<vmem>>)
      tpu.yield
    }) : () -> ()
    "tpu.region"() ({
      %run_scoped3A = tpu.sem_alloc : memref<!tpu.dma_semaphore, #tpu.memory_space<semaphore_mem>>
      %dma_start3A = arith.constant 144 : i32
      %dma_start3A_333 = arith.constant 0 : i32
      %dma_start3A_334 = tpu.memref_slice %arg4[%add3A, %dma_start3A, %dma_start3A_333] : memref<32x160x64xi32, #tpu.memory_space<hbm>> -> memref<1x8x64xi32, #tpu.memory_space<hbm>>
      %dma_start3A_335 = tpu.memref_squeeze %dma_start3A_334 : memref<1x8x64xi32, #tpu.memory_space<hbm>> -> memref<8x64xi32, #tpu.memory_space<hbm>>
      %dma_start3A_336 = arith.constant 144 : i32
      %dma_start3A_337 = arith.constant 0 : i32
      %dma_start3A_338 = tpu.memref_slice %arg4[%add3A, %dma_start3A_336, %dma_start3A_337] : memref<32x160x64xi32, #tpu.memory_space<hbm>> -> memref<1x8x64xi32, #tpu.memory_space<hbm>>
      %dma_start3A_339 = tpu.memref_squeeze %dma_start3A_338 : memref<1x8x64xi32, #tpu.memory_space<hbm>> -> memref<8x64xi32, #tpu.memory_space<hbm>>
      tpu.enqueue_dma source(%dma_start3A_339 : memref<8x64xi32, #tpu.memory_space<hbm>>) target(%arg10 : memref<8x64xi32, #tpu.memory_space<vmem>>) target_semaphore(%run_scoped3A : memref<!tpu.dma_semaphore, #tpu.memory_space<semaphore_mem>>)
      %dma_wait3A = arith.constant 144 : i32
      %dma_wait3A_340 = arith.constant 0 : i32
      %dma_wait3A_341 = tpu.memref_slice %arg4[%add3A, %dma_wait3A, %dma_wait3A_340] : memref<32x160x64xi32, #tpu.memory_space<hbm>> -> memref<1x8x64xi32, #tpu.memory_space<hbm>>
      %dma_wait3A_342 = tpu.memref_squeeze %dma_wait3A_341 : memref<1x8x64xi32, #tpu.memory_space<hbm>> -> memref<8x64xi32, #tpu.memory_space<hbm>>
      %dma_wait3A_343 = arith.constant 144 : i32
      %dma_wait3A_344 = arith.constant 0 : i32
      %dma_wait3A_345 = tpu.memref_slice %arg4[%add3A, %dma_wait3A_343, %dma_wait3A_344] : memref<32x160x64xi32, #tpu.memory_space<hbm>> -> memref<1x8x64xi32, #tpu.memory_space<hbm>>
      %dma_wait3A_346 = tpu.memref_squeeze %dma_wait3A_345 : memref<1x8x64xi32, #tpu.memory_space<hbm>> -> memref<8x64xi32, #tpu.memory_space<hbm>>
      tpu.wait_dma2 semaphore(%run_scoped3A : memref<!tpu.dma_semaphore, #tpu.memory_space<semaphore_mem>>) src(%dma_wait3A_346 : memref<8x64xi32, #tpu.memory_space<hbm>>) dst(%arg10 : memref<8x64xi32, #tpu.memory_space<vmem>>)
      tpu.yield
    }) : () -> ()
    %mul3A_300 = arith.constant 10240 : i32
    %mul3A_301 = arith.muli %add3A, %mul3A_300 : i32
    %add3A_302 = arith.constant 9216 : i32
    %add3A_303 = arith.addi %mul3A_301, %add3A_302 : i32
    "tpu.region"() ({
      %run_scoped3A = tpu.sem_alloc : memref<!tpu.dma_semaphore, #tpu.memory_space<semaphore_mem>>
      %dma_start3A = tpu.memref_slice %arg5[%add3A_303] : memref<327680xi32, #tpu.memory_space<hbm>> -> memref<512xi32, #tpu.memory_space<hbm>>
      %dma_start3A_333 = tpu.memref_slice %arg5[%add3A_303] : memref<327680xi32, #tpu.memory_space<hbm>> -> memref<512xi32, #tpu.memory_space<hbm>>
      tpu.enqueue_dma source(%dma_start3A_333 : memref<512xi32, #tpu.memory_space<hbm>>) target(%arg11 : memref<512xi32, #tpu.memory_space<vmem>>) target_semaphore(%run_scoped3A : memref<!tpu.dma_semaphore, #tpu.memory_space<semaphore_mem>>)
      %dma_wait3A = tpu.memref_slice %arg5[%add3A_303] : memref<327680xi32, #tpu.memory_space<hbm>> -> memref<512xi32, #tpu.memory_space<hbm>>
      %dma_wait3A_334 = tpu.memref_slice %arg5[%add3A_303] : memref<327680xi32, #tpu.memory_space<hbm>> -> memref<512xi32, #tpu.memory_space<hbm>>
      tpu.wait_dma2 semaphore(%run_scoped3A : memref<!tpu.dma_semaphore, #tpu.memory_space<semaphore_mem>>) src(%dma_wait3A_334 : memref<512xi32, #tpu.memory_space<hbm>>) dst(%arg11 : memref<512xi32, #tpu.memory_space<vmem>>)
      tpu.yield
    }) : () -> ()
    %scan3A_304 = arith.constant 0 : i32
    %scan3A_305 = arith.constant 8 : i32
    %scan3A_306 = arith.addi %scan3A_304, %scan3A_305 : i32
    %scan3A_307 = arith.constant 1 : i32
    scf.for %scan3A_333 = %scan3A_304 to %scan3A_306 step %scan3A_307  : i32 {
      %mul3A_334 = arith.constant 1 : i32
      %mul3A_335 = arith.muli %scan3A_333, %mul3A_334 : i32
      %add3A_336 = arith.constant 0 : i32
      %add3A_337 = arith.addi %add3A_336, %mul3A_335 : i32
      %dma_start3A = arith.constant 0 : i32
      %dma_start3A_338 = tpu.memref_slice %arg9[%add3A_337, %dma_start3A] : memref<8x64xi32, #tpu.memory_space<vmem>> -> memref<1x64xi32, #tpu.memory_space<vmem>>
      %dma_start3A_339 = tpu.memref_squeeze %dma_start3A_338 : memref<1x64xi32, #tpu.memory_space<vmem>> -> memref<64xi32, #tpu.memory_space<vmem>>
      %dma_start3A_340 = arith.constant 0 : i32
      %dma_start3A_341 = arith.constant 0 : i32
      %dma_start3A_342 = tpu.memref_slice %arg2[%dma_start3A_340, %dma_start3A_341] : memref<10000x128xf32, #tpu.memory_space<hbm>> -> memref<10000x128xf32, #tpu.memory_space<hbm>>
      tpu.enqueue_indirect_dma source(%dma_start3A_342 : memref<10000x128xf32, #tpu.memory_space<hbm>>) target(%arg12 : memref<64x128xf32, #tpu.memory_space<vmem>>) offsets(%dma_start3A_339 : memref<64xi32, #tpu.memory_space<vmem>>) semaphore(%arg15 : memref<!tpu.dma_semaphore, #tpu.memory_space<semaphore_mem>>)
      %dma_wait3A = arith.constant 0 : i32
      %dma_wait3A_343 = tpu.memref_slice %arg9[%add3A_337, %dma_wait3A] : memref<8x64xi32, #tpu.memory_space<vmem>> -> memref<1x64xi32, #tpu.memory_space<vmem>>
      %dma_wait3A_344 = tpu.memref_squeeze %dma_wait3A_343 : memref<1x64xi32, #tpu.memory_space<vmem>> -> memref<64xi32, #tpu.memory_space<vmem>>
      %dma_wait3A_345 = arith.constant 0 : i32
      %dma_wait3A_346 = arith.constant 0 : i32
      %dma_wait3A_347 = tpu.memref_slice %arg2[%dma_wait3A_345, %dma_wait3A_346] : memref<10000x128xf32, #tpu.memory_space<hbm>> -> memref<10000x128xf32, #tpu.memory_space<hbm>>
      tpu.wait_indirect_dma semaphore(%arg15 : memref<!tpu.dma_semaphore, #tpu.memory_space<semaphore_mem>>) src(%dma_wait3A_347 : memref<10000x128xf32, #tpu.memory_space<hbm>>) dst(%arg12 : memref<64x128xf32, #tpu.memory_space<vmem>>)
      "tpu.region"() ({
        %run_scoped3A = tpu.sem_alloc : memref<!tpu.dma_semaphore, #tpu.memory_space<semaphore_mem>>
        %dma_start3A_348 = arith.constant 0 : i32
        %dma_start3A_349 = tpu.memref_slice %arg10[%add3A_337, %dma_start3A_348] : memref<8x64xi32, #tpu.memory_space<vmem>> -> memref<1x64xi32, #tpu.memory_space<vmem>>
        %dma_start3A_350 = tpu.memref_squeeze %dma_start3A_349 : memref<1x64xi32, #tpu.memory_space<vmem>> -> memref<64xi32, #tpu.memory_space<vmem>>
        %dma_start3A_351 = arith.constant 0 : i32
        %dma_start3A_352 = arith.constant 0 : i32
        %dma_start3A_353 = tpu.memref_slice %arg14[%dma_start3A_351, %dma_start3A_352] : memref<10240x128xf32, #tpu.memory_space<vmem_shared>> -> memref<10240x128xf32, #tpu.memory_space<vmem_shared>>
        tpu.enqueue_indirect_dma source(%arg12 : memref<64x128xf32, #tpu.memory_space<vmem>>) target(%dma_start3A_353 : memref<10240x128xf32, #tpu.memory_space<vmem_shared>>) offsets(%dma_start3A_350 : memref<64xi32, #tpu.memory_space<vmem>>) semaphore(%run_scoped3A : memref<!tpu.dma_semaphore, #tpu.memory_space<semaphore_mem>>) {add = true}
        %dma_wait3A_354 = arith.constant 0 : i32
        %dma_wait3A_355 = tpu.memref_slice %arg10[%add3A_337, %dma_wait3A_354] : memref<8x64xi32, #tpu.memory_space<vmem>> -> memref<1x64xi32, #tpu.memory_space<vmem>>
        %dma_wait3A_356 = tpu.memref_squeeze %dma_wait3A_355 : memref<1x64xi32, #tpu.memory_space<vmem>> -> memref<64xi32, #tpu.memory_space<vmem>>
        %dma_wait3A_357 = arith.constant 0 : i32
        %dma_wait3A_358 = arith.constant 0 : i32
        %dma_wait3A_359 = tpu.memref_slice %arg14[%dma_wait3A_357, %dma_wait3A_358] : memref<10240x128xf32, #tpu.memory_space<vmem_shared>> -> memref<10240x128xf32, #tpu.memory_space<vmem_shared>>
        tpu.wait_indirect_dma semaphore(%run_scoped3A : memref<!tpu.dma_semaphore, #tpu.memory_space<semaphore_mem>>) src(%arg12 : memref<64x128xf32, #tpu.memory_space<vmem>>) dst(%dma_wait3A_359 : memref<10240x128xf32, #tpu.memory_space<vmem_shared>>)
        tpu.yield
      }) : () -> ()
    }
    %scan3A_308 = arith.constant 8 : i32
    %scan3A_309 = arith.constant 0 : i32
    %scan3A_310 = arith.constant 32 : i32
    %scan3A_311 = arith.addi %scan3A_309, %scan3A_310 : i32
    %scan3A_312 = arith.constant 1 : i32
    scf.for %scan3A_333 = %scan3A_309 to %scan3A_311 step %scan3A_312  : i32 {
      %mul3A_334 = arith.constant 1 : i32
      %mul3A_335 = arith.muli %scan3A_333, %mul3A_334 : i32
      %add3A_336 = arith.constant 0 : i32
      %add3A_337 = arith.addi %add3A_336, %mul3A_335 : i32
      %mul3A_338 = arith.constant 16 : i32
      %mul3A_339 = arith.muli %add3A_337, %mul3A_338 : i32
      %get3A = arith.index_cast %mul3A_339 : i32 to index
      %get3A_340 = tpu.vector_load %arg11[%get3A] {strides = array<i32>} : memref<512xi32, #tpu.memory_space<vmem>>, vector<16xi32>,
      tpu.vector_store_idx %arg13[%get3A_340], %broadcast_in_dim3A_47 {add = true} : memref<10240xf32, #tpu.memory_space<vmem>>[vector<16xi32>], vector<16xf32>,
    }
    %scan3A_313 = arith.constant 32 : i32
    "tpu.region"() ({
      %run_scoped3A = tpu.sem_alloc : memref<!tpu.dma_semaphore, #tpu.memory_space<semaphore_mem>>
      %dma_start3A = arith.constant 152 : i32
      %dma_start3A_333 = arith.constant 0 : i32
      %dma_start3A_334 = tpu.memref_slice %arg3[%add3A, %dma_start3A, %dma_start3A_333] : memref<32x160x64xi32, #tpu.memory_space<hbm>> -> memref<1x8x64xi32, #tpu.memory_space<hbm>>
      %dma_start3A_335 = tpu.memref_squeeze %dma_start3A_334 : memref<1x8x64xi32, #tpu.memory_space<hbm>> -> memref<8x64xi32, #tpu.memory_space<hbm>>
      %dma_start3A_336 = arith.constant 152 : i32
      %dma_start3A_337 = arith.constant 0 : i32
      %dma_start3A_338 = tpu.memref_slice %arg3[%add3A, %dma_start3A_336, %dma_start3A_337] : memref<32x160x64xi32, #tpu.memory_space<hbm>> -> memref<1x8x64xi32, #tpu.memory_space<hbm>>
      %dma_start3A_339 = tpu.memref_squeeze %dma_start3A_338 : memref<1x8x64xi32, #tpu.memory_space<hbm>> -> memref<8x64xi32, #tpu.memory_space<hbm>>
      tpu.enqueue_dma source(%dma_start3A_339 : memref<8x64xi32, #tpu.memory_space<hbm>>) target(%arg9 : memref<8x64xi32, #tpu.memory_space<vmem>>) target_semaphore(%run_scoped3A : memref<!tpu.dma_semaphore, #tpu.memory_space<semaphore_mem>>)
      %dma_wait3A = arith.constant 152 : i32
      %dma_wait3A_340 = arith.constant 0 : i32
      %dma_wait3A_341 = tpu.memref_slice %arg3[%add3A, %dma_wait3A, %dma_wait3A_340] : memref<32x160x64xi32, #tpu.memory_space<hbm>> -> memref<1x8x64xi32, #tpu.memory_space<hbm>>
      %dma_wait3A_342 = tpu.memref_squeeze %dma_wait3A_341 : memref<1x8x64xi32, #tpu.memory_space<hbm>> -> memref<8x64xi32, #tpu.memory_space<hbm>>
      %dma_wait3A_343 = arith.constant 152 : i32
      %dma_wait3A_344 = arith.constant 0 : i32
      %dma_wait3A_345 = tpu.memref_slice %arg3[%add3A, %dma_wait3A_343, %dma_wait3A_344] : memref<32x160x64xi32, #tpu.memory_space<hbm>> -> memref<1x8x64xi32, #tpu.memory_space<hbm>>
      %dma_wait3A_346 = tpu.memref_squeeze %dma_wait3A_345 : memref<1x8x64xi32, #tpu.memory_space<hbm>> -> memref<8x64xi32, #tpu.memory_space<hbm>>
      tpu.wait_dma2 semaphore(%run_scoped3A : memref<!tpu.dma_semaphore, #tpu.memory_space<semaphore_mem>>) src(%dma_wait3A_346 : memref<8x64xi32, #tpu.memory_space<hbm>>) dst(%arg9 : memref<8x64xi32, #tpu.memory_space<vmem>>)
      tpu.yield
    }) : () -> ()
    "tpu.region"() ({
      %run_scoped3A = tpu.sem_alloc : memref<!tpu.dma_semaphore, #tpu.memory_space<semaphore_mem>>
      %dma_start3A = arith.constant 152 : i32
      %dma_start3A_333 = arith.constant 0 : i32
      %dma_start3A_334 = tpu.memref_slice %arg4[%add3A, %dma_start3A, %dma_start3A_333] : memref<32x160x64xi32, #tpu.memory_space<hbm>> -> memref<1x8x64xi32, #tpu.memory_space<hbm>>
      %dma_start3A_335 = tpu.memref_squeeze %dma_start3A_334 : memref<1x8x64xi32, #tpu.memory_space<hbm>> -> memref<8x64xi32, #tpu.memory_space<hbm>>
      %dma_start3A_336 = arith.constant 152 : i32
      %dma_start3A_337 = arith.constant 0 : i32
      %dma_start3A_338 = tpu.memref_slice %arg4[%add3A, %dma_start3A_336, %dma_start3A_337] : memref<32x160x64xi32, #tpu.memory_space<hbm>> -> memref<1x8x64xi32, #tpu.memory_space<hbm>>
      %dma_start3A_339 = tpu.memref_squeeze %dma_start3A_338 : memref<1x8x64xi32, #tpu.memory_space<hbm>> -> memref<8x64xi32, #tpu.memory_space<hbm>>
      tpu.enqueue_dma source(%dma_start3A_339 : memref<8x64xi32, #tpu.memory_space<hbm>>) target(%arg10 : memref<8x64xi32, #tpu.memory_space<vmem>>) target_semaphore(%run_scoped3A : memref<!tpu.dma_semaphore, #tpu.memory_space<semaphore_mem>>)
      %dma_wait3A = arith.constant 152 : i32
      %dma_wait3A_340 = arith.constant 0 : i32
      %dma_wait3A_341 = tpu.memref_slice %arg4[%add3A, %dma_wait3A, %dma_wait3A_340] : memref<32x160x64xi32, #tpu.memory_space<hbm>> -> memref<1x8x64xi32, #tpu.memory_space<hbm>>
      %dma_wait3A_342 = tpu.memref_squeeze %dma_wait3A_341 : memref<1x8x64xi32, #tpu.memory_space<hbm>> -> memref<8x64xi32, #tpu.memory_space<hbm>>
      %dma_wait3A_343 = arith.constant 152 : i32
      %dma_wait3A_344 = arith.constant 0 : i32
      %dma_wait3A_345 = tpu.memref_slice %arg4[%add3A, %dma_wait3A_343, %dma_wait3A_344] : memref<32x160x64xi32, #tpu.memory_space<hbm>> -> memref<1x8x64xi32, #tpu.memory_space<hbm>>
      %dma_wait3A_346 = tpu.memref_squeeze %dma_wait3A_345 : memref<1x8x64xi32, #tpu.memory_space<hbm>> -> memref<8x64xi32, #tpu.memory_space<hbm>>
      tpu.wait_dma2 semaphore(%run_scoped3A : memref<!tpu.dma_semaphore, #tpu.memory_space<semaphore_mem>>) src(%dma_wait3A_346 : memref<8x64xi32, #tpu.memory_space<hbm>>) dst(%arg10 : memref<8x64xi32, #tpu.memory_space<vmem>>)
      tpu.yield
    }) : () -> ()
    %mul3A_314 = arith.constant 10240 : i32
    %mul3A_315 = arith.muli %add3A, %mul3A_314 : i32
    %add3A_316 = arith.constant 9728 : i32
    %add3A_317 = arith.addi %mul3A_315, %add3A_316 : i32
    "tpu.region"() ({
      %run_scoped3A = tpu.sem_alloc : memref<!tpu.dma_semaphore, #tpu.memory_space<semaphore_mem>>
      %dma_start3A = tpu.memref_slice %arg5[%add3A_317] : memref<327680xi32, #tpu.memory_space<hbm>> -> memref<512xi32, #tpu.memory_space<hbm>>
      %dma_start3A_333 = tpu.memref_slice %arg5[%add3A_317] : memref<327680xi32, #tpu.memory_space<hbm>> -> memref<512xi32, #tpu.memory_space<hbm>>
      tpu.enqueue_dma source(%dma_start3A_333 : memref<512xi32, #tpu.memory_space<hbm>>) target(%arg11 : memref<512xi32, #tpu.memory_space<vmem>>) target_semaphore(%run_scoped3A : memref<!tpu.dma_semaphore, #tpu.memory_space<semaphore_mem>>)
      %dma_wait3A = tpu.memref_slice %arg5[%add3A_317] : memref<327680xi32, #tpu.memory_space<hbm>> -> memref<512xi32, #tpu.memory_space<hbm>>
      %dma_wait3A_334 = tpu.memref_slice %arg5[%add3A_317] : memref<327680xi32, #tpu.memory_space<hbm>> -> memref<512xi32, #tpu.memory_space<hbm>>
      tpu.wait_dma2 semaphore(%run_scoped3A : memref<!tpu.dma_semaphore, #tpu.memory_space<semaphore_mem>>) src(%dma_wait3A_334 : memref<512xi32, #tpu.memory_space<hbm>>) dst(%arg11 : memref<512xi32, #tpu.memory_space<vmem>>)
      tpu.yield
    }) : () -> ()
    %scan3A_318 = arith.constant 0 : i32
    %scan3A_319 = arith.constant 8 : i32
    %scan3A_320 = arith.addi %scan3A_318, %scan3A_319 : i32
    %scan3A_321 = arith.constant 1 : i32
    scf.for %scan3A_333 = %scan3A_318 to %scan3A_320 step %scan3A_321  : i32 {
      %mul3A_334 = arith.constant 1 : i32
      %mul3A_335 = arith.muli %scan3A_333, %mul3A_334 : i32
      %add3A_336 = arith.constant 0 : i32
      %add3A_337 = arith.addi %add3A_336, %mul3A_335 : i32
      %dma_start3A = arith.constant 0 : i32
      %dma_start3A_338 = tpu.memref_slice %arg9[%add3A_337, %dma_start3A] : memref<8x64xi32, #tpu.memory_space<vmem>> -> memref<1x64xi32, #tpu.memory_space<vmem>>
      %dma_start3A_339 = tpu.memref_squeeze %dma_start3A_338 : memref<1x64xi32, #tpu.memory_space<vmem>> -> memref<64xi32, #tpu.memory_space<vmem>>
      %dma_start3A_340 = arith.constant 0 : i32
      %dma_start3A_341 = arith.constant 0 : i32
      %dma_start3A_342 = tpu.memref_slice %arg2[%dma_start3A_340, %dma_start3A_341] : memref<10000x128xf32, #tpu.memory_space<hbm>> -> memref<10000x128xf32, #tpu.memory_space<hbm>>
      tpu.enqueue_indirect_dma source(%dma_start3A_342 : memref<10000x128xf32, #tpu.memory_space<hbm>>) target(%arg12 : memref<64x128xf32, #tpu.memory_space<vmem>>) offsets(%dma_start3A_339 : memref<64xi32, #tpu.memory_space<vmem>>) semaphore(%arg15 : memref<!tpu.dma_semaphore, #tpu.memory_space<semaphore_mem>>)
      %dma_wait3A = arith.constant 0 : i32
      %dma_wait3A_343 = tpu.memref_slice %arg9[%add3A_337, %dma_wait3A] : memref<8x64xi32, #tpu.memory_space<vmem>> -> memref<1x64xi32, #tpu.memory_space<vmem>>
      %dma_wait3A_344 = tpu.memref_squeeze %dma_wait3A_343 : memref<1x64xi32, #tpu.memory_space<vmem>> -> memref<64xi32, #tpu.memory_space<vmem>>
      %dma_wait3A_345 = arith.constant 0 : i32
      %dma_wait3A_346 = arith.constant 0 : i32
      %dma_wait3A_347 = tpu.memref_slice %arg2[%dma_wait3A_345, %dma_wait3A_346] : memref<10000x128xf32, #tpu.memory_space<hbm>> -> memref<10000x128xf32, #tpu.memory_space<hbm>>
      tpu.wait_indirect_dma semaphore(%arg15 : memref<!tpu.dma_semaphore, #tpu.memory_space<semaphore_mem>>) src(%dma_wait3A_347 : memref<10000x128xf32, #tpu.memory_space<hbm>>) dst(%arg12 : memref<64x128xf32, #tpu.memory_space<vmem>>)
      "tpu.region"() ({
        %run_scoped3A = tpu.sem_alloc : memref<!tpu.dma_semaphore, #tpu.memory_space<semaphore_mem>>
        %dma_start3A_348 = arith.constant 0 : i32
        %dma_start3A_349 = tpu.memref_slice %arg10[%add3A_337, %dma_start3A_348] : memref<8x64xi32, #tpu.memory_space<vmem>> -> memref<1x64xi32, #tpu.memory_space<vmem>>
        %dma_start3A_350 = tpu.memref_squeeze %dma_start3A_349 : memref<1x64xi32, #tpu.memory_space<vmem>> -> memref<64xi32, #tpu.memory_space<vmem>>
        %dma_start3A_351 = arith.constant 0 : i32
        %dma_start3A_352 = arith.constant 0 : i32
        %dma_start3A_353 = tpu.memref_slice %arg14[%dma_start3A_351, %dma_start3A_352] : memref<10240x128xf32, #tpu.memory_space<vmem_shared>> -> memref<10240x128xf32, #tpu.memory_space<vmem_shared>>
        tpu.enqueue_indirect_dma source(%arg12 : memref<64x128xf32, #tpu.memory_space<vmem>>) target(%dma_start3A_353 : memref<10240x128xf32, #tpu.memory_space<vmem_shared>>) offsets(%dma_start3A_350 : memref<64xi32, #tpu.memory_space<vmem>>) semaphore(%run_scoped3A : memref<!tpu.dma_semaphore, #tpu.memory_space<semaphore_mem>>) {add = true}
        %dma_wait3A_354 = arith.constant 0 : i32
        %dma_wait3A_355 = tpu.memref_slice %arg10[%add3A_337, %dma_wait3A_354] : memref<8x64xi32, #tpu.memory_space<vmem>> -> memref<1x64xi32, #tpu.memory_space<vmem>>
        %dma_wait3A_356 = tpu.memref_squeeze %dma_wait3A_355 : memref<1x64xi32, #tpu.memory_space<vmem>> -> memref<64xi32, #tpu.memory_space<vmem>>
        %dma_wait3A_357 = arith.constant 0 : i32
        %dma_wait3A_358 = arith.constant 0 : i32
        %dma_wait3A_359 = tpu.memref_slice %arg14[%dma_wait3A_357, %dma_wait3A_358] : memref<10240x128xf32, #tpu.memory_space<vmem_shared>> -> memref<10240x128xf32, #tpu.memory_space<vmem_shared>>
        tpu.wait_indirect_dma semaphore(%run_scoped3A : memref<!tpu.dma_semaphore, #tpu.memory_space<semaphore_mem>>) src(%arg12 : memref<64x128xf32, #tpu.memory_space<vmem>>) dst(%dma_wait3A_359 : memref<10240x128xf32, #tpu.memory_space<vmem_shared>>)
        tpu.yield
      }) : () -> ()
    }
    %scan3A_322 = arith.constant 8 : i32
    %scan3A_323 = arith.constant 0 : i32
    %scan3A_324 = arith.constant 32 : i32
    %scan3A_325 = arith.addi %scan3A_323, %scan3A_324 : i32
    %scan3A_326 = arith.constant 1 : i32
    scf.for %scan3A_333 = %scan3A_323 to %scan3A_325 step %scan3A_326  : i32 {
      %mul3A_334 = arith.constant 1 : i32
      %mul3A_335 = arith.muli %scan3A_333, %mul3A_334 : i32
      %add3A_336 = arith.constant 0 : i32
      %add3A_337 = arith.addi %add3A_336, %mul3A_335 : i32
      %mul3A_338 = arith.constant 16 : i32
      %mul3A_339 = arith.muli %add3A_337, %mul3A_338 : i32
      %get3A = arith.index_cast %mul3A_339 : i32 to index
      %get3A_340 = tpu.vector_load %arg11[%get3A] {strides = array<i32>} : memref<512xi32, #tpu.memory_space<vmem>>, vector<16xi32>,
      tpu.vector_store_idx %arg13[%get3A_340], %broadcast_in_dim3A_47 {add = true} : memref<10240xf32, #tpu.memory_space<vmem>>[vector<16xi32>], vector<16xf32>,
    }
    %scan3A_327 = arith.constant 32 : i32
    %barrier3A_328 = arith.constant 0 : index
    tpu.barrier barrier_id(%barrier3A_328)
    %mul3A_329 = arith.constant 640 : i32
    %mul3A_330 = arith.muli %arg1, %mul3A_329 : i32
    "tpu.region"() ({
      %run_scoped3A = tpu.sem_alloc : memref<!tpu.dma_semaphore, #tpu.memory_space<semaphore_mem>>
      %dma_start3A = arith.constant 0 : i32
      %dma_start3A_333 = tpu.memref_slice %arg7[%arg0, %mul3A_330, %dma_start3A] : memref<2x10240x128xf32, #tpu.memory_space<hbm>> -> memref<1x640x128xf32, #tpu.memory_space<hbm>>
      %dma_start3A_334 = tpu.memref_squeeze %dma_start3A_333 : memref<1x640x128xf32, #tpu.memory_space<hbm>> -> memref<640x128xf32, #tpu.memory_space<hbm>>
      %dma_start3A_335 = arith.constant 0 : i32
      %dma_start3A_336 = tpu.memref_slice %arg14[%mul3A_330, %dma_start3A_335] : memref<10240x128xf32, #tpu.memory_space<vmem_shared>> -> memref<640x128xf32, #tpu.memory_space<vmem_shared>>
      tpu.enqueue_dma source(%dma_start3A_336 : memref<640x128xf32, #tpu.memory_space<vmem_shared>>) target(%dma_start3A_334 : memref<640x128xf32, #tpu.memory_space<hbm>>) target_semaphore(%run_scoped3A : memref<!tpu.dma_semaphore, #tpu.memory_space<semaphore_mem>>)
      %dma_wait3A = arith.constant 0 : i32
      %dma_wait3A_337 = tpu.memref_slice %arg7[%arg0, %mul3A_330, %dma_wait3A] : memref<2x10240x128xf32, #tpu.memory_space<hbm>> -> memref<1x640x128xf32, #tpu.memory_space<hbm>>
      %dma_wait3A_338 = tpu.memref_squeeze %dma_wait3A_337 : memref<1x640x128xf32, #tpu.memory_space<hbm>> -> memref<640x128xf32, #tpu.memory_space<hbm>>
      %dma_wait3A_339 = arith.constant 0 : i32
      %dma_wait3A_340 = tpu.memref_slice %arg14[%mul3A_330, %dma_wait3A_339] : memref<10240x128xf32, #tpu.memory_space<vmem_shared>> -> memref<640x128xf32, #tpu.memory_space<vmem_shared>>
      tpu.wait_dma2 semaphore(%run_scoped3A : memref<!tpu.dma_semaphore, #tpu.memory_space<semaphore_mem>>) src(%dma_wait3A_340 : memref<640x128xf32, #tpu.memory_space<vmem_shared>>) dst(%dma_wait3A_338 : memref<640x128xf32, #tpu.memory_space<hbm>>)
      tpu.yield
    }) : () -> ()
    %mul3A_331 = arith.constant 10240 : i32
    %mul3A_332 = arith.muli %add3A, %mul3A_331 : i32
    "tpu.region"() ({
      %run_scoped3A = tpu.sem_alloc : memref<!tpu.dma_semaphore, #tpu.memory_space<semaphore_mem>>
      %dma_start3A = tpu.memref_slice %arg8[%mul3A_332] : memref<327680xf32, #tpu.memory_space<hbm>> -> memref<10240xf32, #tpu.memory_space<hbm>>
      %dma_start3A_333 = tpu.memref_slice %arg8[%mul3A_332] : memref<327680xf32, #tpu.memory_space<hbm>> -> memref<10240xf32, #tpu.memory_space<hbm>>
      tpu.enqueue_dma source(%arg13 : memref<10240xf32, #tpu.memory_space<vmem>>) target(%dma_start3A_333 : memref<10240xf32, #tpu.memory_space<hbm>>) target_semaphore(%run_scoped3A : memref<!tpu.dma_semaphore, #tpu.memory_space<semaphore_mem>>)
      %dma_wait3A = tpu.memref_slice %arg8[%mul3A_332] : memref<327680xf32, #tpu.memory_space<hbm>> -> memref<10240xf32, #tpu.memory_space<hbm>>
      %dma_wait3A_334 = tpu.memref_slice %arg8[%mul3A_332] : memref<327680xf32, #tpu.memory_space<hbm>> -> memref<10240xf32, #tpu.memory_space<hbm>>
      tpu.wait_dma2 semaphore(%run_scoped3A : memref<!tpu.dma_semaphore, #tpu.memory_space<semaphore_mem>>) src(%arg13 : memref<10240xf32, #tpu.memory_space<vmem>>) dst(%dma_wait3A_334 : memref<10240xf32, #tpu.memory_space<hbm>>)
      tpu.yield
    }) : () -> ()
    return
  }
}

module attributes {stable_mosaic.version = 14 : i64} {
  func.func @_tc_body(%arg0: i32, %arg1: memref<2x1024x128xf32, #tpu.memory_space<vmem>>, %arg2: memref<32x1024xf32, #tpu.memory_space<vmem>>, %arg3: memref<128x128xf32, #tpu.memory_space<vmem>>, %arg4: memref<1x128xf32, #tpu.memory_space<vmem>>, %arg5: memref<1024x128xf32, #tpu.memory_space<vmem>>) attributes {dimension_semantics = [#tpu.dimension_semantics<arbitrary>], iteration_bounds = array<i64: 10>, scalar_prefetch = 0 : i64, scratch_operands = 0 : i64, tpu.core_type = #tpu.core_type<tc>, window_params = [{transform_indices = @transform_0, window_bounds = array<i64: 2, 1024, 128>}, {transform_indices = @transform_1, window_bounds = array<i64: 32, 1024>}, {pipeline_mode = #tpu.pipeline_mode<synchronous>, transform_indices = @transform_2, window_bounds = array<i64: 128, 128>}, {pipeline_mode = #tpu.pipeline_mode<synchronous>, transform_indices = @transform_3, window_bounds = array<i64: 1, 128>}, {transform_indices = @transform_4, window_bounds = array<i64: 1024, 128>}]} {
    %get3A = arith.constant 0 : index
    %get3A_0 = arith.constant 0 : index
    %get3A_1 = arith.constant 0 : index
    %get3A_2 = vector.load %arg1[%get3A, %get3A_0, %get3A_1] : memref<2x1024x128xf32, #tpu.memory_space<vmem>>, vector<1x1024x128xf32>
    %get3A_3 = vector.shape_cast %get3A_2 : vector<1x1024x128xf32> to vector<1024x128xf32>
    %get3A_4 = arith.constant 1 : index
    %get3A_5 = arith.constant 0 : index
    %get3A_6 = arith.constant 0 : index
    %get3A_7 = vector.load %arg1[%get3A_4, %get3A_5, %get3A_6] : memref<2x1024x128xf32, #tpu.memory_space<vmem>>, vector<1x1024x128xf32>
    %get3A_8 = vector.shape_cast %get3A_7 : vector<1x1024x128xf32> to vector<1024x128xf32>
    %add3A = arith.addf %get3A_3, %get3A_8 : vector<1024x128xf32>
    %get3A_9 = arith.constant 0 : index
    %get3A_10 = arith.constant 0 : index
    %get3A_11 = vector.load %arg2[%get3A_9, %get3A_10] : memref<32x1024xf32, #tpu.memory_space<vmem>>, vector<32x1024xf32>
    %reduce_sum3A = arith.constant dense<0.000000e+00> : vector<1024xf32>
    %reduce_sum3A_12 = vector.multi_reduction <add>, %get3A_11, %reduce_sum3A [0] : vector<32x1024xf32> to vector<1024xf32>
    %broadcast_in_dim3A = vector.shape_cast %reduce_sum3A_12 : vector<1024xf32> to vector<1024x1xf32>
    %max3A = arith.constant 1.000000e+00 : f32
    %max3A_13 = vector.broadcast %max3A : f32 to vector<1024x1xf32>
    %max3A_14 = arith.maximumf %broadcast_in_dim3A, %max3A_13 : vector<1024x1xf32>
    %div3A = vector.broadcast %max3A_14 : vector<1024x1xf32> to vector<1024x128xf32>
    %div3A_15 = arith.divf %add3A, %div3A : vector<1024x128xf32>
    %get3A_16 = arith.constant 0 : index
    %get3A_17 = arith.constant 0 : index
    %get3A_18 = vector.load %arg3[%get3A_16, %get3A_17] : memref<128x128xf32, #tpu.memory_space<vmem>>, vector<128x128xf32>
    %dot_general3A = arith.constant dense<0.000000e+00> : vector<1024x128xf32>
    %dot_general3A_19 = tpu.matmul %div3A_15, %get3A_18, %dot_general3A {dimension_numbers = #tpu.dot_dimension_numbers<[1], [0], [0], [1], [0, 0, 1, 1], [], []>, precision = #tpu.contract_precision<fp32>, transpose_lhs_hint = false} : vector<1024x128xf32>, vector<128x128xf32>, vector<1024x128xf32> -> vector<1024x128xf32>
    %get3A_20 = arith.constant 0 : index
    %get3A_21 = arith.constant 0 : index
    %get3A_22 = vector.load %arg4[%get3A_20, %get3A_21] : memref<1x128xf32, #tpu.memory_space<vmem>>, vector<1x128xf32>
    %add3A_23 = vector.broadcast %get3A_22 : vector<1x128xf32> to vector<1024x128xf32>
    %add3A_24 = arith.addf %dot_general3A_19, %add3A_23 : vector<1024x128xf32>
    %swap3A = arith.constant 0 : index
    %swap3A_25 = arith.constant 0 : index
    %swap3A_26 = vector.load %arg5[%swap3A, %swap3A_25] : memref<1024x128xf32, #tpu.memory_space<vmem>>, vector<1024x128xf32>
    tpu.vector_store %arg5[%swap3A, %swap3A_25], %add3A_24 {strides = array<i32>} : memref<1024x128xf32, #tpu.memory_space<vmem>>, vector<1024x128xf32>,
    return
  }
  func.func @transform_0(%arg0: i32) -> (i32, i32, i32) {
    %c0_i32 = arith.constant 0 : i32
    %c0_i32_0 = arith.constant 0 : i32
    %c0_i32_1 = arith.constant 0 : i32
    return %c0_i32, %arg0, %c0_i32_0 : i32, i32, i32
  }
  func.func @transform_1(%arg0: i32) -> (i32, i32) {
    %c0_i32 = arith.constant 0 : i32
    %c0_i32_0 = arith.constant 0 : i32
    return %c0_i32, %arg0 : i32, i32
  }
  func.func @transform_2(%arg0: i32) -> (i32, i32) {
    %c0_i32 = arith.constant 0 : i32
    %c0_i32_0 = arith.constant 0 : i32
    %c0_i32_1 = arith.constant 0 : i32
    return %c0_i32, %c0_i32_0 : i32, i32
  }
  func.func @transform_3(%arg0: i32) -> (i32, i32) {
    %c0_i32 = arith.constant 0 : i32
    %c0_i32_0 = arith.constant 0 : i32
    %c0_i32_1 = arith.constant 0 : i32
    return %c0_i32, %c0_i32_0 : i32, i32
  }
  func.func @transform_4(%arg0: i32) -> (i32, i32) {
    %c0_i32 = arith.constant 0 : i32
    %c0_i32_0 = arith.constant 0 : i32
    return %arg0, %c0_i32 : i32, i32
  }
}

</mosaic_0001>

<sc_bundles>
// kernel: kernel.4.cloned.1.call-start
scs
__scs_entry_jumppad:
0x0: {  	(pc) =	sbr.rel $0x88, $3  }
0x1: {  	(tag) =	ssettag $0x0;
	lr =	simm.s32 $0x1  }
0x2: {  	[smem:$0x3F9D] =	sst lr;
	_ =	strace $0xD0000000  }
0x3: {  	_ = 	snop  }
0x4: {  	_ = 	snop  }
0x5: {  	_ = 	snop  }
0x6: {  	_ = 	snop  }
0x7: {  	_ = 	snop  }
__scs_overlays_trampoline_lowered:
0x8: {  	[smem:$0x3FAC] =	sst s0  }
0x9: {  	[smem:$0x3FAD] =	sst s1  }
0xa: {  	[smem:$0x3FAE] =	sst s2  }
0xb: {  	[smem:$0x3FAF] =	sst s3  }
0xc: {  	[smem:$0x3FB0] =	sst s4  }
0xd: {  	[smem:$0x3FB1] =	sst s5  }
0xe: {  	[smem:$0x3FB2] =	sst s6  }
0xf: {  	[smem:$0x3FB3] =	sst s7  }
0x10: {  	[smem:$0x3FB4] =	sst s8  }
0x11: {  	[smem:$0x3FB5] =	sst s9;
	s0 =	simm.s32 @!p0 $0x0  }
0x12: {  	s1 =	sld [smem:$0x3F9B];
	s0 =	simm.s32 @p0 $0x1  }
0x13: {  	[smem:$0x3FB6] =	sst s0;
	s0 =	simm.s32 @!p1 $0x0  }
0x14: {  	s2 =	sld [smem:$0x3F9A];
	s0 =	simm.s32 @p1 $0x1  }
0x15: {  	[smem:$0x3FB7] =	sst s0;
	s0 =	simm.s32 @!p2 $0x0  }
0x16: {  	s3 =	sld [smem:$0x3FDB];
	s0 =	simm.s32 @p2 $0x1  }
0x17: {  	s4 =	simm.s32 $0x1BF5;
	[smem:$0x3FB9] =	sst s0  }
0x18: {  	s0 =	sld [smem:$0x3F9C];
	_ =	swait.ge [sflag:s4], $0x0  }
0x19: {  	s7 =	sld [smem:$0x3F9D]  }
0x1a: {  	s8 =	sadd.s32 $0xFFFFE003, lr  }
0x1b: {  	s9 =	sadd.s32 $0xFFFFFEF7, lr;
	s5 =	simm.s32 $0xFFFFFFFF;
	p2 =	slt.u32 s8, $0xFFFFF086  }
0x1c: {  	p1 =	slt.u32 s9, $0xF7A;
	s5 =	simm.s32 @!p2 $0x0  }
0x1d: {  	s5 =	simm.s32 @p1 $0x1;
	p0 =	seq.s32 s7, s2  }
0x1e: {  	s7 =	smul.u32 @!p0 $0xF7A, s2;
	p2 =	seq.s32 @!p0 s5, $0x0  }
0x1f: {  	s9 =	smul.u32 $0xF7A, s1;
	s8 =	simm.s32 @!p0 $0x1BF5;
	p2 =	por !p2, p0  }
0x20: {  	[sflag:s8] =	ssyncset.s32 @!p0 $0xFFFFF086;
	s6 =	sadd.s32 @!p0 s3, s7;
	s7 =	simm.s32 @!p0 $0x108  }
0x21: {  	s3 =	sadd.s32 s3, s9;
	s6 =	sadd.s32 @!p0 $0x88, s6;
	s7 =	simm.s32 @p2 $0x1082  }
0x22: {  	[simem:s7], [sflag:s8] =	dma.local @!p0 [hbm:s6], $0xF7A  }
0x23: {  	s9 =	sor.u32 $0xD0000000, s2;
	s6 =	simm.s32 $0x108;
	_ =	swait.ge @!p0 [sflag:s8], $0x0  }
0x24: {  	s3 =	sadd.s32 $0x88, s3;
	s6 =	simm.s32 @!p1 $0x1082;
	[sflag:s4] =	ssyncset.s32 $0xFFFFF086  }
0x25: {  	[simem:s6], [sflag:s4] =	dma.local [hbm:s3], $0xF7A  }
0x26: {  	[smem:$0x3F9D] =	sst s1;
	(tag) =	ssettag s2;
	_ =	strace s9  }
0x27: {  	s1 =	sld [smem:$0x3FAD]  }
0x28: {  	s2 =	sld [smem:$0x3FAE]  }
0x29: {  	s4 =	sld [smem:$0x3FB0]  }
0x2a: {  	p0 =	seq.s32 s5, $0x0;
	s5 =	sld [smem:$0x3FB1]  }
0x2b: {  	s6 =	sld [smem:$0x3FB2]  }
0x2c: {  	s7 =	sld [smem:$0x3FB3]  }
0x2d: {  	s3 =	simm.s32 $0x108;
	s8 =	sld [smem:$0x3FB4]  }
0x2e: {  	s3 =	simm.s32 @!p0 $0x1082;
	s9 =	sld [smem:$0x3FB5]  }
0x2f: {  	lr =	sadd.s32 s0, s3;
	s0 =	sld [smem:$0x3FAC]  }
0x30: {  	s3 =	sld [smem:$0x3FAF]  }
0x31: {  	[smem:$0x3FB8] =	sst s10  }
0x32: {  	s10 =	sld [smem:$0x3FB6];
	_ =	sdelay $0x3  }
0x33: {  	p0 =	seq.s32 s10, $0x1;
	s10 =	sld [smem:$0x3FB8];
	_ =	sdelay $0x3  }
0x34: {  	[smem:$0x3FB8] =	sst s10  }
0x35: {  	s10 =	sld [smem:$0x3FB7];
	_ =	sdelay $0x3  }
0x36: {  	p1 =	seq.s32 s10, $0x1;
	s10 =	sld [smem:$0x3FB8];
	_ =	sdelay $0x3  }
0x37: {  	[smem:$0x3FB8] =	sst s10  }
0x38: {  	s10 =	sld [smem:$0x3FB9]  }
0x39: {  	_ = 	snop;
	(pc) =	sbr.ind lr, $3  }
0x3a: {  	_ = 	snop  }
0x3b: {  	_ = 	snop  }
0x3c: {  	p2 =	seq.s32 s10, $0x1;
	s10 =	sld [smem:$0x3FB8]  }
0x3d: {  	_ =	shalt  }
0x3e: {  	_ =	shalt  }
0x3f: {  	_ =	shalt  }
0x40: {  	_ =	shalt  }
0x41: {  	_ =	shalt  }
0x42: {  	_ =	shalt  }
0x43: {  	_ =	shalt  }
0x44: {  	_ =	shalt  }
0x45: {  	_ =	shalt  }
0x46: {  	_ =	shalt  }
0x47: {  	_ =	shalt  }
0x48: {  	_ =	shalt  }
0x49: {  	_ =	shalt  }
0x4a: {  	_ =	shalt  }
0x4b: {  	_ =	shalt  }
0x4c: {  	_ =	shalt  }
0x4d: {  	_ =	shalt  }
0x4e: {  	_ =	shalt  }
0x4f: {  	_ =	shalt  }
0x50: {  	_ =	shalt  }
0x51: {  	_ =	shalt  }
0x52: {  	_ =	shalt  }
0x53: {  	_ =	shalt  }
0x54: {  	_ =	shalt  }
0x55: {  	_ =	shalt  }
0x56: {  	_ =	shalt  }
0x57: {  	_ =	shalt  }
0x58: {  	_ =	shalt  }
0x59: {  	_ =	shalt  }
0x5a: {  	_ =	shalt  }
0x5b: {  	_ =	shalt  }
0x5c: {  	_ =	shalt  }
0x5d: {  	_ =	shalt  }
0x5e: {  	_ =	shalt  }
0x5f: {  	_ =	shalt  }
0x60: {  	_ =	shalt  }
0x61: {  	_ =	shalt  }
0x62: {  	_ =	shalt  }
0x63: {  	_ =	shalt  }
0x64: {  	_ =	shalt  }
0x65: {  	_ =	shalt  }
0x66: {  	_ =	shalt  }
0x67: {  	_ =	shalt  }
0x68: {  	_ =	shalt  }
0x69: {  	_ =	shalt  }
0x6a: {  	_ =	shalt  }
0x6b: {  	_ =	shalt  }
0x6c: {  	_ =	shalt  }
0x6d: {  	_ =	shalt  }
0x6e: {  	_ =	shalt  }
0x6f: {  	_ =	shalt  }
0x70: {  	_ =	shalt  }
0x71: {  	_ =	shalt  }
0x72: {  	_ =	shalt  }
0x73: {  	_ =	shalt  }
0x74: {  	_ =	shalt  }
0x75: {  	_ =	shalt  }
0x76: {  	_ =	shalt  }
0x77: {  	_ =	shalt  }
0x78: {  	_ =	shalt  }
0x79: {  	_ =	shalt  }
0x7a: {  	_ =	shalt  }
0x7b: {  	_ =	shalt  }
0x7c: {  	_ =	shalt  }
0x7d: {  	_ =	shalt  }
0x7e: {  	_ =	shalt  }
0x7f: {  	_ =	shalt  }
0x80: {  	_ =	shalt  }
0x81: {  	_ =	shalt  }
0x82: {  	_ =	shalt  }
0x83: {  	_ =	shalt  }
0x84: {  	_ =	shalt  }
0x85: {  	_ =	shalt  }
0x86: {  	_ =	shalt  }
0x87: {  	_ =	shalt  }
.Lfunc_end0:
.L_simem_size_0:
called_computation_lowered:
.L_overlay_start_0:
0x88: {  	s2 =	sld [smem:$0x3FD9]  }
0x89: {  	s3 =	sld [smem:$0x3FFE];
	_ =	sdelay $0x1  }
0x8a: {  	s1 =	srdreg.scid  }
0x8b: {  	s0 =	sand.u32 $0x1, s1  }
0x8c: {  	s17 =	sshll.u32 s0, $0xA;
	s2 =	sadd.s32 s3, s2  }
0x8d: {  	s2 =	sadd.s32 s2, s17  }
0x8e: {  	[smem:$0x3FC4] =	sst s2  }
0x8f: {  	_ = 	snop  }
0x90: {  	s2 =	sld [smem:$0x3FC9]  }
0x91: {  	s18 =	sld [smem:$0x3FD0];
	(tm) =	ssettm $0x1  }
0x92: {  	s4 =	sld [smem:$0x3FFB];
	_ =	sdelay $0x3  }
0x93: {  	_ =	strace s4  }
0x94: {  	s4 =	sld [smem:$0x3FFC];
	_ =	sdelay $0x3  }
0x95: {  	_ =	strace s4  }
0x96: {  	s4 =	sld [smem:$0x3FFD];
	_ =	sdelay $0x3  }
0x97: {  	_ =	strace s4  }
0x98: {  	_ =	strace $0x8FFFFFFF  }
0x99: {  	s19 =	sld [smem:$0x3FDB];
	_ =	sdelay $0x1  }
0x9a: {  	s5 =	simm.s32 $_scs_section_size  }
0x9b: {  	s6 =	simm.s32 $_size__tile_overlayer_lowered;
	s7 =	simm.s32 $_tile_overlayer_lowered  }
0x9c: {  	s22 =	simm.s32 $0x1BFF;
	s21 =	sshll.u32 s7, $0x1;
	s4 =	sadd.s32 s5, s19  }
0x9d: {  	s8 =	simm.s32 $0x0;
	s20 =	sshll.u32 s6, $0x1;
	s6 =	sadd.s32 s21, s4  }
0x9e: {  	[timem:s8], [sflag:s22] =	dma.local [hbm:s6], s20  }
0x9f: {  	_ =	swait.ge [sflag:s22], s20  }
0xa0: {  	s5 =	ssub.s32 $0x0, s20;
	[sflag:s22] =	ssyncset.done $0x0  }
0xa1: {  	[sflag:s22] =	ssyncadd.s32 s5;
	_ =	sdelay $0x1  }
0xa2: {  	s23 =	simm.s32 $0x1B8B  }
0xa3: {  	_ =	swait.ge [sflag:s23], $0x1  }
0xa4: {  	[sflag:s23] =	ssyncset.done $0x0  }
0xa5: {  	s25 =	simm.s32 $0x1B8E;
	s24 =	sld [smem:$0x3FFE];
	[sflag:s23] =	ssyncadd.s32 $0xFFFFFFFF  }
0xa6: {  	s26 =	simm.s32 $execute0_lowered;
	[smem:$0x3FD2] =	sst s25  }
0xa7: {  	s6 =	sshll.u32 s26, $0x1;
	_ =	strace $0x80000046;
	[dreg:$0x1] =	wrdreg $0xFFFFFFFF  }
0xa8: {  	s28 =	simm.s32 $_size_execute0_lowered;
	s4 =	sadd.s32 s4, s6;
	[dreg:$0x0] =	wrdreg $0x0  }
0xa9: {  	s6 =	sshll.u32 s28, $0x1;
	[dreg:$0x2] =	wrdreg s4  }
0xaa: {  	[dreg:$0x3] =	wrdreg s6  }
0xab: {  	[dreg:$0x4] =	wrdreg $0xC0  }
0xac: {  	_ =	task [dreg:s8], $0x5FFFF  }
0xad: {  	[dreg:$0x1] =	wrdreg $0xFFFFFFFF  }
0xae: {  	[dreg:$0x0] =	wrdreg $0x60  }
0xaf: {  	[dreg:$0x2] =	wrdreg s2  }
0xb0: {  	[dreg:$0x3] =	wrdreg s18  }
0xb1: {  	[dreg:$0x4] =	wrdreg s24  }
0xb2: {  	[dreg:$0x5] =	wrdreg $0x52000  }
0xb3: {  	[dreg:$0x6] =	wrdreg $0x9  }
0xb4: {  	_ =	task.clear_ibuf [dreg:s8], $0x7FFFF;
	_ =	strace $0x90000046  }
0xb5: {  	s29 =	simm.s32 $0x9;
	_ =	strace $0x80000048  }
0xb6: {  	_ =	swait.ge [sflag:s29], $0x1  }
0xb7: {  	[sflag:s29] =	ssyncadd.s32 $0xFFFFFFFF  }
0xb8: {  	_ =	strace $0x90000048  }
0xb9: {  	_ =	sfence  }
0xba: {  	s30 =	sld [smem:$0x0];
	_ =	sdelay $0x2  }
0xbb: {  	s31 =	sshll.u32 s1, $0xD;
	s1 =	sshrl.u32 s1, $0x2  }
0xbc: {  	s3 =	sand.u32 $0x4000, s31;
	s1 =	sadd.s32 s1, s30  }
0xbd: {  	s0 =	sor.u32 s3, s0;
	s1 =	sshll.u32 s1, $0x11  }
0xbe: {  	s0 =	sor.u32 s1, s0  }
0xbf: {  	s0 =	sadd.s32 $0x8F2B, s0  }
0xc0: {  	[sflag:s0] =	ssyncadd.remote.s32 $0x1  }
0xc1: {  	_ =	sfence.sel $0xFFFF  }
0xc2: {  	[dreg:$0x0] =	wrdreg $0xFFFFFFFF;
	(pc) =	sbr.abs _section_cstart, $3  }
0xc3: {  	[dreg:$0x1] =	wrdreg $0xFFFFFFFF  }
0xc4: {  	_ =	task.clear_ibuf [dreg:s8], $0x2FFFF;
	_ =	strace $0x9FFFFFFF  }
0xc5: {  	(tm) =	ssettm $0x7FFFFFFF  }
tec
execute0_lowered:
.L_overlay_start_1:
0x0: {  	(tag) =	ssettag $0x1  }
0x1: {  	s0 =	srdreg.scid;
	s10 =	stileid.u32  }
0x2: {  	s0 =	sand.u32 $0x1, s0;
	s5 =	sshll.u32 s10, $0x1  }
0x3: {  	s5 =	sor.u32 s0, s5  }
0x4: {  	s3 =	rddreg [dreg:$0x1];
	s8 =	smul.u32 $0x5000, s5  }
0x5: {  	s2 =	rddreg [dreg:$0x2]  }
0x6: {  	s1 =	simm.s32 $0x0;
	s7 =	smul.u32 $0x14000, s10;
	s9 =	sshrl.u32 s8, $0x3  }
0x7: {  	[smem:$0x7FF] =	sst s1;
	s6 =	sadd.s32 $0xAA00, s2;
	s16 =	sor.u32 $0x80, s9  }
0x8: {  	s4 =	smul.u32 $0x140000, s0;
	s8 =	sor.u32 $0x100, s9;
	s11 =	sadd.s32 s3, s16  }
0x9: {  	s17 =	sadd.s32 s3, s8;
	s18 =	sadd.s32 s6, s8;
	s8 =	rddreg [dreg:$0x0]  }
0xa: {  	s4 =	sadd.s32 s7, s4;
	s7 =	sadd.s32 s6, s16;
	[dreg:$0x5] =	wrdreg s11  }
0xb: {  	[dreg:$0x6] =	wrdreg s7  }
0xc: {  	s19 =	sor.u32 $0x180, s9;
	[dreg:$0x7] =	wrdreg s17  }
0xd: {  	s20 =	sadd.s32 $0x200, s9;
	s21 =	sadd.s32 s3, s19;
	[dreg:$0x8] =	wrdreg s18  }
0xe: {  	s22 =	sadd.s32 s3, s20;
	[dreg:$0x9] =	wrdreg s21  }
0xf: {  	s24 =	sadd.s32 $0x280, s9;
	s23 =	sadd.s32 s6, s20;
	[dreg:$0xb] =	wrdreg s22  }
0x10: {  	s25 =	sadd.s32 $0x300, s9;
	s26 =	sadd.s32 s3, s24;
	[dreg:$0xc] =	wrdreg s23  }
0x11: {  	s0 =	ssub.s32 $0x2, s0;
	s12 =	sadd.s32 s3, s25;
	[dreg:$0xd] =	wrdreg s26  }
0x12: {  	s14 =	sadd.s32 $0x380, s9;
	s13 =	sadd.s32 s6, s25;
	[dreg:$0xf] =	wrdreg s12  }
0x13: {  	s15 =	sshrl.u32 s0, $0x1;
	s16 =	sadd.s32 s3, s14;
	[dreg:$0x10] =	wrdreg s13  }
0x14: {  	s0 =	ssub.s32 s0, s15;
	[dreg:$0x11] =	wrdreg s16  }
0x15: {  	s15 =	sadd.s32 $0x400, s9;
	s7 =	sadd.s32 s6, s19;
	s11 =	rddreg [dreg:$0x3]  }
0x16: {  	s17 =	sadd.s32 s3, s15;
	[dreg:$0xa] =	wrdreg s7  }
0x17: {  	s20 =	sadd.s32 $0x500, s9;
	s18 =	sadd.s32 s6, s15;
	[dreg:$0x13] =	wrdreg s17  }
0x18: {  	s22 =	sadd.s32 s3, s20;
	[dreg:$0x14] =	wrdreg s18  }
0x19: {  	s25 =	sadd.s32 $0x600, s9;
	s23 =	sadd.s32 s6, s20;
	[dreg:$0x17] =	wrdreg s22  }
0x1a: {  	s12 =	sadd.s32 s3, s25;
	[dreg:$0x18] =	wrdreg s23  }
0x1b: {  	s13 =	sadd.s32 s6, s25;
	[dreg:$0x1b] =	wrdreg s12  }
0x1c: {  	s19 =	sadd.s32 $0x480, s9;
	s7 =	sadd.s32 s6, s24;
	[dreg:$0x1c] =	wrdreg s13  }
0x1d: {  	s15 =	sadd.s32 $0x700, s9;
	s21 =	sadd.s32 s3, s19;
	[dreg:$0xe] =	wrdreg s7  }
0x1e: {  	s17 =	sadd.s32 s3, s15;
	[dreg:$0x15] =	wrdreg s21  }
0x1f: {  	s20 =	sadd.s32 $0x800, s9;
	s18 =	sadd.s32 s6, s15;
	[dreg:$0x1f] =	wrdreg s17  }
0x20: {  	s22 =	sadd.s32 s3, s20;
	[smem:$0x7D2] =	sst s18  }
0x21: {  	s25 =	sadd.s32 $0x900, s9;
	s23 =	sadd.s32 s6, s20;
	[smem:$0x7D5] =	sst s22  }
0x22: {  	s12 =	sadd.s32 s3, s25;
	[smem:$0x7D6] =	sst s23  }
0x23: {  	s13 =	sadd.s32 s6, s25;
	[smem:$0x7D9] =	sst s12  }
0x24: {  	s15 =	sadd.s32 s6, s9;
	[smem:$0x7DA] =	sst s13  }
0x25: {  	s24 =	sadd.s32 $0x580, s9;
	s7 =	sadd.s32 s6, s14;
	[smem:$0x7DC] =	sst s15  }
0x26: {  	s26 =	sadd.s32 s3, s24;
	[dreg:$0x12] =	wrdreg s7  }
0x27: {  	s14 =	sadd.s32 $0x680, s9;
	s7 =	sadd.s32 s6, s19;
	[dreg:$0x19] =	wrdreg s26  }
0x28: {  	s16 =	sadd.s32 s3, s14;
	[dreg:$0x16] =	wrdreg s7  }
0x29: {  	s19 =	sadd.s32 $0x780, s9;
	s7 =	sadd.s32 s6, s24;
	[dreg:$0x1d] =	wrdreg s16  }
0x2a: {  	s21 =	sadd.s32 s3, s19;
	[dreg:$0x1a] =	wrdreg s7  }
0x2b: {  	s24 =	sadd.s32 $0x880, s9;
	s7 =	sadd.s32 s6, s14;
	[smem:$0x7D3] =	sst s21  }
0x2c: {  	s26 =	sadd.s32 s3, s24;
	[dreg:$0x1e] =	wrdreg s7  }
0x2d: {  	s16 =	sadd.s32 $0x980, s9;
	s14 =	sadd.s32 s3, s9;
	[smem:$0x7D7] =	sst s26  }
0x2e: {  	s5 =	smul.u32 $0x2800, s5;
	s3 =	sadd.s32 s3, s16;
	[smem:$0x7DB] =	sst s14  }
0x2f: {  	s4 =	sshrl.u32 s4, $0x3;
	s7 =	sadd.s32 s6, s19;
	[smem:$0x7DD] =	sst s3  }
0x30: {  	s5 =	sshrl.u32 s5, $0x3;
	[smem:$0x7D4] =	sst s7;
	s7 =	sadd.s32 s6, s24  }
0x31: {  	s4 =	sadd.s32 s4, s2;
	s6 =	sadd.s32 s6, s16;
	[smem:$0x7D8] =	sst s7  }
0x32: {  	s5 =	sadd.s32 s5, s2;
	s2 =	sadd.s32 $0x1EA00, s2;
	[smem:$0x7DE] =	sst s6  }
0x33: {  	s18 =	sadd.s32 $0x28E00, s4;
	_ =	strace $0x80000047;
	[smem:$0x7DF] =	sst s2  }
0x34: {  	s19 =	sadd.s32 $0xA00, s5;
	[smem:$0x7E0] =	sst s18  }
0x35: {  	s20 =	sadd.s32 $0xA40, s5;
	[smem:$0x7E1] =	sst s19  }
0x36: {  	s21 =	sadd.s32 $0xA80, s5;
	[smem:$0x7E2] =	sst s20  }
0x37: {  	s22 =	sadd.s32 $0xAC0, s5;
	[smem:$0x7E3] =	sst s21  }
0x38: {  	s23 =	sadd.s32 $0xB00, s5;
	[smem:$0x7E4] =	sst s22  }
0x39: {  	s17 =	smul.u32 $0x50000, s10;
	s24 =	sadd.s32 $0xB40, s5;
	[smem:$0x7E5] =	sst s23  }
0x3a: {  	s25 =	sadd.s32 $0xB80, s5;
	[smem:$0x7E6] =	sst s24  }
0x3b: {  	s3 =	sshrl.u32 s17, $0x2;
	s26 =	sadd.s32 $0xBC0, s5;
	[smem:$0x7E7] =	sst s25  }
0x3c: {  	s15 =	sadd.s32 s3, s11;
	s3 =	sadd.s32 $0xC00, s5;
	[smem:$0x7E8] =	sst s26  }
0x3d: {  	s4 =	sadd.s32 $0xC40, s5;
	[smem:$0x7E9] =	sst s3  }
0x3e: {  	s6 =	sadd.s32 $0xC80, s5;
	[smem:$0x7EA] =	sst s4  }
0x3f: {  	s7 =	sadd.s32 $0xCC0, s5;
	[smem:$0x7EB] =	sst s6  }
0x40: {  	s9 =	sadd.s32 $0xD00, s5;
	[smem:$0x7EC] =	sst s7  }
0x41: {  	s10 =	sadd.s32 $0xD40, s5;
	[smem:$0x7ED] =	sst s9  }
0x42: {  	s12 =	sadd.s32 $0xD80, s5;
	[smem:$0x7EE] =	sst s10  }
0x43: {  	s13 =	sadd.s32 $0xDC0, s5;
	[smem:$0x7EF] =	sst s12  }
0x44: {  	s28 =	simm.s32 $0x80;
	s14 =	sadd.s32 $0xE00, s5;
	[smem:$0x7F0] =	sst s13  }
0x45: {  	s29 =	simm.s32 $0x480;
	s16 =	sadd.s32 $0xE40, s5;
	[smem:$0x7F1] =	sst s14  }
0x46: {  	s30 =	simm.s32 $0x100;
	s17 =	sadd.s32 $0xE80, s5;
	[smem:$0x7F2] =	sst s16  }
0x47: {  	s31 =	simm.s32 $0x500;
	s0 =	smax.u32 s0, $0x1;
	[smem:$0x7F3] =	sst s17  }
0x48: {  	s18 =	sadd.s32 $0xEC0, s5;
	s19 =	sadd.s32 $0x1EE00, s5;
	[smem:$0x7F6] =	sst s0  }
0x49: {  	s20 =	sadd.s32 $0x2000, s15;
	s21 =	sadd.s32 $0x4000, s15;
	s22 =	sadd.s32 $0x6000, s15  }
0x4a: {  	s23 =	sadd.s32 $0x8000, s15;
	s24 =	sadd.s32 $0xA000, s15;
	[smem:$0x7F4] =	sst s18  }
0x4b: {  	s25 =	sadd.s32 $0xC000, s15;
	s26 =	sadd.s32 $0xE000, s15;
	[smem:$0x7F5] =	sst s19  }
0x4c: {  	s0 =	simm.s32 $0x180;
	s2 =	simm.s32 $0x580;
	[smem:$0x7F7] =	sst s20  }
0x4d: {  	s3 =	simm.s32 $0x200;
	s4 =	simm.s32 $0x600;
	[smem:$0x7F8] =	sst s21  }
0x4e: {  	s5 =	simm.s32 $0x280;
	s6 =	simm.s32 $0x680;
	[smem:$0x7F9] =	sst s22  }
0x4f: {  	s7 =	simm.s32 $0x300;
	s9 =	simm.s32 $0x700;
	[smem:$0x7FA] =	sst s23  }
0x50: {  	s10 =	simm.s32 $0x380;
	s12 =	simm.s32 $0x780;
	[smem:$0x7FB] =	sst s24  }
0x51: {  	s13 =	simm.s32 $0x2A00;
	s14 =	simm.s32 $0x0;
	[smem:$0x7FC] =	sst s25  }
0x52: {  	[smem:$0x7FD] =	sst s26;
	s19 =	sadd.s32 $0x10000, s15;
	s20 =	sadd.s32 $0x12000, s15  }
0x53: {  	s21 =	simm.s32 $0xA00;
	s22 =	simm.s32 $0x2;
	s23 =	simm.s32 $0x400  }
0x54: {  	v0 =	vimm.f32 $0.0e+00;
	v1 =	vimm.f32 $1.000000000e+00;
	s24 =	simm.s32 $0x800;
	s25 =	simm.s32 $0x40;
	s26 =	simm.s32 $0x1  }
.LBB2_1:
0x55: {  	s16 =	sld [smem:$0x7DF];
	_ =	sdelay $0x2  }
0x56: {  	[tilespmem:s21], [sflag:$0x2] =	stream.linear.gather [hbm4b:s16+s1], $0x2000, $0x38;
	[tilespmem:$0x19200] =	vst v63  }
0x57: {  	_ =	swait.ge [sflag:s22], $0x2000  }
0x58: {  	[sflag:s22] =	ssyncset.done $0x0  }
0x59: {  	[sflag:s22] =	ssyncadd.s32 $0xFFFFE000  }
0x5a: {  	[spmem:s15] =	stream.linear.scatter [tilespmem:s21], [sflag:$0x2], $0x2000, $0x38;
	[tilespmem:$0x19200] =	vst v63  }
0x5b: {  	_ =	swait.ge [sflag:s22], $0x2000  }
0x5c: {  	s18 =	sld [smem:$0x7F7]  }
0x5d: {  	[sflag:s22] =	ssyncset.done $0x0  }
0x5e: {  	[sflag:s22] =	ssyncadd.s32 $0xFFFFE000  }
0x5f: {  	[spmem:s18] =	stream.linear.scatter [tilespmem:s21], [sflag:$0x2], $0x2000, $0x38;
	[tilespmem:$0x19200] =	vst v63  }
0x60: {  	_ =	swait.ge [sflag:s22], $0x2000  }
0x61: {  	s17 =	sld [smem:$0x7F8]  }
0x62: {  	[sflag:s22] =	ssyncset.done $0x0  }
0x63: {  	[sflag:s22] =	ssyncadd.s32 $0xFFFFE000  }
0x64: {  	[spmem:s17] =	stream.linear.scatter [tilespmem:s21], [sflag:$0x2], $0x2000, $0x38;
	[tilespmem:$0x19200] =	vst v63  }
0x65: {  	_ =	swait.ge [sflag:s22], $0x2000  }
0x66: {  	s18 =	sld [smem:$0x7F9]  }
0x67: {  	[sflag:s22] =	ssyncset.done $0x0  }
0x68: {  	[sflag:s22] =	ssyncadd.s32 $0xFFFFE000  }
0x69: {  	[spmem:s18] =	stream.linear.scatter [tilespmem:s21], [sflag:$0x2], $0x2000, $0x38;
	[tilespmem:$0x19200] =	vst v63  }
0x6a: {  	_ =	swait.ge [sflag:s22], $0x2000  }
0x6b: {  	s17 =	sld [smem:$0x7FA]  }
0x6c: {  	[sflag:s22] =	ssyncset.done $0x0  }
0x6d: {  	[sflag:s22] =	ssyncadd.s32 $0xFFFFE000  }
0x6e: {  	[spmem:s17] =	stream.linear.scatter [tilespmem:s21], [sflag:$0x2], $0x2000, $0x38;
	[tilespmem:$0x19200] =	vst v63  }
0x6f: {  	_ =	swait.ge [sflag:s22], $0x2000  }
0x70: {  	s18 =	sld [smem:$0x7FB]  }
0x71: {  	[sflag:s22] =	ssyncset.done $0x0  }
0x72: {  	[sflag:s22] =	ssyncadd.s32 $0xFFFFE000  }
0x73: {  	[spmem:s18] =	stream.linear.scatter [tilespmem:s21], [sflag:$0x2], $0x2000, $0x38;
	[tilespmem:$0x19200] =	vst v63  }
0x74: {  	_ =	swait.ge [sflag:s22], $0x2000  }
0x75: {  	s17 =	sld [smem:$0x7FC]  }
0x76: {  	[sflag:s22] =	ssyncset.done $0x0  }
0x77: {  	[sflag:s22] =	ssyncadd.s32 $0xFFFFE000  }
0x78: {  	[spmem:s17] =	stream.linear.scatter [tilespmem:s21], [sflag:$0x2], $0x2000, $0x38;
	[tilespmem:$0x19200] =	vst v63  }
0x79: {  	_ =	swait.ge [sflag:s22], $0x2000  }
0x7a: {  	s18 =	sld [smem:$0x7FD]  }
0x7b: {  	[sflag:s22] =	ssyncset.done $0x0  }
0x7c: {  	[sflag:s22] =	ssyncadd.s32 $0xFFFFE000  }
0x7d: {  	[spmem:s18] =	stream.linear.scatter [tilespmem:s21], [sflag:$0x2], $0x2000, $0x38;
	[tilespmem:$0x19200] =	vst v63  }
0x7e: {  	_ =	swait.ge [sflag:s22], $0x2000  }
0x7f: {  	[sflag:s22] =	ssyncset.done $0x0  }
0x80: {  	[sflag:s22] =	ssyncadd.s32 $0xFFFFE000  }
0x81: {  	[spmem:s19] =	stream.linear.scatter [tilespmem:s21], [sflag:$0x2], $0x2000, $0x38;
	[tilespmem:$0x19200] =	vst v63  }
0x82: {  	_ =	swait.ge [sflag:s22], $0x2000  }
0x83: {  	[sflag:s22] =	ssyncset.done $0x0  }
0x84: {  	[sflag:s22] =	ssyncadd.s32 $0xFFFFE000  }
0x85: {  	[spmem:s20] =	stream.linear.scatter [tilespmem:s21], [sflag:$0x2], $0x2000, $0x38;
	[tilespmem:$0x19200] =	vst v63  }
0x86: {  	_ =	swait.ge [sflag:s22], $0x2000  }
0x87: {  	[sflag:s22] =	ssyncset.done $0x0  }
0x88: {  	s16 =	simm.s32 $0x40;
	s17 =	simm.s32 $0x0;
	[sflag:s22] =	ssyncadd.s32 $0xFFFFE000  }
.LBB2_2:
0x89: {  	p0 =	sne.s32 s16, $0x9FC0;
	[tilespmem:s17+$0x2A00] =	vst v0;
	s17 =	smov.u32 s16;
	s16 =	sadd.s32 $0x40, s16  }
.Ltmp0:
0x8a: {  	(pc) =	sbr.rel @p0 .LBB2_2-.Ltmp0, $2  }
0x8b: {  	_ =	sdelay $0x2  }
0x8c: {  	s17 =	sshra.s32 s17, $0x2  }
0x8d: {  	[tilespmem:s17+$0x2A00] =	vst v0  }
0x8e: {  	[bflag:$0x0] =	sbarrier.arrive $0xFFFF  }
0x8f: {  	s16 =	sld [smem:$0x7DB];
	_ =	sdelay $0x2  }
0x90: {  	[tilespmem:s1], [sflag:$0x2] =	stream.linear.gather [hbm4b:s16+s1], $0x400, $0x38;
	[tilespmem:$0x19200] =	vst v63  }
0x91: {  	_ =	swait.ge [sflag:s22], $0x400  }
0x92: {  	s17 =	sld [smem:$0x7DC]  }
0x93: {  	[sflag:s22] =	ssyncset.done $0x0  }
0x94: {  	[sflag:s22] =	ssyncadd.s32 $0xFFFFFC00  }
0x95: {  	[tilespmem:s23], [sflag:$0x2] =	stream.linear.gather [hbm4b:s17+s1], $0x400, $0x38;
	[tilespmem:$0x19200] =	vst v63  }
0x96: {  	_ =	swait.ge [sflag:s22], $0x400  }
0x97: {  	s18 =	sld [smem:$0x7E1]  }
0x98: {  	[sflag:s22] =	ssyncset.done $0x0  }
0x99: {  	[sflag:s22] =	ssyncadd.s32 $0xFFFFFC00  }
0x9a: {  	[tilespmem:s24], [sflag:$0x2] =	stream.linear.gather [hbm4b:s18+s1], $0x200, $0x38;
	[tilespmem:$0x19200] =	vst v63  }
0x9b: {  	_ =	swait.ge [sflag:s22], $0x200  }
0x9c: {  	[sflag:s22] =	ssyncset.done $0x0  }
0x9d: {  	[sflag:s22] =	ssyncadd.s32 $0xFFFFFE00  }
0x9e: {  	[tilespmem:s21], [sflag:$0x1] =	stream.indirect.gather [hbm4b:s8+s25], $0x80, s1, s25, $0xb8;
	[tilespmem:$0x19200] =	vst v63  }
0x9f: {  	_ =	swait.ge [sflag:s26], $0x2000  }
0xa0: {  	[sflag:s26] =	ssyncset.done $0x0  }
0xa1: {  	[sflag:s26] =	ssyncadd.s32 $0xFFFFE000  }
0xa2: {  	[spmem:s11] =	stream.indirect.scatter.add.f32 [tilespmem:s21], [sflag:$0x2], $0x80, s23, s25, $0xb8;
	[tilespmem:$0x19200] =	vst v63  }
0xa3: {  	_ =	swait.ge [sflag:s22], $0x2000  }
0xa4: {  	[sflag:s22] =	ssyncset.done $0x0  }
0xa5: {  	[sflag:s22] =	ssyncadd.s32 $0xFFFFE000  }
0xa6: {  	[tilespmem:s21], [sflag:$0x1] =	stream.indirect.gather [hbm4b:s8+s25], $0x80, s28, s25, $0xb8;
	[tilespmem:$0x19200] =	vst v63  }
0xa7: {  	_ =	swait.ge [sflag:s26], $0x2000  }
0xa8: {  	[sflag:s26] =	ssyncset.done $0x0  }
0xa9: {  	[sflag:s26] =	ssyncadd.s32 $0xFFFFE000  }
0xaa: {  	[spmem:s11] =	stream.indirect.scatter.add.f32 [tilespmem:s21], [sflag:$0x2], $0x80, s29, s25, $0xb8;
	[tilespmem:$0x19200] =	vst v63  }
0xab: {  	_ =	swait.ge [sflag:s22], $0x2000  }
0xac: {  	[sflag:s22] =	ssyncset.done $0x0  }
0xad: {  	[sflag:s22] =	ssyncadd.s32 $0xFFFFE000  }
0xae: {  	[tilespmem:s21], [sflag:$0x1] =	stream.indirect.gather [hbm4b:s8+s25], $0x80, s30, s25, $0xb8;
	[tilespmem:$0x19200] =	vst v63  }
0xaf: {  	_ =	swait.ge [sflag:s26], $0x2000  }
0xb0: {  	[sflag:s26] =	ssyncset.done $0x0  }
0xb1: {  	[sflag:s26] =	ssyncadd.s32 $0xFFFFE000  }
0xb2: {  	[spmem:s11] =	stream.indirect.scatter.add.f32 [tilespmem:s21], [sflag:$0x2], $0x80, s31, s25, $0xb8;
	[tilespmem:$0x19200] =	vst v63  }
0xb3: {  	_ =	swait.ge [sflag:s22], $0x2000  }
0xb4: {  	[sflag:s22] =	ssyncset.done $0x0  }
0xb5: {  	[sflag:s22] =	ssyncadd.s32 $0xFFFFE000  }
0xb6: {  	[tilespmem:s21], [sflag:$0x1] =	stream.indirect.gather [hbm4b:s8+s25], $0x80, s0, s25, $0xb8;
	[tilespmem:$0x19200] =	vst v63  }
0xb7: {  	_ =	swait.ge [sflag:s26], $0x2000  }
0xb8: {  	[sflag:s26] =	ssyncset.done $0x0  }
0xb9: {  	[sflag:s26] =	ssyncadd.s32 $0xFFFFE000  }
0xba: {  	[spmem:s11] =	stream.indirect.scatter.add.f32 [tilespmem:s21], [sflag:$0x2], $0x80, s2, s25, $0xb8;
	[tilespmem:$0x19200] =	vst v63  }
0xbb: {  	_ =	swait.ge [sflag:s22], $0x2000  }
0xbc: {  	[sflag:s22] =	ssyncset.done $0x0  }
0xbd: {  	[sflag:s22] =	ssyncadd.s32 $0xFFFFE000  }
0xbe: {  	[tilespmem:s21], [sflag:$0x1] =	stream.indirect.gather [hbm4b:s8+s25], $0x80, s3, s25, $0xb8;
	[tilespmem:$0x19200] =	vst v63  }
0xbf: {  	_ =	swait.ge [sflag:s26], $0x2000  }
0xc0: {  	[sflag:s26] =	ssyncset.done $0x0  }
0xc1: {  	[sflag:s26] =	ssyncadd.s32 $0xFFFFE000  }
0xc2: {  	[spmem:s11] =	stream.indirect.scatter.add.f32 [tilespmem:s21], [sflag:$0x2], $0x80, s4, s25, $0xb8;
	[tilespmem:$0x19200] =	vst v63  }
0xc3: {  	_ =	swait.ge [sflag:s22], $0x2000  }
0xc4: {  	[sflag:s22] =	ssyncset.done $0x0  }
0xc5: {  	[sflag:s22] =	ssyncadd.s32 $0xFFFFE000  }
0xc6: {  	[tilespmem:s21], [sflag:$0x1] =	stream.indirect.gather [hbm4b:s8+s25], $0x80, s5, s25, $0xb8;
	[tilespmem:$0x19200] =	vst v63  }
0xc7: {  	_ =	swait.ge [sflag:s26], $0x2000  }
0xc8: {  	[sflag:s26] =	ssyncset.done $0x0  }
0xc9: {  	[sflag:s26] =	ssyncadd.s32 $0xFFFFE000  }
0xca: {  	[spmem:s11] =	stream.indirect.scatter.add.f32 [tilespmem:s21], [sflag:$0x2], $0x80, s6, s25, $0xb8;
	[tilespmem:$0x19200] =	vst v63  }
0xcb: {  	_ =	swait.ge [sflag:s22], $0x2000  }
0xcc: {  	[sflag:s22] =	ssyncset.done $0x0  }
0xcd: {  	[sflag:s22] =	ssyncadd.s32 $0xFFFFE000  }
0xce: {  	[tilespmem:s21], [sflag:$0x1] =	stream.indirect.gather [hbm4b:s8+s25], $0x80, s7, s25, $0xb8;
	[tilespmem:$0x19200] =	vst v63  }
0xcf: {  	_ =	swait.ge [sflag:s26], $0x2000  }
0xd0: {  	[sflag:s26] =	ssyncset.done $0x0  }
0xd1: {  	[sflag:s26] =	ssyncadd.s32 $0xFFFFE000  }
0xd2: {  	[spmem:s11] =	stream.indirect.scatter.add.f32 [tilespmem:s21], [sflag:$0x2], $0x80, s9, s25, $0xb8;
	[tilespmem:$0x19200] =	vst v63  }
0xd3: {  	_ =	swait.ge [sflag:s22], $0x2000  }
0xd4: {  	[sflag:s22] =	ssyncset.done $0x0  }
0xd5: {  	[sflag:s22] =	ssyncadd.s32 $0xFFFFE000  }
0xd6: {  	[tilespmem:s21], [sflag:$0x1] =	stream.indirect.gather [hbm4b:s8+s25], $0x80, s10, s25, $0xb8;
	[tilespmem:$0x19200] =	vst v63  }
0xd7: {  	_ =	swait.ge [sflag:s26], $0x2000  }
0xd8: {  	[sflag:s26] =	ssyncset.done $0x0  }
0xd9: {  	[sflag:s26] =	ssyncadd.s32 $0xFFFFE000  }
0xda: {  	[spmem:s11] =	stream.indirect.scatter.add.f32 [tilespmem:s21], [sflag:$0x2], $0x80, s12, s25, $0xb8;
	[tilespmem:$0x19200] =	vst v63  }
0xdb: {  	_ =	swait.ge [sflag:s22], $0x2000  }
0xdc: {  	[sflag:s22] =	ssyncset.done $0x0  }
0xdd: {  	[sflag:s22] =	ssyncadd.s32 $0xFFFFE000  }
0xde: {  	v2 =	vld [tilespmem:$0x800];
	_ =	sdelay $0x7  }
0xdf: {  	[tilespmem:v2+s13+$0x0] =	vst.idx.add.f32.msk $0xffff, v1  }
0xe0: {  	v2 =	vld [tilespmem:$0x810];
	_ =	sdelay $0x7  }
0xe1: {  	[tilespmem:v2+s13+$0x0] =	vst.idx.add.f32.msk $0xffff, v1  }
0xe2: {  	v2 =	vld [tilespmem:$0x820];
	_ =	sdelay $0x7  }
0xe3: {  	[tilespmem:v2+s13+$0x0] =	vst.idx.add.f32.msk $0xffff, v1  }
0xe4: {  	v2 =	vld [tilespmem:$0x830];
	_ =	sdelay $0x7  }
0xe5: {  	[tilespmem:v2+s13+$0x0] =	vst.idx.add.f32.msk $0xffff, v1  }
0xe6: {  	v2 =	vld [tilespmem:$0x840];
	_ =	sdelay $0x7  }
0xe7: {  	[tilespmem:v2+s13+$0x0] =	vst.idx.add.f32.msk $0xffff, v1  }
0xe8: {  	v2 =	vld [tilespmem:$0x850];
	_ =	sdelay $0x7  }
0xe9: {  	[tilespmem:v2+s13+$0x0] =	vst.idx.add.f32.msk $0xffff, v1  }
0xea: {  	v2 =	vld [tilespmem:$0x860];
	_ =	sdelay $0x7  }
0xeb: {  	[tilespmem:v2+s13+$0x0] =	vst.idx.add.f32.msk $0xffff, v1  }
0xec: {  	v2 =	vld [tilespmem:$0x870];
	_ =	sdelay $0x7  }
0xed: {  	[tilespmem:v2+s13+$0x0] =	vst.idx.add.f32.msk $0xffff, v1  }
0xee: {  	v2 =	vld [tilespmem:$0x880];
	_ =	sdelay $0x7  }
0xef: {  	[tilespmem:v2+s13+$0x0] =	vst.idx.add.f32.msk $0xffff, v1  }
0xf0: {  	v2 =	vld [tilespmem:$0x890];
	_ =	sdelay $0x7  }
0xf1: {  	[tilespmem:v2+s13+$0x0] =	vst.idx.add.f32.msk $0xffff, v1  }
0xf2: {  	v2 =	vld [tilespmem:$0x8A0];
	_ =	sdelay $0x7  }
0xf3: {  	[tilespmem:v2+s13+$0x0] =	vst.idx.add.f32.msk $0xffff, v1  }
0xf4: {  	v2 =	vld [tilespmem:$0x8B0];
	_ =	sdelay $0x7  }
0xf5: {  	[tilespmem:v2+s13+$0x0] =	vst.idx.add.f32.msk $0xffff, v1  }
0xf6: {  	v2 =	vld [tilespmem:$0x8C0];
	_ =	sdelay $0x7  }
0xf7: {  	[tilespmem:v2+s13+$0x0] =	vst.idx.add.f32.msk $0xffff, v1  }
0xf8: {  	v2 =	vld [tilespmem:$0x8D0];
	_ =	sdelay $0x7  }
0xf9: {  	[tilespmem:v2+s13+$0x0] =	vst.idx.add.f32.msk $0xffff, v1  }
0xfa: {  	v2 =	vld [tilespmem:$0x8E0];
	_ =	sdelay $0x7  }
0xfb: {  	[tilespmem:v2+s13+$0x0] =	vst.idx.add.f32.msk $0xffff, v1  }
0xfc: {  	v2 =	vld [tilespmem:$0x8F0];
	_ =	sdelay $0x7  }
0xfd: {  	[tilespmem:v2+s13+$0x0] =	vst.idx.add.f32.msk $0xffff, v1  }
0xfe: {  	v2 =	vld [tilespmem:$0x900];
	_ =	sdelay $0x7  }
0xff: {  	[tilespmem:v2+s13+$0x0] =	vst.idx.add.f32.msk $0xffff, v1  }
0x100: {  	v2 =	vld [tilespmem:$0x910];
	_ =	sdelay $0x7  }
0x101: {  	[tilespmem:v2+s13+$0x0] =	vst.idx.add.f32.msk $0xffff, v1  }
0x102: {  	v2 =	vld [tilespmem:$0x920];
	_ =	sdelay $0x7  }
0x103: {  	[tilespmem:v2+s13+$0x0] =	vst.idx.add.f32.msk $0xffff, v1  }
0x104: {  	v2 =	vld [tilespmem:$0x930];
	_ =	sdelay $0x7  }
0x105: {  	[tilespmem:v2+s13+$0x0] =	vst.idx.add.f32.msk $0xffff, v1  }
0x106: {  	v2 =	vld [tilespmem:$0x940];
	_ =	sdelay $0x7  }
0x107: {  	[tilespmem:v2+s13+$0x0] =	vst.idx.add.f32.msk $0xffff, v1  }
0x108: {  	v2 =	vld [tilespmem:$0x950];
	_ =	sdelay $0x7  }
0x109: {  	[tilespmem:v2+s13+$0x0] =	vst.idx.add.f32.msk $0xffff, v1  }
0x10a: {  	v2 =	vld [tilespmem:$0x960];
	_ =	sdelay $0x7  }
0x10b: {  	[tilespmem:v2+s13+$0x0] =	vst.idx.add.f32.msk $0xffff, v1  }
0x10c: {  	v2 =	vld [tilespmem:$0x970];
	_ =	sdelay $0x7  }
0x10d: {  	[tilespmem:v2+s13+$0x0] =	vst.idx.add.f32.msk $0xffff, v1  }
0x10e: {  	v2 =	vld [tilespmem:$0x980];
	_ =	sdelay $0x7  }
0x10f: {  	[tilespmem:v2+s13+$0x0] =	vst.idx.add.f32.msk $0xffff, v1  }
0x110: {  	v2 =	vld [tilespmem:$0x990];
	_ =	sdelay $0x7  }
0x111: {  	[tilespmem:v2+s13+$0x0] =	vst.idx.add.f32.msk $0xffff, v1  }
0x112: {  	v2 =	vld [tilespmem:$0x9A0];
	_ =	sdelay $0x7  }
0x113: {  	[tilespmem:v2+s13+$0x0] =	vst.idx.add.f32.msk $0xffff, v1  }
0x114: {  	v2 =	vld [tilespmem:$0x9B0];
	_ =	sdelay $0x7  }
0x115: {  	[tilespmem:v2+s13+$0x0] =	vst.idx.add.f32.msk $0xffff, v1  }
0x116: {  	v2 =	vld [tilespmem:$0x9C0];
	_ =	sdelay $0x7  }
0x117: {  	[tilespmem:v2+s13+$0x0] =	vst.idx.add.f32.msk $0xffff, v1  }
0x118: {  	v2 =	vld [tilespmem:$0x9D0];
	_ =	sdelay $0x7  }
0x119: {  	[tilespmem:v2+s13+$0x0] =	vst.idx.add.f32.msk $0xffff, v1  }
0x11a: {  	v2 =	vld [tilespmem:$0x9E0];
	_ =	sdelay $0x7  }
0x11b: {  	[tilespmem:v2+s13+$0x0] =	vst.idx.add.f32.msk $0xffff, v1  }
0x11c: {  	v2 =	vld [tilespmem:$0x9F0];
	_ =	sdelay $0x7  }
0x11d: {  	s17 =	rddreg [dreg:$0x5];
	[tilespmem:v2+s13+$0x0] =	vst.idx.add.f32.msk $0xffff, v1  }
0x11e: {  	[tilespmem:s1], [sflag:$0x2] =	stream.linear.gather [hbm4b:s17+s1], $0x400, $0x38;
	[tilespmem:$0x19200] =	vst v63  }
0x11f: {  	_ =	swait.ge [sflag:s22], $0x400  }
0x120: {  	[sflag:s22] =	ssyncset.done $0x0  }
0x121: {  	s18 =	rddreg [dreg:$0x6];
	[sflag:s22] =	ssyncadd.s32 $0xFFFFFC00  }
0x122: {  	[tilespmem:s23], [sflag:$0x2] =	stream.linear.gather [hbm4b:s18+s1], $0x400, $0x38;
	[tilespmem:$0x19200] =	vst v63  }
0x123: {  	_ =	swait.ge [sflag:s22], $0x400  }
0x124: {  	s17 =	sld [smem:$0x7E2]  }
0x125: {  	[sflag:s22] =	ssyncset.done $0x0  }
0x126: {  	[sflag:s22] =	ssyncadd.s32 $0xFFFFFC00  }
0x127: {  	[tilespmem:s24], [sflag:$0x2] =	stream.linear.gather [hbm4b:s17+s1], $0x200, $0x38;
	[tilespmem:$0x19200] =	vst v63  }
0x128: {  	_ =	swait.ge [sflag:s22], $0x200  }
0x129: {  	[sflag:s22] =	ssyncset.done $0x0  }
0x12a: {  	[sflag:s22] =	ssyncadd.s32 $0xFFFFFE00  }
0x12b: {  	[tilespmem:s21], [sflag:$0x1] =	stream.indirect.gather [hbm4b:s8+s25], $0x80, s1, s25, $0xb8;
	[tilespmem:$0x19200] =	vst v63  }
0x12c: {  	_ =	swait.ge [sflag:s26], $0x2000  }
0x12d: {  	[sflag:s26] =	ssyncset.done $0x0  }
0x12e: {  	[sflag:s26] =	ssyncadd.s32 $0xFFFFE000  }
0x12f: {  	[spmem:s11] =	stream.indirect.scatter.add.f32 [tilespmem:s21], [sflag:$0x2], $0x80, s23, s25, $0xb8;
	[tilespmem:$0x19200] =	vst v63  }
0x130: {  	_ =	swait.ge [sflag:s22], $0x2000  }
0x131: {  	[sflag:s22] =	ssyncset.done $0x0  }
0x132: {  	[sflag:s22] =	ssyncadd.s32 $0xFFFFE000  }
0x133: {  	[tilespmem:s21], [sflag:$0x1] =	stream.indirect.gather [hbm4b:s8+s25], $0x80, s28, s25, $0xb8;
	[tilespmem:$0x19200] =	vst v63  }
0x134: {  	_ =	swait.ge [sflag:s26], $0x2000  }
0x135: {  	[sflag:s26] =	ssyncset.done $0x0  }
0x136: {  	[sflag:s26] =	ssyncadd.s32 $0xFFFFE000  }
0x137: {  	[spmem:s11] =	stream.indirect.scatter.add.f32 [tilespmem:s21], [sflag:$0x2], $0x80, s29, s25, $0xb8;
	[tilespmem:$0x19200] =	vst v63  }
0x138: {  	_ =	swait.ge [sflag:s22], $0x2000  }
0x139: {  	[sflag:s22] =	ssyncset.done $0x0  }
0x13a: {  	[sflag:s22] =	ssyncadd.s32 $0xFFFFE000  }
0x13b: {  	[tilespmem:s21], [sflag:$0x1] =	stream.indirect.gather [hbm4b:s8+s25], $0x80, s30, s25, $0xb8;
	[tilespmem:$0x19200] =	vst v63  }
0x13c: {  	_ =	swait.ge [sflag:s26], $0x2000  }
0x13d: {  	[sflag:s26] =	ssyncset.done $0x0  }
0x13e: {  	[sflag:s26] =	ssyncadd.s32 $0xFFFFE000  }
0x13f: {  	[spmem:s11] =	stream.indirect.scatter.add.f32 [tilespmem:s21], [sflag:$0x2], $0x80, s31, s25, $0xb8;
	[tilespmem:$0x19200] =	vst v63  }
0x140: {  	_ =	swait.ge [sflag:s22], $0x2000  }
0x141: {  	[sflag:s22] =	ssyncset.done $0x0  }
0x142: {  	[sflag:s22] =	ssyncadd.s32 $0xFFFFE000  }
0x143: {  	[tilespmem:s21], [sflag:$0x1] =	stream.indirect.gather [hbm4b:s8+s25], $0x80, s0, s25, $0xb8;
	[tilespmem:$0x19200] =	vst v63  }
0x144: {  	_ =	swait.ge [sflag:s26], $0x2000  }
0x145: {  	[sflag:s26] =	ssyncset.done $0x0  }
0x146: {  	[sflag:s26] =	ssyncadd.s32 $0xFFFFE000  }
0x147: {  	[spmem:s11] =	stream.indirect.scatter.add.f32 [tilespmem:s21], [sflag:$0x2], $0x80, s2, s25, $0xb8;
	[tilespmem:$0x19200] =	vst v63  }
0x148: {  	_ =	swait.ge [sflag:s22], $0x2000  }
0x149: {  	[sflag:s22] =	ssyncset.done $0x0  }
0x14a: {  	[sflag:s22] =	ssyncadd.s32 $0xFFFFE000  }
0x14b: {  	[tilespmem:s21], [sflag:$0x1] =	stream.indirect.gather [hbm4b:s8+s25], $0x80, s3, s25, $0xb8;
	[tilespmem:$0x19200] =	vst v63  }
0x14c: {  	_ =	swait.ge [sflag:s26], $0x2000  }
0x14d: {  	[sflag:s26] =	ssyncset.done $0x0  }
0x14e: {  	[sflag:s26] =	ssyncadd.s32 $0xFFFFE000  }
0x14f: {  	[spmem:s11] =	stream.indirect.scatter.add.f32 [tilespmem:s21], [sflag:$0x2], $0x80, s4, s25, $0xb8;
	[tilespmem:$0x19200] =	vst v63  }
0x150: {  	_ =	swait.ge [sflag:s22], $0x2000  }
0x151: {  	[sflag:s22] =	ssyncset.done $0x0  }
0x152: {  	[sflag:s22] =	ssyncadd.s32 $0xFFFFE000  }
0x153: {  	[tilespmem:s21], [sflag:$0x1] =	stream.indirect.gather [hbm4b:s8+s25], $0x80, s5, s25, $0xb8;
	[tilespmem:$0x19200] =	vst v63  }
0x154: {  	_ =	swait.ge [sflag:s26], $0x2000  }
0x155: {  	[sflag:s26] =	ssyncset.done $0x0  }
0x156: {  	[sflag:s26] =	ssyncadd.s32 $0xFFFFE000  }
0x157: {  	[spmem:s11] =	stream.indirect.scatter.add.f32 [tilespmem:s21], [sflag:$0x2], $0x80, s6, s25, $0xb8;
	[tilespmem:$0x19200] =	vst v63  }
0x158: {  	_ =	swait.ge [sflag:s22], $0x2000  }
0x159: {  	[sflag:s22] =	ssyncset.done $0x0  }
0x15a: {  	[sflag:s22] =	ssyncadd.s32 $0xFFFFE000  }
0x15b: {  	[tilespmem:s21], [sflag:$0x1] =	stream.indirect.gather [hbm4b:s8+s25], $0x80, s7, s25, $0xb8;
	[tilespmem:$0x19200] =	vst v63  }
0x15c: {  	_ =	swait.ge [sflag:s26], $0x2000  }
0x15d: {  	[sflag:s26] =	ssyncset.done $0x0  }
0x15e: {  	[sflag:s26] =	ssyncadd.s32 $0xFFFFE000  }
0x15f: {  	[spmem:s11] =	stream.indirect.scatter.add.f32 [tilespmem:s21], [sflag:$0x2], $0x80, s9, s25, $0xb8;
	[tilespmem:$0x19200] =	vst v63  }
0x160: {  	_ =	swait.ge [sflag:s22], $0x2000  }
0x161: {  	[sflag:s22] =	ssyncset.done $0x0  }
0x162: {  	[sflag:s22] =	ssyncadd.s32 $0xFFFFE000  }
0x163: {  	[tilespmem:s21], [sflag:$0x1] =	stream.indirect.gather [hbm4b:s8+s25], $0x80, s10, s25, $0xb8;
	[tilespmem:$0x19200] =	vst v63  }
0x164: {  	_ =	swait.ge [sflag:s26], $0x2000  }
0x165: {  	[sflag:s26] =	ssyncset.done $0x0  }
0x166: {  	[sflag:s26] =	ssyncadd.s32 $0xFFFFE000  }
0x167: {  	[spmem:s11] =	stream.indirect.scatter.add.f32 [tilespmem:s21], [sflag:$0x2], $0x80, s12, s25, $0xb8;
	[tilespmem:$0x19200] =	vst v63  }
0x168: {  	_ =	swait.ge [sflag:s22], $0x2000  }
0x169: {  	[sflag:s22] =	ssyncset.done $0x0  }
0x16a: {  	[sflag:s22] =	ssyncadd.s32 $0xFFFFE000  }
0x16b: {  	v2 =	vld [tilespmem:$0x800];
	_ =	sdelay $0x7  }
0x16c: {  	[tilespmem:v2+s13+$0x0] =	vst.idx.add.f32.msk $0xffff, v1  }
0x16d: {  	v2 =	vld [tilespmem:$0x810];
	_ =	sdelay $0x7  }
0x16e: {  	[tilespmem:v2+s13+$0x0] =	vst.idx.add.f32.msk $0xffff, v1  }
0x16f: {  	v2 =	vld [tilespmem:$0x820];
	_ =	sdelay $0x7  }
0x170: {  	[tilespmem:v2+s13+$0x0] =	vst.idx.add.f32.msk $0xffff, v1  }
0x171: {  	v2 =	vld [tilespmem:$0x830];
	_ =	sdelay $0x7  }
0x172: {  	[tilespmem:v2+s13+$0x0] =	vst.idx.add.f32.msk $0xffff, v1  }
0x173: {  	v2 =	vld [tilespmem:$0x840];
	_ =	sdelay $0x7  }
0x174: {  	[tilespmem:v2+s13+$0x0] =	vst.idx.add.f32.msk $0xffff, v1  }
0x175: {  	v2 =	vld [tilespmem:$0x850];
	_ =	sdelay $0x7  }
0x176: {  	[tilespmem:v2+s13+$0x0] =	vst.idx.add.f32.msk $0xffff, v1  }
0x177: {  	v2 =	vld [tilespmem:$0x860];
	_ =	sdelay $0x7  }
0x178: {  	[tilespmem:v2+s13+$0x0] =	vst.idx.add.f32.msk $0xffff, v1  }
0x179: {  	v2 =	vld [tilespmem:$0x870];
	_ =	sdelay $0x7  }
0x17a: {  	[tilespmem:v2+s13+$0x0] =	vst.idx.add.f32.msk $0xffff, v1  }
0x17b: {  	v2 =	vld [tilespmem:$0x880];
	_ =	sdelay $0x7  }
0x17c: {  	[tilespmem:v2+s13+$0x0] =	vst.idx.add.f32.msk $0xffff, v1  }
0x17d: {  	v2 =	vld [tilespmem:$0x890];
	_ =	sdelay $0x7  }
0x17e: {  	[tilespmem:v2+s13+$0x0] =	vst.idx.add.f32.msk $0xffff, v1  }
0x17f: {  	v2 =	vld [tilespmem:$0x8A0];
	_ =	sdelay $0x7  }
0x180: {  	[tilespmem:v2+s13+$0x0] =	vst.idx.add.f32.msk $0xffff, v1  }
0x181: {  	v2 =	vld [tilespmem:$0x8B0];
	_ =	sdelay $0x7  }
0x182: {  	[tilespmem:v2+s13+$0x0] =	vst.idx.add.f32.msk $0xffff, v1  }
0x183: {  	v2 =	vld [tilespmem:$0x8C0];
	_ =	sdelay $0x7  }
0x184: {  	[tilespmem:v2+s13+$0x0] =	vst.idx.add.f32.msk $0xffff, v1  }
0x185: {  	v2 =	vld [tilespmem:$0x8D0];
	_ =	sdelay $0x7  }
0x186: {  	[tilespmem:v2+s13+$0x0] =	vst.idx.add.f32.msk $0xffff, v1  }
0x187: {  	v2 =	vld [tilespmem:$0x8E0];
	_ =	sdelay $0x7  }
0x188: {  	[tilespmem:v2+s13+$0x0] =	vst.idx.add.f32.msk $0xffff, v1  }
0x189: {  	v2 =	vld [tilespmem:$0x8F0];
	_ =	sdelay $0x7  }
0x18a: {  	[tilespmem:v2+s13+$0x0] =	vst.idx.add.f32.msk $0xffff, v1  }
0x18b: {  	v2 =	vld [tilespmem:$0x900];
	_ =	sdelay $0x7  }
0x18c: {  	[tilespmem:v2+s13+$0x0] =	vst.idx.add.f32.msk $0xffff, v1  }
0x18d: {  	v2 =	vld [tilespmem:$0x910];
	_ =	sdelay $0x7  }
0x18e: {  	[tilespmem:v2+s13+$0x0] =	vst.idx.add.f32.msk $0xffff, v1  }
0x18f: {  	v2 =	vld [tilespmem:$0x920];
	_ =	sdelay $0x7  }
0x190: {  	[tilespmem:v2+s13+$0x0] =	vst.idx.add.f32.msk $0xffff, v1  }
0x191: {  	v2 =	vld [tilespmem:$0x930];
	_ =	sdelay $0x7  }
0x192: {  	[tilespmem:v2+s13+$0x0] =	vst.idx.add.f32.msk $0xffff, v1  }
0x193: {  	v2 =	vld [tilespmem:$0x940];
	_ =	sdelay $0x7  }
0x194: {  	[tilespmem:v2+s13+$0x0] =	vst.idx.add.f32.msk $0xffff, v1  }
0x195: {  	v2 =	vld [tilespmem:$0x950];
	_ =	sdelay $0x7  }
0x196: {  	[tilespmem:v2+s13+$0x0] =	vst.idx.add.f32.msk $0xffff, v1  }
0x197: {  	v2 =	vld [tilespmem:$0x960];
	_ =	sdelay $0x7  }
0x198: {  	[tilespmem:v2+s13+$0x0] =	vst.idx.add.f32.msk $0xffff, v1  }
0x199: {  	v2 =	vld [tilespmem:$0x970];
	_ =	sdelay $0x7  }
0x19a: {  	[tilespmem:v2+s13+$0x0] =	vst.idx.add.f32.msk $0xffff, v1  }
0x19b: {  	v2 =	vld [tilespmem:$0x980];
	_ =	sdelay $0x7  }
0x19c: {  	[tilespmem:v2+s13+$0x0] =	vst.idx.add.f32.msk $0xffff, v1  }
0x19d: {  	v2 =	vld [tilespmem:$0x990];
	_ =	sdelay $0x7  }
0x19e: {  	[tilespmem:v2+s13+$0x0] =	vst.idx.add.f32.msk $0xffff, v1  }
0x19f: {  	v2 =	vld [tilespmem:$0x9A0];
	_ =	sdelay $0x7  }
0x1a0: {  	[tilespmem:v2+s13+$0x0] =	vst.idx.add.f32.msk $0xffff, v1  }
0x1a1: {  	v2 =	vld [tilespmem:$0x9B0];
	_ =	sdelay $0x7  }
0x1a2: {  	[tilespmem:v2+s13+$0x0] =	vst.idx.add.f32.msk $0xffff, v1  }
0x1a3: {  	v2 =	vld [tilespmem:$0x9C0];
	_ =	sdelay $0x7  }
0x1a4: {  	[tilespmem:v2+s13+$0x0] =	vst.idx.add.f32.msk $0xffff, v1  }
0x1a5: {  	v2 =	vld [tilespmem:$0x9D0];
	_ =	sdelay $0x7  }
0x1a6: {  	[tilespmem:v2+s13+$0x0] =	vst.idx.add.f32.msk $0xffff, v1  }
0x1a7: {  	v2 =	vld [tilespmem:$0x9E0];
	_ =	sdelay $0x7  }
0x1a8: {  	[tilespmem:v2+s13+$0x0] =	vst.idx.add.f32.msk $0xffff, v1  }
0x1a9: {  	v2 =	vld [tilespmem:$0x9F0];
	_ =	sdelay $0x7  }
0x1aa: {  	s18 =	rddreg [dreg:$0x7];
	[tilespmem:v2+s13+$0x0] =	vst.idx.add.f32.msk $0xffff, v1  }
0x1ab: {  	[tilespmem:s1], [sflag:$0x2] =	stream.linear.gather [hbm4b:s18+s1], $0x400, $0x38;
	[tilespmem:$0x19200] =	vst v63  }
0x1ac: {  	_ =	swait.ge [sflag:s22], $0x400  }
0x1ad: {  	[sflag:s22] =	ssyncset.done $0x0  }
0x1ae: {  	s17 =	rddreg [dreg:$0x8];
	[sflag:s22] =	ssyncadd.s32 $0xFFFFFC00  }
0x1af: {  	[tilespmem:s23], [sflag:$0x2] =	stream.linear.gather [hbm4b:s17+s1], $0x400, $0x38;
	[tilespmem:$0x19200] =	vst v63  }
0x1b0: {  	_ =	swait.ge [sflag:s22], $0x400  }
0x1b1: {  	s18 =	sld [smem:$0x7E3]  }
0x1b2: {  	[sflag:s22] =	ssyncset.done $0x0  }
0x1b3: {  	[sflag:s22] =	ssyncadd.s32 $0xFFFFFC00  }
0x1b4: {  	[tilespmem:s24], [sflag:$0x2] =	stream.linear.gather [hbm4b:s18+s1], $0x200, $0x38;
	[tilespmem:$0x19200] =	vst v63  }
0x1b5: {  	_ =	swait.ge [sflag:s22], $0x200  }
0x1b6: {  	[sflag:s22] =	ssyncset.done $0x0  }
0x1b7: {  	[sflag:s22] =	ssyncadd.s32 $0xFFFFFE00  }
0x1b8: {  	[tilespmem:s21], [sflag:$0x1] =	stream.indirect.gather [hbm4b:s8+s25], $0x80, s1, s25, $0xb8;
	[tilespmem:$0x19200] =	vst v63  }
0x1b9: {  	_ =	swait.ge [sflag:s26], $0x2000  }
0x1ba: {  	[sflag:s26] =	ssyncset.done $0x0  }
0x1bb: {  	[sflag:s26] =	ssyncadd.s32 $0xFFFFE000  }
0x1bc: {  	[spmem:s11] =	stream.indirect.scatter.add.f32 [tilespmem:s21], [sflag:$0x2], $0x80, s23, s25, $0xb8;
	[tilespmem:$0x19200] =	vst v63  }
0x1bd: {  	_ =	swait.ge [sflag:s22], $0x2000  }
0x1be: {  	[sflag:s22] =	ssyncset.done $0x0  }
0x1bf: {  	[sflag:s22] =	ssyncadd.s32 $0xFFFFE000  }
0x1c0: {  	[tilespmem:s21], [sflag:$0x1] =	stream.indirect.gather [hbm4b:s8+s25], $0x80, s28, s25, $0xb8;
	[tilespmem:$0x19200] =	vst v63  }
0x1c1: {  	_ =	swait.ge [sflag:s26], $0x2000  }
0x1c2: {  	[sflag:s26] =	ssyncset.done $0x0  }
0x1c3: {  	[sflag:s26] =	ssyncadd.s32 $0xFFFFE000  }
0x1c4: {  	[spmem:s11] =	stream.indirect.scatter.add.f32 [tilespmem:s21], [sflag:$0x2], $0x80, s29, s25, $0xb8;
	[tilespmem:$0x19200] =	vst v63  }
0x1c5: {  	_ =	swait.ge [sflag:s22], $0x2000  }
0x1c6: {  	[sflag:s22] =	ssyncset.done $0x0  }
0x1c7: {  	[sflag:s22] =	ssyncadd.s32 $0xFFFFE000  }
0x1c8: {  	[tilespmem:s21], [sflag:$0x1] =	stream.indirect.gather [hbm4b:s8+s25], $0x80, s30, s25, $0xb8;
	[tilespmem:$0x19200] =	vst v63  }
0x1c9: {  	_ =	swait.ge [sflag:s26], $0x2000  }
0x1ca: {  	[sflag:s26] =	ssyncset.done $0x0  }
0x1cb: {  	[sflag:s26] =	ssyncadd.s32 $0xFFFFE000  }
0x1cc: {  	[spmem:s11] =	stream.indirect.scatter.add.f32 [tilespmem:s21], [sflag:$0x2], $0x80, s31, s25, $0xb8;
	[tilespmem:$0x19200] =	vst v63  }
0x1cd: {  	_ =	swait.ge [sflag:s22], $0x2000  }
0x1ce: {  	[sflag:s22] =	ssyncset.done $0x0  }
0x1cf: {  	[sflag:s22] =	ssyncadd.s32 $0xFFFFE000  }
0x1d0: {  	[tilespmem:s21], [sflag:$0x1] =	stream.indirect.gather [hbm4b:s8+s25], $0x80, s0, s25, $0xb8;
	[tilespmem:$0x19200] =	vst v63  }
0x1d1: {  	_ =	swait.ge [sflag:s26], $0x2000  }
0x1d2: {  	[sflag:s26] =	ssyncset.done $0x0  }
0x1d3: {  	[sflag:s26] =	ssyncadd.s32 $0xFFFFE000  }
0x1d4: {  	[spmem:s11] =	stream.indirect.scatter.add.f32 [tilespmem:s21], [sflag:$0x2], $0x80, s2, s25, $0xb8;
	[tilespmem:$0x19200] =	vst v63  }
0x1d5: {  	_ =	swait.ge [sflag:s22], $0x2000  }
0x1d6: {  	[sflag:s22] =	ssyncset.done $0x0  }
0x1d7: {  	[sflag:s22] =	ssyncadd.s32 $0xFFFFE000  }
0x1d8: {  	[tilespmem:s21], [sflag:$0x1] =	stream.indirect.gather [hbm4b:s8+s25], $0x80, s3, s25, $0xb8;
	[tilespmem:$0x19200] =	vst v63  }
0x1d9: {  	_ =	swait.ge [sflag:s26], $0x2000  }
0x1da: {  	[sflag:s26] =	ssyncset.done $0x0  }
0x1db: {  	[sflag:s26] =	ssyncadd.s32 $0xFFFFE000  }
0x1dc: {  	[spmem:s11] =	stream.indirect.scatter.add.f32 [tilespmem:s21], [sflag:$0x2], $0x80, s4, s25, $0xb8;
	[tilespmem:$0x19200] =	vst v63  }
0x1dd: {  	_ =	swait.ge [sflag:s22], $0x2000  }
0x1de: {  	[sflag:s22] =	ssyncset.done $0x0  }
0x1df: {  	[sflag:s22] =	ssyncadd.s32 $0xFFFFE000  }
0x1e0: {  	[tilespmem:s21], [sflag:$0x1] =	stream.indirect.gather [hbm4b:s8+s25], $0x80, s5, s25, $0xb8;
	[tilespmem:$0x19200] =	vst v63  }
0x1e1: {  	_ =	swait.ge [sflag:s26], $0x2000  }
0x1e2: {  	[sflag:s26] =	ssyncset.done $0x0  }
0x1e3: {  	[sflag:s26] =	ssyncadd.s32 $0xFFFFE000  }
0x1e4: {  	[spmem:s11] =	stream.indirect.scatter.add.f32 [tilespmem:s21], [sflag:$0x2], $0x80, s6, s25, $0xb8;
	[tilespmem:$0x19200] =	vst v63  }
0x1e5: {  	_ =	swait.ge [sflag:s22], $0x2000  }
0x1e6: {  	[sflag:s22] =	ssyncset.done $0x0  }
0x1e7: {  	[sflag:s22] =	ssyncadd.s32 $0xFFFFE000  }
0x1e8: {  	[tilespmem:s21], [sflag:$0x1] =	stream.indirect.gather [hbm4b:s8+s25], $0x80, s7, s25, $0xb8;
	[tilespmem:$0x19200] =	vst v63  }
0x1e9: {  	_ =	swait.ge [sflag:s26], $0x2000  }
0x1ea: {  	[sflag:s26] =	ssyncset.done $0x0  }
0x1eb: {  	[sflag:s26] =	ssyncadd.s32 $0xFFFFE000  }
0x1ec: {  	[spmem:s11] =	stream.indirect.scatter.add.f32 [tilespmem:s21], [sflag:$0x2], $0x80, s9, s25, $0xb8;
	[tilespmem:$0x19200] =	vst v63  }
0x1ed: {  	_ =	swait.ge [sflag:s22], $0x2000  }
0x1ee: {  	[sflag:s22] =	ssyncset.done $0x0  }
0x1ef: {  	[sflag:s22] =	ssyncadd.s32 $0xFFFFE000  }
0x1f0: {  	[tilespmem:s21], [sflag:$0x1] =	stream.indirect.gather [hbm4b:s8+s25], $0x80, s10, s25, $0xb8;
	[tilespmem:$0x19200] =	vst v63  }
0x1f1: {  	_ =	swait.ge [sflag:s26], $0x2000  }
0x1f2: {  	[sflag:s26] =	ssyncset.done $0x0  }
0x1f3: {  	[sflag:s26] =	ssyncadd.s32 $0xFFFFE000  }
0x1f4: {  	[spmem:s11] =	stream.indirect.scatter.add.f32 [tilespmem:s21], [sflag:$0x2], $0x80, s12, s25, $0xb8;
	[tilespmem:$0x19200] =	vst v63  }
0x1f5: {  	_ =	swait.ge [sflag:s22], $0x2000  }
0x1f6: {  	[sflag:s22] =	ssyncset.done $0x0  }
0x1f7: {  	[sflag:s22] =	ssyncadd.s32 $0xFFFFE000  }
0x1f8: {  	v2 =	vld [tilespmem:$0x800];
	_ =	sdelay $0x7  }
0x1f9: {  	[tilespmem:v2+s13+$0x0] =	vst.idx.add.f32.msk $0xffff, v1  }
0x1fa: {  	v2 =	vld [tilespmem:$0x810];
	_ =	sdelay $0x7  }
0x1fb: {  	[tilespmem:v2+s13+$0x0] =	vst.idx.add.f32.msk $0xffff, v1  }
0x1fc: {  	v2 =	vld [tilespmem:$0x820];
	_ =	sdelay $0x7  }
0x1fd: {  	[tilespmem:v2+s13+$0x0] =	vst.idx.add.f32.msk $0xffff, v1  }
0x1fe: {  	v2 =	vld [tilespmem:$0x830];
	_ =	sdelay $0x7  }
0x1ff: {  	[tilespmem:v2+s13+$0x0] =	vst.idx.add.f32.msk $0xffff, v1  }
0x200: {  	v2 =	vld [tilespmem:$0x840];
	_ =	sdelay $0x7  }
0x201: {  	[tilespmem:v2+s13+$0x0] =	vst.idx.add.f32.msk $0xffff, v1  }
0x202: {  	v2 =	vld [tilespmem:$0x850];
	_ =	sdelay $0x7  }
0x203: {  	[tilespmem:v2+s13+$0x0] =	vst.idx.add.f32.msk $0xffff, v1  }
0x204: {  	v2 =	vld [tilespmem:$0x860];
	_ =	sdelay $0x7  }
0x205: {  	[tilespmem:v2+s13+$0x0] =	vst.idx.add.f32.msk $0xffff, v1  }
0x206: {  	v2 =	vld [tilespmem:$0x870];
	_ =	sdelay $0x7  }
0x207: {  	[tilespmem:v2+s13+$0x0] =	vst.idx.add.f32.msk $0xffff, v1  }
0x208: {  	v2 =	vld [tilespmem:$0x880];
	_ =	sdelay $0x7  }
0x209: {  	[tilespmem:v2+s13+$0x0] =	vst.idx.add.f32.msk $0xffff, v1  }
0x20a: {  	v2 =	vld [tilespmem:$0x890];
	_ =	sdelay $0x7  }
0x20b: {  	[tilespmem:v2+s13+$0x0] =	vst.idx.add.f32.msk $0xffff, v1  }
0x20c: {  	v2 =	vld [tilespmem:$0x8A0];
	_ =	sdelay $0x7  }
0x20d: {  	[tilespmem:v2+s13+$0x0] =	vst.idx.add.f32.msk $0xffff, v1  }
0x20e: {  	v2 =	vld [tilespmem:$0x8B0];
	_ =	sdelay $0x7  }
0x20f: {  	[tilespmem:v2+s13+$0x0] =	vst.idx.add.f32.msk $0xffff, v1  }
0x210: {  	v2 =	vld [tilespmem:$0x8C0];
	_ =	sdelay $0x7  }
0x211: {  	[tilespmem:v2+s13+$0x0] =	vst.idx.add.f32.msk $0xffff, v1  }
0x212: {  	v2 =	vld [tilespmem:$0x8D0];
	_ =	sdelay $0x7  }
0x213: {  	[tilespmem:v2+s13+$0x0] =	vst.idx.add.f32.msk $0xffff, v1  }
0x214: {  	v2 =	vld [tilespmem:$0x8E0];
	_ =	sdelay $0x7  }
0x215: {  	[tilespmem:v2+s13+$0x0] =	vst.idx.add.f32.msk $0xffff, v1  }
0x216: {  	v2 =	vld [tilespmem:$0x8F0];
	_ =	sdelay $0x7  }
0x217: {  	[tilespmem:v2+s13+$0x0] =	vst.idx.add.f32.msk $0xffff, v1  }
0x218: {  	v2 =	vld [tilespmem:$0x900];
	_ =	sdelay $0x7  }
0x219: {  	[tilespmem:v2+s13+$0x0] =	vst.idx.add.f32.msk $0xffff, v1  }
0x21a: {  	v2 =	vld [tilespmem:$0x910];
	_ =	sdelay $0x7  }
0x21b: {  	[tilespmem:v2+s13+$0x0] =	vst.idx.add.f32.msk $0xffff, v1  }
0x21c: {  	v2 =	vld [tilespmem:$0x920];
	_ =	sdelay $0x7  }
0x21d: {  	[tilespmem:v2+s13+$0x0] =	vst.idx.add.f32.msk $0xffff, v1  }
0x21e: {  	v2 =	vld [tilespmem:$0x930];
	_ =	sdelay $0x7  }
0x21f: {  	[tilespmem:v2+s13+$0x0] =	vst.idx.add.f32.msk $0xffff, v1  }
0x220: {  	v2 =	vld [tilespmem:$0x940];
	_ =	sdelay $0x7  }
0x221: {  	[tilespmem:v2+s13+$0x0] =	vst.idx.add.f32.msk $0xffff, v1  }
0x222: {  	v2 =	vld [tilespmem:$0x950];
	_ =	sdelay $0x7  }
0x223: {  	[tilespmem:v2+s13+$0x0] =	vst.idx.add.f32.msk $0xffff, v1  }
0x224: {  	v2 =	vld [tilespmem:$0x960];
	_ =	sdelay $0x7  }
0x225: {  	[tilespmem:v2+s13+$0x0] =	vst.idx.add.f32.msk $0xffff, v1  }
0x226: {  	v2 =	vld [tilespmem:$0x970];
	_ =	sdelay $0x7  }
0x227: {  	[tilespmem:v2+s13+$0x0] =	vst.idx.add.f32.msk $0xffff, v1  }
0x228: {  	v2 =	vld [tilespmem:$0x980];
	_ =	sdelay $0x7  }
0x229: {  	[tilespmem:v2+s13+$0x0] =	vst.idx.add.f32.msk $0xffff, v1  }
0x22a: {  	v2 =	vld [tilespmem:$0x990];
	_ =	sdelay $0x7  }
0x22b: {  	[tilespmem:v2+s13+$0x0] =	vst.idx.add.f32.msk $0xffff, v1  }
0x22c: {  	v2 =	vld [tilespmem:$0x9A0];
	_ =	sdelay $0x7  }
0x22d: {  	[tilespmem:v2+s13+$0x0] =	vst.idx.add.f32.msk $0xffff, v1  }
0x22e: {  	v2 =	vld [tilespmem:$0x9B0];
	_ =	sdelay $0x7  }
0x22f: {  	[tilespmem:v2+s13+$0x0] =	vst.idx.add.f32.msk $0xffff, v1  }
0x230: {  	v2 =	vld [tilespmem:$0x9C0];
	_ =	sdelay $0x7  }
0x231: {  	[tilespmem:v2+s13+$0x0] =	vst.idx.add.f32.msk $0xffff, v1  }
0x232: {  	v2 =	vld [tilespmem:$0x9D0];
	_ =	sdelay $0x7  }
0x233: {  	[tilespmem:v2+s13+$0x0] =	vst.idx.add.f32.msk $0xffff, v1  }
0x234: {  	v2 =	vld [tilespmem:$0x9E0];
	_ =	sdelay $0x7  }
0x235: {  	[tilespmem:v2+s13+$0x0] =	vst.idx.add.f32.msk $0xffff, v1  }
0x236: {  	v2 =	vld [tilespmem:$0x9F0];
	_ =	sdelay $0x7  }
0x237: {  	s17 =	rddreg [dreg:$0x9];
	[tilespmem:v2+s13+$0x0] =	vst.idx.add.f32.msk $0xffff, v1  }
0x238: {  	[tilespmem:s1], [sflag:$0x2] =	stream.linear.gather [hbm4b:s17+s1], $0x400, $0x38;
	[tilespmem:$0x19200] =	vst v63  }
0x239: {  	_ =	swait.ge [sflag:s22], $0x400  }
0x23a: {  	[sflag:s22] =	ssyncset.done $0x0  }
0x23b: {  	s18 =	rddreg [dreg:$0xa];
	[sflag:s22] =	ssyncadd.s32 $0xFFFFFC00  }
0x23c: {  	[tilespmem:s23], [sflag:$0x2] =	stream.linear.gather [hbm4b:s18+s1], $0x400, $0x38;
	[tilespmem:$0x19200] =	vst v63  }
0x23d: {  	_ =	swait.ge [sflag:s22], $0x400  }
0x23e: {  	s17 =	sld [smem:$0x7E4]  }
0x23f: {  	[sflag:s22] =	ssyncset.done $0x0  }
0x240: {  	[sflag:s22] =	ssyncadd.s32 $0xFFFFFC00  }
0x241: {  	[tilespmem:s24], [sflag:$0x2] =	stream.linear.gather [hbm4b:s17+s1], $0x200, $0x38;
	[tilespmem:$0x19200] =	vst v63  }
0x242: {  	_ =	swait.ge [sflag:s22], $0x200  }
0x243: {  	[sflag:s22] =	ssyncset.done $0x0  }
0x244: {  	[sflag:s22] =	ssyncadd.s32 $0xFFFFFE00  }
0x245: {  	[tilespmem:s21], [sflag:$0x1] =	stream.indirect.gather [hbm4b:s8+s25], $0x80, s1, s25, $0xb8;
	[tilespmem:$0x19200] =	vst v63  }
0x246: {  	_ =	swait.ge [sflag:s26], $0x2000  }
0x247: {  	[sflag:s26] =	ssyncset.done $0x0  }
0x248: {  	[sflag:s26] =	ssyncadd.s32 $0xFFFFE000  }
0x249: {  	[spmem:s11] =	stream.indirect.scatter.add.f32 [tilespmem:s21], [sflag:$0x2], $0x80, s23, s25, $0xb8;
	[tilespmem:$0x19200] =	vst v63  }
0x24a: {  	_ =	swait.ge [sflag:s22], $0x2000  }
0x24b: {  	[sflag:s22] =	ssyncset.done $0x0  }
0x24c: {  	[sflag:s22] =	ssyncadd.s32 $0xFFFFE000  }
0x24d: {  	[tilespmem:s21], [sflag:$0x1] =	stream.indirect.gather [hbm4b:s8+s25], $0x80, s28, s25, $0xb8;
	[tilespmem:$0x19200] =	vst v63  }
0x24e: {  	_ =	swait.ge [sflag:s26], $0x2000  }
0x24f: {  	[sflag:s26] =	ssyncset.done $0x0  }
0x250: {  	[sflag:s26] =	ssyncadd.s32 $0xFFFFE000  }
0x251: {  	[spmem:s11] =	stream.indirect.scatter.add.f32 [tilespmem:s21], [sflag:$0x2], $0x80, s29, s25, $0xb8;
	[tilespmem:$0x19200] =	vst v63  }
0x252: {  	_ =	swait.ge [sflag:s22], $0x2000  }
0x253: {  	[sflag:s22] =	ssyncset.done $0x0  }
0x254: {  	[sflag:s22] =	ssyncadd.s32 $0xFFFFE000  }
0x255: {  	[tilespmem:s21], [sflag:$0x1] =	stream.indirect.gather [hbm4b:s8+s25], $0x80, s30, s25, $0xb8;
	[tilespmem:$0x19200] =	vst v63  }
0x256: {  	_ =	swait.ge [sflag:s26], $0x2000  }
0x257: {  	[sflag:s26] =	ssyncset.done $0x0  }
0x258: {  	[sflag:s26] =	ssyncadd.s32 $0xFFFFE000  }
0x259: {  	[spmem:s11] =	stream.indirect.scatter.add.f32 [tilespmem:s21], [sflag:$0x2], $0x80, s31, s25, $0xb8;
	[tilespmem:$0x19200] =	vst v63  }
0x25a: {  	_ =	swait.ge [sflag:s22], $0x2000  }
0x25b: {  	[sflag:s22] =	ssyncset.done $0x0  }
0x25c: {  	[sflag:s22] =	ssyncadd.s32 $0xFFFFE000  }
0x25d: {  	[tilespmem:s21], [sflag:$0x1] =	stream.indirect.gather [hbm4b:s8+s25], $0x80, s0, s25, $0xb8;
	[tilespmem:$0x19200] =	vst v63  }
0x25e: {  	_ =	swait.ge [sflag:s26], $0x2000  }
0x25f: {  	[sflag:s26] =	ssyncset.done $0x0  }
0x260: {  	[sflag:s26] =	ssyncadd.s32 $0xFFFFE000  }
0x261: {  	[spmem:s11] =	stream.indirect.scatter.add.f32 [tilespmem:s21], [sflag:$0x2], $0x80, s2, s25, $0xb8;
	[tilespmem:$0x19200] =	vst v63  }
0x262: {  	_ =	swait.ge [sflag:s22], $0x2000  }
0x263: {  	[sflag:s22] =	ssyncset.done $0x0  }
0x264: {  	[sflag:s22] =	ssyncadd.s32 $0xFFFFE000  }
0x265: {  	[tilespmem:s21], [sflag:$0x1] =	stream.indirect.gather [hbm4b:s8+s25], $0x80, s3, s25, $0xb8;
	[tilespmem:$0x19200] =	vst v63  }
0x266: {  	_ =	swait.ge [sflag:s26], $0x2000  }
0x267: {  	[sflag:s26] =	ssyncset.done $0x0  }
0x268: {  	[sflag:s26] =	ssyncadd.s32 $0xFFFFE000  }
0x269: {  	[spmem:s11] =	stream.indirect.scatter.add.f32 [tilespmem:s21], [sflag:$0x2], $0x80, s4, s25, $0xb8;
	[tilespmem:$0x19200] =	vst v63  }
0x26a: {  	_ =	swait.ge [sflag:s22], $0x2000  }
0x26b: {  	[sflag:s22] =	ssyncset.done $0x0  }
0x26c: {  	[sflag:s22] =	ssyncadd.s32 $0xFFFFE000  }
0x26d: {  	[tilespmem:s21], [sflag:$0x1] =	stream.indirect.gather [hbm4b:s8+s25], $0x80, s5, s25, $0xb8;
	[tilespmem:$0x19200] =	vst v63  }
0x26e: {  	_ =	swait.ge [sflag:s26], $0x2000  }
0x26f: {  	[sflag:s26] =	ssyncset.done $0x0  }
0x270: {  	[sflag:s26] =	ssyncadd.s32 $0xFFFFE000  }
0x271: {  	[spmem:s11] =	stream.indirect.scatter.add.f32 [tilespmem:s21], [sflag:$0x2], $0x80, s6, s25, $0xb8;
	[tilespmem:$0x19200] =	vst v63  }
0x272: {  	_ =	swait.ge [sflag:s22], $0x2000  }
0x273: {  	[sflag:s22] =	ssyncset.done $0x0  }
0x274: {  	[sflag:s22] =	ssyncadd.s32 $0xFFFFE000  }
0x275: {  	[tilespmem:s21], [sflag:$0x1] =	stream.indirect.gather [hbm4b:s8+s25], $0x80, s7, s25, $0xb8;
	[tilespmem:$0x19200] =	vst v63  }
0x276: {  	_ =	swait.ge [sflag:s26], $0x2000  }
0x277: {  	[sflag:s26] =	ssyncset.done $0x0  }
0x278: {  	[sflag:s26] =	ssyncadd.s32 $0xFFFFE000  }
0x279: {  	[spmem:s11] =	stream.indirect.scatter.add.f32 [tilespmem:s21], [sflag:$0x2], $0x80, s9, s25, $0xb8;
	[tilespmem:$0x19200] =	vst v63  }
0x27a: {  	_ =	swait.ge [sflag:s22], $0x2000  }
0x27b: {  	[sflag:s22] =	ssyncset.done $0x0  }
0x27c: {  	[sflag:s22] =	ssyncadd.s32 $0xFFFFE000  }
0x27d: {  	[tilespmem:s21], [sflag:$0x1] =	stream.indirect.gather [hbm4b:s8+s25], $0x80, s10, s25, $0xb8;
	[tilespmem:$0x19200] =	vst v63  }
0x27e: {  	_ =	swait.ge [sflag:s26], $0x2000  }
0x27f: {  	[sflag:s26] =	ssyncset.done $0x0  }
0x280: {  	[sflag:s26] =	ssyncadd.s32 $0xFFFFE000  }
0x281: {  	[spmem:s11] =	stream.indirect.scatter.add.f32 [tilespmem:s21], [sflag:$0x2], $0x80, s12, s25, $0xb8;
	[tilespmem:$0x19200] =	vst v63  }
0x282: {  	_ =	swait.ge [sflag:s22], $0x2000  }
0x283: {  	[sflag:s22] =	ssyncset.done $0x0  }
0x284: {  	[sflag:s22] =	ssyncadd.s32 $0xFFFFE000  }
0x285: {  	v2 =	vld [tilespmem:$0x800];
	_ =	sdelay $0x7  }
0x286: {  	[tilespmem:v2+s13+$0x0] =	vst.idx.add.f32.msk $0xffff, v1  }
0x287: {  	v2 =	vld [tilespmem:$0x810];
	_ =	sdelay $0x7  }
0x288: {  	[tilespmem:v2+s13+$0x0] =	vst.idx.add.f32.msk $0xffff, v1  }
0x289: {  	v2 =	vld [tilespmem:$0x820];
	_ =	sdelay $0x7  }
0x28a: {  	[tilespmem:v2+s13+$0x0] =	vst.idx.add.f32.msk $0xffff, v1  }
0x28b: {  	v2 =	vld [tilespmem:$0x830];
	_ =	sdelay $0x7  }
0x28c: {  	[tilespmem:v2+s13+$0x0] =	vst.idx.add.f32.msk $0xffff, v1  }
0x28d: {  	v2 =	vld [tilespmem:$0x840];
	_ =	sdelay $0x7  }
0x28e: {  	[tilespmem:v2+s13+$0x0] =	vst.idx.add.f32.msk $0xffff, v1  }
0x28f: {  	v2 =	vld [tilespmem:$0x850];
	_ =	sdelay $0x7  }
0x290: {  	[tilespmem:v2+s13+$0x0] =	vst.idx.add.f32.msk $0xffff, v1  }
0x291: {  	v2 =	vld [tilespmem:$0x860];
	_ =	sdelay $0x7  }
0x292: {  	[tilespmem:v2+s13+$0x0] =	vst.idx.add.f32.msk $0xffff, v1  }
0x293: {  	v2 =	vld [tilespmem:$0x870];
	_ =	sdelay $0x7  }
0x294: {  	[tilespmem:v2+s13+$0x0] =	vst.idx.add.f32.msk $0xffff, v1  }
0x295: {  	v2 =	vld [tilespmem:$0x880];
	_ =	sdelay $0x7  }
0x296: {  	[tilespmem:v2+s13+$0x0] =	vst.idx.add.f32.msk $0xffff, v1  }
0x297: {  	v2 =	vld [tilespmem:$0x890];
	_ =	sdelay $0x7  }
0x298: {  	[tilespmem:v2+s13+$0x0] =	vst.idx.add.f32.msk $0xffff, v1  }
0x299: {  	v2 =	vld [tilespmem:$0x8A0];
	_ =	sdelay $0x7  }
0x29a: {  	[tilespmem:v2+s13+$0x0] =	vst.idx.add.f32.msk $0xffff, v1  }
0x29b: {  	v2 =	vld [tilespmem:$0x8B0];
	_ =	sdelay $0x7  }
0x29c: {  	[tilespmem:v2+s13+$0x0] =	vst.idx.add.f32.msk $0xffff, v1  }
0x29d: {  	v2 =	vld [tilespmem:$0x8C0];
	_ =	sdelay $0x7  }
0x29e: {  	[tilespmem:v2+s13+$0x0] =	vst.idx.add.f32.msk $0xffff, v1  }
0x29f: {  	v2 =	vld [tilespmem:$0x8D0];
	_ =	sdelay $0x7  }
0x2a0: {  	[tilespmem:v2+s13+$0x0] =	vst.idx.add.f32.msk $0xffff, v1  }
0x2a1: {  	v2 =	vld [tilespmem:$0x8E0];
	_ =	sdelay $0x7  }
0x2a2: {  	[tilespmem:v2+s13+$0x0] =	vst.idx.add.f32.msk $0xffff, v1  }
0x2a3: {  	v2 =	vld [tilespmem:$0x8F0];
	_ =	sdelay $0x7  }
0x2a4: {  	[tilespmem:v2+s13+$0x0] =	vst.idx.add.f32.msk $0xffff, v1  }
0x2a5: {  	v2 =	vld [tilespmem:$0x900];
	_ =	sdelay $0x7  }
0x2a6: {  	[tilespmem:v2+s13+$0x0] =	vst.idx.add.f32.msk $0xffff, v1  }
0x2a7: {  	v2 =	vld [tilespmem:$0x910];
	_ =	sdelay $0x7  }
0x2a8: {  	[tilespmem:v2+s13+$0x0] =	vst.idx.add.f32.msk $0xffff, v1  }
0x2a9: {  	v2 =	vld [tilespmem:$0x920];
	_ =	sdelay $0x7  }
0x2aa: {  	[tilespmem:v2+s13+$0x0] =	vst.idx.add.f32.msk $0xffff, v1  }
0x2ab: {  	v2 =	vld [tilespmem:$0x930];
	_ =	sdelay $0x7  }
0x2ac: {  	[tilespmem:v2+s13+$0x0] =	vst.idx.add.f32.msk $0xffff, v1  }
0x2ad: {  	v2 =	vld [tilespmem:$0x940];
	_ =	sdelay $0x7  }
0x2ae: {  	[tilespmem:v2+s13+$0x0] =	vst.idx.add.f32.msk $0xffff, v1  }
0x2af: {  	v2 =	vld [tilespmem:$0x950];
	_ =	sdelay $0x7  }
0x2b0: {  	[tilespmem:v2+s13+$0x0] =	vst.idx.add.f32.msk $0xffff, v1  }
0x2b1: {  	v2 =	vld [tilespmem:$0x960];
	_ =	sdelay $0x7  }
0x2b2: {  	[tilespmem:v2+s13+$0x0] =	vst.idx.add.f32.msk $0xffff, v1  }
0x2b3: {  	v2 =	vld [tilespmem:$0x970];
	_ =	sdelay $0x7  }
0x2b4: {  	[tilespmem:v2+s13+$0x0] =	vst.idx.add.f32.msk $0xffff, v1  }
0x2b5: {  	v2 =	vld [tilespmem:$0x980];
	_ =	sdelay $0x7  }
0x2b6: {  	[tilespmem:v2+s13+$0x0] =	vst.idx.add.f32.msk $0xffff, v1  }
0x2b7: {  	v2 =	vld [tilespmem:$0x990];
	_ =	sdelay $0x7  }
0x2b8: {  	[tilespmem:v2+s13+$0x0] =	vst.idx.add.f32.msk $0xffff, v1  }
0x2b9: {  	v2 =	vld [tilespmem:$0x9A0];
	_ =	sdelay $0x7  }
0x2ba: {  	[tilespmem:v2+s13+$0x0] =	vst.idx.add.f32.msk $0xffff, v1  }
0x2bb: {  	v2 =	vld [tilespmem:$0x9B0];
	_ =	sdelay $0x7  }
0x2bc: {  	[tilespmem:v2+s13+$0x0] =	vst.idx.add.f32.msk $0xffff, v1  }
0x2bd: {  	v2 =	vld [tilespmem:$0x9C0];
	_ =	sdelay $0x7  }
0x2be: {  	[tilespmem:v2+s13+$0x0] =	vst.idx.add.f32.msk $0xffff, v1  }
0x2bf: {  	v2 =	vld [tilespmem:$0x9D0];
	_ =	sdelay $0x7  }
0x2c0: {  	[tilespmem:v2+s13+$0x0] =	vst.idx.add.f32.msk $0xffff, v1  }
0x2c1: {  	v2 =	vld [tilespmem:$0x9E0];
	_ =	sdelay $0x7  }
0x2c2: {  	[tilespmem:v2+s13+$0x0] =	vst.idx.add.f32.msk $0xffff, v1  }
0x2c3: {  	v2 =	vld [tilespmem:$0x9F0];
	_ =	sdelay $0x7  }
0x2c4: {  	s18 =	rddreg [dreg:$0xb];
	[tilespmem:v2+s13+$0x0] =	vst.idx.add.f32.msk $0xffff, v1  }
0x2c5: {  	[tilespmem:s1], [sflag:$0x2] =	stream.linear.gather [hbm4b:s18+s1], $0x400, $0x38;
	[tilespmem:$0x19200] =	vst v63  }
0x2c6: {  	_ =	swait.ge [sflag:s22], $0x400  }
0x2c7: {  	[sflag:s22] =	ssyncset.done $0x0  }
0x2c8: {  	s17 =	rddreg [dreg:$0xc];
	[sflag:s22] =	ssyncadd.s32 $0xFFFFFC00  }
0x2c9: {  	[tilespmem:s23], [sflag:$0x2] =	stream.linear.gather [hbm4b:s17+s1], $0x400, $0x38;
	[tilespmem:$0x19200] =	vst v63  }
0x2ca: {  	_ =	swait.ge [sflag:s22], $0x400  }
0x2cb: {  	s18 =	sld [smem:$0x7E5]  }
0x2cc: {  	[sflag:s22] =	ssyncset.done $0x0  }
0x2cd: {  	[sflag:s22] =	ssyncadd.s32 $0xFFFFFC00  }
0x2ce: {  	[tilespmem:s24], [sflag:$0x2] =	stream.linear.gather [hbm4b:s18+s1], $0x200, $0x38;
	[tilespmem:$0x19200] =	vst v63  }
0x2cf: {  	_ =	swait.ge [sflag:s22], $0x200  }
0x2d0: {  	[sflag:s22] =	ssyncset.done $0x0  }
0x2d1: {  	[sflag:s22] =	ssyncadd.s32 $0xFFFFFE00  }
0x2d2: {  	[tilespmem:s21], [sflag:$0x1] =	stream.indirect.gather [hbm4b:s8+s25], $0x80, s1, s25, $0xb8;
	[tilespmem:$0x19200] =	vst v63  }
0x2d3: {  	_ =	swait.ge [sflag:s26], $0x2000  }
0x2d4: {  	[sflag:s26] =	ssyncset.done $0x0  }
0x2d5: {  	[sflag:s26] =	ssyncadd.s32 $0xFFFFE000  }
0x2d6: {  	[spmem:s11] =	stream.indirect.scatter.add.f32 [tilespmem:s21], [sflag:$0x2], $0x80, s23, s25, $0xb8;
	[tilespmem:$0x19200] =	vst v63  }
0x2d7: {  	_ =	swait.ge [sflag:s22], $0x2000  }
0x2d8: {  	[sflag:s22] =	ssyncset.done $0x0  }
0x2d9: {  	[sflag:s22] =	ssyncadd.s32 $0xFFFFE000  }
0x2da: {  	[tilespmem:s21], [sflag:$0x1] =	stream.indirect.gather [hbm4b:s8+s25], $0x80, s28, s25, $0xb8;
	[tilespmem:$0x19200] =	vst v63  }
0x2db: {  	_ =	swait.ge [sflag:s26], $0x2000  }
0x2dc: {  	[sflag:s26] =	ssyncset.done $0x0  }
0x2dd: {  	[sflag:s26] =	ssyncadd.s32 $0xFFFFE000  }
0x2de: {  	[spmem:s11] =	stream.indirect.scatter.add.f32 [tilespmem:s21], [sflag:$0x2], $0x80, s29, s25, $0xb8;
	[tilespmem:$0x19200] =	vst v63  }
0x2df: {  	_ =	swait.ge [sflag:s22], $0x2000  }
0x2e0: {  	[sflag:s22] =	ssyncset.done $0x0  }
0x2e1: {  	[sflag:s22] =	ssyncadd.s32 $0xFFFFE000  }
0x2e2: {  	[tilespmem:s21], [sflag:$0x1] =	stream.indirect.gather [hbm4b:s8+s25], $0x80, s30, s25, $0xb8;
	[tilespmem:$0x19200] =	vst v63  }
0x2e3: {  	_ =	swait.ge [sflag:s26], $0x2000  }
0x2e4: {  	[sflag:s26] =	ssyncset.done $0x0  }
0x2e5: {  	[sflag:s26] =	ssyncadd.s32 $0xFFFFE000  }
0x2e6: {  	[spmem:s11] =	stream.indirect.scatter.add.f32 [tilespmem:s21], [sflag:$0x2], $0x80, s31, s25, $0xb8;
	[tilespmem:$0x19200] =	vst v63  }
0x2e7: {  	_ =	swait.ge [sflag:s22], $0x2000  }
0x2e8: {  	[sflag:s22] =	ssyncset.done $0x0  }
0x2e9: {  	[sflag:s22] =	ssyncadd.s32 $0xFFFFE000  }
0x2ea: {  	[tilespmem:s21], [sflag:$0x1] =	stream.indirect.gather [hbm4b:s8+s25], $0x80, s0, s25, $0xb8;
	[tilespmem:$0x19200] =	vst v63  }
0x2eb: {  	_ =	swait.ge [sflag:s26], $0x2000  }
0x2ec: {  	[sflag:s26] =	ssyncset.done $0x0  }
0x2ed: {  	[sflag:s26] =	ssyncadd.s32 $0xFFFFE000  }
0x2ee: {  	[spmem:s11] =	stream.indirect.scatter.add.f32 [tilespmem:s21], [sflag:$0x2], $0x80, s2, s25, $0xb8;
	[tilespmem:$0x19200] =	vst v63  }
0x2ef: {  	_ =	swait.ge [sflag:s22], $0x2000  }
0x2f0: {  	[sflag:s22] =	ssyncset.done $0x0  }
0x2f1: {  	[sflag:s22] =	ssyncadd.s32 $0xFFFFE000  }
0x2f2: {  	[tilespmem:s21], [sflag:$0x1] =	stream.indirect.gather [hbm4b:s8+s25], $0x80, s3, s25, $0xb8;
	[tilespmem:$0x19200] =	vst v63  }
0x2f3: {  	_ =	swait.ge [sflag:s26], $0x2000  }
0x2f4: {  	[sflag:s26] =	ssyncset.done $0x0  }
0x2f5: {  	[sflag:s26] =	ssyncadd.s32 $0xFFFFE000  }
0x2f6: {  	[spmem:s11] =	stream.indirect.scatter.add.f32 [tilespmem:s21], [sflag:$0x2], $0x80, s4, s25, $0xb8;
	[tilespmem:$0x19200] =	vst v63  }
0x2f7: {  	_ =	swait.ge [sflag:s22], $0x2000  }
0x2f8: {  	[sflag:s22] =	ssyncset.done $0x0  }
0x2f9: {  	[sflag:s22] =	ssyncadd.s32 $0xFFFFE000  }
0x2fa: {  	[tilespmem:s21], [sflag:$0x1] =	stream.indirect.gather [hbm4b:s8+s25], $0x80, s5, s25, $0xb8;
	[tilespmem:$0x19200] =	vst v63  }
0x2fb: {  	_ =	swait.ge [sflag:s26], $0x2000  }
0x2fc: {  	[sflag:s26] =	ssyncset.done $0x0  }
0x2fd: {  	[sflag:s26] =	ssyncadd.s32 $0xFFFFE000  }
0x2fe: {  	[spmem:s11] =	stream.indirect.scatter.add.f32 [tilespmem:s21], [sflag:$0x2], $0x80, s6, s25, $0xb8;
	[tilespmem:$0x19200] =	vst v63  }
0x2ff: {  	_ =	swait.ge [sflag:s22], $0x2000  }
0x300: {  	[sflag:s22] =	ssyncset.done $0x0  }
0x301: {  	[sflag:s22] =	ssyncadd.s32 $0xFFFFE000  }
0x302: {  	[tilespmem:s21], [sflag:$0x1] =	stream.indirect.gather [hbm4b:s8+s25], $0x80, s7, s25, $0xb8;
	[tilespmem:$0x19200] =	vst v63  }
0x303: {  	_ =	swait.ge [sflag:s26], $0x2000  }
0x304: {  	[sflag:s26] =	ssyncset.done $0x0  }
0x305: {  	[sflag:s26] =	ssyncadd.s32 $0xFFFFE000  }
0x306: {  	[spmem:s11] =	stream.indirect.scatter.add.f32 [tilespmem:s21], [sflag:$0x2], $0x80, s9, s25, $0xb8;
	[tilespmem:$0x19200] =	vst v63  }
0x307: {  	_ =	swait.ge [sflag:s22], $0x2000  }
0x308: {  	[sflag:s22] =	ssyncset.done $0x0  }
0x309: {  	[sflag:s22] =	ssyncadd.s32 $0xFFFFE000  }
0x30a: {  	[tilespmem:s21], [sflag:$0x1] =	stream.indirect.gather [hbm4b:s8+s25], $0x80, s10, s25, $0xb8;
	[tilespmem:$0x19200] =	vst v63  }
0x30b: {  	_ =	swait.ge [sflag:s26], $0x2000  }
0x30c: {  	[sflag:s26] =	ssyncset.done $0x0  }
0x30d: {  	[sflag:s26] =	ssyncadd.s32 $0xFFFFE000  }
0x30e: {  	[spmem:s11] =	stream.indirect.scatter.add.f32 [tilespmem:s21], [sflag:$0x2], $0x80, s12, s25, $0xb8;
	[tilespmem:$0x19200] =	vst v63  }
0x30f: {  	_ =	swait.ge [sflag:s22], $0x2000  }
0x310: {  	[sflag:s22] =	ssyncset.done $0x0  }
0x311: {  	[sflag:s22] =	ssyncadd.s32 $0xFFFFE000  }
0x312: {  	v2 =	vld [tilespmem:$0x800];
	_ =	sdelay $0x7  }
0x313: {  	[tilespmem:v2+s13+$0x0] =	vst.idx.add.f32.msk $0xffff, v1  }
0x314: {  	v2 =	vld [tilespmem:$0x810];
	_ =	sdelay $0x7  }
0x315: {  	[tilespmem:v2+s13+$0x0] =	vst.idx.add.f32.msk $0xffff, v1  }
0x316: {  	v2 =	vld [tilespmem:$0x820];
	_ =	sdelay $0x7  }
0x317: {  	[tilespmem:v2+s13+$0x0] =	vst.idx.add.f32.msk $0xffff, v1  }
0x318: {  	v2 =	vld [tilespmem:$0x830];
	_ =	sdelay $0x7  }
0x319: {  	[tilespmem:v2+s13+$0x0] =	vst.idx.add.f32.msk $0xffff, v1  }
0x31a: {  	v2 =	vld [tilespmem:$0x840];
	_ =	sdelay $0x7  }
0x31b: {  	[tilespmem:v2+s13+$0x0] =	vst.idx.add.f32.msk $0xffff, v1  }
0x31c: {  	v2 =	vld [tilespmem:$0x850];
	_ =	sdelay $0x7  }
0x31d: {  	[tilespmem:v2+s13+$0x0] =	vst.idx.add.f32.msk $0xffff, v1  }
0x31e: {  	v2 =	vld [tilespmem:$0x860];
	_ =	sdelay $0x7  }
0x31f: {  	[tilespmem:v2+s13+$0x0] =	vst.idx.add.f32.msk $0xffff, v1  }
0x320: {  	v2 =	vld [tilespmem:$0x870];
	_ =	sdelay $0x7  }
0x321: {  	[tilespmem:v2+s13+$0x0] =	vst.idx.add.f32.msk $0xffff, v1  }
0x322: {  	v2 =	vld [tilespmem:$0x880];
	_ =	sdelay $0x7  }
0x323: {  	[tilespmem:v2+s13+$0x0] =	vst.idx.add.f32.msk $0xffff, v1  }
0x324: {  	v2 =	vld [tilespmem:$0x890];
	_ =	sdelay $0x7  }
0x325: {  	[tilespmem:v2+s13+$0x0] =	vst.idx.add.f32.msk $0xffff, v1  }
0x326: {  	v2 =	vld [tilespmem:$0x8A0];
	_ =	sdelay $0x7  }
0x327: {  	[tilespmem:v2+s13+$0x0] =	vst.idx.add.f32.msk $0xffff, v1  }
0x328: {  	v2 =	vld [tilespmem:$0x8B0];
	_ =	sdelay $0x7  }
0x329: {  	[tilespmem:v2+s13+$0x0] =	vst.idx.add.f32.msk $0xffff, v1  }
0x32a: {  	v2 =	vld [tilespmem:$0x8C0];
	_ =	sdelay $0x7  }
0x32b: {  	[tilespmem:v2+s13+$0x0] =	vst.idx.add.f32.msk $0xffff, v1  }
0x32c: {  	v2 =	vld [tilespmem:$0x8D0];
	_ =	sdelay $0x7  }
0x32d: {  	[tilespmem:v2+s13+$0x0] =	vst.idx.add.f32.msk $0xffff, v1  }
0x32e: {  	v2 =	vld [tilespmem:$0x8E0];
	_ =	sdelay $0x7  }
0x32f: {  	[tilespmem:v2+s13+$0x0] =	vst.idx.add.f32.msk $0xffff, v1  }
0x330: {  	v2 =	vld [tilespmem:$0x8F0];
	_ =	sdelay $0x7  }
0x331: {  	[tilespmem:v2+s13+$0x0] =	vst.idx.add.f32.msk $0xffff, v1  }
0x332: {  	v2 =	vld [tilespmem:$0x900];
	_ =	sdelay $0x7  }
0x333: {  	[tilespmem:v2+s13+$0x0] =	vst.idx.add.f32.msk $0xffff, v1  }
0x334: {  	v2 =	vld [tilespmem:$0x910];
	_ =	sdelay $0x7  }
0x335: {  	[tilespmem:v2+s13+$0x0] =	vst.idx.add.f32.msk $0xffff, v1  }
0x336: {  	v2 =	vld [tilespmem:$0x920];
	_ =	sdelay $0x7  }
0x337: {  	[tilespmem:v2+s13+$0x0] =	vst.idx.add.f32.msk $0xffff, v1  }
0x338: {  	v2 =	vld [tilespmem:$0x930];
	_ =	sdelay $0x7  }
0x339: {  	[tilespmem:v2+s13+$0x0] =	vst.idx.add.f32.msk $0xffff, v1  }
0x33a: {  	v2 =	vld [tilespmem:$0x940];
	_ =	sdelay $0x7  }
0x33b: {  	[tilespmem:v2+s13+$0x0] =	vst.idx.add.f32.msk $0xffff, v1  }
0x33c: {  	v2 =	vld [tilespmem:$0x950];
	_ =	sdelay $0x7  }
0x33d: {  	[tilespmem:v2+s13+$0x0] =	vst.idx.add.f32.msk $0xffff, v1  }
0x33e: {  	v2 =	vld [tilespmem:$0x960];
	_ =	sdelay $0x7  }
0x33f: {  	[tilespmem:v2+s13+$0x0] =	vst.idx.add.f32.msk $0xffff, v1  }
0x340: {  	v2 =	vld [tilespmem:$0x970];
	_ =	sdelay $0x7  }
0x341: {  	[tilespmem:v2+s13+$0x0] =	vst.idx.add.f32.msk $0xffff, v1  }
0x342: {  	v2 =	vld [tilespmem:$0x980];
	_ =	sdelay $0x7  }
0x343: {  	[tilespmem:v2+s13+$0x0] =	vst.idx.add.f32.msk $0xffff, v1  }
0x344: {  	v2 =	vld [tilespmem:$0x990];
	_ =	sdelay $0x7  }
0x345: {  	[tilespmem:v2+s13+$0x0] =	vst.idx.add.f32.msk $0xffff, v1  }
0x346: {  	v2 =	vld [tilespmem:$0x9A0];
	_ =	sdelay $0x7  }
0x347: {  	[tilespmem:v2+s13+$0x0] =	vst.idx.add.f32.msk $0xffff, v1  }
0x348: {  	v2 =	vld [tilespmem:$0x9B0];
	_ =	sdelay $0x7  }
0x349: {  	[tilespmem:v2+s13+$0x0] =	vst.idx.add.f32.msk $0xffff, v1  }
0x34a: {  	v2 =	vld [tilespmem:$0x9C0];
	_ =	sdelay $0x7  }
0x34b: {  	[tilespmem:v2+s13+$0x0] =	vst.idx.add.f32.msk $0xffff, v1  }
0x34c: {  	v2 =	vld [tilespmem:$0x9D0];
	_ =	sdelay $0x7  }
0x34d: {  	[tilespmem:v2+s13+$0x0] =	vst.idx.add.f32.msk $0xffff, v1  }
0x34e: {  	v2 =	vld [tilespmem:$0x9E0];
	_ =	sdelay $0x7  }
0x34f: {  	[tilespmem:v2+s13+$0x0] =	vst.idx.add.f32.msk $0xffff, v1  }
0x350: {  	v2 =	vld [tilespmem:$0x9F0];
	_ =	sdelay $0x7  }
0x351: {  	s17 =	rddreg [dreg:$0xd];
	[tilespmem:v2+s13+$0x0] =	vst.idx.add.f32.msk $0xffff, v1  }
0x352: {  	[tilespmem:s1], [sflag:$0x2] =	stream.linear.gather [hbm4b:s17+s1], $0x400, $0x38;
	[tilespmem:$0x19200] =	vst v63  }
0x353: {  	_ =	swait.ge [sflag:s22], $0x400  }
0x354: {  	[sflag:s22] =	ssyncset.done $0x0  }
0x355: {  	s18 =	rddreg [dreg:$0xe];
	[sflag:s22] =	ssyncadd.s32 $0xFFFFFC00  }
0x356: {  	[tilespmem:s23], [sflag:$0x2] =	stream.linear.gather [hbm4b:s18+s1], $0x400, $0x38;
	[tilespmem:$0x19200] =	vst v63  }
0x357: {  	_ =	swait.ge [sflag:s22], $0x400  }
0x358: {  	s17 =	sld [smem:$0x7E6]  }
0x359: {  	[sflag:s22] =	ssyncset.done $0x0  }
0x35a: {  	[sflag:s22] =	ssyncadd.s32 $0xFFFFFC00  }
0x35b: {  	[tilespmem:s24], [sflag:$0x2] =	stream.linear.gather [hbm4b:s17+s1], $0x200, $0x38;
	[tilespmem:$0x19200] =	vst v63  }
0x35c: {  	_ =	swait.ge [sflag:s22], $0x200  }
0x35d: {  	[sflag:s22] =	ssyncset.done $0x0  }
0x35e: {  	[sflag:s22] =	ssyncadd.s32 $0xFFFFFE00  }
0x35f: {  	[tilespmem:s21], [sflag:$0x1] =	stream.indirect.gather [hbm4b:s8+s25], $0x80, s1, s25, $0xb8;
	[tilespmem:$0x19200] =	vst v63  }
0x360: {  	_ =	swait.ge [sflag:s26], $0x2000  }
0x361: {  	[sflag:s26] =	ssyncset.done $0x0  }
0x362: {  	[sflag:s26] =	ssyncadd.s32 $0xFFFFE000  }
0x363: {  	[spmem:s11] =	stream.indirect.scatter.add.f32 [tilespmem:s21], [sflag:$0x2], $0x80, s23, s25, $0xb8;
	[tilespmem:$0x19200] =	vst v63  }
0x364: {  	_ =	swait.ge [sflag:s22], $0x2000  }
0x365: {  	[sflag:s22] =	ssyncset.done $0x0  }
0x366: {  	[sflag:s22] =	ssyncadd.s32 $0xFFFFE000  }
0x367: {  	[tilespmem:s21], [sflag:$0x1] =	stream.indirect.gather [hbm4b:s8+s25], $0x80, s28, s25, $0xb8;
	[tilespmem:$0x19200] =	vst v63  }
0x368: {  	_ =	swait.ge [sflag:s26], $0x2000  }
0x369: {  	[sflag:s26] =	ssyncset.done $0x0  }
0x36a: {  	[sflag:s26] =	ssyncadd.s32 $0xFFFFE000  }
0x36b: {  	[spmem:s11] =	stream.indirect.scatter.add.f32 [tilespmem:s21], [sflag:$0x2], $0x80, s29, s25, $0xb8;
	[tilespmem:$0x19200] =	vst v63  }
0x36c: {  	_ =	swait.ge [sflag:s22], $0x2000  }
0x36d: {  	[sflag:s22] =	ssyncset.done $0x0  }
0x36e: {  	[sflag:s22] =	ssyncadd.s32 $0xFFFFE000  }
0x36f: {  	[tilespmem:s21], [sflag:$0x1] =	stream.indirect.gather [hbm4b:s8+s25], $0x80, s30, s25, $0xb8;
	[tilespmem:$0x19200] =	vst v63  }
0x370: {  	_ =	swait.ge [sflag:s26], $0x2000  }
0x371: {  	[sflag:s26] =	ssyncset.done $0x0  }
0x372: {  	[sflag:s26] =	ssyncadd.s32 $0xFFFFE000  }
0x373: {  	[spmem:s11] =	stream.indirect.scatter.add.f32 [tilespmem:s21], [sflag:$0x2], $0x80, s31, s25, $0xb8;
	[tilespmem:$0x19200] =	vst v63  }
0x374: {  	_ =	swait.ge [sflag:s22], $0x2000  }
0x375: {  	[sflag:s22] =	ssyncset.done $0x0  }
0x376: {  	[sflag:s22] =	ssyncadd.s32 $0xFFFFE000  }
0x377: {  	[tilespmem:s21], [sflag:$0x1] =	stream.indirect.gather [hbm4b:s8+s25], $0x80, s0, s25, $0xb8;
	[tilespmem:$0x19200] =	vst v63  }
0x378: {  	_ =	swait.ge [sflag:s26], $0x2000  }
0x379: {  	[sflag:s26] =	ssyncset.done $0x0  }
0x37a: {  	[sflag:s26] =	ssyncadd.s32 $0xFFFFE000  }
0x37b: {  	[spmem:s11] =	stream.indirect.scatter.add.f32 [tilespmem:s21], [sflag:$0x2], $0x80, s2, s25, $0xb8;
	[tilespmem:$0x19200] =	vst v63  }
0x37c: {  	_ =	swait.ge [sflag:s22], $0x2000  }
0x37d: {  	[sflag:s22] =	ssyncset.done $0x0  }
0x37e: {  	[sflag:s22] =	ssyncadd.s32 $0xFFFFE000  }
0x37f: {  	[tilespmem:s21], [sflag:$0x1] =	stream.indirect.gather [hbm4b:s8+s25], $0x80, s3, s25, $0xb8;
	[tilespmem:$0x19200] =	vst v63  }
0x380: {  	_ =	swait.ge [sflag:s26], $0x2000  }
0x381: {  	[sflag:s26] =	ssyncset.done $0x0  }
0x382: {  	[sflag:s26] =	ssyncadd.s32 $0xFFFFE000  }
0x383: {  	[spmem:s11] =	stream.indirect.scatter.add.f32 [tilespmem:s21], [sflag:$0x2], $0x80, s4, s25, $0xb8;
	[tilespmem:$0x19200] =	vst v63  }
0x384: {  	_ =	swait.ge [sflag:s22], $0x2000  }
0x385: {  	[sflag:s22] =	ssyncset.done $0x0  }
0x386: {  	[sflag:s22] =	ssyncadd.s32 $0xFFFFE000  }
0x387: {  	[tilespmem:s21], [sflag:$0x1] =	stream.indirect.gather [hbm4b:s8+s25], $0x80, s5, s25, $0xb8;
	[tilespmem:$0x19200] =	vst v63  }
0x388: {  	_ =	swait.ge [sflag:s26], $0x2000  }
0x389: {  	[sflag:s26] =	ssyncset.done $0x0  }
0x38a: {  	[sflag:s26] =	ssyncadd.s32 $0xFFFFE000  }
0x38b: {  	[spmem:s11] =	stream.indirect.scatter.add.f32 [tilespmem:s21], [sflag:$0x2], $0x80, s6, s25, $0xb8;
	[tilespmem:$0x19200] =	vst v63  }
0x38c: {  	_ =	swait.ge [sflag:s22], $0x2000  }
0x38d: {  	[sflag:s22] =	ssyncset.done $0x0  }
0x38e: {  	[sflag:s22] =	ssyncadd.s32 $0xFFFFE000  }
0x38f: {  	[tilespmem:s21], [sflag:$0x1] =	stream.indirect.gather [hbm4b:s8+s25], $0x80, s7, s25, $0xb8;
	[tilespmem:$0x19200] =	vst v63  }
0x390: {  	_ =	swait.ge [sflag:s26], $0x2000  }
0x391: {  	[sflag:s26] =	ssyncset.done $0x0  }
0x392: {  	[sflag:s26] =	ssyncadd.s32 $0xFFFFE000  }
0x393: {  	[spmem:s11] =	stream.indirect.scatter.add.f32 [tilespmem:s21], [sflag:$0x2], $0x80, s9, s25, $0xb8;
	[tilespmem:$0x19200] =	vst v63  }
0x394: {  	_ =	swait.ge [sflag:s22], $0x2000  }
0x395: {  	[sflag:s22] =	ssyncset.done $0x0  }
0x396: {  	[sflag:s22] =	ssyncadd.s32 $0xFFFFE000  }
0x397: {  	[tilespmem:s21], [sflag:$0x1] =	stream.indirect.gather [hbm4b:s8+s25], $0x80, s10, s25, $0xb8;
	[tilespmem:$0x19200] =	vst v63  }
0x398: {  	_ =	swait.ge [sflag:s26], $0x2000  }
0x399: {  	[sflag:s26] =	ssyncset.done $0x0  }
0x39a: {  	[sflag:s26] =	ssyncadd.s32 $0xFFFFE000  }
0x39b: {  	[spmem:s11] =	stream.indirect.scatter.add.f32 [tilespmem:s21], [sflag:$0x2], $0x80, s12, s25, $0xb8;
	[tilespmem:$0x19200] =	vst v63  }
0x39c: {  	_ =	swait.ge [sflag:s22], $0x2000  }
0x39d: {  	[sflag:s22] =	ssyncset.done $0x0  }
0x39e: {  	[sflag:s22] =	ssyncadd.s32 $0xFFFFE000  }
0x39f: {  	v2 =	vld [tilespmem:$0x800];
	_ =	sdelay $0x7  }
0x3a0: {  	[tilespmem:v2+s13+$0x0] =	vst.idx.add.f32.msk $0xffff, v1  }
0x3a1: {  	v2 =	vld [tilespmem:$0x810];
	_ =	sdelay $0x7  }
0x3a2: {  	[tilespmem:v2+s13+$0x0] =	vst.idx.add.f32.msk $0xffff, v1  }
0x3a3: {  	v2 =	vld [tilespmem:$0x820];
	_ =	sdelay $0x7  }
0x3a4: {  	[tilespmem:v2+s13+$0x0] =	vst.idx.add.f32.msk $0xffff, v1  }
0x3a5: {  	v2 =	vld [tilespmem:$0x830];
	_ =	sdelay $0x7  }
0x3a6: {  	[tilespmem:v2+s13+$0x0] =	vst.idx.add.f32.msk $0xffff, v1  }
0x3a7: {  	v2 =	vld [tilespmem:$0x840];
	_ =	sdelay $0x7  }
0x3a8: {  	[tilespmem:v2+s13+$0x0] =	vst.idx.add.f32.msk $0xffff, v1  }
0x3a9: {  	v2 =	vld [tilespmem:$0x850];
	_ =	sdelay $0x7  }
0x3aa: {  	[tilespmem:v2+s13+$0x0] =	vst.idx.add.f32.msk $0xffff, v1  }
0x3ab: {  	v2 =	vld [tilespmem:$0x860];
	_ =	sdelay $0x7  }
0x3ac: {  	[tilespmem:v2+s13+$0x0] =	vst.idx.add.f32.msk $0xffff, v1  }
0x3ad: {  	v2 =	vld [tilespmem:$0x870];
	_ =	sdelay $0x7  }
0x3ae: {  	[tilespmem:v2+s13+$0x0] =	vst.idx.add.f32.msk $0xffff, v1  }
0x3af: {  	v2 =	vld [tilespmem:$0x880];
	_ =	sdelay $0x7  }
0x3b0: {  	[tilespmem:v2+s13+$0x0] =	vst.idx.add.f32.msk $0xffff, v1  }
0x3b1: {  	v2 =	vld [tilespmem:$0x890];
	_ =	sdelay $0x7  }
0x3b2: {  	[tilespmem:v2+s13+$0x0] =	vst.idx.add.f32.msk $0xffff, v1  }
0x3b3: {  	v2 =	vld [tilespmem:$0x8A0];
	_ =	sdelay $0x7  }
0x3b4: {  	[tilespmem:v2+s13+$0x0] =	vst.idx.add.f32.msk $0xffff, v1  }
0x3b5: {  	v2 =	vld [tilespmem:$0x8B0];
	_ =	sdelay $0x7  }
0x3b6: {  	[tilespmem:v2+s13+$0x0] =	vst.idx.add.f32.msk $0xffff, v1  }
0x3b7: {  	v2 =	vld [tilespmem:$0x8C0];
	_ =	sdelay $0x7  }
0x3b8: {  	[tilespmem:v2+s13+$0x0] =	vst.idx.add.f32.msk $0xffff, v1  }
0x3b9: {  	v2 =	vld [tilespmem:$0x8D0];
	_ =	sdelay $0x7  }
0x3ba: {  	[tilespmem:v2+s13+$0x0] =	vst.idx.add.f32.msk $0xffff, v1  }
0x3bb: {  	v2 =	vld [tilespmem:$0x8E0];
	_ =	sdelay $0x7  }
0x3bc: {  	[tilespmem:v2+s13+$0x0] =	vst.idx.add.f32.msk $0xffff, v1  }
0x3bd: {  	v2 =	vld [tilespmem:$0x8F0];
	_ =	sdelay $0x7  }
0x3be: {  	[tilespmem:v2+s13+$0x0] =	vst.idx.add.f32.msk $0xffff, v1  }
0x3bf: {  	v2 =	vld [tilespmem:$0x900];
	_ =	sdelay $0x7  }
0x3c0: {  	[tilespmem:v2+s13+$0x0] =	vst.idx.add.f32.msk $0xffff, v1  }
0x3c1: {  	v2 =	vld [tilespmem:$0x910];
	_ =	sdelay $0x7  }
0x3c2: {  	[tilespmem:v2+s13+$0x0] =	vst.idx.add.f32.msk $0xffff, v1  }
0x3c3: {  	v2 =	vld [tilespmem:$0x920];
	_ =	sdelay $0x7  }
0x3c4: {  	[tilespmem:v2+s13+$0x0] =	vst.idx.add.f32.msk $0xffff, v1  }
0x3c5: {  	v2 =	vld [tilespmem:$0x930];
	_ =	sdelay $0x7  }
0x3c6: {  	[tilespmem:v2+s13+$0x0] =	vst.idx.add.f32.msk $0xffff, v1  }
0x3c7: {  	v2 =	vld [tilespmem:$0x940];
	_ =	sdelay $0x7  }
0x3c8: {  	[tilespmem:v2+s13+$0x0] =	vst.idx.add.f32.msk $0xffff, v1  }
0x3c9: {  	v2 =	vld [tilespmem:$0x950];
	_ =	sdelay $0x7  }
0x3ca: {  	[tilespmem:v2+s13+$0x0] =	vst.idx.add.f32.msk $0xffff, v1  }
0x3cb: {  	v2 =	vld [tilespmem:$0x960];
	_ =	sdelay $0x7  }
0x3cc: {  	[tilespmem:v2+s13+$0x0] =	vst.idx.add.f32.msk $0xffff, v1  }
0x3cd: {  	v2 =	vld [tilespmem:$0x970];
	_ =	sdelay $0x7  }
0x3ce: {  	[tilespmem:v2+s13+$0x0] =	vst.idx.add.f32.msk $0xffff, v1  }
0x3cf: {  	v2 =	vld [tilespmem:$0x980];
	_ =	sdelay $0x7  }
0x3d0: {  	[tilespmem:v2+s13+$0x0] =	vst.idx.add.f32.msk $0xffff, v1  }
0x3d1: {  	v2 =	vld [tilespmem:$0x990];
	_ =	sdelay $0x7  }
0x3d2: {  	[tilespmem:v2+s13+$0x0] =	vst.idx.add.f32.msk $0xffff, v1  }
0x3d3: {  	v2 =	vld [tilespmem:$0x9A0];
	_ =	sdelay $0x7  }
0x3d4: {  	[tilespmem:v2+s13+$0x0] =	vst.idx.add.f32.msk $0xffff, v1  }
0x3d5: {  	v2 =	vld [tilespmem:$0x9B0];
	_ =	sdelay $0x7  }
0x3d6: {  	[tilespmem:v2+s13+$0x0] =	vst.idx.add.f32.msk $0xffff, v1  }
0x3d7: {  	v2 =	vld [tilespmem:$0x9C0];
	_ =	sdelay $0x7  }
0x3d8: {  	[tilespmem:v2+s13+$0x0] =	vst.idx.add.f32.msk $0xffff, v1  }
0x3d9: {  	v2 =	vld [tilespmem:$0x9D0];
	_ =	sdelay $0x7  }
0x3da: {  	[tilespmem:v2+s13+$0x0] =	vst.idx.add.f32.msk $0xffff, v1  }
0x3db: {  	v2 =	vld [tilespmem:$0x9E0];
	_ =	sdelay $0x7  }
0x3dc: {  	[tilespmem:v2+s13+$0x0] =	vst.idx.add.f32.msk $0xffff, v1  }
0x3dd: {  	v2 =	vld [tilespmem:$0x9F0];
	_ =	sdelay $0x7  }
0x3de: {  	s18 =	rddreg [dreg:$0xf];
	[tilespmem:v2+s13+$0x0] =	vst.idx.add.f32.msk $0xffff, v1  }
0x3df: {  	[tilespmem:s1], [sflag:$0x2] =	stream.linear.gather [hbm4b:s18+s1], $0x400, $0x38;
	[tilespmem:$0x19200] =	vst v63  }
0x3e0: {  	_ =	swait.ge [sflag:s22], $0x400  }
0x3e1: {  	[sflag:s22] =	ssyncset.done $0x0  }
0x3e2: {  	s17 =	rddreg [dreg:$0x10];
	[sflag:s22] =	ssyncadd.s32 $0xFFFFFC00  }
0x3e3: {  	[tilespmem:s23], [sflag:$0x2] =	stream.linear.gather [hbm4b:s17+s1], $0x400, $0x38;
	[tilespmem:$0x19200] =	vst v63  }
0x3e4: {  	_ =	swait.ge [sflag:s22], $0x400  }
0x3e5: {  	s18 =	sld [smem:$0x7E7]  }
0x3e6: {  	[sflag:s22] =	ssyncset.done $0x0  }
0x3e7: {  	[sflag:s22] =	ssyncadd.s32 $0xFFFFFC00  }
0x3e8: {  	[tilespmem:s24], [sflag:$0x2] =	stream.linear.gather [hbm4b:s18+s1], $0x200, $0x38;
	[tilespmem:$0x19200] =	vst v63  }
0x3e9: {  	_ =	swait.ge [sflag:s22], $0x200  }
0x3ea: {  	[sflag:s22] =	ssyncset.done $0x0  }
0x3eb: {  	[sflag:s22] =	ssyncadd.s32 $0xFFFFFE00  }
0x3ec: {  	[tilespmem:s21], [sflag:$0x1] =	stream.indirect.gather [hbm4b:s8+s25], $0x80, s1, s25, $0xb8;
	[tilespmem:$0x19200] =	vst v63  }
0x3ed: {  	_ =	swait.ge [sflag:s26], $0x2000  }
0x3ee: {  	[sflag:s26] =	ssyncset.done $0x0  }
0x3ef: {  	[sflag:s26] =	ssyncadd.s32 $0xFFFFE000  }
0x3f0: {  	[spmem:s11] =	stream.indirect.scatter.add.f32 [tilespmem:s21], [sflag:$0x2], $0x80, s23, s25, $0xb8;
	[tilespmem:$0x19200] =	vst v63  }
0x3f1: {  	_ =	swait.ge [sflag:s22], $0x2000  }
0x3f2: {  	[sflag:s22] =	ssyncset.done $0x0  }
0x3f3: {  	[sflag:s22] =	ssyncadd.s32 $0xFFFFE000  }
0x3f4: {  	[tilespmem:s21], [sflag:$0x1] =	stream.indirect.gather [hbm4b:s8+s25], $0x80, s28, s25, $0xb8;
	[tilespmem:$0x19200] =	vst v63  }
0x3f5: {  	_ =	swait.ge [sflag:s26], $0x2000  }
0x3f6: {  	[sflag:s26] =	ssyncset.done $0x0  }
0x3f7: {  	[sflag:s26] =	ssyncadd.s32 $0xFFFFE000  }
0x3f8: {  	[spmem:s11] =	stream.indirect.scatter.add.f32 [tilespmem:s21], [sflag:$0x2], $0x80, s29, s25, $0xb8;
	[tilespmem:$0x19200] =	vst v63  }
0x3f9: {  	_ =	swait.ge [sflag:s22], $0x2000  }
0x3fa: {  	[sflag:s22] =	ssyncset.done $0x0  }
0x3fb: {  	[sflag:s22] =	ssyncadd.s32 $0xFFFFE000  }
0x3fc: {  	[tilespmem:s21], [sflag:$0x1] =	stream.indirect.gather [hbm4b:s8+s25], $0x80, s30, s25, $0xb8;
	[tilespmem:$0x19200] =	vst v63  }
0x3fd: {  	_ =	swait.ge [sflag:s26], $0x2000  }
0x3fe: {  	[sflag:s26] =	ssyncset.done $0x0  }
0x3ff: {  	[sflag:s26] =	ssyncadd.s32 $0xFFFFE000  }
0x400: {  	[spmem:s11] =	stream.indirect.scatter.add.f32 [tilespmem:s21], [sflag:$0x2], $0x80, s31, s25, $0xb8;
	[tilespmem:$0x19200] =	vst v63  }
0x401: {  	_ =	swait.ge [sflag:s22], $0x2000  }
0x402: {  	[sflag:s22] =	ssyncset.done $0x0  }
0x403: {  	[sflag:s22] =	ssyncadd.s32 $0xFFFFE000  }
0x404: {  	[tilespmem:s21], [sflag:$0x1] =	stream.indirect.gather [hbm4b:s8+s25], $0x80, s0, s25, $0xb8;
	[tilespmem:$0x19200] =	vst v63  }
0x405: {  	_ =	swait.ge [sflag:s26], $0x2000  }
0x406: {  	[sflag:s26] =	ssyncset.done $0x0  }
0x407: {  	[sflag:s26] =	ssyncadd.s32 $0xFFFFE000  }
0x408: {  	[spmem:s11] =	stream.indirect.scatter.add.f32 [tilespmem:s21], [sflag:$0x2], $0x80, s2, s25, $0xb8;
	[tilespmem:$0x19200] =	vst v63  }
0x409: {  	_ =	swait.ge [sflag:s22], $0x2000  }
0x40a: {  	[sflag:s22] =	ssyncset.done $0x0  }
0x40b: {  	[sflag:s22] =	ssyncadd.s32 $0xFFFFE000  }
0x40c: {  	[tilespmem:s21], [sflag:$0x1] =	stream.indirect.gather [hbm4b:s8+s25], $0x80, s3, s25, $0xb8;
	[tilespmem:$0x19200] =	vst v63  }
0x40d: {  	_ =	swait.ge [sflag:s26], $0x2000  }
0x40e: {  	[sflag:s26] =	ssyncset.done $0x0  }
0x40f: {  	[sflag:s26] =	ssyncadd.s32 $0xFFFFE000  }
0x410: {  	[spmem:s11] =	stream.indirect.scatter.add.f32 [tilespmem:s21], [sflag:$0x2], $0x80, s4, s25, $0xb8;
	[tilespmem:$0x19200] =	vst v63  }
0x411: {  	_ =	swait.ge [sflag:s22], $0x2000  }
0x412: {  	[sflag:s22] =	ssyncset.done $0x0  }
0x413: {  	[sflag:s22] =	ssyncadd.s32 $0xFFFFE000  }
0x414: {  	[tilespmem:s21], [sflag:$0x1] =	stream.indirect.gather [hbm4b:s8+s25], $0x80, s5, s25, $0xb8;
	[tilespmem:$0x19200] =	vst v63  }
0x415: {  	_ =	swait.ge [sflag:s26], $0x2000  }
0x416: {  	[sflag:s26] =	ssyncset.done $0x0  }
0x417: {  	[sflag:s26] =	ssyncadd.s32 $0xFFFFE000  }
0x418: {  	[spmem:s11] =	stream.indirect.scatter.add.f32 [tilespmem:s21], [sflag:$0x2], $0x80, s6, s25, $0xb8;
	[tilespmem:$0x19200] =	vst v63  }
0x419: {  	_ =	swait.ge [sflag:s22], $0x2000  }
0x41a: {  	[sflag:s22] =	ssyncset.done $0x0  }
0x41b: {  	[sflag:s22] =	ssyncadd.s32 $0xFFFFE000  }
0x41c: {  	[tilespmem:s21], [sflag:$0x1] =	stream.indirect.gather [hbm4b:s8+s25], $0x80, s7, s25, $0xb8;
	[tilespmem:$0x19200] =	vst v63  }
0x41d: {  	_ =	swait.ge [sflag:s26], $0x2000  }
0x41e: {  	[sflag:s26] =	ssyncset.done $0x0  }
0x41f: {  	[sflag:s26] =	ssyncadd.s32 $0xFFFFE000  }
0x420: {  	[spmem:s11] =	stream.indirect.scatter.add.f32 [tilespmem:s21], [sflag:$0x2], $0x80, s9, s25, $0xb8;
	[tilespmem:$0x19200] =	vst v63  }
0x421: {  	_ =	swait.ge [sflag:s22], $0x2000  }
0x422: {  	[sflag:s22] =	ssyncset.done $0x0  }
0x423: {  	[sflag:s22] =	ssyncadd.s32 $0xFFFFE000  }
0x424: {  	[tilespmem:s21], [sflag:$0x1] =	stream.indirect.gather [hbm4b:s8+s25], $0x80, s10, s25, $0xb8;
	[tilespmem:$0x19200] =	vst v63  }
0x425: {  	_ =	swait.ge [sflag:s26], $0x2000  }
0x426: {  	[sflag:s26] =	ssyncset.done $0x0  }
0x427: {  	[sflag:s26] =	ssyncadd.s32 $0xFFFFE000  }
0x428: {  	[spmem:s11] =	stream.indirect.scatter.add.f32 [tilespmem:s21], [sflag:$0x2], $0x80, s12, s25, $0xb8;
	[tilespmem:$0x19200] =	vst v63  }
0x429: {  	_ =	swait.ge [sflag:s22], $0x2000  }
0x42a: {  	[sflag:s22] =	ssyncset.done $0x0  }
0x42b: {  	[sflag:s22] =	ssyncadd.s32 $0xFFFFE000  }
0x42c: {  	v2 =	vld [tilespmem:$0x800];
	_ =	sdelay $0x7  }
0x42d: {  	[tilespmem:v2+s13+$0x0] =	vst.idx.add.f32.msk $0xffff, v1  }
0x42e: {  	v2 =	vld [tilespmem:$0x810];
	_ =	sdelay $0x7  }
0x42f: {  	[tilespmem:v2+s13+$0x0] =	vst.idx.add.f32.msk $0xffff, v1  }
0x430: {  	v2 =	vld [tilespmem:$0x820];
	_ =	sdelay $0x7  }
0x431: {  	[tilespmem:v2+s13+$0x0] =	vst.idx.add.f32.msk $0xffff, v1  }
0x432: {  	v2 =	vld [tilespmem:$0x830];
	_ =	sdelay $0x7  }
0x433: {  	[tilespmem:v2+s13+$0x0] =	vst.idx.add.f32.msk $0xffff, v1  }
0x434: {  	v2 =	vld [tilespmem:$0x840];
	_ =	sdelay $0x7  }
0x435: {  	[tilespmem:v2+s13+$0x0] =	vst.idx.add.f32.msk $0xffff, v1  }
0x436: {  	v2 =	vld [tilespmem:$0x850];
	_ =	sdelay $0x7  }
0x437: {  	[tilespmem:v2+s13+$0x0] =	vst.idx.add.f32.msk $0xffff, v1  }
0x438: {  	v2 =	vld [tilespmem:$0x860];
	_ =	sdelay $0x7  }
0x439: {  	[tilespmem:v2+s13+$0x0] =	vst.idx.add.f32.msk $0xffff, v1  }
0x43a: {  	v2 =	vld [tilespmem:$0x870];
	_ =	sdelay $0x7  }
0x43b: {  	[tilespmem:v2+s13+$0x0] =	vst.idx.add.f32.msk $0xffff, v1  }
0x43c: {  	v2 =	vld [tilespmem:$0x880];
	_ =	sdelay $0x7  }
0x43d: {  	[tilespmem:v2+s13+$0x0] =	vst.idx.add.f32.msk $0xffff, v1  }
0x43e: {  	v2 =	vld [tilespmem:$0x890];
	_ =	sdelay $0x7  }
0x43f: {  	[tilespmem:v2+s13+$0x0] =	vst.idx.add.f32.msk $0xffff, v1  }
0x440: {  	v2 =	vld [tilespmem:$0x8A0];
	_ =	sdelay $0x7  }
0x441: {  	[tilespmem:v2+s13+$0x0] =	vst.idx.add.f32.msk $0xffff, v1  }
0x442: {  	v2 =	vld [tilespmem:$0x8B0];
	_ =	sdelay $0x7  }
0x443: {  	[tilespmem:v2+s13+$0x0] =	vst.idx.add.f32.msk $0xffff, v1  }
0x444: {  	v2 =	vld [tilespmem:$0x8C0];
	_ =	sdelay $0x7  }
0x445: {  	[tilespmem:v2+s13+$0x0] =	vst.idx.add.f32.msk $0xffff, v1  }
0x446: {  	v2 =	vld [tilespmem:$0x8D0];
	_ =	sdelay $0x7  }
0x447: {  	[tilespmem:v2+s13+$0x0] =	vst.idx.add.f32.msk $0xffff, v1  }
0x448: {  	v2 =	vld [tilespmem:$0x8E0];
	_ =	sdelay $0x7  }
0x449: {  	[tilespmem:v2+s13+$0x0] =	vst.idx.add.f32.msk $0xffff, v1  }
0x44a: {  	v2 =	vld [tilespmem:$0x8F0];
	_ =	sdelay $0x7  }
0x44b: {  	[tilespmem:v2+s13+$0x0] =	vst.idx.add.f32.msk $0xffff, v1  }
0x44c: {  	v2 =	vld [tilespmem:$0x900];
	_ =	sdelay $0x7  }
0x44d: {  	[tilespmem:v2+s13+$0x0] =	vst.idx.add.f32.msk $0xffff, v1  }
0x44e: {  	v2 =	vld [tilespmem:$0x910];
	_ =	sdelay $0x7  }
0x44f: {  	[tilespmem:v2+s13+$0x0] =	vst.idx.add.f32.msk $0xffff, v1  }
0x450: {  	v2 =	vld [tilespmem:$0x920];
	_ =	sdelay $0x7  }
0x451: {  	[tilespmem:v2+s13+$0x0] =	vst.idx.add.f32.msk $0xffff, v1  }
0x452: {  	v2 =	vld [tilespmem:$0x930];
	_ =	sdelay $0x7  }
0x453: {  	[tilespmem:v2+s13+$0x0] =	vst.idx.add.f32.msk $0xffff, v1  }
0x454: {  	v2 =	vld [tilespmem:$0x940];
	_ =	sdelay $0x7  }
0x455: {  	[tilespmem:v2+s13+$0x0] =	vst.idx.add.f32.msk $0xffff, v1  }
0x456: {  	v2 =	vld [tilespmem:$0x950];
	_ =	sdelay $0x7  }
0x457: {  	[tilespmem:v2+s13+$0x0] =	vst.idx.add.f32.msk $0xffff, v1  }
0x458: {  	v2 =	vld [tilespmem:$0x960];
	_ =	sdelay $0x7  }
0x459: {  	[tilespmem:v2+s13+$0x0] =	vst.idx.add.f32.msk $0xffff, v1  }
0x45a: {  	v2 =	vld [tilespmem:$0x970];
	_ =	sdelay $0x7  }
0x45b: {  	[tilespmem:v2+s13+$0x0] =	vst.idx.add.f32.msk $0xffff, v1  }
0x45c: {  	v2 =	vld [tilespmem:$0x980];
	_ =	sdelay $0x7  }
0x45d: {  	[tilespmem:v2+s13+$0x0] =	vst.idx.add.f32.msk $0xffff, v1  }
0x45e: {  	v2 =	vld [tilespmem:$0x990];
	_ =	sdelay $0x7  }
0x45f: {  	[tilespmem:v2+s13+$0x0] =	vst.idx.add.f32.msk $0xffff, v1  }
0x460: {  	v2 =	vld [tilespmem:$0x9A0];
	_ =	sdelay $0x7  }
0x461: {  	[tilespmem:v2+s13+$0x0] =	vst.idx.add.f32.msk $0xffff, v1  }
0x462: {  	v2 =	vld [tilespmem:$0x9B0];
	_ =	sdelay $0x7  }
0x463: {  	[tilespmem:v2+s13+$0x0] =	vst.idx.add.f32.msk $0xffff, v1  }
0x464: {  	v2 =	vld [tilespmem:$0x9C0];
	_ =	sdelay $0x7  }
0x465: {  	[tilespmem:v2+s13+$0x0] =	vst.idx.add.f32.msk $0xffff, v1  }
0x466: {  	v2 =	vld [tilespmem:$0x9D0];
	_ =	sdelay $0x7  }
0x467: {  	[tilespmem:v2+s13+$0x0] =	vst.idx.add.f32.msk $0xffff, v1  }
0x468: {  	v2 =	vld [tilespmem:$0x9E0];
	_ =	sdelay $0x7  }
0x469: {  	[tilespmem:v2+s13+$0x0] =	vst.idx.add.f32.msk $0xffff, v1  }
0x46a: {  	v2 =	vld [tilespmem:$0x9F0];
	_ =	sdelay $0x7  }
0x46b: {  	s17 =	rddreg [dreg:$0x11];
	[tilespmem:v2+s13+$0x0] =	vst.idx.add.f32.msk $0xffff, v1  }
0x46c: {  	[tilespmem:s1], [sflag:$0x2] =	stream.linear.gather [hbm4b:s17+s1], $0x400, $0x38;
	[tilespmem:$0x19200] =	vst v63  }
0x46d: {  	_ =	swait.ge [sflag:s22], $0x400  }
0x46e: {  	[sflag:s22] =	ssyncset.done $0x0  }
0x46f: {  	s18 =	rddreg [dreg:$0x12];
	[sflag:s22] =	ssyncadd.s32 $0xFFFFFC00  }
0x470: {  	[tilespmem:s23], [sflag:$0x2] =	stream.linear.gather [hbm4b:s18+s1], $0x400, $0x38;
	[tilespmem:$0x19200] =	vst v63  }
0x471: {  	_ =	swait.ge [sflag:s22], $0x400  }
0x472: {  	s17 =	sld [smem:$0x7E8]  }
0x473: {  	[sflag:s22] =	ssyncset.done $0x0  }
0x474: {  	[sflag:s22] =	ssyncadd.s32 $0xFFFFFC00  }
0x475: {  	[tilespmem:s24], [sflag:$0x2] =	stream.linear.gather [hbm4b:s17+s1], $0x200, $0x38;
	[tilespmem:$0x19200] =	vst v63  }
0x476: {  	_ =	swait.ge [sflag:s22], $0x200  }
0x477: {  	[sflag:s22] =	ssyncset.done $0x0  }
0x478: {  	[sflag:s22] =	ssyncadd.s32 $0xFFFFFE00  }
0x479: {  	[tilespmem:s21], [sflag:$0x1] =	stream.indirect.gather [hbm4b:s8+s25], $0x80, s1, s25, $0xb8;
	[tilespmem:$0x19200] =	vst v63  }
0x47a: {  	_ =	swait.ge [sflag:s26], $0x2000  }
0x47b: {  	[sflag:s26] =	ssyncset.done $0x0  }
0x47c: {  	[sflag:s26] =	ssyncadd.s32 $0xFFFFE000  }
0x47d: {  	[spmem:s11] =	stream.indirect.scatter.add.f32 [tilespmem:s21], [sflag:$0x2], $0x80, s23, s25, $0xb8;
	[tilespmem:$0x19200] =	vst v63  }
0x47e: {  	_ =	swait.ge [sflag:s22], $0x2000  }
0x47f: {  	[sflag:s22] =	ssyncset.done $0x0  }
0x480: {  	[sflag:s22] =	ssyncadd.s32 $0xFFFFE000  }
0x481: {  	[tilespmem:s21], [sflag:$0x1] =	stream.indirect.gather [hbm4b:s8+s25], $0x80, s28, s25, $0xb8;
	[tilespmem:$0x19200] =	vst v63  }
0x482: {  	_ =	swait.ge [sflag:s26], $0x2000  }
0x483: {  	[sflag:s26] =	ssyncset.done $0x0  }
0x484: {  	[sflag:s26] =	ssyncadd.s32 $0xFFFFE000  }
0x485: {  	[spmem:s11] =	stream.indirect.scatter.add.f32 [tilespmem:s21], [sflag:$0x2], $0x80, s29, s25, $0xb8;
	[tilespmem:$0x19200] =	vst v63  }
0x486: {  	_ =	swait.ge [sflag:s22], $0x2000  }
0x487: {  	[sflag:s22] =	ssyncset.done $0x0  }
0x488: {  	[sflag:s22] =	ssyncadd.s32 $0xFFFFE000  }
0x489: {  	[tilespmem:s21], [sflag:$0x1] =	stream.indirect.gather [hbm4b:s8+s25], $0x80, s30, s25, $0xb8;
	[tilespmem:$0x19200] =	vst v63  }
0x48a: {  	_ =	swait.ge [sflag:s26], $0x2000  }
0x48b: {  	[sflag:s26] =	ssyncset.done $0x0  }
0x48c: {  	[sflag:s26] =	ssyncadd.s32 $0xFFFFE000  }
0x48d: {  	[spmem:s11] =	stream.indirect.scatter.add.f32 [tilespmem:s21], [sflag:$0x2], $0x80, s31, s25, $0xb8;
	[tilespmem:$0x19200] =	vst v63  }
0x48e: {  	_ =	swait.ge [sflag:s22], $0x2000  }
0x48f: {  	[sflag:s22] =	ssyncset.done $0x0  }
0x490: {  	[sflag:s22] =	ssyncadd.s32 $0xFFFFE000  }
0x491: {  	[tilespmem:s21], [sflag:$0x1] =	stream.indirect.gather [hbm4b:s8+s25], $0x80, s0, s25, $0xb8;
	[tilespmem:$0x19200] =	vst v63  }
0x492: {  	_ =	swait.ge [sflag:s26], $0x2000  }
0x493: {  	[sflag:s26] =	ssyncset.done $0x0  }
0x494: {  	[sflag:s26] =	ssyncadd.s32 $0xFFFFE000  }
0x495: {  	[spmem:s11] =	stream.indirect.scatter.add.f32 [tilespmem:s21], [sflag:$0x2], $0x80, s2, s25, $0xb8;
	[tilespmem:$0x19200] =	vst v63  }
0x496: {  	_ =	swait.ge [sflag:s22], $0x2000  }
0x497: {  	[sflag:s22] =	ssyncset.done $0x0  }
0x498: {  	[sflag:s22] =	ssyncadd.s32 $0xFFFFE000  }
0x499: {  	[tilespmem:s21], [sflag:$0x1] =	stream.indirect.gather [hbm4b:s8+s25], $0x80, s3, s25, $0xb8;
	[tilespmem:$0x19200] =	vst v63  }
0x49a: {  	_ =	swait.ge [sflag:s26], $0x2000  }
0x49b: {  	[sflag:s26] =	ssyncset.done $0x0  }
0x49c: {  	[sflag:s26] =	ssyncadd.s32 $0xFFFFE000  }
0x49d: {  	[spmem:s11] =	stream.indirect.scatter.add.f32 [tilespmem:s21], [sflag:$0x2], $0x80, s4, s25, $0xb8;
	[tilespmem:$0x19200] =	vst v63  }
0x49e: {  	_ =	swait.ge [sflag:s22], $0x2000  }
0x49f: {  	[sflag:s22] =	ssyncset.done $0x0  }
0x4a0: {  	[sflag:s22] =	ssyncadd.s32 $0xFFFFE000  }
0x4a1: {  	[tilespmem:s21], [sflag:$0x1] =	stream.indirect.gather [hbm4b:s8+s25], $0x80, s5, s25, $0xb8;
	[tilespmem:$0x19200] =	vst v63  }
0x4a2: {  	_ =	swait.ge [sflag:s26], $0x2000  }
0x4a3: {  	[sflag:s26] =	ssyncset.done $0x0  }
0x4a4: {  	[sflag:s26] =	ssyncadd.s32 $0xFFFFE000  }
0x4a5: {  	[spmem:s11] =	stream.indirect.scatter.add.f32 [tilespmem:s21], [sflag:$0x2], $0x80, s6, s25, $0xb8;
	[tilespmem:$0x19200] =	vst v63  }
0x4a6: {  	_ =	swait.ge [sflag:s22], $0x2000  }
0x4a7: {  	[sflag:s22] =	ssyncset.done $0x0  }
0x4a8: {  	[sflag:s22] =	ssyncadd.s32 $0xFFFFE000  }
0x4a9: {  	[tilespmem:s21], [sflag:$0x1] =	stream.indirect.gather [hbm4b:s8+s25], $0x80, s7, s25, $0xb8;
	[tilespmem:$0x19200] =	vst v63  }
0x4aa: {  	_ =	swait.ge [sflag:s26], $0x2000  }
0x4ab: {  	[sflag:s26] =	ssyncset.done $0x0  }
0x4ac: {  	[sflag:s26] =	ssyncadd.s32 $0xFFFFE000  }
0x4ad: {  	[spmem:s11] =	stream.indirect.scatter.add.f32 [tilespmem:s21], [sflag:$0x2], $0x80, s9, s25, $0xb8;
	[tilespmem:$0x19200] =	vst v63  }
0x4ae: {  	_ =	swait.ge [sflag:s22], $0x2000  }
0x4af: {  	[sflag:s22] =	ssyncset.done $0x0  }
0x4b0: {  	[sflag:s22] =	ssyncadd.s32 $0xFFFFE000  }
0x4b1: {  	[tilespmem:s21], [sflag:$0x1] =	stream.indirect.gather [hbm4b:s8+s25], $0x80, s10, s25, $0xb8;
	[tilespmem:$0x19200] =	vst v63  }
0x4b2: {  	_ =	swait.ge [sflag:s26], $0x2000  }
0x4b3: {  	[sflag:s26] =	ssyncset.done $0x0  }
0x4b4: {  	[sflag:s26] =	ssyncadd.s32 $0xFFFFE000  }
0x4b5: {  	[spmem:s11] =	stream.indirect.scatter.add.f32 [tilespmem:s21], [sflag:$0x2], $0x80, s12, s25, $0xb8;
	[tilespmem:$0x19200] =	vst v63  }
0x4b6: {  	_ =	swait.ge [sflag:s22], $0x2000  }
0x4b7: {  	[sflag:s22] =	ssyncset.done $0x0  }
0x4b8: {  	[sflag:s22] =	ssyncadd.s32 $0xFFFFE000  }
0x4b9: {  	v2 =	vld [tilespmem:$0x800];
	_ =	sdelay $0x7  }
0x4ba: {  	[tilespmem:v2+s13+$0x0] =	vst.idx.add.f32.msk $0xffff, v1  }
0x4bb: {  	v2 =	vld [tilespmem:$0x810];
	_ =	sdelay $0x7  }
0x4bc: {  	[tilespmem:v2+s13+$0x0] =	vst.idx.add.f32.msk $0xffff, v1  }
0x4bd: {  	v2 =	vld [tilespmem:$0x820];
	_ =	sdelay $0x7  }
0x4be: {  	[tilespmem:v2+s13+$0x0] =	vst.idx.add.f32.msk $0xffff, v1  }
0x4bf: {  	v2 =	vld [tilespmem:$0x830];
	_ =	sdelay $0x7  }
0x4c0: {  	[tilespmem:v2+s13+$0x0] =	vst.idx.add.f32.msk $0xffff, v1  }
0x4c1: {  	v2 =	vld [tilespmem:$0x840];
	_ =	sdelay $0x7  }
0x4c2: {  	[tilespmem:v2+s13+$0x0] =	vst.idx.add.f32.msk $0xffff, v1  }
0x4c3: {  	v2 =	vld [tilespmem:$0x850];
	_ =	sdelay $0x7  }
0x4c4: {  	[tilespmem:v2+s13+$0x0] =	vst.idx.add.f32.msk $0xffff, v1  }
0x4c5: {  	v2 =	vld [tilespmem:$0x860];
	_ =	sdelay $0x7  }
0x4c6: {  	[tilespmem:v2+s13+$0x0] =	vst.idx.add.f32.msk $0xffff, v1  }
0x4c7: {  	v2 =	vld [tilespmem:$0x870];
	_ =	sdelay $0x7  }
0x4c8: {  	[tilespmem:v2+s13+$0x0] =	vst.idx.add.f32.msk $0xffff, v1  }
0x4c9: {  	v2 =	vld [tilespmem:$0x880];
	_ =	sdelay $0x7  }
0x4ca: {  	[tilespmem:v2+s13+$0x0] =	vst.idx.add.f32.msk $0xffff, v1  }
0x4cb: {  	v2 =	vld [tilespmem:$0x890];
	_ =	sdelay $0x7  }
0x4cc: {  	[tilespmem:v2+s13+$0x0] =	vst.idx.add.f32.msk $0xffff, v1  }
0x4cd: {  	v2 =	vld [tilespmem:$0x8A0];
	_ =	sdelay $0x7  }
0x4ce: {  	[tilespmem:v2+s13+$0x0] =	vst.idx.add.f32.msk $0xffff, v1  }
0x4cf: {  	v2 =	vld [tilespmem:$0x8B0];
	_ =	sdelay $0x7  }
0x4d0: {  	[tilespmem:v2+s13+$0x0] =	vst.idx.add.f32.msk $0xffff, v1  }
0x4d1: {  	v2 =	vld [tilespmem:$0x8C0];
	_ =	sdelay $0x7  }
0x4d2: {  	[tilespmem:v2+s13+$0x0] =	vst.idx.add.f32.msk $0xffff, v1  }
0x4d3: {  	v2 =	vld [tilespmem:$0x8D0];
	_ =	sdelay $0x7  }
0x4d4: {  	[tilespmem:v2+s13+$0x0] =	vst.idx.add.f32.msk $0xffff, v1  }
0x4d5: {  	v2 =	vld [tilespmem:$0x8E0];
	_ =	sdelay $0x7  }
0x4d6: {  	[tilespmem:v2+s13+$0x0] =	vst.idx.add.f32.msk $0xffff, v1  }
0x4d7: {  	v2 =	vld [tilespmem:$0x8F0];
	_ =	sdelay $0x7  }
0x4d8: {  	[tilespmem:v2+s13+$0x0] =	vst.idx.add.f32.msk $0xffff, v1  }
0x4d9: {  	v2 =	vld [tilespmem:$0x900];
	_ =	sdelay $0x7  }
0x4da: {  	[tilespmem:v2+s13+$0x0] =	vst.idx.add.f32.msk $0xffff, v1  }
0x4db: {  	v2 =	vld [tilespmem:$0x910];
	_ =	sdelay $0x7  }
0x4dc: {  	[tilespmem:v2+s13+$0x0] =	vst.idx.add.f32.msk $0xffff, v1  }
0x4dd: {  	v2 =	vld [tilespmem:$0x920];
	_ =	sdelay $0x7  }
0x4de: {  	[tilespmem:v2+s13+$0x0] =	vst.idx.add.f32.msk $0xffff, v1  }
0x4df: {  	v2 =	vld [tilespmem:$0x930];
	_ =	sdelay $0x7  }
0x4e0: {  	[tilespmem:v2+s13+$0x0] =	vst.idx.add.f32.msk $0xffff, v1  }
0x4e1: {  	v2 =	vld [tilespmem:$0x940];
	_ =	sdelay $0x7  }
0x4e2: {  	[tilespmem:v2+s13+$0x0] =	vst.idx.add.f32.msk $0xffff, v1  }
0x4e3: {  	v2 =	vld [tilespmem:$0x950];
	_ =	sdelay $0x7  }
0x4e4: {  	[tilespmem:v2+s13+$0x0] =	vst.idx.add.f32.msk $0xffff, v1  }
0x4e5: {  	v2 =	vld [tilespmem:$0x960];
	_ =	sdelay $0x7  }
0x4e6: {  	[tilespmem:v2+s13+$0x0] =	vst.idx.add.f32.msk $0xffff, v1  }
0x4e7: {  	v2 =	vld [tilespmem:$0x970];
	_ =	sdelay $0x7  }
0x4e8: {  	[tilespmem:v2+s13+$0x0] =	vst.idx.add.f32.msk $0xffff, v1  }
0x4e9: {  	v2 =	vld [tilespmem:$0x980];
	_ =	sdelay $0x7  }
0x4ea: {  	[tilespmem:v2+s13+$0x0] =	vst.idx.add.f32.msk $0xffff, v1  }
0x4eb: {  	v2 =	vld [tilespmem:$0x990];
	_ =	sdelay $0x7  }
0x4ec: {  	[tilespmem:v2+s13+$0x0] =	vst.idx.add.f32.msk $0xffff, v1  }
0x4ed: {  	v2 =	vld [tilespmem:$0x9A0];
	_ =	sdelay $0x7  }
0x4ee: {  	[tilespmem:v2+s13+$0x0] =	vst.idx.add.f32.msk $0xffff, v1  }
0x4ef: {  	v2 =	vld [tilespmem:$0x9B0];
	_ =	sdelay $0x7  }
0x4f0: {  	[tilespmem:v2+s13+$0x0] =	vst.idx.add.f32.msk $0xffff, v1  }
0x4f1: {  	v2 =	vld [tilespmem:$0x9C0];
	_ =	sdelay $0x7  }
0x4f2: {  	[tilespmem:v2+s13+$0x0] =	vst.idx.add.f32.msk $0xffff, v1  }
0x4f3: {  	v2 =	vld [tilespmem:$0x9D0];
	_ =	sdelay $0x7  }
0x4f4: {  	[tilespmem:v2+s13+$0x0] =	vst.idx.add.f32.msk $0xffff, v1  }
0x4f5: {  	v2 =	vld [tilespmem:$0x9E0];
	_ =	sdelay $0x7  }
0x4f6: {  	[tilespmem:v2+s13+$0x0] =	vst.idx.add.f32.msk $0xffff, v1  }
0x4f7: {  	v2 =	vld [tilespmem:$0x9F0];
	_ =	sdelay $0x7  }
0x4f8: {  	s18 =	rddreg [dreg:$0x13];
	[tilespmem:v2+s13+$0x0] =	vst.idx.add.f32.msk $0xffff, v1  }
0x4f9: {  	[tilespmem:s1], [sflag:$0x2] =	stream.linear.gather [hbm4b:s18+s1], $0x400, $0x38;
	[tilespmem:$0x19200] =	vst v63  }
0x4fa: {  	_ =	swait.ge [sflag:s22], $0x400  }
0x4fb: {  	[sflag:s22] =	ssyncset.done $0x0  }
0x4fc: {  	s17 =	rddreg [dreg:$0x14];
	[sflag:s22] =	ssyncadd.s32 $0xFFFFFC00  }
0x4fd: {  	[tilespmem:s23], [sflag:$0x2] =	stream.linear.gather [hbm4b:s17+s1], $0x400, $0x38;
	[tilespmem:$0x19200] =	vst v63  }
0x4fe: {  	_ =	swait.ge [sflag:s22], $0x400  }
0x4ff: {  	s18 =	sld [smem:$0x7E9]  }
0x500: {  	[sflag:s22] =	ssyncset.done $0x0  }
0x501: {  	[sflag:s22] =	ssyncadd.s32 $0xFFFFFC00  }
0x502: {  	[tilespmem:s24], [sflag:$0x2] =	stream.linear.gather [hbm4b:s18+s1], $0x200, $0x38;
	[tilespmem:$0x19200] =	vst v63  }
0x503: {  	_ =	swait.ge [sflag:s22], $0x200  }
0x504: {  	[sflag:s22] =	ssyncset.done $0x0  }
0x505: {  	[sflag:s22] =	ssyncadd.s32 $0xFFFFFE00  }
0x506: {  	[tilespmem:s21], [sflag:$0x1] =	stream.indirect.gather [hbm4b:s8+s25], $0x80, s1, s25, $0xb8;
	[tilespmem:$0x19200] =	vst v63  }
0x507: {  	_ =	swait.ge [sflag:s26], $0x2000  }
0x508: {  	[sflag:s26] =	ssyncset.done $0x0  }
0x509: {  	[sflag:s26] =	ssyncadd.s32 $0xFFFFE000  }
0x50a: {  	[spmem:s11] =	stream.indirect.scatter.add.f32 [tilespmem:s21], [sflag:$0x2], $0x80, s23, s25, $0xb8;
	[tilespmem:$0x19200] =	vst v63  }
0x50b: {  	_ =	swait.ge [sflag:s22], $0x2000  }
0x50c: {  	[sflag:s22] =	ssyncset.done $0x0  }
0x50d: {  	[sflag:s22] =	ssyncadd.s32 $0xFFFFE000  }
0x50e: {  	[tilespmem:s21], [sflag:$0x1] =	stream.indirect.gather [hbm4b:s8+s25], $0x80, s28, s25, $0xb8;
	[tilespmem:$0x19200] =	vst v63  }
0x50f: {  	_ =	swait.ge [sflag:s26], $0x2000  }
0x510: {  	[sflag:s26] =	ssyncset.done $0x0  }
0x511: {  	[sflag:s26] =	ssyncadd.s32 $0xFFFFE000  }
0x512: {  	[spmem:s11] =	stream.indirect.scatter.add.f32 [tilespmem:s21], [sflag:$0x2], $0x80, s29, s25, $0xb8;
	[tilespmem:$0x19200] =	vst v63  }
0x513: {  	_ =	swait.ge [sflag:s22], $0x2000  }
0x514: {  	[sflag:s22] =	ssyncset.done $0x0  }
0x515: {  	[sflag:s22] =	ssyncadd.s32 $0xFFFFE000  }
0x516: {  	[tilespmem:s21], [sflag:$0x1] =	stream.indirect.gather [hbm4b:s8+s25], $0x80, s30, s25, $0xb8;
	[tilespmem:$0x19200] =	vst v63  }
0x517: {  	_ =	swait.ge [sflag:s26], $0x2000  }
0x518: {  	[sflag:s26] =	ssyncset.done $0x0  }
0x519: {  	[sflag:s26] =	ssyncadd.s32 $0xFFFFE000  }
0x51a: {  	[spmem:s11] =	stream.indirect.scatter.add.f32 [tilespmem:s21], [sflag:$0x2], $0x80, s31, s25, $0xb8;
	[tilespmem:$0x19200] =	vst v63  }
0x51b: {  	_ =	swait.ge [sflag:s22], $0x2000  }
0x51c: {  	[sflag:s22] =	ssyncset.done $0x0  }
0x51d: {  	[sflag:s22] =	ssyncadd.s32 $0xFFFFE000  }
0x51e: {  	[tilespmem:s21], [sflag:$0x1] =	stream.indirect.gather [hbm4b:s8+s25], $0x80, s0, s25, $0xb8;
	[tilespmem:$0x19200] =	vst v63  }
0x51f: {  	_ =	swait.ge [sflag:s26], $0x2000  }
0x520: {  	[sflag:s26] =	ssyncset.done $0x0  }
0x521: {  	[sflag:s26] =	ssyncadd.s32 $0xFFFFE000  }
0x522: {  	[spmem:s11] =	stream.indirect.scatter.add.f32 [tilespmem:s21], [sflag:$0x2], $0x80, s2, s25, $0xb8;
	[tilespmem:$0x19200] =	vst v63  }
0x523: {  	_ =	swait.ge [sflag:s22], $0x2000  }
0x524: {  	[sflag:s22] =	ssyncset.done $0x0  }
0x525: {  	[sflag:s22] =	ssyncadd.s32 $0xFFFFE000  }
0x526: {  	[tilespmem:s21], [sflag:$0x1] =	stream.indirect.gather [hbm4b:s8+s25], $0x80, s3, s25, $0xb8;
	[tilespmem:$0x19200] =	vst v63  }
0x527: {  	_ =	swait.ge [sflag:s26], $0x2000  }
0x528: {  	[sflag:s26] =	ssyncset.done $0x0  }
0x529: {  	[sflag:s26] =	ssyncadd.s32 $0xFFFFE000  }
0x52a: {  	[spmem:s11] =	stream.indirect.scatter.add.f32 [tilespmem:s21], [sflag:$0x2], $0x80, s4, s25, $0xb8;
	[tilespmem:$0x19200] =	vst v63  }
0x52b: {  	_ =	swait.ge [sflag:s22], $0x2000  }
0x52c: {  	[sflag:s22] =	ssyncset.done $0x0  }
0x52d: {  	[sflag:s22] =	ssyncadd.s32 $0xFFFFE000  }
0x52e: {  	[tilespmem:s21], [sflag:$0x1] =	stream.indirect.gather [hbm4b:s8+s25], $0x80, s5, s25, $0xb8;
	[tilespmem:$0x19200] =	vst v63  }
0x52f: {  	_ =	swait.ge [sflag:s26], $0x2000  }
0x530: {  	[sflag:s26] =	ssyncset.done $0x0  }
0x531: {  	[sflag:s26] =	ssyncadd.s32 $0xFFFFE000  }
0x532: {  	[spmem:s11] =	stream.indirect.scatter.add.f32 [tilespmem:s21], [sflag:$0x2], $0x80, s6, s25, $0xb8;
	[tilespmem:$0x19200] =	vst v63  }
0x533: {  	_ =	swait.ge [sflag:s22], $0x2000  }
0x534: {  	[sflag:s22] =	ssyncset.done $0x0  }
0x535: {  	[sflag:s22] =	ssyncadd.s32 $0xFFFFE000  }
0x536: {  	[tilespmem:s21], [sflag:$0x1] =	stream.indirect.gather [hbm4b:s8+s25], $0x80, s7, s25, $0xb8;
	[tilespmem:$0x19200] =	vst v63  }
0x537: {  	_ =	swait.ge [sflag:s26], $0x2000  }
0x538: {  	[sflag:s26] =	ssyncset.done $0x0  }
0x539: {  	[sflag:s26] =	ssyncadd.s32 $0xFFFFE000  }
0x53a: {  	[spmem:s11] =	stream.indirect.scatter.add.f32 [tilespmem:s21], [sflag:$0x2], $0x80, s9, s25, $0xb8;
	[tilespmem:$0x19200] =	vst v63  }
0x53b: {  	_ =	swait.ge [sflag:s22], $0x2000  }
0x53c: {  	[sflag:s22] =	ssyncset.done $0x0  }
0x53d: {  	[sflag:s22] =	ssyncadd.s32 $0xFFFFE000  }
0x53e: {  	[tilespmem:s21], [sflag:$0x1] =	stream.indirect.gather [hbm4b:s8+s25], $0x80, s10, s25, $0xb8;
	[tilespmem:$0x19200] =	vst v63  }
0x53f: {  	_ =	swait.ge [sflag:s26], $0x2000  }
0x540: {  	[sflag:s26] =	ssyncset.done $0x0  }
0x541: {  	[sflag:s26] =	ssyncadd.s32 $0xFFFFE000  }
0x542: {  	[spmem:s11] =	stream.indirect.scatter.add.f32 [tilespmem:s21], [sflag:$0x2], $0x80, s12, s25, $0xb8;
	[tilespmem:$0x19200] =	vst v63  }
0x543: {  	_ =	swait.ge [sflag:s22], $0x2000  }
0x544: {  	[sflag:s22] =	ssyncset.done $0x0  }
0x545: {  	[sflag:s22] =	ssyncadd.s32 $0xFFFFE000  }
0x546: {  	v2 =	vld [tilespmem:$0x800];
	_ =	sdelay $0x7  }
0x547: {  	[tilespmem:v2+s13+$0x0] =	vst.idx.add.f32.msk $0xffff, v1  }
0x548: {  	v2 =	vld [tilespmem:$0x810];
	_ =	sdelay $0x7  }
0x549: {  	[tilespmem:v2+s13+$0x0] =	vst.idx.add.f32.msk $0xffff, v1  }
0x54a: {  	v2 =	vld [tilespmem:$0x820];
	_ =	sdelay $0x7  }
0x54b: {  	[tilespmem:v2+s13+$0x0] =	vst.idx.add.f32.msk $0xffff, v1  }
0x54c: {  	v2 =	vld [tilespmem:$0x830];
	_ =	sdelay $0x7  }
0x54d: {  	[tilespmem:v2+s13+$0x0] =	vst.idx.add.f32.msk $0xffff, v1  }
0x54e: {  	v2 =	vld [tilespmem:$0x840];
	_ =	sdelay $0x7  }
0x54f: {  	[tilespmem:v2+s13+$0x0] =	vst.idx.add.f32.msk $0xffff, v1  }
0x550: {  	v2 =	vld [tilespmem:$0x850];
	_ =	sdelay $0x7  }
0x551: {  	[tilespmem:v2+s13+$0x0] =	vst.idx.add.f32.msk $0xffff, v1  }
0x552: {  	v2 =	vld [tilespmem:$0x860];
	_ =	sdelay $0x7  }
0x553: {  	[tilespmem:v2+s13+$0x0] =	vst.idx.add.f32.msk $0xffff, v1  }
0x554: {  	v2 =	vld [tilespmem:$0x870];
	_ =	sdelay $0x7  }
0x555: {  	[tilespmem:v2+s13+$0x0] =	vst.idx.add.f32.msk $0xffff, v1  }
0x556: {  	v2 =	vld [tilespmem:$0x880];
	_ =	sdelay $0x7  }
0x557: {  	[tilespmem:v2+s13+$0x0] =	vst.idx.add.f32.msk $0xffff, v1  }
0x558: {  	v2 =	vld [tilespmem:$0x890];
	_ =	sdelay $0x7  }
0x559: {  	[tilespmem:v2+s13+$0x0] =	vst.idx.add.f32.msk $0xffff, v1  }
0x55a: {  	v2 =	vld [tilespmem:$0x8A0];
	_ =	sdelay $0x7  }
0x55b: {  	[tilespmem:v2+s13+$0x0] =	vst.idx.add.f32.msk $0xffff, v1  }
0x55c: {  	v2 =	vld [tilespmem:$0x8B0];
	_ =	sdelay $0x7  }
0x55d: {  	[tilespmem:v2+s13+$0x0] =	vst.idx.add.f32.msk $0xffff, v1  }
0x55e: {  	v2 =	vld [tilespmem:$0x8C0];
	_ =	sdelay $0x7  }
0x55f: {  	[tilespmem:v2+s13+$0x0] =	vst.idx.add.f32.msk $0xffff, v1  }
0x560: {  	v2 =	vld [tilespmem:$0x8D0];
	_ =	sdelay $0x7  }
0x561: {  	[tilespmem:v2+s13+$0x0] =	vst.idx.add.f32.msk $0xffff, v1  }
0x562: {  	v2 =	vld [tilespmem:$0x8E0];
	_ =	sdelay $0x7  }
0x563: {  	[tilespmem:v2+s13+$0x0] =	vst.idx.add.f32.msk $0xffff, v1  }
0x564: {  	v2 =	vld [tilespmem:$0x8F0];
	_ =	sdelay $0x7  }
0x565: {  	[tilespmem:v2+s13+$0x0] =	vst.idx.add.f32.msk $0xffff, v1  }
0x566: {  	v2 =	vld [tilespmem:$0x900];
	_ =	sdelay $0x7  }
0x567: {  	[tilespmem:v2+s13+$0x0] =	vst.idx.add.f32.msk $0xffff, v1  }
0x568: {  	v2 =	vld [tilespmem:$0x910];
	_ =	sdelay $0x7  }
0x569: {  	[tilespmem:v2+s13+$0x0] =	vst.idx.add.f32.msk $0xffff, v1  }
0x56a: {  	v2 =	vld [tilespmem:$0x920];
	_ =	sdelay $0x7  }
0x56b: {  	[tilespmem:v2+s13+$0x0] =	vst.idx.add.f32.msk $0xffff, v1  }
0x56c: {  	v2 =	vld [tilespmem:$0x930];
	_ =	sdelay $0x7  }
0x56d: {  	[tilespmem:v2+s13+$0x0] =	vst.idx.add.f32.msk $0xffff, v1  }
0x56e: {  	v2 =	vld [tilespmem:$0x940];
	_ =	sdelay $0x7  }
0x56f: {  	[tilespmem:v2+s13+$0x0] =	vst.idx.add.f32.msk $0xffff, v1  }
0x570: {  	v2 =	vld [tilespmem:$0x950];
	_ =	sdelay $0x7  }
0x571: {  	[tilespmem:v2+s13+$0x0] =	vst.idx.add.f32.msk $0xffff, v1  }
0x572: {  	v2 =	vld [tilespmem:$0x960];
	_ =	sdelay $0x7  }
0x573: {  	[tilespmem:v2+s13+$0x0] =	vst.idx.add.f32.msk $0xffff, v1  }
0x574: {  	v2 =	vld [tilespmem:$0x970];
	_ =	sdelay $0x7  }
0x575: {  	[tilespmem:v2+s13+$0x0] =	vst.idx.add.f32.msk $0xffff, v1  }
0x576: {  	v2 =	vld [tilespmem:$0x980];
	_ =	sdelay $0x7  }
0x577: {  	[tilespmem:v2+s13+$0x0] =	vst.idx.add.f32.msk $0xffff, v1  }
0x578: {  	v2 =	vld [tilespmem:$0x990];
	_ =	sdelay $0x7  }
0x579: {  	[tilespmem:v2+s13+$0x0] =	vst.idx.add.f32.msk $0xffff, v1  }
0x57a: {  	v2 =	vld [tilespmem:$0x9A0];
	_ =	sdelay $0x7  }
0x57b: {  	[tilespmem:v2+s13+$0x0] =	vst.idx.add.f32.msk $0xffff, v1  }
0x57c: {  	v2 =	vld [tilespmem:$0x9B0];
	_ =	sdelay $0x7  }
0x57d: {  	[tilespmem:v2+s13+$0x0] =	vst.idx.add.f32.msk $0xffff, v1  }
0x57e: {  	v2 =	vld [tilespmem:$0x9C0];
	_ =	sdelay $0x7  }
0x57f: {  	[tilespmem:v2+s13+$0x0] =	vst.idx.add.f32.msk $0xffff, v1  }
0x580: {  	v2 =	vld [tilespmem:$0x9D0];
	_ =	sdelay $0x7  }
0x581: {  	[tilespmem:v2+s13+$0x0] =	vst.idx.add.f32.msk $0xffff, v1  }
0x582: {  	v2 =	vld [tilespmem:$0x9E0];
	_ =	sdelay $0x7  }
0x583: {  	[tilespmem:v2+s13+$0x0] =	vst.idx.add.f32.msk $0xffff, v1  }
0x584: {  	v2 =	vld [tilespmem:$0x9F0];
	_ =	sdelay $0x7  }
0x585: {  	s17 =	rddreg [dreg:$0x15];
	[tilespmem:v2+s13+$0x0] =	vst.idx.add.f32.msk $0xffff, v1  }
0x586: {  	[tilespmem:s1], [sflag:$0x2] =	stream.linear.gather [hbm4b:s17+s1], $0x400, $0x38;
	[tilespmem:$0x19200] =	vst v63  }
0x587: {  	_ =	swait.ge [sflag:s22], $0x400  }
0x588: {  	[sflag:s22] =	ssyncset.done $0x0  }
0x589: {  	s18 =	rddreg [dreg:$0x16];
	[sflag:s22] =	ssyncadd.s32 $0xFFFFFC00  }
0x58a: {  	[tilespmem:s23], [sflag:$0x2] =	stream.linear.gather [hbm4b:s18+s1], $0x400, $0x38;
	[tilespmem:$0x19200] =	vst v63  }
0x58b: {  	_ =	swait.ge [sflag:s22], $0x400  }
0x58c: {  	s17 =	sld [smem:$0x7EA]  }
0x58d: {  	[sflag:s22] =	ssyncset.done $0x0  }
0x58e: {  	[sflag:s22] =	ssyncadd.s32 $0xFFFFFC00  }
0x58f: {  	[tilespmem:s24], [sflag:$0x2] =	stream.linear.gather [hbm4b:s17+s1], $0x200, $0x38;
	[tilespmem:$0x19200] =	vst v63  }
0x590: {  	_ =	swait.ge [sflag:s22], $0x200  }
0x591: {  	[sflag:s22] =	ssyncset.done $0x0  }
0x592: {  	[sflag:s22] =	ssyncadd.s32 $0xFFFFFE00  }
0x593: {  	[tilespmem:s21], [sflag:$0x1] =	stream.indirect.gather [hbm4b:s8+s25], $0x80, s1, s25, $0xb8;
	[tilespmem:$0x19200] =	vst v63  }
0x594: {  	_ =	swait.ge [sflag:s26], $0x2000  }
0x595: {  	[sflag:s26] =	ssyncset.done $0x0  }
0x596: {  	[sflag:s26] =	ssyncadd.s32 $0xFFFFE000  }
0x597: {  	[spmem:s11] =	stream.indirect.scatter.add.f32 [tilespmem:s21], [sflag:$0x2], $0x80, s23, s25, $0xb8;
	[tilespmem:$0x19200] =	vst v63  }
0x598: {  	_ =	swait.ge [sflag:s22], $0x2000  }
0x599: {  	[sflag:s22] =	ssyncset.done $0x0  }
0x59a: {  	[sflag:s22] =	ssyncadd.s32 $0xFFFFE000  }
0x59b: {  	[tilespmem:s21], [sflag:$0x1] =	stream.indirect.gather [hbm4b:s8+s25], $0x80, s28, s25, $0xb8;
	[tilespmem:$0x19200] =	vst v63  }
0x59c: {  	_ =	swait.ge [sflag:s26], $0x2000  }
0x59d: {  	[sflag:s26] =	ssyncset.done $0x0  }
0x59e: {  	[sflag:s26] =	ssyncadd.s32 $0xFFFFE000  }
0x59f: {  	[spmem:s11] =	stream.indirect.scatter.add.f32 [tilespmem:s21], [sflag:$0x2], $0x80, s29, s25, $0xb8;
	[tilespmem:$0x19200] =	vst v63  }
0x5a0: {  	_ =	swait.ge [sflag:s22], $0x2000  }
0x5a1: {  	[sflag:s22] =	ssyncset.done $0x0  }
0x5a2: {  	[sflag:s22] =	ssyncadd.s32 $0xFFFFE000  }
0x5a3: {  	[tilespmem:s21], [sflag:$0x1] =	stream.indirect.gather [hbm4b:s8+s25], $0x80, s30, s25, $0xb8;
	[tilespmem:$0x19200] =	vst v63  }
0x5a4: {  	_ =	swait.ge [sflag:s26], $0x2000  }
0x5a5: {  	[sflag:s26] =	ssyncset.done $0x0  }
0x5a6: {  	[sflag:s26] =	ssyncadd.s32 $0xFFFFE000  }
0x5a7: {  	[spmem:s11] =	stream.indirect.scatter.add.f32 [tilespmem:s21], [sflag:$0x2], $0x80, s31, s25, $0xb8;
	[tilespmem:$0x19200] =	vst v63  }
0x5a8: {  	_ =	swait.ge [sflag:s22], $0x2000  }
0x5a9: {  	[sflag:s22] =	ssyncset.done $0x0  }
0x5aa: {  	[sflag:s22] =	ssyncadd.s32 $0xFFFFE000  }
0x5ab: {  	[tilespmem:s21], [sflag:$0x1] =	stream.indirect.gather [hbm4b:s8+s25], $0x80, s0, s25, $0xb8;
	[tilespmem:$0x19200] =	vst v63  }
0x5ac: {  	_ =	swait.ge [sflag:s26], $0x2000  }
0x5ad: {  	[sflag:s26] =	ssyncset.done $0x0  }
0x5ae: {  	[sflag:s26] =	ssyncadd.s32 $0xFFFFE000  }
0x5af: {  	[spmem:s11] =	stream.indirect.scatter.add.f32 [tilespmem:s21], [sflag:$0x2], $0x80, s2, s25, $0xb8;
	[tilespmem:$0x19200] =	vst v63  }
0x5b0: {  	_ =	swait.ge [sflag:s22], $0x2000  }
0x5b1: {  	[sflag:s22] =	ssyncset.done $0x0  }
0x5b2: {  	[sflag:s22] =	ssyncadd.s32 $0xFFFFE000  }
0x5b3: {  	[tilespmem:s21], [sflag:$0x1] =	stream.indirect.gather [hbm4b:s8+s25], $0x80, s3, s25, $0xb8;
	[tilespmem:$0x19200] =	vst v63  }
0x5b4: {  	_ =	swait.ge [sflag:s26], $0x2000  }
0x5b5: {  	[sflag:s26] =	ssyncset.done $0x0  }
0x5b6: {  	[sflag:s26] =	ssyncadd.s32 $0xFFFFE000  }
0x5b7: {  	[spmem:s11] =	stream.indirect.scatter.add.f32 [tilespmem:s21], [sflag:$0x2], $0x80, s4, s25, $0xb8;
	[tilespmem:$0x19200] =	vst v63  }
0x5b8: {  	_ =	swait.ge [sflag:s22], $0x2000  }
0x5b9: {  	[sflag:s22] =	ssyncset.done $0x0  }
0x5ba: {  	[sflag:s22] =	ssyncadd.s32 $0xFFFFE000  }
0x5bb: {  	[tilespmem:s21], [sflag:$0x1] =	stream.indirect.gather [hbm4b:s8+s25], $0x80, s5, s25, $0xb8;
	[tilespmem:$0x19200] =	vst v63  }
0x5bc: {  	_ =	swait.ge [sflag:s26], $0x2000  }
0x5bd: {  	[sflag:s26] =	ssyncset.done $0x0  }
0x5be: {  	[sflag:s26] =	ssyncadd.s32 $0xFFFFE000  }
0x5bf: {  	[spmem:s11] =	stream.indirect.scatter.add.f32 [tilespmem:s21], [sflag:$0x2], $0x80, s6, s25, $0xb8;
	[tilespmem:$0x19200] =	vst v63  }
0x5c0: {  	_ =	swait.ge [sflag:s22], $0x2000  }
0x5c1: {  	[sflag:s22] =	ssyncset.done $0x0  }
0x5c2: {  	[sflag:s22] =	ssyncadd.s32 $0xFFFFE000  }
0x5c3: {  	[tilespmem:s21], [sflag:$0x1] =	stream.indirect.gather [hbm4b:s8+s25], $0x80, s7, s25, $0xb8;
	[tilespmem:$0x19200] =	vst v63  }
0x5c4: {  	_ =	swait.ge [sflag:s26], $0x2000  }
0x5c5: {  	[sflag:s26] =	ssyncset.done $0x0  }
0x5c6: {  	[sflag:s26] =	ssyncadd.s32 $0xFFFFE000  }
0x5c7: {  	[spmem:s11] =	stream.indirect.scatter.add.f32 [tilespmem:s21], [sflag:$0x2], $0x80, s9, s25, $0xb8;
	[tilespmem:$0x19200] =	vst v63  }
0x5c8: {  	_ =	swait.ge [sflag:s22], $0x2000  }
0x5c9: {  	[sflag:s22] =	ssyncset.done $0x0  }
0x5ca: {  	[sflag:s22] =	ssyncadd.s32 $0xFFFFE000  }
0x5cb: {  	[tilespmem:s21], [sflag:$0x1] =	stream.indirect.gather [hbm4b:s8+s25], $0x80, s10, s25, $0xb8;
	[tilespmem:$0x19200] =	vst v63  }
0x5cc: {  	_ =	swait.ge [sflag:s26], $0x2000  }
0x5cd: {  	[sflag:s26] =	ssyncset.done $0x0  }
0x5ce: {  	[sflag:s26] =	ssyncadd.s32 $0xFFFFE000  }
0x5cf: {  	[spmem:s11] =	stream.indirect.scatter.add.f32 [tilespmem:s21], [sflag:$0x2], $0x80, s12, s25, $0xb8;
	[tilespmem:$0x19200] =	vst v63  }
0x5d0: {  	_ =	swait.ge [sflag:s22], $0x2000  }
0x5d1: {  	[sflag:s22] =	ssyncset.done $0x0  }
0x5d2: {  	[sflag:s22] =	ssyncadd.s32 $0xFFFFE000  }
0x5d3: {  	v2 =	vld [tilespmem:$0x800];
	_ =	sdelay $0x7  }
0x5d4: {  	[tilespmem:v2+s13+$0x0] =	vst.idx.add.f32.msk $0xffff, v1  }
0x5d5: {  	v2 =	vld [tilespmem:$0x810];
	_ =	sdelay $0x7  }
0x5d6: {  	[tilespmem:v2+s13+$0x0] =	vst.idx.add.f32.msk $0xffff, v1  }
0x5d7: {  	v2 =	vld [tilespmem:$0x820];
	_ =	sdelay $0x7  }
0x5d8: {  	[tilespmem:v2+s13+$0x0] =	vst.idx.add.f32.msk $0xffff, v1  }
0x5d9: {  	v2 =	vld [tilespmem:$0x830];
	_ =	sdelay $0x7  }
0x5da: {  	[tilespmem:v2+s13+$0x0] =	vst.idx.add.f32.msk $0xffff, v1  }
0x5db: {  	v2 =	vld [tilespmem:$0x840];
	_ =	sdelay $0x7  }
0x5dc: {  	[tilespmem:v2+s13+$0x0] =	vst.idx.add.f32.msk $0xffff, v1  }
0x5dd: {  	v2 =	vld [tilespmem:$0x850];
	_ =	sdelay $0x7  }
0x5de: {  	[tilespmem:v2+s13+$0x0] =	vst.idx.add.f32.msk $0xffff, v1  }
0x5df: {  	v2 =	vld [tilespmem:$0x860];
	_ =	sdelay $0x7  }
0x5e0: {  	[tilespmem:v2+s13+$0x0] =	vst.idx.add.f32.msk $0xffff, v1  }
0x5e1: {  	v2 =	vld [tilespmem:$0x870];
	_ =	sdelay $0x7  }
0x5e2: {  	[tilespmem:v2+s13+$0x0] =	vst.idx.add.f32.msk $0xffff, v1  }
0x5e3: {  	v2 =	vld [tilespmem:$0x880];
	_ =	sdelay $0x7  }
0x5e4: {  	[tilespmem:v2+s13+$0x0] =	vst.idx.add.f32.msk $0xffff, v1  }
0x5e5: {  	v2 =	vld [tilespmem:$0x890];
	_ =	sdelay $0x7  }
0x5e6: {  	[tilespmem:v2+s13+$0x0] =	vst.idx.add.f32.msk $0xffff, v1  }
0x5e7: {  	v2 =	vld [tilespmem:$0x8A0];
	_ =	sdelay $0x7  }
0x5e8: {  	[tilespmem:v2+s13+$0x0] =	vst.idx.add.f32.msk $0xffff, v1  }
0x5e9: {  	v2 =	vld [tilespmem:$0x8B0];
	_ =	sdelay $0x7  }
0x5ea: {  	[tilespmem:v2+s13+$0x0] =	vst.idx.add.f32.msk $0xffff, v1  }
0x5eb: {  	v2 =	vld [tilespmem:$0x8C0];
	_ =	sdelay $0x7  }
0x5ec: {  	[tilespmem:v2+s13+$0x0] =	vst.idx.add.f32.msk $0xffff, v1  }
0x5ed: {  	v2 =	vld [tilespmem:$0x8D0];
	_ =	sdelay $0x7  }
0x5ee: {  	[tilespmem:v2+s13+$0x0] =	vst.idx.add.f32.msk $0xffff, v1  }
0x5ef: {  	v2 =	vld [tilespmem:$0x8E0];
	_ =	sdelay $0x7  }
0x5f0: {  	[tilespmem:v2+s13+$0x0] =	vst.idx.add.f32.msk $0xffff, v1  }
0x5f1: {  	v2 =	vld [tilespmem:$0x8F0];
	_ =	sdelay $0x7  }
0x5f2: {  	[tilespmem:v2+s13+$0x0] =	vst.idx.add.f32.msk $0xffff, v1  }
0x5f3: {  	v2 =	vld [tilespmem:$0x900];
	_ =	sdelay $0x7  }
0x5f4: {  	[tilespmem:v2+s13+$0x0] =	vst.idx.add.f32.msk $0xffff, v1  }
0x5f5: {  	v2 =	vld [tilespmem:$0x910];
	_ =	sdelay $0x7  }
0x5f6: {  	[tilespmem:v2+s13+$0x0] =	vst.idx.add.f32.msk $0xffff, v1  }
0x5f7: {  	v2 =	vld [tilespmem:$0x920];
	_ =	sdelay $0x7  }
0x5f8: {  	[tilespmem:v2+s13+$0x0] =	vst.idx.add.f32.msk $0xffff, v1  }
0x5f9: {  	v2 =	vld [tilespmem:$0x930];
	_ =	sdelay $0x7  }
0x5fa: {  	[tilespmem:v2+s13+$0x0] =	vst.idx.add.f32.msk $0xffff, v1  }
0x5fb: {  	v2 =	vld [tilespmem:$0x940];
	_ =	sdelay $0x7  }
0x5fc: {  	[tilespmem:v2+s13+$0x0] =	vst.idx.add.f32.msk $0xffff, v1  }
0x5fd: {  	v2 =	vld [tilespmem:$0x950];
	_ =	sdelay $0x7  }
0x5fe: {  	[tilespmem:v2+s13+$0x0] =	vst.idx.add.f32.msk $0xffff, v1  }
0x5ff: {  	v2 =	vld [tilespmem:$0x960];
	_ =	sdelay $0x7  }
0x600: {  	[tilespmem:v2+s13+$0x0] =	vst.idx.add.f32.msk $0xffff, v1  }
0x601: {  	v2 =	vld [tilespmem:$0x970];
	_ =	sdelay $0x7  }
0x602: {  	[tilespmem:v2+s13+$0x0] =	vst.idx.add.f32.msk $0xffff, v1  }
0x603: {  	v2 =	vld [tilespmem:$0x980];
	_ =	sdelay $0x7  }
0x604: {  	[tilespmem:v2+s13+$0x0] =	vst.idx.add.f32.msk $0xffff, v1  }
0x605: {  	v2 =	vld [tilespmem:$0x990];
	_ =	sdelay $0x7  }
0x606: {  	[tilespmem:v2+s13+$0x0] =	vst.idx.add.f32.msk $0xffff, v1  }
0x607: {  	v2 =	vld [tilespmem:$0x9A0];
	_ =	sdelay $0x7  }
0x608: {  	[tilespmem:v2+s13+$0x0] =	vst.idx.add.f32.msk $0xffff, v1  }
0x609: {  	v2 =	vld [tilespmem:$0x9B0];
	_ =	sdelay $0x7  }
0x60a: {  	[tilespmem:v2+s13+$0x0] =	vst.idx.add.f32.msk $0xffff, v1  }
0x60b: {  	v2 =	vld [tilespmem:$0x9C0];
	_ =	sdelay $0x7  }
0x60c: {  	[tilespmem:v2+s13+$0x0] =	vst.idx.add.f32.msk $0xffff, v1  }
0x60d: {  	v2 =	vld [tilespmem:$0x9D0];
	_ =	sdelay $0x7  }
0x60e: {  	[tilespmem:v2+s13+$0x0] =	vst.idx.add.f32.msk $0xffff, v1  }
0x60f: {  	v2 =	vld [tilespmem:$0x9E0];
	_ =	sdelay $0x7  }
0x610: {  	[tilespmem:v2+s13+$0x0] =	vst.idx.add.f32.msk $0xffff, v1  }
0x611: {  	v2 =	vld [tilespmem:$0x9F0];
	_ =	sdelay $0x7  }
0x612: {  	s18 =	rddreg [dreg:$0x17];
	[tilespmem:v2+s13+$0x0] =	vst.idx.add.f32.msk $0xffff, v1  }
0x613: {  	[tilespmem:s1], [sflag:$0x2] =	stream.linear.gather [hbm4b:s18+s1], $0x400, $0x38;
	[tilespmem:$0x19200] =	vst v63  }
0x614: {  	_ =	swait.ge [sflag:s22], $0x400  }
0x615: {  	[sflag:s22] =	ssyncset.done $0x0  }
0x616: {  	s17 =	rddreg [dreg:$0x18];
	[sflag:s22] =	ssyncadd.s32 $0xFFFFFC00  }
0x617: {  	[tilespmem:s23], [sflag:$0x2] =	stream.linear.gather [hbm4b:s17+s1], $0x400, $0x38;
	[tilespmem:$0x19200] =	vst v63  }
0x618: {  	_ =	swait.ge [sflag:s22], $0x400  }
0x619: {  	s18 =	sld [smem:$0x7EB]  }
0x61a: {  	[sflag:s22] =	ssyncset.done $0x0  }
0x61b: {  	[sflag:s22] =	ssyncadd.s32 $0xFFFFFC00  }
0x61c: {  	[tilespmem:s24], [sflag:$0x2] =	stream.linear.gather [hbm4b:s18+s1], $0x200, $0x38;
	[tilespmem:$0x19200] =	vst v63  }
0x61d: {  	_ =	swait.ge [sflag:s22], $0x200  }
0x61e: {  	[sflag:s22] =	ssyncset.done $0x0  }
0x61f: {  	[sflag:s22] =	ssyncadd.s32 $0xFFFFFE00  }
0x620: {  	[tilespmem:s21], [sflag:$0x1] =	stream.indirect.gather [hbm4b:s8+s25], $0x80, s1, s25, $0xb8;
	[tilespmem:$0x19200] =	vst v63  }
0x621: {  	_ =	swait.ge [sflag:s26], $0x2000  }
0x622: {  	[sflag:s26] =	ssyncset.done $0x0  }
0x623: {  	[sflag:s26] =	ssyncadd.s32 $0xFFFFE000  }
0x624: {  	[spmem:s11] =	stream.indirect.scatter.add.f32 [tilespmem:s21], [sflag:$0x2], $0x80, s23, s25, $0xb8;
	[tilespmem:$0x19200] =	vst v63  }
0x625: {  	_ =	swait.ge [sflag:s22], $0x2000  }
0x626: {  	[sflag:s22] =	ssyncset.done $0x0  }
0x627: {  	[sflag:s22] =	ssyncadd.s32 $0xFFFFE000  }
0x628: {  	[tilespmem:s21], [sflag:$0x1] =	stream.indirect.gather [hbm4b:s8+s25], $0x80, s28, s25, $0xb8;
	[tilespmem:$0x19200] =	vst v63  }
0x629: {  	_ =	swait.ge [sflag:s26], $0x2000  }
0x62a: {  	[sflag:s26] =	ssyncset.done $0x0  }
0x62b: {  	[sflag:s26] =	ssyncadd.s32 $0xFFFFE000  }
0x62c: {  	[spmem:s11] =	stream.indirect.scatter.add.f32 [tilespmem:s21], [sflag:$0x2], $0x80, s29, s25, $0xb8;
	[tilespmem:$0x19200] =	vst v63  }
0x62d: {  	_ =	swait.ge [sflag:s22], $0x2000  }
0x62e: {  	[sflag:s22] =	ssyncset.done $0x0  }
0x62f: {  	[sflag:s22] =	ssyncadd.s32 $0xFFFFE000  }
0x630: {  	[tilespmem:s21], [sflag:$0x1] =	stream.indirect.gather [hbm4b:s8+s25], $0x80, s30, s25, $0xb8;
	[tilespmem:$0x19200] =	vst v63  }
0x631: {  	_ =	swait.ge [sflag:s26], $0x2000  }
0x632: {  	[sflag:s26] =	ssyncset.done $0x0  }
0x633: {  	[sflag:s26] =	ssyncadd.s32 $0xFFFFE000  }
0x634: {  	[spmem:s11] =	stream.indirect.scatter.add.f32 [tilespmem:s21], [sflag:$0x2], $0x80, s31, s25, $0xb8;
	[tilespmem:$0x19200] =	vst v63  }
0x635: {  	_ =	swait.ge [sflag:s22], $0x2000  }
0x636: {  	[sflag:s22] =	ssyncset.done $0x0  }
0x637: {  	[sflag:s22] =	ssyncadd.s32 $0xFFFFE000  }
0x638: {  	[tilespmem:s21], [sflag:$0x1] =	stream.indirect.gather [hbm4b:s8+s25], $0x80, s0, s25, $0xb8;
	[tilespmem:$0x19200] =	vst v63  }
0x639: {  	_ =	swait.ge [sflag:s26], $0x2000  }
0x63a: {  	[sflag:s26] =	ssyncset.done $0x0  }
0x63b: {  	[sflag:s26] =	ssyncadd.s32 $0xFFFFE000  }
0x63c: {  	[spmem:s11] =	stream.indirect.scatter.add.f32 [tilespmem:s21], [sflag:$0x2], $0x80, s2, s25, $0xb8;
	[tilespmem:$0x19200] =	vst v63  }
0x63d: {  	_ =	swait.ge [sflag:s22], $0x2000  }
0x63e: {  	[sflag:s22] =	ssyncset.done $0x0  }
0x63f: {  	[sflag:s22] =	ssyncadd.s32 $0xFFFFE000  }
0x640: {  	[tilespmem:s21], [sflag:$0x1] =	stream.indirect.gather [hbm4b:s8+s25], $0x80, s3, s25, $0xb8;
	[tilespmem:$0x19200] =	vst v63  }
0x641: {  	_ =	swait.ge [sflag:s26], $0x2000  }
0x642: {  	[sflag:s26] =	ssyncset.done $0x0  }
0x643: {  	[sflag:s26] =	ssyncadd.s32 $0xFFFFE000  }
0x644: {  	[spmem:s11] =	stream.indirect.scatter.add.f32 [tilespmem:s21], [sflag:$0x2], $0x80, s4, s25, $0xb8;
	[tilespmem:$0x19200] =	vst v63  }
0x645: {  	_ =	swait.ge [sflag:s22], $0x2000  }
0x646: {  	[sflag:s22] =	ssyncset.done $0x0  }
0x647: {  	[sflag:s22] =	ssyncadd.s32 $0xFFFFE000  }
0x648: {  	[tilespmem:s21], [sflag:$0x1] =	stream.indirect.gather [hbm4b:s8+s25], $0x80, s5, s25, $0xb8;
	[tilespmem:$0x19200] =	vst v63  }
0x649: {  	_ =	swait.ge [sflag:s26], $0x2000  }
0x64a: {  	[sflag:s26] =	ssyncset.done $0x0  }
0x64b: {  	[sflag:s26] =	ssyncadd.s32 $0xFFFFE000  }
0x64c: {  	[spmem:s11] =	stream.indirect.scatter.add.f32 [tilespmem:s21], [sflag:$0x2], $0x80, s6, s25, $0xb8;
	[tilespmem:$0x19200] =	vst v63  }
0x64d: {  	_ =	swait.ge [sflag:s22], $0x2000  }
0x64e: {  	[sflag:s22] =	ssyncset.done $0x0  }
0x64f: {  	[sflag:s22] =	ssyncadd.s32 $0xFFFFE000  }
0x650: {  	[tilespmem:s21], [sflag:$0x1] =	stream.indirect.gather [hbm4b:s8+s25], $0x80, s7, s25, $0xb8;
	[tilespmem:$0x19200] =	vst v63  }
0x651: {  	_ =	swait.ge [sflag:s26], $0x2000  }
0x652: {  	[sflag:s26] =	ssyncset.done $0x0  }
0x653: {  	[sflag:s26] =	ssyncadd.s32 $0xFFFFE000  }
0x654: {  	[spmem:s11] =	stream.indirect.scatter.add.f32 [tilespmem:s21], [sflag:$0x2], $0x80, s9, s25, $0xb8;
	[tilespmem:$0x19200] =	vst v63  }
0x655: {  	_ =	swait.ge [sflag:s22], $0x2000  }
0x656: {  	[sflag:s22] =	ssyncset.done $0x0  }
0x657: {  	[sflag:s22] =	ssyncadd.s32 $0xFFFFE000  }
0x658: {  	[tilespmem:s21], [sflag:$0x1] =	stream.indirect.gather [hbm4b:s8+s25], $0x80, s10, s25, $0xb8;
	[tilespmem:$0x19200] =	vst v63  }
0x659: {  	_ =	swait.ge [sflag:s26], $0x2000  }
0x65a: {  	[sflag:s26] =	ssyncset.done $0x0  }
0x65b: {  	[sflag:s26] =	ssyncadd.s32 $0xFFFFE000  }
0x65c: {  	[spmem:s11] =	stream.indirect.scatter.add.f32 [tilespmem:s21], [sflag:$0x2], $0x80, s12, s25, $0xb8;
	[tilespmem:$0x19200] =	vst v63  }
0x65d: {  	_ =	swait.ge [sflag:s22], $0x2000  }
0x65e: {  	[sflag:s22] =	ssyncset.done $0x0  }
0x65f: {  	[sflag:s22] =	ssyncadd.s32 $0xFFFFE000  }
0x660: {  	v2 =	vld [tilespmem:$0x800];
	_ =	sdelay $0x7  }
0x661: {  	[tilespmem:v2+s13+$0x0] =	vst.idx.add.f32.msk $0xffff, v1  }
0x662: {  	v2 =	vld [tilespmem:$0x810];
	_ =	sdelay $0x7  }
0x663: {  	[tilespmem:v2+s13+$0x0] =	vst.idx.add.f32.msk $0xffff, v1  }
0x664: {  	v2 =	vld [tilespmem:$0x820];
	_ =	sdelay $0x7  }
0x665: {  	[tilespmem:v2+s13+$0x0] =	vst.idx.add.f32.msk $0xffff, v1  }
0x666: {  	v2 =	vld [tilespmem:$0x830];
	_ =	sdelay $0x7  }
0x667: {  	[tilespmem:v2+s13+$0x0] =	vst.idx.add.f32.msk $0xffff, v1  }
0x668: {  	v2 =	vld [tilespmem:$0x840];
	_ =	sdelay $0x7  }
0x669: {  	[tilespmem:v2+s13+$0x0] =	vst.idx.add.f32.msk $0xffff, v1  }
0x66a: {  	v2 =	vld [tilespmem:$0x850];
	_ =	sdelay $0x7  }
0x66b: {  	[tilespmem:v2+s13+$0x0] =	vst.idx.add.f32.msk $0xffff, v1  }
0x66c: {  	v2 =	vld [tilespmem:$0x860];
	_ =	sdelay $0x7  }
0x66d: {  	[tilespmem:v2+s13+$0x0] =	vst.idx.add.f32.msk $0xffff, v1  }
0x66e: {  	v2 =	vld [tilespmem:$0x870];
	_ =	sdelay $0x7  }
0x66f: {  	[tilespmem:v2+s13+$0x0] =	vst.idx.add.f32.msk $0xffff, v1  }
0x670: {  	v2 =	vld [tilespmem:$0x880];
	_ =	sdelay $0x7  }
0x671: {  	[tilespmem:v2+s13+$0x0] =	vst.idx.add.f32.msk $0xffff, v1  }
0x672: {  	v2 =	vld [tilespmem:$0x890];
	_ =	sdelay $0x7  }
0x673: {  	[tilespmem:v2+s13+$0x0] =	vst.idx.add.f32.msk $0xffff, v1  }
0x674: {  	v2 =	vld [tilespmem:$0x8A0];
	_ =	sdelay $0x7  }
0x675: {  	[tilespmem:v2+s13+$0x0] =	vst.idx.add.f32.msk $0xffff, v1  }
0x676: {  	v2 =	vld [tilespmem:$0x8B0];
	_ =	sdelay $0x7  }
0x677: {  	[tilespmem:v2+s13+$0x0] =	vst.idx.add.f32.msk $0xffff, v1  }
0x678: {  	v2 =	vld [tilespmem:$0x8C0];
	_ =	sdelay $0x7  }
0x679: {  	[tilespmem:v2+s13+$0x0] =	vst.idx.add.f32.msk $0xffff, v1  }
0x67a: {  	v2 =	vld [tilespmem:$0x8D0];
	_ =	sdelay $0x7  }
0x67b: {  	[tilespmem:v2+s13+$0x0] =	vst.idx.add.f32.msk $0xffff, v1  }
0x67c: {  	v2 =	vld [tilespmem:$0x8E0];
	_ =	sdelay $0x7  }
0x67d: {  	[tilespmem:v2+s13+$0x0] =	vst.idx.add.f32.msk $0xffff, v1  }
0x67e: {  	v2 =	vld [tilespmem:$0x8F0];
	_ =	sdelay $0x7  }
0x67f: {  	[tilespmem:v2+s13+$0x0] =	vst.idx.add.f32.msk $0xffff, v1  }
0x680: {  	v2 =	vld [tilespmem:$0x900];
	_ =	sdelay $0x7  }
0x681: {  	[tilespmem:v2+s13+$0x0] =	vst.idx.add.f32.msk $0xffff, v1  }
0x682: {  	v2 =	vld [tilespmem:$0x910];
	_ =	sdelay $0x7  }
0x683: {  	[tilespmem:v2+s13+$0x0] =	vst.idx.add.f32.msk $0xffff, v1  }
0x684: {  	v2 =	vld [tilespmem:$0x920];
	_ =	sdelay $0x7  }
0x685: {  	[tilespmem:v2+s13+$0x0] =	vst.idx.add.f32.msk $0xffff, v1  }
0x686: {  	v2 =	vld [tilespmem:$0x930];
	_ =	sdelay $0x7  }
0x687: {  	[tilespmem:v2+s13+$0x0] =	vst.idx.add.f32.msk $0xffff, v1  }
0x688: {  	v2 =	vld [tilespmem:$0x940];
	_ =	sdelay $0x7  }
0x689: {  	[tilespmem:v2+s13+$0x0] =	vst.idx.add.f32.msk $0xffff, v1  }
0x68a: {  	v2 =	vld [tilespmem:$0x950];
	_ =	sdelay $0x7  }
0x68b: {  	[tilespmem:v2+s13+$0x0] =	vst.idx.add.f32.msk $0xffff, v1  }
0x68c: {  	v2 =	vld [tilespmem:$0x960];
	_ =	sdelay $0x7  }
0x68d: {  	[tilespmem:v2+s13+$0x0] =	vst.idx.add.f32.msk $0xffff, v1  }
0x68e: {  	v2 =	vld [tilespmem:$0x970];
	_ =	sdelay $0x7  }
0x68f: {  	[tilespmem:v2+s13+$0x0] =	vst.idx.add.f32.msk $0xffff, v1  }
0x690: {  	v2 =	vld [tilespmem:$0x980];
	_ =	sdelay $0x7  }
0x691: {  	[tilespmem:v2+s13+$0x0] =	vst.idx.add.f32.msk $0xffff, v1  }
0x692: {  	v2 =	vld [tilespmem:$0x990];
	_ =	sdelay $0x7  }
0x693: {  	[tilespmem:v2+s13+$0x0] =	vst.idx.add.f32.msk $0xffff, v1  }
0x694: {  	v2 =	vld [tilespmem:$0x9A0];
	_ =	sdelay $0x7  }
0x695: {  	[tilespmem:v2+s13+$0x0] =	vst.idx.add.f32.msk $0xffff, v1  }
0x696: {  	v2 =	vld [tilespmem:$0x9B0];
	_ =	sdelay $0x7  }
0x697: {  	[tilespmem:v2+s13+$0x0] =	vst.idx.add.f32.msk $0xffff, v1  }
0x698: {  	v2 =	vld [tilespmem:$0x9C0];
	_ =	sdelay $0x7  }
0x699: {  	[tilespmem:v2+s13+$0x0] =	vst.idx.add.f32.msk $0xffff, v1  }
0x69a: {  	v2 =	vld [tilespmem:$0x9D0];
	_ =	sdelay $0x7  }
0x69b: {  	[tilespmem:v2+s13+$0x0] =	vst.idx.add.f32.msk $0xffff, v1  }
0x69c: {  	v2 =	vld [tilespmem:$0x9E0];
	_ =	sdelay $0x7  }
0x69d: {  	[tilespmem:v2+s13+$0x0] =	vst.idx.add.f32.msk $0xffff, v1  }
0x69e: {  	v2 =	vld [tilespmem:$0x9F0];
	_ =	sdelay $0x7  }
0x69f: {  	s17 =	rddreg [dreg:$0x19];
	[tilespmem:v2+s13+$0x0] =	vst.idx.add.f32.msk $0xffff, v1  }
0x6a0: {  	[tilespmem:s1], [sflag:$0x2] =	stream.linear.gather [hbm4b:s17+s1], $0x400, $0x38;
	[tilespmem:$0x19200] =	vst v63  }
0x6a1: {  	_ =	swait.ge [sflag:s22], $0x400  }
0x6a2: {  	[sflag:s22] =	ssyncset.done $0x0  }
0x6a3: {  	s18 =	rddreg [dreg:$0x1a];
	[sflag:s22] =	ssyncadd.s32 $0xFFFFFC00  }
0x6a4: {  	[tilespmem:s23], [sflag:$0x2] =	stream.linear.gather [hbm4b:s18+s1], $0x400, $0x38;
	[tilespmem:$0x19200] =	vst v63  }
0x6a5: {  	_ =	swait.ge [sflag:s22], $0x400  }
0x6a6: {  	s17 =	sld [smem:$0x7EC]  }
0x6a7: {  	[sflag:s22] =	ssyncset.done $0x0  }
0x6a8: {  	[sflag:s22] =	ssyncadd.s32 $0xFFFFFC00  }
0x6a9: {  	[tilespmem:s24], [sflag:$0x2] =	stream.linear.gather [hbm4b:s17+s1], $0x200, $0x38;
	[tilespmem:$0x19200] =	vst v63  }
0x6aa: {  	_ =	swait.ge [sflag:s22], $0x200  }
0x6ab: {  	[sflag:s22] =	ssyncset.done $0x0  }
0x6ac: {  	[sflag:s22] =	ssyncadd.s32 $0xFFFFFE00  }
0x6ad: {  	[tilespmem:s21], [sflag:$0x1] =	stream.indirect.gather [hbm4b:s8+s25], $0x80, s1, s25, $0xb8;
	[tilespmem:$0x19200] =	vst v63  }
0x6ae: {  	_ =	swait.ge [sflag:s26], $0x2000  }
0x6af: {  	[sflag:s26] =	ssyncset.done $0x0  }
0x6b0: {  	[sflag:s26] =	ssyncadd.s32 $0xFFFFE000  }
0x6b1: {  	[spmem:s11] =	stream.indirect.scatter.add.f32 [tilespmem:s21], [sflag:$0x2], $0x80, s23, s25, $0xb8;
	[tilespmem:$0x19200] =	vst v63  }
0x6b2: {  	_ =	swait.ge [sflag:s22], $0x2000  }
0x6b3: {  	[sflag:s22] =	ssyncset.done $0x0  }
0x6b4: {  	[sflag:s22] =	ssyncadd.s32 $0xFFFFE000  }
0x6b5: {  	[tilespmem:s21], [sflag:$0x1] =	stream.indirect.gather [hbm4b:s8+s25], $0x80, s28, s25, $0xb8;
	[tilespmem:$0x19200] =	vst v63  }
0x6b6: {  	_ =	swait.ge [sflag:s26], $0x2000  }
0x6b7: {  	[sflag:s26] =	ssyncset.done $0x0  }
0x6b8: {  	[sflag:s26] =	ssyncadd.s32 $0xFFFFE000  }
0x6b9: {  	[spmem:s11] =	stream.indirect.scatter.add.f32 [tilespmem:s21], [sflag:$0x2], $0x80, s29, s25, $0xb8;
	[tilespmem:$0x19200] =	vst v63  }
0x6ba: {  	_ =	swait.ge [sflag:s22], $0x2000  }
0x6bb: {  	[sflag:s22] =	ssyncset.done $0x0  }
0x6bc: {  	[sflag:s22] =	ssyncadd.s32 $0xFFFFE000  }
0x6bd: {  	[tilespmem:s21], [sflag:$0x1] =	stream.indirect.gather [hbm4b:s8+s25], $0x80, s30, s25, $0xb8;
	[tilespmem:$0x19200] =	vst v63  }
0x6be: {  	_ =	swait.ge [sflag:s26], $0x2000  }
0x6bf: {  	[sflag:s26] =	ssyncset.done $0x0  }
0x6c0: {  	[sflag:s26] =	ssyncadd.s32 $0xFFFFE000  }
0x6c1: {  	[spmem:s11] =	stream.indirect.scatter.add.f32 [tilespmem:s21], [sflag:$0x2], $0x80, s31, s25, $0xb8;
	[tilespmem:$0x19200] =	vst v63  }
0x6c2: {  	_ =	swait.ge [sflag:s22], $0x2000  }
0x6c3: {  	[sflag:s22] =	ssyncset.done $0x0  }
0x6c4: {  	[sflag:s22] =	ssyncadd.s32 $0xFFFFE000  }
0x6c5: {  	[tilespmem:s21], [sflag:$0x1] =	stream.indirect.gather [hbm4b:s8+s25], $0x80, s0, s25, $0xb8;
	[tilespmem:$0x19200] =	vst v63  }
0x6c6: {  	_ =	swait.ge [sflag:s26], $0x2000  }
0x6c7: {  	[sflag:s26] =	ssyncset.done $0x0  }
0x6c8: {  	[sflag:s26] =	ssyncadd.s32 $0xFFFFE000  }
0x6c9: {  	[spmem:s11] =	stream.indirect.scatter.add.f32 [tilespmem:s21], [sflag:$0x2], $0x80, s2, s25, $0xb8;
	[tilespmem:$0x19200] =	vst v63  }
0x6ca: {  	_ =	swait.ge [sflag:s22], $0x2000  }
0x6cb: {  	[sflag:s22] =	ssyncset.done $0x0  }
0x6cc: {  	[sflag:s22] =	ssyncadd.s32 $0xFFFFE000  }
0x6cd: {  	[tilespmem:s21], [sflag:$0x1] =	stream.indirect.gather [hbm4b:s8+s25], $0x80, s3, s25, $0xb8;
	[tilespmem:$0x19200] =	vst v63  }
0x6ce: {  	_ =	swait.ge [sflag:s26], $0x2000  }
0x6cf: {  	[sflag:s26] =	ssyncset.done $0x0  }
0x6d0: {  	[sflag:s26] =	ssyncadd.s32 $0xFFFFE000  }
0x6d1: {  	[spmem:s11] =	stream.indirect.scatter.add.f32 [tilespmem:s21], [sflag:$0x2], $0x80, s4, s25, $0xb8;
	[tilespmem:$0x19200] =	vst v63  }
0x6d2: {  	_ =	swait.ge [sflag:s22], $0x2000  }
0x6d3: {  	[sflag:s22] =	ssyncset.done $0x0  }
0x6d4: {  	[sflag:s22] =	ssyncadd.s32 $0xFFFFE000  }
0x6d5: {  	[tilespmem:s21], [sflag:$0x1] =	stream.indirect.gather [hbm4b:s8+s25], $0x80, s5, s25, $0xb8;
	[tilespmem:$0x19200] =	vst v63  }
0x6d6: {  	_ =	swait.ge [sflag:s26], $0x2000  }
0x6d7: {  	[sflag:s26] =	ssyncset.done $0x0  }
0x6d8: {  	[sflag:s26] =	ssyncadd.s32 $0xFFFFE000  }
0x6d9: {  	[spmem:s11] =	stream.indirect.scatter.add.f32 [tilespmem:s21], [sflag:$0x2], $0x80, s6, s25, $0xb8;
	[tilespmem:$0x19200] =	vst v63  }
0x6da: {  	_ =	swait.ge [sflag:s22], $0x2000  }
0x6db: {  	[sflag:s22] =	ssyncset.done $0x0  }
0x6dc: {  	[sflag:s22] =	ssyncadd.s32 $0xFFFFE000  }
0x6dd: {  	[tilespmem:s21], [sflag:$0x1] =	stream.indirect.gather [hbm4b:s8+s25], $0x80, s7, s25, $0xb8;
	[tilespmem:$0x19200] =	vst v63  }
0x6de: {  	_ =	swait.ge [sflag:s26], $0x2000  }
0x6df: {  	[sflag:s26] =	ssyncset.done $0x0  }
0x6e0: {  	[sflag:s26] =	ssyncadd.s32 $0xFFFFE000  }
0x6e1: {  	[spmem:s11] =	stream.indirect.scatter.add.f32 [tilespmem:s21], [sflag:$0x2], $0x80, s9, s25, $0xb8;
	[tilespmem:$0x19200] =	vst v63  }
0x6e2: {  	_ =	swait.ge [sflag:s22], $0x2000  }
0x6e3: {  	[sflag:s22] =	ssyncset.done $0x0  }
0x6e4: {  	[sflag:s22] =	ssyncadd.s32 $0xFFFFE000  }
0x6e5: {  	[tilespmem:s21], [sflag:$0x1] =	stream.indirect.gather [hbm4b:s8+s25], $0x80, s10, s25, $0xb8;
	[tilespmem:$0x19200] =	vst v63  }
0x6e6: {  	_ =	swait.ge [sflag:s26], $0x2000  }
0x6e7: {  	[sflag:s26] =	ssyncset.done $0x0  }
0x6e8: {  	[sflag:s26] =	ssyncadd.s32 $0xFFFFE000  }
0x6e9: {  	[spmem:s11] =	stream.indirect.scatter.add.f32 [tilespmem:s21], [sflag:$0x2], $0x80, s12, s25, $0xb8;
	[tilespmem:$0x19200] =	vst v63  }
0x6ea: {  	_ =	swait.ge [sflag:s22], $0x2000  }
0x6eb: {  	[sflag:s22] =	ssyncset.done $0x0  }
0x6ec: {  	[sflag:s22] =	ssyncadd.s32 $0xFFFFE000  }
0x6ed: {  	v2 =	vld [tilespmem:$0x800];
	_ =	sdelay $0x7  }
0x6ee: {  	[tilespmem:v2+s13+$0x0] =	vst.idx.add.f32.msk $0xffff, v1  }
0x6ef: {  	v2 =	vld [tilespmem:$0x810];
	_ =	sdelay $0x7  }
0x6f0: {  	[tilespmem:v2+s13+$0x0] =	vst.idx.add.f32.msk $0xffff, v1  }
0x6f1: {  	v2 =	vld [tilespmem:$0x820];
	_ =	sdelay $0x7  }
0x6f2: {  	[tilespmem:v2+s13+$0x0] =	vst.idx.add.f32.msk $0xffff, v1  }
0x6f3: {  	v2 =	vld [tilespmem:$0x830];
	_ =	sdelay $0x7  }
0x6f4: {  	[tilespmem:v2+s13+$0x0] =	vst.idx.add.f32.msk $0xffff, v1  }
0x6f5: {  	v2 =	vld [tilespmem:$0x840];
	_ =	sdelay $0x7  }
0x6f6: {  	[tilespmem:v2+s13+$0x0] =	vst.idx.add.f32.msk $0xffff, v1  }
0x6f7: {  	v2 =	vld [tilespmem:$0x850];
	_ =	sdelay $0x7  }
0x6f8: {  	[tilespmem:v2+s13+$0x0] =	vst.idx.add.f32.msk $0xffff, v1  }
0x6f9: {  	v2 =	vld [tilespmem:$0x860];
	_ =	sdelay $0x7  }
0x6fa: {  	[tilespmem:v2+s13+$0x0] =	vst.idx.add.f32.msk $0xffff, v1  }
0x6fb: {  	v2 =	vld [tilespmem:$0x870];
	_ =	sdelay $0x7  }
0x6fc: {  	[tilespmem:v2+s13+$0x0] =	vst.idx.add.f32.msk $0xffff, v1  }
0x6fd: {  	v2 =	vld [tilespmem:$0x880];
	_ =	sdelay $0x7  }
0x6fe: {  	[tilespmem:v2+s13+$0x0] =	vst.idx.add.f32.msk $0xffff, v1  }
0x6ff: {  	v2 =	vld [tilespmem:$0x890];
	_ =	sdelay $0x7  }
0x700: {  	[tilespmem:v2+s13+$0x0] =	vst.idx.add.f32.msk $0xffff, v1  }
0x701: {  	v2 =	vld [tilespmem:$0x8A0];
	_ =	sdelay $0x7  }
0x702: {  	[tilespmem:v2+s13+$0x0] =	vst.idx.add.f32.msk $0xffff, v1  }
0x703: {  	v2 =	vld [tilespmem:$0x8B0];
	_ =	sdelay $0x7  }
0x704: {  	[tilespmem:v2+s13+$0x0] =	vst.idx.add.f32.msk $0xffff, v1  }
0x705: {  	v2 =	vld [tilespmem:$0x8C0];
	_ =	sdelay $0x7  }
0x706: {  	[tilespmem:v2+s13+$0x0] =	vst.idx.add.f32.msk $0xffff, v1  }
0x707: {  	v2 =	vld [tilespmem:$0x8D0];
	_ =	sdelay $0x7  }
0x708: {  	[tilespmem:v2+s13+$0x0] =	vst.idx.add.f32.msk $0xffff, v1  }
0x709: {  	v2 =	vld [tilespmem:$0x8E0];
	_ =	sdelay $0x7  }
0x70a: {  	[tilespmem:v2+s13+$0x0] =	vst.idx.add.f32.msk $0xffff, v1  }
0x70b: {  	v2 =	vld [tilespmem:$0x8F0];
	_ =	sdelay $0x7  }
0x70c: {  	[tilespmem:v2+s13+$0x0] =	vst.idx.add.f32.msk $0xffff, v1  }
0x70d: {  	v2 =	vld [tilespmem:$0x900];
	_ =	sdelay $0x7  }
0x70e: {  	[tilespmem:v2+s13+$0x0] =	vst.idx.add.f32.msk $0xffff, v1  }
0x70f: {  	v2 =	vld [tilespmem:$0x910];
	_ =	sdelay $0x7  }
0x710: {  	[tilespmem:v2+s13+$0x0] =	vst.idx.add.f32.msk $0xffff, v1  }
0x711: {  	v2 =	vld [tilespmem:$0x920];
	_ =	sdelay $0x7  }
0x712: {  	[tilespmem:v2+s13+$0x0] =	vst.idx.add.f32.msk $0xffff, v1  }
0x713: {  	v2 =	vld [tilespmem:$0x930];
	_ =	sdelay $0x7  }
0x714: {  	[tilespmem:v2+s13+$0x0] =	vst.idx.add.f32.msk $0xffff, v1  }
0x715: {  	v2 =	vld [tilespmem:$0x940];
	_ =	sdelay $0x7  }
0x716: {  	[tilespmem:v2+s13+$0x0] =	vst.idx.add.f32.msk $0xffff, v1  }
0x717: {  	v2 =	vld [tilespmem:$0x950];
	_ =	sdelay $0x7  }
0x718: {  	[tilespmem:v2+s13+$0x0] =	vst.idx.add.f32.msk $0xffff, v1  }
0x719: {  	v2 =	vld [tilespmem:$0x960];
	_ =	sdelay $0x7  }
0x71a: {  	[tilespmem:v2+s13+$0x0] =	vst.idx.add.f32.msk $0xffff, v1  }
0x71b: {  	v2 =	vld [tilespmem:$0x970];
	_ =	sdelay $0x7  }
0x71c: {  	[tilespmem:v2+s13+$0x0] =	vst.idx.add.f32.msk $0xffff, v1  }
0x71d: {  	v2 =	vld [tilespmem:$0x980];
	_ =	sdelay $0x7  }
0x71e: {  	[tilespmem:v2+s13+$0x0] =	vst.idx.add.f32.msk $0xffff, v1  }
0x71f: {  	v2 =	vld [tilespmem:$0x990];
	_ =	sdelay $0x7  }
0x720: {  	[tilespmem:v2+s13+$0x0] =	vst.idx.add.f32.msk $0xffff, v1  }
0x721: {  	v2 =	vld [tilespmem:$0x9A0];
	_ =	sdelay $0x7  }
0x722: {  	[tilespmem:v2+s13+$0x0] =	vst.idx.add.f32.msk $0xffff, v1  }
0x723: {  	v2 =	vld [tilespmem:$0x9B0];
	_ =	sdelay $0x7  }
0x724: {  	[tilespmem:v2+s13+$0x0] =	vst.idx.add.f32.msk $0xffff, v1  }
0x725: {  	v2 =	vld [tilespmem:$0x9C0];
	_ =	sdelay $0x7  }
0x726: {  	[tilespmem:v2+s13+$0x0] =	vst.idx.add.f32.msk $0xffff, v1  }
0x727: {  	v2 =	vld [tilespmem:$0x9D0];
	_ =	sdelay $0x7  }
0x728: {  	[tilespmem:v2+s13+$0x0] =	vst.idx.add.f32.msk $0xffff, v1  }
0x729: {  	v2 =	vld [tilespmem:$0x9E0];
	_ =	sdelay $0x7  }
0x72a: {  	[tilespmem:v2+s13+$0x0] =	vst.idx.add.f32.msk $0xffff, v1  }
0x72b: {  	v2 =	vld [tilespmem:$0x9F0];
	_ =	sdelay $0x7  }
0x72c: {  	[tilespmem:v2+s13+$0x0] =	vst.idx.add.f32.msk $0xffff, v1  }
0x72d: {  	s18 =	rddreg [dreg:$0x1b]  }
0x72e: {  	[tilespmem:s1], [sflag:$0x2] =	stream.linear.gather [hbm4b:s18+s1], $0x400, $0x38;
	[tilespmem:$0x19200] =	vst v63  }
0x72f: {  	_ =	swait.ge [sflag:s22], $0x400  }
0x730: {  	[sflag:s22] =	ssyncset.done $0x0  }
0x731: {  	s17 =	rddreg [dreg:$0x1c];
	[sflag:s22] =	ssyncadd.s32 $0xFFFFFC00  }
0x732: {  	[tilespmem:s23], [sflag:$0x2] =	stream.linear.gather [hbm4b:s17+s1], $0x400, $0x38;
	[tilespmem:$0x19200] =	vst v63  }
0x733: {  	_ =	swait.ge [sflag:s22], $0x400  }
0x734: {  	s18 =	sld [smem:$0x7ED]  }
0x735: {  	[sflag:s22] =	ssyncset.done $0x0  }
0x736: {  	[sflag:s22] =	ssyncadd.s32 $0xFFFFFC00  }
0x737: {  	[tilespmem:s24], [sflag:$0x2] =	stream.linear.gather [hbm4b:s18+s1], $0x200, $0x38;
	[tilespmem:$0x19200] =	vst v63  }
0x738: {  	_ =	swait.ge [sflag:s22], $0x200  }
0x739: {  	[sflag:s22] =	ssyncset.done $0x0  }
0x73a: {  	[sflag:s22] =	ssyncadd.s32 $0xFFFFFE00  }
0x73b: {  	[tilespmem:s21], [sflag:$0x1] =	stream.indirect.gather [hbm4b:s8+s25], $0x80, s1, s25, $0xb8;
	[tilespmem:$0x19200] =	vst v63  }
0x73c: {  	_ =	swait.ge [sflag:s26], $0x2000  }
0x73d: {  	[sflag:s26] =	ssyncset.done $0x0  }
0x73e: {  	[sflag:s26] =	ssyncadd.s32 $0xFFFFE000  }
0x73f: {  	[spmem:s11] =	stream.indirect.scatter.add.f32 [tilespmem:s21], [sflag:$0x2], $0x80, s23, s25, $0xb8;
	[tilespmem:$0x19200] =	vst v63  }
0x740: {  	_ =	swait.ge [sflag:s22], $0x2000  }
0x741: {  	[sflag:s22] =	ssyncset.done $0x0  }
0x742: {  	[sflag:s22] =	ssyncadd.s32 $0xFFFFE000  }
0x743: {  	[tilespmem:s21], [sflag:$0x1] =	stream.indirect.gather [hbm4b:s8+s25], $0x80, s28, s25, $0xb8;
	[tilespmem:$0x19200] =	vst v63  }
0x744: {  	_ =	swait.ge [sflag:s26], $0x2000  }
0x745: {  	[sflag:s26] =	ssyncset.done $0x0  }
0x746: {  	[sflag:s26] =	ssyncadd.s32 $0xFFFFE000  }
0x747: {  	[spmem:s11] =	stream.indirect.scatter.add.f32 [tilespmem:s21], [sflag:$0x2], $0x80, s29, s25, $0xb8;
	[tilespmem:$0x19200] =	vst v63  }
0x748: {  	_ =	swait.ge [sflag:s22], $0x2000  }
0x749: {  	[sflag:s22] =	ssyncset.done $0x0  }
0x74a: {  	[sflag:s22] =	ssyncadd.s32 $0xFFFFE000  }
0x74b: {  	[tilespmem:s21], [sflag:$0x1] =	stream.indirect.gather [hbm4b:s8+s25], $0x80, s30, s25, $0xb8;
	[tilespmem:$0x19200] =	vst v63  }
0x74c: {  	_ =	swait.ge [sflag:s26], $0x2000  }
0x74d: {  	[sflag:s26] =	ssyncset.done $0x0  }
0x74e: {  	[sflag:s26] =	ssyncadd.s32 $0xFFFFE000  }
0x74f: {  	[spmem:s11] =	stream.indirect.scatter.add.f32 [tilespmem:s21], [sflag:$0x2], $0x80, s31, s25, $0xb8;
	[tilespmem:$0x19200] =	vst v63  }
0x750: {  	_ =	swait.ge [sflag:s22], $0x2000  }
0x751: {  	[sflag:s22] =	ssyncset.done $0x0  }
0x752: {  	[sflag:s22] =	ssyncadd.s32 $0xFFFFE000  }
0x753: {  	[tilespmem:s21], [sflag:$0x1] =	stream.indirect.gather [hbm4b:s8+s25], $0x80, s0, s25, $0xb8;
	[tilespmem:$0x19200] =	vst v63  }
0x754: {  	_ =	swait.ge [sflag:s26], $0x2000  }
0x755: {  	[sflag:s26] =	ssyncset.done $0x0  }
0x756: {  	[sflag:s26] =	ssyncadd.s32 $0xFFFFE000  }
0x757: {  	[spmem:s11] =	stream.indirect.scatter.add.f32 [tilespmem:s21], [sflag:$0x2], $0x80, s2, s25, $0xb8;
	[tilespmem:$0x19200] =	vst v63  }
0x758: {  	_ =	swait.ge [sflag:s22], $0x2000  }
0x759: {  	[sflag:s22] =	ssyncset.done $0x0  }
0x75a: {  	[sflag:s22] =	ssyncadd.s32 $0xFFFFE000  }
0x75b: {  	[tilespmem:s21], [sflag:$0x1] =	stream.indirect.gather [hbm4b:s8+s25], $0x80, s3, s25, $0xb8;
	[tilespmem:$0x19200] =	vst v63  }
0x75c: {  	_ =	swait.ge [sflag:s26], $0x2000  }
0x75d: {  	[sflag:s26] =	ssyncset.done $0x0  }
0x75e: {  	[sflag:s26] =	ssyncadd.s32 $0xFFFFE000  }
0x75f: {  	[spmem:s11] =	stream.indirect.scatter.add.f32 [tilespmem:s21], [sflag:$0x2], $0x80, s4, s25, $0xb8;
	[tilespmem:$0x19200] =	vst v63  }
0x760: {  	_ =	swait.ge [sflag:s22], $0x2000  }
0x761: {  	[sflag:s22] =	ssyncset.done $0x0  }
0x762: {  	[sflag:s22] =	ssyncadd.s32 $0xFFFFE000  }
0x763: {  	[tilespmem:s21], [sflag:$0x1] =	stream.indirect.gather [hbm4b:s8+s25], $0x80, s5, s25, $0xb8;
	[tilespmem:$0x19200] =	vst v63  }
0x764: {  	_ =	swait.ge [sflag:s26], $0x2000  }
0x765: {  	[sflag:s26] =	ssyncset.done $0x0  }
0x766: {  	[sflag:s26] =	ssyncadd.s32 $0xFFFFE000  }
0x767: {  	[spmem:s11] =	stream.indirect.scatter.add.f32 [tilespmem:s21], [sflag:$0x2], $0x80, s6, s25, $0xb8;
	[tilespmem:$0x19200] =	vst v63  }
0x768: {  	_ =	swait.ge [sflag:s22], $0x2000  }
0x769: {  	[sflag:s22] =	ssyncset.done $0x0  }
0x76a: {  	[sflag:s22] =	ssyncadd.s32 $0xFFFFE000  }
0x76b: {  	[tilespmem:s21], [sflag:$0x1] =	stream.indirect.gather [hbm4b:s8+s25], $0x80, s7, s25, $0xb8;
	[tilespmem:$0x19200] =	vst v63  }
0x76c: {  	_ =	swait.ge [sflag:s26], $0x2000  }
0x76d: {  	[sflag:s26] =	ssyncset.done $0x0  }
0x76e: {  	[sflag:s26] =	ssyncadd.s32 $0xFFFFE000  }
0x76f: {  	[spmem:s11] =	stream.indirect.scatter.add.f32 [tilespmem:s21], [sflag:$0x2], $0x80, s9, s25, $0xb8;
	[tilespmem:$0x19200] =	vst v63  }
0x770: {  	_ =	swait.ge [sflag:s22], $0x2000  }
0x771: {  	[sflag:s22] =	ssyncset.done $0x0  }
0x772: {  	[sflag:s22] =	ssyncadd.s32 $0xFFFFE000  }
0x773: {  	[tilespmem:s21], [sflag:$0x1] =	stream.indirect.gather [hbm4b:s8+s25], $0x80, s10, s25, $0xb8;
	[tilespmem:$0x19200] =	vst v63  }
0x774: {  	_ =	swait.ge [sflag:s26], $0x2000  }
0x775: {  	[sflag:s26] =	ssyncset.done $0x0  }
0x776: {  	[sflag:s26] =	ssyncadd.s32 $0xFFFFE000  }
0x777: {  	[spmem:s11] =	stream.indirect.scatter.add.f32 [tilespmem:s21], [sflag:$0x2], $0x80, s12, s25, $0xb8;
	[tilespmem:$0x19200] =	vst v63  }
0x778: {  	_ =	swait.ge [sflag:s22], $0x2000  }
0x779: {  	[sflag:s22] =	ssyncset.done $0x0  }
0x77a: {  	[sflag:s22] =	ssyncadd.s32 $0xFFFFE000  }
0x77b: {  	v2 =	vld [tilespmem:$0x800];
	_ =	sdelay $0x7  }
0x77c: {  	[tilespmem:v2+s13+$0x0] =	vst.idx.add.f32.msk $0xffff, v1  }
0x77d: {  	v2 =	vld [tilespmem:$0x810];
	_ =	sdelay $0x7  }
0x77e: {  	[tilespmem:v2+s13+$0x0] =	vst.idx.add.f32.msk $0xffff, v1  }
0x77f: {  	v2 =	vld [tilespmem:$0x820];
	_ =	sdelay $0x7  }
0x780: {  	[tilespmem:v2+s13+$0x0] =	vst.idx.add.f32.msk $0xffff, v1  }
0x781: {  	v2 =	vld [tilespmem:$0x830];
	_ =	sdelay $0x7  }
0x782: {  	[tilespmem:v2+s13+$0x0] =	vst.idx.add.f32.msk $0xffff, v1  }
0x783: {  	v2 =	vld [tilespmem:$0x840];
	_ =	sdelay $0x7  }
0x784: {  	[tilespmem:v2+s13+$0x0] =	vst.idx.add.f32.msk $0xffff, v1  }
0x785: {  	v2 =	vld [tilespmem:$0x850];
	_ =	sdelay $0x7  }
0x786: {  	[tilespmem:v2+s13+$0x0] =	vst.idx.add.f32.msk $0xffff, v1  }
0x787: {  	v2 =	vld [tilespmem:$0x860];
	_ =	sdelay $0x7  }
0x788: {  	[tilespmem:v2+s13+$0x0] =	vst.idx.add.f32.msk $0xffff, v1  }
0x789: {  	v2 =	vld [tilespmem:$0x870];
	_ =	sdelay $0x7  }
0x78a: {  	[tilespmem:v2+s13+$0x0] =	vst.idx.add.f32.msk $0xffff, v1  }
0x78b: {  	v2 =	vld [tilespmem:$0x880];
	_ =	sdelay $0x7  }
0x78c: {  	[tilespmem:v2+s13+$0x0] =	vst.idx.add.f32.msk $0xffff, v1  }
0x78d: {  	v2 =	vld [tilespmem:$0x890];
	_ =	sdelay $0x7  }
0x78e: {  	[tilespmem:v2+s13+$0x0] =	vst.idx.add.f32.msk $0xffff, v1  }
0x78f: {  	v2 =	vld [tilespmem:$0x8A0];
	_ =	sdelay $0x7  }
0x790: {  	[tilespmem:v2+s13+$0x0] =	vst.idx.add.f32.msk $0xffff, v1  }
0x791: {  	v2 =	vld [tilespmem:$0x8B0];
	_ =	sdelay $0x7  }
0x792: {  	[tilespmem:v2+s13+$0x0] =	vst.idx.add.f32.msk $0xffff, v1  }
0x793: {  	v2 =	vld [tilespmem:$0x8C0];
	_ =	sdelay $0x7  }
0x794: {  	[tilespmem:v2+s13+$0x0] =	vst.idx.add.f32.msk $0xffff, v1  }
0x795: {  	v2 =	vld [tilespmem:$0x8D0];
	_ =	sdelay $0x7  }
0x796: {  	[tilespmem:v2+s13+$0x0] =	vst.idx.add.f32.msk $0xffff, v1  }
0x797: {  	v2 =	vld [tilespmem:$0x8E0];
	_ =	sdelay $0x7  }
0x798: {  	[tilespmem:v2+s13+$0x0] =	vst.idx.add.f32.msk $0xffff, v1  }
0x799: {  	v2 =	vld [tilespmem:$0x8F0];
	_ =	sdelay $0x7  }
0x79a: {  	[tilespmem:v2+s13+$0x0] =	vst.idx.add.f32.msk $0xffff, v1  }
0x79b: {  	v2 =	vld [tilespmem:$0x900];
	_ =	sdelay $0x7  }
0x79c: {  	[tilespmem:v2+s13+$0x0] =	vst.idx.add.f32.msk $0xffff, v1  }
0x79d: {  	v2 =	vld [tilespmem:$0x910];
	_ =	sdelay $0x7  }
0x79e: {  	[tilespmem:v2+s13+$0x0] =	vst.idx.add.f32.msk $0xffff, v1  }
0x79f: {  	v2 =	vld [tilespmem:$0x920];
	_ =	sdelay $0x7  }
0x7a0: {  	[tilespmem:v2+s13+$0x0] =	vst.idx.add.f32.msk $0xffff, v1  }
0x7a1: {  	v2 =	vld [tilespmem:$0x930];
	_ =	sdelay $0x7  }
0x7a2: {  	[tilespmem:v2+s13+$0x0] =	vst.idx.add.f32.msk $0xffff, v1  }
0x7a3: {  	v2 =	vld [tilespmem:$0x940];
	_ =	sdelay $0x7  }
0x7a4: {  	[tilespmem:v2+s13+$0x0] =	vst.idx.add.f32.msk $0xffff, v1  }
0x7a5: {  	v2 =	vld [tilespmem:$0x950];
	_ =	sdelay $0x7  }
0x7a6: {  	[tilespmem:v2+s13+$0x0] =	vst.idx.add.f32.msk $0xffff, v1  }
0x7a7: {  	v2 =	vld [tilespmem:$0x960];
	_ =	sdelay $0x7  }
0x7a8: {  	[tilespmem:v2+s13+$0x0] =	vst.idx.add.f32.msk $0xffff, v1  }
0x7a9: {  	v2 =	vld [tilespmem:$0x970];
	_ =	sdelay $0x7  }
0x7aa: {  	[tilespmem:v2+s13+$0x0] =	vst.idx.add.f32.msk $0xffff, v1  }
0x7ab: {  	v2 =	vld [tilespmem:$0x980];
	_ =	sdelay $0x7  }
0x7ac: {  	[tilespmem:v2+s13+$0x0] =	vst.idx.add.f32.msk $0xffff, v1  }
0x7ad: {  	v2 =	vld [tilespmem:$0x990];
	_ =	sdelay $0x7  }
0x7ae: {  	[tilespmem:v2+s13+$0x0] =	vst.idx.add.f32.msk $0xffff, v1  }
0x7af: {  	v2 =	vld [tilespmem:$0x9A0];
	_ =	sdelay $0x7  }
0x7b0: {  	[tilespmem:v2+s13+$0x0] =	vst.idx.add.f32.msk $0xffff, v1  }
0x7b1: {  	v2 =	vld [tilespmem:$0x9B0];
	_ =	sdelay $0x7  }
0x7b2: {  	[tilespmem:v2+s13+$0x0] =	vst.idx.add.f32.msk $0xffff, v1  }
0x7b3: {  	v2 =	vld [tilespmem:$0x9C0];
	_ =	sdelay $0x7  }
0x7b4: {  	[tilespmem:v2+s13+$0x0] =	vst.idx.add.f32.msk $0xffff, v1  }
0x7b5: {  	v2 =	vld [tilespmem:$0x9D0];
	_ =	sdelay $0x7  }
0x7b6: {  	[tilespmem:v2+s13+$0x0] =	vst.idx.add.f32.msk $0xffff, v1  }
0x7b7: {  	v2 =	vld [tilespmem:$0x9E0];
	_ =	sdelay $0x7  }
0x7b8: {  	[tilespmem:v2+s13+$0x0] =	vst.idx.add.f32.msk $0xffff, v1  }
0x7b9: {  	v2 =	vld [tilespmem:$0x9F0];
	_ =	sdelay $0x7  }
0x7ba: {  	s17 =	rddreg [dreg:$0x1d];
	[tilespmem:v2+s13+$0x0] =	vst.idx.add.f32.msk $0xffff, v1  }
0x7bb: {  	[tilespmem:s1], [sflag:$0x2] =	stream.linear.gather [hbm4b:s17+s1], $0x400, $0x38;
	[tilespmem:$0x19200] =	vst v63  }
0x7bc: {  	_ =	swait.ge [sflag:s22], $0x400  }
0x7bd: {  	[sflag:s22] =	ssyncset.done $0x0  }
0x7be: {  	s18 =	rddreg [dreg:$0x1e];
	[sflag:s22] =	ssyncadd.s32 $0xFFFFFC00  }
0x7bf: {  	[tilespmem:s23], [sflag:$0x2] =	stream.linear.gather [hbm4b:s18+s1], $0x400, $0x38;
	[tilespmem:$0x19200] =	vst v63  }
0x7c0: {  	_ =	swait.ge [sflag:s22], $0x400  }
0x7c1: {  	s17 =	sld [smem:$0x7EE]  }
0x7c2: {  	[sflag:s22] =	ssyncset.done $0x0  }
0x7c3: {  	[sflag:s22] =	ssyncadd.s32 $0xFFFFFC00  }
0x7c4: {  	[tilespmem:s24], [sflag:$0x2] =	stream.linear.gather [hbm4b:s17+s1], $0x200, $0x38;
	[tilespmem:$0x19200] =	vst v63  }
0x7c5: {  	_ =	swait.ge [sflag:s22], $0x200  }
0x7c6: {  	[sflag:s22] =	ssyncset.done $0x0  }
0x7c7: {  	[sflag:s22] =	ssyncadd.s32 $0xFFFFFE00  }
0x7c8: {  	[tilespmem:s21], [sflag:$0x1] =	stream.indirect.gather [hbm4b:s8+s25], $0x80, s1, s25, $0xb8;
	[tilespmem:$0x19200] =	vst v63  }
0x7c9: {  	_ =	swait.ge [sflag:s26], $0x2000  }
0x7ca: {  	[sflag:s26] =	ssyncset.done $0x0  }
0x7cb: {  	[sflag:s26] =	ssyncadd.s32 $0xFFFFE000  }
0x7cc: {  	[spmem:s11] =	stream.indirect.scatter.add.f32 [tilespmem:s21], [sflag:$0x2], $0x80, s23, s25, $0xb8;
	[tilespmem:$0x19200] =	vst v63  }
0x7cd: {  	_ =	swait.ge [sflag:s22], $0x2000  }
0x7ce: {  	[sflag:s22] =	ssyncset.done $0x0  }
0x7cf: {  	[sflag:s22] =	ssyncadd.s32 $0xFFFFE000  }
0x7d0: {  	[tilespmem:s21], [sflag:$0x1] =	stream.indirect.gather [hbm4b:s8+s25], $0x80, s28, s25, $0xb8;
	[tilespmem:$0x19200] =	vst v63  }
0x7d1: {  	_ =	swait.ge [sflag:s26], $0x2000  }
0x7d2: {  	[sflag:s26] =	ssyncset.done $0x0  }
0x7d3: {  	[sflag:s26] =	ssyncadd.s32 $0xFFFFE000  }
0x7d4: {  	[spmem:s11] =	stream.indirect.scatter.add.f32 [tilespmem:s21], [sflag:$0x2], $0x80, s29, s25, $0xb8;
	[tilespmem:$0x19200] =	vst v63  }
0x7d5: {  	_ =	swait.ge [sflag:s22], $0x2000  }
0x7d6: {  	[sflag:s22] =	ssyncset.done $0x0  }
0x7d7: {  	[sflag:s22] =	ssyncadd.s32 $0xFFFFE000  }
0x7d8: {  	[tilespmem:s21], [sflag:$0x1] =	stream.indirect.gather [hbm4b:s8+s25], $0x80, s30, s25, $0xb8;
	[tilespmem:$0x19200] =	vst v63  }
0x7d9: {  	_ =	swait.ge [sflag:s26], $0x2000  }
0x7da: {  	[sflag:s26] =	ssyncset.done $0x0  }
0x7db: {  	[sflag:s26] =	ssyncadd.s32 $0xFFFFE000  }
0x7dc: {  	[spmem:s11] =	stream.indirect.scatter.add.f32 [tilespmem:s21], [sflag:$0x2], $0x80, s31, s25, $0xb8;
	[tilespmem:$0x19200] =	vst v63  }
0x7dd: {  	_ =	swait.ge [sflag:s22], $0x2000  }
0x7de: {  	[sflag:s22] =	ssyncset.done $0x0  }
0x7df: {  	[sflag:s22] =	ssyncadd.s32 $0xFFFFE000  }
0x7e0: {  	[tilespmem:s21], [sflag:$0x1] =	stream.indirect.gather [hbm4b:s8+s25], $0x80, s0, s25, $0xb8;
	[tilespmem:$0x19200] =	vst v63  }
0x7e1: {  	_ =	swait.ge [sflag:s26], $0x2000  }
0x7e2: {  	[sflag:s26] =	ssyncset.done $0x0  }
0x7e3: {  	[sflag:s26] =	ssyncadd.s32 $0xFFFFE000  }
0x7e4: {  	[spmem:s11] =	stream.indirect.scatter.add.f32 [tilespmem:s21], [sflag:$0x2], $0x80, s2, s25, $0xb8;
	[tilespmem:$0x19200] =	vst v63  }
0x7e5: {  	_ =	swait.ge [sflag:s22], $0x2000  }
0x7e6: {  	[sflag:s22] =	ssyncset.done $0x0  }
0x7e7: {  	[sflag:s22] =	ssyncadd.s32 $0xFFFFE000  }
0x7e8: {  	[tilespmem:s21], [sflag:$0x1] =	stream.indirect.gather [hbm4b:s8+s25], $0x80, s3, s25, $0xb8;
	[tilespmem:$0x19200] =	vst v63  }
0x7e9: {  	_ =	swait.ge [sflag:s26], $0x2000  }
0x7ea: {  	[sflag:s26] =	ssyncset.done $0x0  }
0x7eb: {  	[sflag:s26] =	ssyncadd.s32 $0xFFFFE000  }
0x7ec: {  	[spmem:s11] =	stream.indirect.scatter.add.f32 [tilespmem:s21], [sflag:$0x2], $0x80, s4, s25, $0xb8;
	[tilespmem:$0x19200] =	vst v63  }
0x7ed: {  	_ =	swait.ge [sflag:s22], $0x2000  }
0x7ee: {  	[sflag:s22] =	ssyncset.done $0x0  }
0x7ef: {  	[sflag:s22] =	ssyncadd.s32 $0xFFFFE000  }
0x7f0: {  	[tilespmem:s21], [sflag:$0x1] =	stream.indirect.gather [hbm4b:s8+s25], $0x80, s5, s25, $0xb8;
	[tilespmem:$0x19200] =	vst v63  }
0x7f1: {  	_ =	swait.ge [sflag:s26], $0x2000  }
0x7f2: {  	[sflag:s26] =	ssyncset.done $0x0  }
0x7f3: {  	[sflag:s26] =	ssyncadd.s32 $0xFFFFE000  }
0x7f4: {  	[spmem:s11] =	stream.indirect.scatter.add.f32 [tilespmem:s21], [sflag:$0x2], $0x80, s6, s25, $0xb8;
	[tilespmem:$0x19200] =	vst v63  }
0x7f5: {  	_ =	swait.ge [sflag:s22], $0x2000  }
0x7f6: {  	[sflag:s22] =	ssyncset.done $0x0  }
0x7f7: {  	[sflag:s22] =	ssyncadd.s32 $0xFFFFE000  }
0x7f8: {  	[tilespmem:s21], [sflag:$0x1] =	stream.indirect.gather [hbm4b:s8+s25], $0x80, s7, s25, $0xb8;
	[tilespmem:$0x19200] =	vst v63  }
0x7f9: {  	_ =	swait.ge [sflag:s26], $0x2000  }
0x7fa: {  	[sflag:s26] =	ssyncset.done $0x0  }
0x7fb: {  	[sflag:s26] =	ssyncadd.s32 $0xFFFFE000  }
0x7fc: {  	[spmem:s11] =	stream.indirect.scatter.add.f32 [tilespmem:s21], [sflag:$0x2], $0x80, s9, s25, $0xb8;
	[tilespmem:$0x19200] =	vst v63  }
0x7fd: {  	_ =	swait.ge [sflag:s22], $0x2000  }
0x7fe: {  	[sflag:s22] =	ssyncset.done $0x0  }
0x7ff: {  	[sflag:s22] =	ssyncadd.s32 $0xFFFFE000  }
0x800: {  	[tilespmem:s21], [sflag:$0x1] =	stream.indirect.gather [hbm4b:s8+s25], $0x80, s10, s25, $0xb8;
	[tilespmem:$0x19200] =	vst v63  }
0x801: {  	_ =	swait.ge [sflag:s26], $0x2000  }
0x802: {  	[sflag:s26] =	ssyncset.done $0x0  }
0x803: {  	[sflag:s26] =	ssyncadd.s32 $0xFFFFE000  }
0x804: {  	[spmem:s11] =	stream.indirect.scatter.add.f32 [tilespmem:s21], [sflag:$0x2], $0x80, s12, s25, $0xb8;
	[tilespmem:$0x19200] =	vst v63  }
0x805: {  	_ =	swait.ge [sflag:s22], $0x2000  }
0x806: {  	[sflag:s22] =	ssyncset.done $0x0  }
0x807: {  	[sflag:s22] =	ssyncadd.s32 $0xFFFFE000  }
0x808: {  	v2 =	vld [tilespmem:$0x800];
	_ =	sdelay $0x7  }
0x809: {  	[tilespmem:v2+s13+$0x0] =	vst.idx.add.f32.msk $0xffff, v1  }
0x80a: {  	v2 =	vld [tilespmem:$0x810];
	_ =	sdelay $0x7  }
0x80b: {  	[tilespmem:v2+s13+$0x0] =	vst.idx.add.f32.msk $0xffff, v1  }
0x80c: {  	v2 =	vld [tilespmem:$0x820];
	_ =	sdelay $0x7  }
0x80d: {  	[tilespmem:v2+s13+$0x0] =	vst.idx.add.f32.msk $0xffff, v1  }
0x80e: {  	v2 =	vld [tilespmem:$0x830];
	_ =	sdelay $0x7  }
0x80f: {  	[tilespmem:v2+s13+$0x0] =	vst.idx.add.f32.msk $0xffff, v1  }
0x810: {  	v2 =	vld [tilespmem:$0x840];
	_ =	sdelay $0x7  }
0x811: {  	[tilespmem:v2+s13+$0x0] =	vst.idx.add.f32.msk $0xffff, v1  }
0x812: {  	v2 =	vld [tilespmem:$0x850];
	_ =	sdelay $0x7  }
0x813: {  	[tilespmem:v2+s13+$0x0] =	vst.idx.add.f32.msk $0xffff, v1  }
0x814: {  	v2 =	vld [tilespmem:$0x860];
	_ =	sdelay $0x7  }
0x815: {  	[tilespmem:v2+s13+$0x0] =	vst.idx.add.f32.msk $0xffff, v1  }
0x816: {  	v2 =	vld [tilespmem:$0x870];
	_ =	sdelay $0x7  }
0x817: {  	[tilespmem:v2+s13+$0x0] =	vst.idx.add.f32.msk $0xffff, v1  }
0x818: {  	v2 =	vld [tilespmem:$0x880];
	_ =	sdelay $0x7  }
0x819: {  	[tilespmem:v2+s13+$0x0] =	vst.idx.add.f32.msk $0xffff, v1  }
0x81a: {  	v2 =	vld [tilespmem:$0x890];
	_ =	sdelay $0x7  }
0x81b: {  	[tilespmem:v2+s13+$0x0] =	vst.idx.add.f32.msk $0xffff, v1  }
0x81c: {  	v2 =	vld [tilespmem:$0x8A0];
	_ =	sdelay $0x7  }
0x81d: {  	[tilespmem:v2+s13+$0x0] =	vst.idx.add.f32.msk $0xffff, v1  }
0x81e: {  	v2 =	vld [tilespmem:$0x8B0];
	_ =	sdelay $0x7  }
0x81f: {  	[tilespmem:v2+s13+$0x0] =	vst.idx.add.f32.msk $0xffff, v1  }
0x820: {  	v2 =	vld [tilespmem:$0x8C0];
	_ =	sdelay $0x7  }
0x821: {  	[tilespmem:v2+s13+$0x0] =	vst.idx.add.f32.msk $0xffff, v1  }
0x822: {  	v2 =	vld [tilespmem:$0x8D0];
	_ =	sdelay $0x7  }
0x823: {  	[tilespmem:v2+s13+$0x0] =	vst.idx.add.f32.msk $0xffff, v1  }
0x824: {  	v2 =	vld [tilespmem:$0x8E0];
	_ =	sdelay $0x7  }
0x825: {  	[tilespmem:v2+s13+$0x0] =	vst.idx.add.f32.msk $0xffff, v1  }
0x826: {  	v2 =	vld [tilespmem:$0x8F0];
	_ =	sdelay $0x7  }
0x827: {  	[tilespmem:v2+s13+$0x0] =	vst.idx.add.f32.msk $0xffff, v1  }
0x828: {  	v2 =	vld [tilespmem:$0x900];
	_ =	sdelay $0x7  }
0x829: {  	[tilespmem:v2+s13+$0x0] =	vst.idx.add.f32.msk $0xffff, v1  }
0x82a: {  	v2 =	vld [tilespmem:$0x910];
	_ =	sdelay $0x7  }
0x82b: {  	[tilespmem:v2+s13+$0x0] =	vst.idx.add.f32.msk $0xffff, v1  }
0x82c: {  	v2 =	vld [tilespmem:$0x920];
	_ =	sdelay $0x7  }
0x82d: {  	[tilespmem:v2+s13+$0x0] =	vst.idx.add.f32.msk $0xffff, v1  }
0x82e: {  	v2 =	vld [tilespmem:$0x930];
	_ =	sdelay $0x7  }
0x82f: {  	[tilespmem:v2+s13+$0x0] =	vst.idx.add.f32.msk $0xffff, v1  }
0x830: {  	v2 =	vld [tilespmem:$0x940];
	_ =	sdelay $0x7  }
0x831: {  	[tilespmem:v2+s13+$0x0] =	vst.idx.add.f32.msk $0xffff, v1  }
0x832: {  	v2 =	vld [tilespmem:$0x950];
	_ =	sdelay $0x7  }
0x833: {  	[tilespmem:v2+s13+$0x0] =	vst.idx.add.f32.msk $0xffff, v1  }
0x834: {  	v2 =	vld [tilespmem:$0x960];
	_ =	sdelay $0x7  }
0x835: {  	[tilespmem:v2+s13+$0x0] =	vst.idx.add.f32.msk $0xffff, v1  }
0x836: {  	v2 =	vld [tilespmem:$0x970];
	_ =	sdelay $0x7  }
0x837: {  	[tilespmem:v2+s13+$0x0] =	vst.idx.add.f32.msk $0xffff, v1  }
0x838: {  	v2 =	vld [tilespmem:$0x980];
	_ =	sdelay $0x7  }
0x839: {  	[tilespmem:v2+s13+$0x0] =	vst.idx.add.f32.msk $0xffff, v1  }
0x83a: {  	v2 =	vld [tilespmem:$0x990];
	_ =	sdelay $0x7  }
0x83b: {  	[tilespmem:v2+s13+$0x0] =	vst.idx.add.f32.msk $0xffff, v1  }
0x83c: {  	v2 =	vld [tilespmem:$0x9A0];
	_ =	sdelay $0x7  }
0x83d: {  	[tilespmem:v2+s13+$0x0] =	vst.idx.add.f32.msk $0xffff, v1  }
0x83e: {  	v2 =	vld [tilespmem:$0x9B0];
	_ =	sdelay $0x7  }
0x83f: {  	[tilespmem:v2+s13+$0x0] =	vst.idx.add.f32.msk $0xffff, v1  }
0x840: {  	v2 =	vld [tilespmem:$0x9C0];
	_ =	sdelay $0x7  }
0x841: {  	[tilespmem:v2+s13+$0x0] =	vst.idx.add.f32.msk $0xffff, v1  }
0x842: {  	v2 =	vld [tilespmem:$0x9D0];
	_ =	sdelay $0x7  }
0x843: {  	[tilespmem:v2+s13+$0x0] =	vst.idx.add.f32.msk $0xffff, v1  }
0x844: {  	v2 =	vld [tilespmem:$0x9E0];
	_ =	sdelay $0x7  }
0x845: {  	[tilespmem:v2+s13+$0x0] =	vst.idx.add.f32.msk $0xffff, v1  }
0x846: {  	v2 =	vld [tilespmem:$0x9F0];
	_ =	sdelay $0x7  }
0x847: {  	s18 =	rddreg [dreg:$0x1f];
	[tilespmem:v2+s13+$0x0] =	vst.idx.add.f32.msk $0xffff, v1  }
0x848: {  	[tilespmem:s1], [sflag:$0x2] =	stream.linear.gather [hbm4b:s18+s1], $0x400, $0x38;
	[tilespmem:$0x19200] =	vst v63  }
0x849: {  	_ =	swait.ge [sflag:s22], $0x400  }
0x84a: {  	s17 =	sld [smem:$0x7D2]  }
0x84b: {  	[sflag:s22] =	ssyncset.done $0x0  }
0x84c: {  	[sflag:s22] =	ssyncadd.s32 $0xFFFFFC00  }
0x84d: {  	[tilespmem:s23], [sflag:$0x2] =	stream.linear.gather [hbm4b:s17+s1], $0x400, $0x38;
	[tilespmem:$0x19200] =	vst v63  }
0x84e: {  	_ =	swait.ge [sflag:s22], $0x400  }
0x84f: {  	s18 =	sld [smem:$0x7EF]  }
0x850: {  	[sflag:s22] =	ssyncset.done $0x0  }
0x851: {  	[sflag:s22] =	ssyncadd.s32 $0xFFFFFC00  }
0x852: {  	[tilespmem:s24], [sflag:$0x2] =	stream.linear.gather [hbm4b:s18+s1], $0x200, $0x38;
	[tilespmem:$0x19200] =	vst v63  }
0x853: {  	_ =	swait.ge [sflag:s22], $0x200  }
0x854: {  	[sflag:s22] =	ssyncset.done $0x0  }
0x855: {  	[sflag:s22] =	ssyncadd.s32 $0xFFFFFE00  }
0x856: {  	[tilespmem:s21], [sflag:$0x1] =	stream.indirect.gather [hbm4b:s8+s25], $0x80, s1, s25, $0xb8;
	[tilespmem:$0x19200] =	vst v63  }
0x857: {  	_ =	swait.ge [sflag:s26], $0x2000  }
0x858: {  	[sflag:s26] =	ssyncset.done $0x0  }
0x859: {  	[sflag:s26] =	ssyncadd.s32 $0xFFFFE000  }
0x85a: {  	[spmem:s11] =	stream.indirect.scatter.add.f32 [tilespmem:s21], [sflag:$0x2], $0x80, s23, s25, $0xb8;
	[tilespmem:$0x19200] =	vst v63  }
0x85b: {  	_ =	swait.ge [sflag:s22], $0x2000  }
0x85c: {  	[sflag:s22] =	ssyncset.done $0x0  }
0x85d: {  	[sflag:s22] =	ssyncadd.s32 $0xFFFFE000  }
0x85e: {  	[tilespmem:s21], [sflag:$0x1] =	stream.indirect.gather [hbm4b:s8+s25], $0x80, s28, s25, $0xb8;
	[tilespmem:$0x19200] =	vst v63  }
0x85f: {  	_ =	swait.ge [sflag:s26], $0x2000  }
0x860: {  	[sflag:s26] =	ssyncset.done $0x0  }
0x861: {  	[sflag:s26] =	ssyncadd.s32 $0xFFFFE000  }
0x862: {  	[spmem:s11] =	stream.indirect.scatter.add.f32 [tilespmem:s21], [sflag:$0x2], $0x80, s29, s25, $0xb8;
	[tilespmem:$0x19200] =	vst v63  }
0x863: {  	_ =	swait.ge [sflag:s22], $0x2000  }
0x864: {  	[sflag:s22] =	ssyncset.done $0x0  }
0x865: {  	[sflag:s22] =	ssyncadd.s32 $0xFFFFE000  }
0x866: {  	[tilespmem:s21], [sflag:$0x1] =	stream.indirect.gather [hbm4b:s8+s25], $0x80, s30, s25, $0xb8;
	[tilespmem:$0x19200] =	vst v63  }
0x867: {  	_ =	swait.ge [sflag:s26], $0x2000  }
0x868: {  	[sflag:s26] =	ssyncset.done $0x0  }
0x869: {  	[sflag:s26] =	ssyncadd.s32 $0xFFFFE000  }
0x86a: {  	[spmem:s11] =	stream.indirect.scatter.add.f32 [tilespmem:s21], [sflag:$0x2], $0x80, s31, s25, $0xb8;
	[tilespmem:$0x19200] =	vst v63  }
0x86b: {  	_ =	swait.ge [sflag:s22], $0x2000  }
0x86c: {  	[sflag:s22] =	ssyncset.done $0x0  }
0x86d: {  	[sflag:s22] =	ssyncadd.s32 $0xFFFFE000  }
0x86e: {  	[tilespmem:s21], [sflag:$0x1] =	stream.indirect.gather [hbm4b:s8+s25], $0x80, s0, s25, $0xb8;
	[tilespmem:$0x19200] =	vst v63  }
0x86f: {  	_ =	swait.ge [sflag:s26], $0x2000  }
0x870: {  	[sflag:s26] =	ssyncset.done $0x0  }
0x871: {  	[sflag:s26] =	ssyncadd.s32 $0xFFFFE000  }
0x872: {  	[spmem:s11] =	stream.indirect.scatter.add.f32 [tilespmem:s21], [sflag:$0x2], $0x80, s2, s25, $0xb8;
	[tilespmem:$0x19200] =	vst v63  }
0x873: {  	_ =	swait.ge [sflag:s22], $0x2000  }
0x874: {  	[sflag:s22] =	ssyncset.done $0x0  }
0x875: {  	[sflag:s22] =	ssyncadd.s32 $0xFFFFE000  }
0x876: {  	[tilespmem:s21], [sflag:$0x1] =	stream.indirect.gather [hbm4b:s8+s25], $0x80, s3, s25, $0xb8;
	[tilespmem:$0x19200] =	vst v63  }
0x877: {  	_ =	swait.ge [sflag:s26], $0x2000  }
0x878: {  	[sflag:s26] =	ssyncset.done $0x0  }
0x879: {  	[sflag:s26] =	ssyncadd.s32 $0xFFFFE000  }
0x87a: {  	[spmem:s11] =	stream.indirect.scatter.add.f32 [tilespmem:s21], [sflag:$0x2], $0x80, s4, s25, $0xb8;
	[tilespmem:$0x19200] =	vst v63  }
0x87b: {  	_ =	swait.ge [sflag:s22], $0x2000  }
0x87c: {  	[sflag:s22] =	ssyncset.done $0x0  }
0x87d: {  	[sflag:s22] =	ssyncadd.s32 $0xFFFFE000  }
0x87e: {  	[tilespmem:s21], [sflag:$0x1] =	stream.indirect.gather [hbm4b:s8+s25], $0x80, s5, s25, $0xb8;
	[tilespmem:$0x19200] =	vst v63  }
0x87f: {  	_ =	swait.ge [sflag:s26], $0x2000  }
0x880: {  	[sflag:s26] =	ssyncset.done $0x0  }
0x881: {  	[sflag:s26] =	ssyncadd.s32 $0xFFFFE000  }
0x882: {  	[spmem:s11] =	stream.indirect.scatter.add.f32 [tilespmem:s21], [sflag:$0x2], $0x80, s6, s25, $0xb8;
	[tilespmem:$0x19200] =	vst v63  }
0x883: {  	_ =	swait.ge [sflag:s22], $0x2000  }
0x884: {  	[sflag:s22] =	ssyncset.done $0x0  }
0x885: {  	[sflag:s22] =	ssyncadd.s32 $0xFFFFE000  }
0x886: {  	[tilespmem:s21], [sflag:$0x1] =	stream.indirect.gather [hbm4b:s8+s25], $0x80, s7, s25, $0xb8;
	[tilespmem:$0x19200] =	vst v63  }
0x887: {  	_ =	swait.ge [sflag:s26], $0x2000  }
0x888: {  	[sflag:s26] =	ssyncset.done $0x0  }
0x889: {  	[sflag:s26] =	ssyncadd.s32 $0xFFFFE000  }
0x88a: {  	[spmem:s11] =	stream.indirect.scatter.add.f32 [tilespmem:s21], [sflag:$0x2], $0x80, s9, s25, $0xb8;
	[tilespmem:$0x19200] =	vst v63  }
0x88b: {  	_ =	swait.ge [sflag:s22], $0x2000  }
0x88c: {  	[sflag:s22] =	ssyncset.done $0x0  }
0x88d: {  	[sflag:s22] =	ssyncadd.s32 $0xFFFFE000  }
0x88e: {  	[tilespmem:s21], [sflag:$0x1] =	stream.indirect.gather [hbm4b:s8+s25], $0x80, s10, s25, $0xb8;
	[tilespmem:$0x19200] =	vst v63  }
0x88f: {  	_ =	swait.ge [sflag:s26], $0x2000  }
0x890: {  	[sflag:s26] =	ssyncset.done $0x0  }
0x891: {  	[sflag:s26] =	ssyncadd.s32 $0xFFFFE000  }
0x892: {  	[spmem:s11] =	stream.indirect.scatter.add.f32 [tilespmem:s21], [sflag:$0x2], $0x80, s12, s25, $0xb8;
	[tilespmem:$0x19200] =	vst v63  }
0x893: {  	_ =	swait.ge [sflag:s22], $0x2000  }
0x894: {  	[sflag:s22] =	ssyncset.done $0x0  }
0x895: {  	[sflag:s22] =	ssyncadd.s32 $0xFFFFE000  }
0x896: {  	v2 =	vld [tilespmem:$0x800];
	_ =	sdelay $0x7  }
0x897: {  	[tilespmem:v2+s13+$0x0] =	vst.idx.add.f32.msk $0xffff, v1  }
0x898: {  	v2 =	vld [tilespmem:$0x810];
	_ =	sdelay $0x7  }
0x899: {  	[tilespmem:v2+s13+$0x0] =	vst.idx.add.f32.msk $0xffff, v1  }
0x89a: {  	v2 =	vld [tilespmem:$0x820];
	_ =	sdelay $0x7  }
0x89b: {  	[tilespmem:v2+s13+$0x0] =	vst.idx.add.f32.msk $0xffff, v1  }
0x89c: {  	v2 =	vld [tilespmem:$0x830];
	_ =	sdelay $0x7  }
0x89d: {  	[tilespmem:v2+s13+$0x0] =	vst.idx.add.f32.msk $0xffff, v1  }
0x89e: {  	v2 =	vld [tilespmem:$0x840];
	_ =	sdelay $0x7  }
0x89f: {  	[tilespmem:v2+s13+$0x0] =	vst.idx.add.f32.msk $0xffff, v1  }
0x8a0: {  	v2 =	vld [tilespmem:$0x850];
	_ =	sdelay $0x7  }
0x8a1: {  	[tilespmem:v2+s13+$0x0] =	vst.idx.add.f32.msk $0xffff, v1  }
0x8a2: {  	v2 =	vld [tilespmem:$0x860];
	_ =	sdelay $0x7  }
0x8a3: {  	[tilespmem:v2+s13+$0x0] =	vst.idx.add.f32.msk $0xffff, v1  }
0x8a4: {  	v2 =	vld [tilespmem:$0x870];
	_ =	sdelay $0x7  }
0x8a5: {  	[tilespmem:v2+s13+$0x0] =	vst.idx.add.f32.msk $0xffff, v1  }
0x8a6: {  	v2 =	vld [tilespmem:$0x880];
	_ =	sdelay $0x7  }
0x8a7: {  	[tilespmem:v2+s13+$0x0] =	vst.idx.add.f32.msk $0xffff, v1  }
0x8a8: {  	v2 =	vld [tilespmem:$0x890];
	_ =	sdelay $0x7  }
0x8a9: {  	[tilespmem:v2+s13+$0x0] =	vst.idx.add.f32.msk $0xffff, v1  }
0x8aa: {  	v2 =	vld [tilespmem:$0x8A0];
	_ =	sdelay $0x7  }
0x8ab: {  	[tilespmem:v2+s13+$0x0] =	vst.idx.add.f32.msk $0xffff, v1  }
0x8ac: {  	v2 =	vld [tilespmem:$0x8B0];
	_ =	sdelay $0x7  }
0x8ad: {  	[tilespmem:v2+s13+$0x0] =	vst.idx.add.f32.msk $0xffff, v1  }
0x8ae: {  	v2 =	vld [tilespmem:$0x8C0];
	_ =	sdelay $0x7  }
0x8af: {  	[tilespmem:v2+s13+$0x0] =	vst.idx.add.f32.msk $0xffff, v1  }
0x8b0: {  	v2 =	vld [tilespmem:$0x8D0];
	_ =	sdelay $0x7  }
0x8b1: {  	[tilespmem:v2+s13+$0x0] =	vst.idx.add.f32.msk $0xffff, v1  }
0x8b2: {  	v2 =	vld [tilespmem:$0x8E0];
	_ =	sdelay $0x7  }
0x8b3: {  	[tilespmem:v2+s13+$0x0] =	vst.idx.add.f32.msk $0xffff, v1  }
0x8b4: {  	v2 =	vld [tilespmem:$0x8F0];
	_ =	sdelay $0x7  }
0x8b5: {  	[tilespmem:v2+s13+$0x0] =	vst.idx.add.f32.msk $0xffff, v1  }
0x8b6: {  	v2 =	vld [tilespmem:$0x900];
	_ =	sdelay $0x7  }
0x8b7: {  	[tilespmem:v2+s13+$0x0] =	vst.idx.add.f32.msk $0xffff, v1  }
0x8b8: {  	v2 =	vld [tilespmem:$0x910];
	_ =	sdelay $0x7  }
0x8b9: {  	[tilespmem:v2+s13+$0x0] =	vst.idx.add.f32.msk $0xffff, v1  }
0x8ba: {  	v2 =	vld [tilespmem:$0x920];
	_ =	sdelay $0x7  }
0x8bb: {  	[tilespmem:v2+s13+$0x0] =	vst.idx.add.f32.msk $0xffff, v1  }
0x8bc: {  	v2 =	vld [tilespmem:$0x930];
	_ =	sdelay $0x7  }
0x8bd: {  	[tilespmem:v2+s13+$0x0] =	vst.idx.add.f32.msk $0xffff, v1  }
0x8be: {  	v2 =	vld [tilespmem:$0x940];
	_ =	sdelay $0x7  }
0x8bf: {  	[tilespmem:v2+s13+$0x0] =	vst.idx.add.f32.msk $0xffff, v1  }
0x8c0: {  	v2 =	vld [tilespmem:$0x950];
	_ =	sdelay $0x7  }
0x8c1: {  	[tilespmem:v2+s13+$0x0] =	vst.idx.add.f32.msk $0xffff, v1  }
0x8c2: {  	v2 =	vld [tilespmem:$0x960];
	_ =	sdelay $0x7  }
0x8c3: {  	[tilespmem:v2+s13+$0x0] =	vst.idx.add.f32.msk $0xffff, v1  }
0x8c4: {  	v2 =	vld [tilespmem:$0x970];
	_ =	sdelay $0x7  }
0x8c5: {  	[tilespmem:v2+s13+$0x0] =	vst.idx.add.f32.msk $0xffff, v1  }
0x8c6: {  	v2 =	vld [tilespmem:$0x980];
	_ =	sdelay $0x7  }
0x8c7: {  	[tilespmem:v2+s13+$0x0] =	vst.idx.add.f32.msk $0xffff, v1  }
0x8c8: {  	v2 =	vld [tilespmem:$0x990];
	_ =	sdelay $0x7  }
0x8c9: {  	[tilespmem:v2+s13+$0x0] =	vst.idx.add.f32.msk $0xffff, v1  }
0x8ca: {  	v2 =	vld [tilespmem:$0x9A0];
	_ =	sdelay $0x7  }
0x8cb: {  	[tilespmem:v2+s13+$0x0] =	vst.idx.add.f32.msk $0xffff, v1  }
0x8cc: {  	v2 =	vld [tilespmem:$0x9B0];
	_ =	sdelay $0x7  }
0x8cd: {  	[tilespmem:v2+s13+$0x0] =	vst.idx.add.f32.msk $0xffff, v1  }
0x8ce: {  	v2 =	vld [tilespmem:$0x9C0];
	_ =	sdelay $0x7  }
0x8cf: {  	[tilespmem:v2+s13+$0x0] =	vst.idx.add.f32.msk $0xffff, v1  }
0x8d0: {  	v2 =	vld [tilespmem:$0x9D0];
	_ =	sdelay $0x7  }
0x8d1: {  	[tilespmem:v2+s13+$0x0] =	vst.idx.add.f32.msk $0xffff, v1  }
0x8d2: {  	v2 =	vld [tilespmem:$0x9E0];
	_ =	sdelay $0x7  }
0x8d3: {  	[tilespmem:v2+s13+$0x0] =	vst.idx.add.f32.msk $0xffff, v1  }
0x8d4: {  	v2 =	vld [tilespmem:$0x9F0];
	_ =	sdelay $0x5  }
0x8d5: {  	s17 =	sld [smem:$0x7D3];
	_ =	sdelay $0x1  }
0x8d6: {  	[tilespmem:v2+s13+$0x0] =	vst.idx.add.f32.msk $0xffff, v1  }
0x8d7: {  	[tilespmem:s1], [sflag:$0x2] =	stream.linear.gather [hbm4b:s17+s1], $0x400, $0x38;
	[tilespmem:$0x19200] =	vst v63  }
0x8d8: {  	_ =	swait.ge [sflag:s22], $0x400  }
0x8d9: {  	s18 =	sld [smem:$0x7D4]  }
0x8da: {  	[sflag:s22] =	ssyncset.done $0x0  }
0x8db: {  	[sflag:s22] =	ssyncadd.s32 $0xFFFFFC00  }
0x8dc: {  	[tilespmem:s23], [sflag:$0x2] =	stream.linear.gather [hbm4b:s18+s1], $0x400, $0x38;
	[tilespmem:$0x19200] =	vst v63  }
0x8dd: {  	_ =	swait.ge [sflag:s22], $0x400  }
0x8de: {  	s17 =	sld [smem:$0x7F0]  }
0x8df: {  	[sflag:s22] =	ssyncset.done $0x0  }
0x8e0: {  	[sflag:s22] =	ssyncadd.s32 $0xFFFFFC00  }
0x8e1: {  	[tilespmem:s24], [sflag:$0x2] =	stream.linear.gather [hbm4b:s17+s1], $0x200, $0x38;
	[tilespmem:$0x19200] =	vst v63  }
0x8e2: {  	_ =	swait.ge [sflag:s22], $0x200  }
0x8e3: {  	[sflag:s22] =	ssyncset.done $0x0  }
0x8e4: {  	[sflag:s22] =	ssyncadd.s32 $0xFFFFFE00  }
0x8e5: {  	[tilespmem:s21], [sflag:$0x1] =	stream.indirect.gather [hbm4b:s8+s25], $0x80, s1, s25, $0xb8;
	[tilespmem:$0x19200] =	vst v63  }
0x8e6: {  	_ =	swait.ge [sflag:s26], $0x2000  }
0x8e7: {  	[sflag:s26] =	ssyncset.done $0x0  }
0x8e8: {  	[sflag:s26] =	ssyncadd.s32 $0xFFFFE000  }
0x8e9: {  	[spmem:s11] =	stream.indirect.scatter.add.f32 [tilespmem:s21], [sflag:$0x2], $0x80, s23, s25, $0xb8;
	[tilespmem:$0x19200] =	vst v63  }
0x8ea: {  	_ =	swait.ge [sflag:s22], $0x2000  }
0x8eb: {  	[sflag:s22] =	ssyncset.done $0x0  }
0x8ec: {  	[sflag:s22] =	ssyncadd.s32 $0xFFFFE000  }
0x8ed: {  	[tilespmem:s21], [sflag:$0x1] =	stream.indirect.gather [hbm4b:s8+s25], $0x80, s28, s25, $0xb8;
	[tilespmem:$0x19200] =	vst v63  }
0x8ee: {  	_ =	swait.ge [sflag:s26], $0x2000  }
0x8ef: {  	[sflag:s26] =	ssyncset.done $0x0  }
0x8f0: {  	[sflag:s26] =	ssyncadd.s32 $0xFFFFE000  }
0x8f1: {  	[spmem:s11] =	stream.indirect.scatter.add.f32 [tilespmem:s21], [sflag:$0x2], $0x80, s29, s25, $0xb8;
	[tilespmem:$0x19200] =	vst v63  }
0x8f2: {  	_ =	swait.ge [sflag:s22], $0x2000  }
0x8f3: {  	[sflag:s22] =	ssyncset.done $0x0  }
0x8f4: {  	[sflag:s22] =	ssyncadd.s32 $0xFFFFE000  }
0x8f5: {  	[tilespmem:s21], [sflag:$0x1] =	stream.indirect.gather [hbm4b:s8+s25], $0x80, s30, s25, $0xb8;
	[tilespmem:$0x19200] =	vst v63  }
0x8f6: {  	_ =	swait.ge [sflag:s26], $0x2000  }
0x8f7: {  	[sflag:s26] =	ssyncset.done $0x0  }
0x8f8: {  	[sflag:s26] =	ssyncadd.s32 $0xFFFFE000  }
0x8f9: {  	[spmem:s11] =	stream.indirect.scatter.add.f32 [tilespmem:s21], [sflag:$0x2], $0x80, s31, s25, $0xb8;
	[tilespmem:$0x19200] =	vst v63  }
0x8fa: {  	_ =	swait.ge [sflag:s22], $0x2000  }
0x8fb: {  	[sflag:s22] =	ssyncset.done $0x0  }
0x8fc: {  	[sflag:s22] =	ssyncadd.s32 $0xFFFFE000  }
0x8fd: {  	[tilespmem:s21], [sflag:$0x1] =	stream.indirect.gather [hbm4b:s8+s25], $0x80, s0, s25, $0xb8;
	[tilespmem:$0x19200] =	vst v63  }
0x8fe: {  	_ =	swait.ge [sflag:s26], $0x2000  }
0x8ff: {  	[sflag:s26] =	ssyncset.done $0x0  }
0x900: {  	[sflag:s26] =	ssyncadd.s32 $0xFFFFE000  }
0x901: {  	[spmem:s11] =	stream.indirect.scatter.add.f32 [tilespmem:s21], [sflag:$0x2], $0x80, s2, s25, $0xb8;
	[tilespmem:$0x19200] =	vst v63  }
0x902: {  	_ =	swait.ge [sflag:s22], $0x2000  }
0x903: {  	[sflag:s22] =	ssyncset.done $0x0  }
0x904: {  	[sflag:s22] =	ssyncadd.s32 $0xFFFFE000  }
0x905: {  	[tilespmem:s21], [sflag:$0x1] =	stream.indirect.gather [hbm4b:s8+s25], $0x80, s3, s25, $0xb8;
	[tilespmem:$0x19200] =	vst v63  }
0x906: {  	_ =	swait.ge [sflag:s26], $0x2000  }
0x907: {  	[sflag:s26] =	ssyncset.done $0x0  }
0x908: {  	[sflag:s26] =	ssyncadd.s32 $0xFFFFE000  }
0x909: {  	[spmem:s11] =	stream.indirect.scatter.add.f32 [tilespmem:s21], [sflag:$0x2], $0x80, s4, s25, $0xb8;
	[tilespmem:$0x19200] =	vst v63  }
0x90a: {  	_ =	swait.ge [sflag:s22], $0x2000  }
0x90b: {  	[sflag:s22] =	ssyncset.done $0x0  }
0x90c: {  	[sflag:s22] =	ssyncadd.s32 $0xFFFFE000  }
0x90d: {  	[tilespmem:s21], [sflag:$0x1] =	stream.indirect.gather [hbm4b:s8+s25], $0x80, s5, s25, $0xb8;
	[tilespmem:$0x19200] =	vst v63  }
0x90e: {  	_ =	swait.ge [sflag:s26], $0x2000  }
0x90f: {  	[sflag:s26] =	ssyncset.done $0x0  }
0x910: {  	[sflag:s26] =	ssyncadd.s32 $0xFFFFE000  }
0x911: {  	[spmem:s11] =	stream.indirect.scatter.add.f32 [tilespmem:s21], [sflag:$0x2], $0x80, s6, s25, $0xb8;
	[tilespmem:$0x19200] =	vst v63  }
0x912: {  	_ =	swait.ge [sflag:s22], $0x2000  }
0x913: {  	[sflag:s22] =	ssyncset.done $0x0  }
0x914: {  	[sflag:s22] =	ssyncadd.s32 $0xFFFFE000  }
0x915: {  	[tilespmem:s21], [sflag:$0x1] =	stream.indirect.gather [hbm4b:s8+s25], $0x80, s7, s25, $0xb8;
	[tilespmem:$0x19200] =	vst v63  }
0x916: {  	_ =	swait.ge [sflag:s26], $0x2000  }
0x917: {  	[sflag:s26] =	ssyncset.done $0x0  }
0x918: {  	[sflag:s26] =	ssyncadd.s32 $0xFFFFE000  }
0x919: {  	[spmem:s11] =	stream.indirect.scatter.add.f32 [tilespmem:s21], [sflag:$0x2], $0x80, s9, s25, $0xb8;
	[tilespmem:$0x19200] =	vst v63  }
0x91a: {  	_ =	swait.ge [sflag:s22], $0x2000  }
0x91b: {  	[sflag:s22] =	ssyncset.done $0x0  }
0x91c: {  	[sflag:s22] =	ssyncadd.s32 $0xFFFFE000  }
0x91d: {  	[tilespmem:s21], [sflag:$0x1] =	stream.indirect.gather [hbm4b:s8+s25], $0x80, s10, s25, $0xb8;
	[tilespmem:$0x19200] =	vst v63  }
0x91e: {  	_ =	swait.ge [sflag:s26], $0x2000  }
0x91f: {  	[sflag:s26] =	ssyncset.done $0x0  }
0x920: {  	[sflag:s26] =	ssyncadd.s32 $0xFFFFE000  }
0x921: {  	[spmem:s11] =	stream.indirect.scatter.add.f32 [tilespmem:s21], [sflag:$0x2], $0x80, s12, s25, $0xb8;
	[tilespmem:$0x19200] =	vst v63  }
0x922: {  	_ =	swait.ge [sflag:s22], $0x2000  }
0x923: {  	[sflag:s22] =	ssyncset.done $0x0  }
0x924: {  	[sflag:s22] =	ssyncadd.s32 $0xFFFFE000  }
0x925: {  	v2 =	vld [tilespmem:$0x800];
	_ =	sdelay $0x7  }
0x926: {  	[tilespmem:v2+s13+$0x0] =	vst.idx.add.f32.msk $0xffff, v1  }
0x927: {  	v2 =	vld [tilespmem:$0x810];
	_ =	sdelay $0x7  }
0x928: {  	[tilespmem:v2+s13+$0x0] =	vst.idx.add.f32.msk $0xffff, v1  }
0x929: {  	v2 =	vld [tilespmem:$0x820];
	_ =	sdelay $0x7  }
0x92a: {  	[tilespmem:v2+s13+$0x0] =	vst.idx.add.f32.msk $0xffff, v1  }
0x92b: {  	v2 =	vld [tilespmem:$0x830];
	_ =	sdelay $0x7  }
0x92c: {  	[tilespmem:v2+s13+$0x0] =	vst.idx.add.f32.msk $0xffff, v1  }
0x92d: {  	v2 =	vld [tilespmem:$0x840];
	_ =	sdelay $0x7  }
0x92e: {  	[tilespmem:v2+s13+$0x0] =	vst.idx.add.f32.msk $0xffff, v1  }
0x92f: {  	v2 =	vld [tilespmem:$0x850];
	_ =	sdelay $0x7  }
0x930: {  	[tilespmem:v2+s13+$0x0] =	vst.idx.add.f32.msk $0xffff, v1  }
0x931: {  	v2 =	vld [tilespmem:$0x860];
	_ =	sdelay $0x7  }
0x932: {  	[tilespmem:v2+s13+$0x0] =	vst.idx.add.f32.msk $0xffff, v1  }
0x933: {  	v2 =	vld [tilespmem:$0x870];
	_ =	sdelay $0x7  }
0x934: {  	[tilespmem:v2+s13+$0x0] =	vst.idx.add.f32.msk $0xffff, v1  }
0x935: {  	v2 =	vld [tilespmem:$0x880];
	_ =	sdelay $0x7  }
0x936: {  	[tilespmem:v2+s13+$0x0] =	vst.idx.add.f32.msk $0xffff, v1  }
0x937: {  	v2 =	vld [tilespmem:$0x890];
	_ =	sdelay $0x7  }
0x938: {  	[tilespmem:v2+s13+$0x0] =	vst.idx.add.f32.msk $0xffff, v1  }
0x939: {  	v2 =	vld [tilespmem:$0x8A0];
	_ =	sdelay $0x7  }
0x93a: {  	[tilespmem:v2+s13+$0x0] =	vst.idx.add.f32.msk $0xffff, v1  }
0x93b: {  	v2 =	vld [tilespmem:$0x8B0];
	_ =	sdelay $0x7  }
0x93c: {  	[tilespmem:v2+s13+$0x0] =	vst.idx.add.f32.msk $0xffff, v1  }
0x93d: {  	v2 =	vld [tilespmem:$0x8C0];
	_ =	sdelay $0x7  }
0x93e: {  	[tilespmem:v2+s13+$0x0] =	vst.idx.add.f32.msk $0xffff, v1  }
0x93f: {  	v2 =	vld [tilespmem:$0x8D0];
	_ =	sdelay $0x7  }
0x940: {  	[tilespmem:v2+s13+$0x0] =	vst.idx.add.f32.msk $0xffff, v1  }
0x941: {  	v2 =	vld [tilespmem:$0x8E0];
	_ =	sdelay $0x7  }
0x942: {  	[tilespmem:v2+s13+$0x0] =	vst.idx.add.f32.msk $0xffff, v1  }
0x943: {  	v2 =	vld [tilespmem:$0x8F0];
	_ =	sdelay $0x7  }
0x944: {  	[tilespmem:v2+s13+$0x0] =	vst.idx.add.f32.msk $0xffff, v1  }
0x945: {  	v2 =	vld [tilespmem:$0x900];
	_ =	sdelay $0x7  }
0x946: {  	[tilespmem:v2+s13+$0x0] =	vst.idx.add.f32.msk $0xffff, v1  }
0x947: {  	v2 =	vld [tilespmem:$0x910];
	_ =	sdelay $0x7  }
0x948: {  	[tilespmem:v2+s13+$0x0] =	vst.idx.add.f32.msk $0xffff, v1  }
0x949: {  	v2 =	vld [tilespmem:$0x920];
	_ =	sdelay $0x7  }
0x94a: {  	[tilespmem:v2+s13+$0x0] =	vst.idx.add.f32.msk $0xffff, v1  }
0x94b: {  	v2 =	vld [tilespmem:$0x930];
	_ =	sdelay $0x7  }
0x94c: {  	[tilespmem:v2+s13+$0x0] =	vst.idx.add.f32.msk $0xffff, v1  }
0x94d: {  	v2 =	vld [tilespmem:$0x940];
	_ =	sdelay $0x7  }
0x94e: {  	[tilespmem:v2+s13+$0x0] =	vst.idx.add.f32.msk $0xffff, v1  }
0x94f: {  	v2 =	vld [tilespmem:$0x950];
	_ =	sdelay $0x7  }
0x950: {  	[tilespmem:v2+s13+$0x0] =	vst.idx.add.f32.msk $0xffff, v1  }
0x951: {  	v2 =	vld [tilespmem:$0x960];
	_ =	sdelay $0x7  }
0x952: {  	[tilespmem:v2+s13+$0x0] =	vst.idx.add.f32.msk $0xffff, v1  }
0x953: {  	v2 =	vld [tilespmem:$0x970];
	_ =	sdelay $0x7  }
0x954: {  	[tilespmem:v2+s13+$0x0] =	vst.idx.add.f32.msk $0xffff, v1  }
0x955: {  	v2 =	vld [tilespmem:$0x980];
	_ =	sdelay $0x7  }
0x956: {  	[tilespmem:v2+s13+$0x0] =	vst.idx.add.f32.msk $0xffff, v1  }
0x957: {  	v2 =	vld [tilespmem:$0x990];
	_ =	sdelay $0x7  }
0x958: {  	[tilespmem:v2+s13+$0x0] =	vst.idx.add.f32.msk $0xffff, v1  }
0x959: {  	v2 =	vld [tilespmem:$0x9A0];
	_ =	sdelay $0x7  }
0x95a: {  	[tilespmem:v2+s13+$0x0] =	vst.idx.add.f32.msk $0xffff, v1  }
0x95b: {  	v2 =	vld [tilespmem:$0x9B0];
	_ =	sdelay $0x7  }
0x95c: {  	[tilespmem:v2+s13+$0x0] =	vst.idx.add.f32.msk $0xffff, v1  }
0x95d: {  	v2 =	vld [tilespmem:$0x9C0];
	_ =	sdelay $0x7  }
0x95e: {  	[tilespmem:v2+s13+$0x0] =	vst.idx.add.f32.msk $0xffff, v1  }
0x95f: {  	v2 =	vld [tilespmem:$0x9D0];
	_ =	sdelay $0x7  }
0x960: {  	[tilespmem:v2+s13+$0x0] =	vst.idx.add.f32.msk $0xffff, v1  }
0x961: {  	v2 =	vld [tilespmem:$0x9E0];
	_ =	sdelay $0x7  }
0x962: {  	[tilespmem:v2+s13+$0x0] =	vst.idx.add.f32.msk $0xffff, v1  }
0x963: {  	v2 =	vld [tilespmem:$0x9F0];
	_ =	sdelay $0x5  }
0x964: {  	s18 =	sld [smem:$0x7D5];
	_ =	sdelay $0x1  }
0x965: {  	[tilespmem:v2+s13+$0x0] =	vst.idx.add.f32.msk $0xffff, v1  }
0x966: {  	[tilespmem:s1], [sflag:$0x2] =	stream.linear.gather [hbm4b:s18+s1], $0x400, $0x38;
	[tilespmem:$0x19200] =	vst v63  }
0x967: {  	_ =	swait.ge [sflag:s22], $0x400  }
0x968: {  	[sflag:s22] =	ssyncset.done $0x0  }
0x969: {  	[sflag:s22] =	ssyncadd.s32 $0xFFFFFC00  }
0x96a: {  	s17 =	sld [smem:$0x7D6];
	_ =	sdelay $0x2  }
0x96b: {  	[tilespmem:s23], [sflag:$0x2] =	stream.linear.gather [hbm4b:s17+s1], $0x400, $0x38;
	[tilespmem:$0x19200] =	vst v63  }
0x96c: {  	_ =	swait.ge [sflag:s22], $0x400  }
0x96d: {  	s18 =	sld [smem:$0x7F1]  }
0x96e: {  	[sflag:s22] =	ssyncset.done $0x0  }
0x96f: {  	[sflag:s22] =	ssyncadd.s32 $0xFFFFFC00  }
0x970: {  	[tilespmem:s24], [sflag:$0x2] =	stream.linear.gather [hbm4b:s18+s1], $0x200, $0x38;
	[tilespmem:$0x19200] =	vst v63  }
0x971: {  	_ =	swait.ge [sflag:s22], $0x200  }
0x972: {  	[sflag:s22] =	ssyncset.done $0x0  }
0x973: {  	[sflag:s22] =	ssyncadd.s32 $0xFFFFFE00  }
0x974: {  	[tilespmem:s21], [sflag:$0x1] =	stream.indirect.gather [hbm4b:s8+s25], $0x80, s1, s25, $0xb8;
	[tilespmem:$0x19200] =	vst v63  }
0x975: {  	_ =	swait.ge [sflag:s26], $0x2000  }
0x976: {  	[sflag:s26] =	ssyncset.done $0x0  }
0x977: {  	[sflag:s26] =	ssyncadd.s32 $0xFFFFE000  }
0x978: {  	[spmem:s11] =	stream.indirect.scatter.add.f32 [tilespmem:s21], [sflag:$0x2], $0x80, s23, s25, $0xb8;
	[tilespmem:$0x19200] =	vst v63  }
0x979: {  	_ =	swait.ge [sflag:s22], $0x2000  }
0x97a: {  	[sflag:s22] =	ssyncset.done $0x0  }
0x97b: {  	[sflag:s22] =	ssyncadd.s32 $0xFFFFE000  }
0x97c: {  	[tilespmem:s21], [sflag:$0x1] =	stream.indirect.gather [hbm4b:s8+s25], $0x80, s28, s25, $0xb8;
	[tilespmem:$0x19200] =	vst v63  }
0x97d: {  	_ =	swait.ge [sflag:s26], $0x2000  }
0x97e: {  	[sflag:s26] =	ssyncset.done $0x0  }
0x97f: {  	[sflag:s26] =	ssyncadd.s32 $0xFFFFE000  }
0x980: {  	[spmem:s11] =	stream.indirect.scatter.add.f32 [tilespmem:s21], [sflag:$0x2], $0x80, s29, s25, $0xb8;
	[tilespmem:$0x19200] =	vst v63  }
0x981: {  	_ =	swait.ge [sflag:s22], $0x2000  }
0x982: {  	[sflag:s22] =	ssyncset.done $0x0  }
0x983: {  	[sflag:s22] =	ssyncadd.s32 $0xFFFFE000  }
0x984: {  	[tilespmem:s21], [sflag:$0x1] =	stream.indirect.gather [hbm4b:s8+s25], $0x80, s30, s25, $0xb8;
	[tilespmem:$0x19200] =	vst v63  }
0x985: {  	_ =	swait.ge [sflag:s26], $0x2000  }
0x986: {  	[sflag:s26] =	ssyncset.done $0x0  }
0x987: {  	[sflag:s26] =	ssyncadd.s32 $0xFFFFE000  }
0x988: {  	[spmem:s11] =	stream.indirect.scatter.add.f32 [tilespmem:s21], [sflag:$0x2], $0x80, s31, s25, $0xb8;
	[tilespmem:$0x19200] =	vst v63  }
0x989: {  	_ =	swait.ge [sflag:s22], $0x2000  }
0x98a: {  	[sflag:s22] =	ssyncset.done $0x0  }
0x98b: {  	[sflag:s22] =	ssyncadd.s32 $0xFFFFE000  }
0x98c: {  	[tilespmem:s21], [sflag:$0x1] =	stream.indirect.gather [hbm4b:s8+s25], $0x80, s0, s25, $0xb8;
	[tilespmem:$0x19200] =	vst v63  }
0x98d: {  	_ =	swait.ge [sflag:s26], $0x2000  }
0x98e: {  	[sflag:s26] =	ssyncset.done $0x0  }
0x98f: {  	[sflag:s26] =	ssyncadd.s32 $0xFFFFE000  }
0x990: {  	[spmem:s11] =	stream.indirect.scatter.add.f32 [tilespmem:s21], [sflag:$0x2], $0x80, s2, s25, $0xb8;
	[tilespmem:$0x19200] =	vst v63  }
0x991: {  	_ =	swait.ge [sflag:s22], $0x2000  }
0x992: {  	[sflag:s22] =	ssyncset.done $0x0  }
0x993: {  	[sflag:s22] =	ssyncadd.s32 $0xFFFFE000  }
0x994: {  	[tilespmem:s21], [sflag:$0x1] =	stream.indirect.gather [hbm4b:s8+s25], $0x80, s3, s25, $0xb8;
	[tilespmem:$0x19200] =	vst v63  }
0x995: {  	_ =	swait.ge [sflag:s26], $0x2000  }
0x996: {  	[sflag:s26] =	ssyncset.done $0x0  }
0x997: {  	[sflag:s26] =	ssyncadd.s32 $0xFFFFE000  }
0x998: {  	[spmem:s11] =	stream.indirect.scatter.add.f32 [tilespmem:s21], [sflag:$0x2], $0x80, s4, s25, $0xb8;
	[tilespmem:$0x19200] =	vst v63  }
0x999: {  	_ =	swait.ge [sflag:s22], $0x2000  }
0x99a: {  	[sflag:s22] =	ssyncset.done $0x0  }
0x99b: {  	[sflag:s22] =	ssyncadd.s32 $0xFFFFE000  }
0x99c: {  	[tilespmem:s21], [sflag:$0x1] =	stream.indirect.gather [hbm4b:s8+s25], $0x80, s5, s25, $0xb8;
	[tilespmem:$0x19200] =	vst v63  }
0x99d: {  	_ =	swait.ge [sflag:s26], $0x2000  }
0x99e: {  	[sflag:s26] =	ssyncset.done $0x0  }
0x99f: {  	[sflag:s26] =	ssyncadd.s32 $0xFFFFE000  }
0x9a0: {  	[spmem:s11] =	stream.indirect.scatter.add.f32 [tilespmem:s21], [sflag:$0x2], $0x80, s6, s25, $0xb8;
	[tilespmem:$0x19200] =	vst v63  }
0x9a1: {  	_ =	swait.ge [sflag:s22], $0x2000  }
0x9a2: {  	[sflag:s22] =	ssyncset.done $0x0  }
0x9a3: {  	[sflag:s22] =	ssyncadd.s32 $0xFFFFE000  }
0x9a4: {  	[tilespmem:s21], [sflag:$0x1] =	stream.indirect.gather [hbm4b:s8+s25], $0x80, s7, s25, $0xb8;
	[tilespmem:$0x19200] =	vst v63  }
0x9a5: {  	_ =	swait.ge [sflag:s26], $0x2000  }
0x9a6: {  	[sflag:s26] =	ssyncset.done $0x0  }
0x9a7: {  	[sflag:s26] =	ssyncadd.s32 $0xFFFFE000  }
0x9a8: {  	[spmem:s11] =	stream.indirect.scatter.add.f32 [tilespmem:s21], [sflag:$0x2], $0x80, s9, s25, $0xb8;
	[tilespmem:$0x19200] =	vst v63  }
0x9a9: {  	_ =	swait.ge [sflag:s22], $0x2000  }
0x9aa: {  	[sflag:s22] =	ssyncset.done $0x0  }
0x9ab: {  	[sflag:s22] =	ssyncadd.s32 $0xFFFFE000  }
0x9ac: {  	[tilespmem:s21], [sflag:$0x1] =	stream.indirect.gather [hbm4b:s8+s25], $0x80, s10, s25, $0xb8;
	[tilespmem:$0x19200] =	vst v63  }
0x9ad: {  	_ =	swait.ge [sflag:s26], $0x2000  }
0x9ae: {  	[sflag:s26] =	ssyncset.done $0x0  }
0x9af: {  	[sflag:s26] =	ssyncadd.s32 $0xFFFFE000  }
0x9b0: {  	[spmem:s11] =	stream.indirect.scatter.add.f32 [tilespmem:s21], [sflag:$0x2], $0x80, s12, s25, $0xb8;
	[tilespmem:$0x19200] =	vst v63  }
0x9b1: {  	_ =	swait.ge [sflag:s22], $0x2000  }
0x9b2: {  	[sflag:s22] =	ssyncset.done $0x0  }
0x9b3: {  	[sflag:s22] =	ssyncadd.s32 $0xFFFFE000  }
0x9b4: {  	v2 =	vld [tilespmem:$0x800];
	_ =	sdelay $0x7  }
0x9b5: {  	[tilespmem:v2+s13+$0x0] =	vst.idx.add.f32.msk $0xffff, v1  }
0x9b6: {  	v2 =	vld [tilespmem:$0x810];
	_ =	sdelay $0x7  }
0x9b7: {  	[tilespmem:v2+s13+$0x0] =	vst.idx.add.f32.msk $0xffff, v1  }
0x9b8: {  	v2 =	vld [tilespmem:$0x820];
	_ =	sdelay $0x7  }
0x9b9: {  	[tilespmem:v2+s13+$0x0] =	vst.idx.add.f32.msk $0xffff, v1  }
0x9ba: {  	v2 =	vld [tilespmem:$0x830];
	_ =	sdelay $0x7  }
0x9bb: {  	[tilespmem:v2+s13+$0x0] =	vst.idx.add.f32.msk $0xffff, v1  }
0x9bc: {  	v2 =	vld [tilespmem:$0x840];
	_ =	sdelay $0x7  }
0x9bd: {  	[tilespmem:v2+s13+$0x0] =	vst.idx.add.f32.msk $0xffff, v1  }
0x9be: {  	v2 =	vld [tilespmem:$0x850];
	_ =	sdelay $0x7  }
0x9bf: {  	[tilespmem:v2+s13+$0x0] =	vst.idx.add.f32.msk $0xffff, v1  }
0x9c0: {  	v2 =	vld [tilespmem:$0x860];
	_ =	sdelay $0x7  }
0x9c1: {  	[tilespmem:v2+s13+$0x0] =	vst.idx.add.f32.msk $0xffff, v1  }
0x9c2: {  	v2 =	vld [tilespmem:$0x870];
	_ =	sdelay $0x7  }
0x9c3: {  	[tilespmem:v2+s13+$0x0] =	vst.idx.add.f32.msk $0xffff, v1  }
0x9c4: {  	v2 =	vld [tilespmem:$0x880];
	_ =	sdelay $0x7  }
0x9c5: {  	[tilespmem:v2+s13+$0x0] =	vst.idx.add.f32.msk $0xffff, v1  }
0x9c6: {  	v2 =	vld [tilespmem:$0x890];
	_ =	sdelay $0x7  }
0x9c7: {  	[tilespmem:v2+s13+$0x0] =	vst.idx.add.f32.msk $0xffff, v1  }
0x9c8: {  	v2 =	vld [tilespmem:$0x8A0];
	_ =	sdelay $0x7  }
0x9c9: {  	[tilespmem:v2+s13+$0x0] =	vst.idx.add.f32.msk $0xffff, v1  }
0x9ca: {  	v2 =	vld [tilespmem:$0x8B0];
	_ =	sdelay $0x7  }
0x9cb: {  	[tilespmem:v2+s13+$0x0] =	vst.idx.add.f32.msk $0xffff, v1  }
0x9cc: {  	v2 =	vld [tilespmem:$0x8C0];
	_ =	sdelay $0x7  }
0x9cd: {  	[tilespmem:v2+s13+$0x0] =	vst.idx.add.f32.msk $0xffff, v1  }
0x9ce: {  	v2 =	vld [tilespmem:$0x8D0];
	_ =	sdelay $0x7  }
0x9cf: {  	[tilespmem:v2+s13+$0x0] =	vst.idx.add.f32.msk $0xffff, v1  }
0x9d0: {  	v2 =	vld [tilespmem:$0x8E0];
	_ =	sdelay $0x7  }
0x9d1: {  	[tilespmem:v2+s13+$0x0] =	vst.idx.add.f32.msk $0xffff, v1  }
0x9d2: {  	v2 =	vld [tilespmem:$0x8F0];
	_ =	sdelay $0x7  }
0x9d3: {  	[tilespmem:v2+s13+$0x0] =	vst.idx.add.f32.msk $0xffff, v1  }
0x9d4: {  	v2 =	vld [tilespmem:$0x900];
	_ =	sdelay $0x7  }
0x9d5: {  	[tilespmem:v2+s13+$0x0] =	vst.idx.add.f32.msk $0xffff, v1  }
0x9d6: {  	v2 =	vld [tilespmem:$0x910];
	_ =	sdelay $0x7  }
0x9d7: {  	[tilespmem:v2+s13+$0x0] =	vst.idx.add.f32.msk $0xffff, v1  }
0x9d8: {  	v2 =	vld [tilespmem:$0x920];
	_ =	sdelay $0x7  }
0x9d9: {  	[tilespmem:v2+s13+$0x0] =	vst.idx.add.f32.msk $0xffff, v1  }
0x9da: {  	v2 =	vld [tilespmem:$0x930];
	_ =	sdelay $0x7  }
0x9db: {  	[tilespmem:v2+s13+$0x0] =	vst.idx.add.f32.msk $0xffff, v1  }
0x9dc: {  	v2 =	vld [tilespmem:$0x940];
	_ =	sdelay $0x7  }
0x9dd: {  	[tilespmem:v2+s13+$0x0] =	vst.idx.add.f32.msk $0xffff, v1  }
0x9de: {  	v2 =	vld [tilespmem:$0x950];
	_ =	sdelay $0x7  }
0x9df: {  	[tilespmem:v2+s13+$0x0] =	vst.idx.add.f32.msk $0xffff, v1  }
0x9e0: {  	v2 =	vld [tilespmem:$0x960];
	_ =	sdelay $0x7  }
0x9e1: {  	[tilespmem:v2+s13+$0x0] =	vst.idx.add.f32.msk $0xffff, v1  }
0x9e2: {  	v2 =	vld [tilespmem:$0x970];
	_ =	sdelay $0x7  }
0x9e3: {  	[tilespmem:v2+s13+$0x0] =	vst.idx.add.f32.msk $0xffff, v1  }
0x9e4: {  	v2 =	vld [tilespmem:$0x980];
	_ =	sdelay $0x7  }
0x9e5: {  	[tilespmem:v2+s13+$0x0] =	vst.idx.add.f32.msk $0xffff, v1  }
0x9e6: {  	v2 =	vld [tilespmem:$0x990];
	_ =	sdelay $0x7  }
0x9e7: {  	[tilespmem:v2+s13+$0x0] =	vst.idx.add.f32.msk $0xffff, v1  }
0x9e8: {  	v2 =	vld [tilespmem:$0x9A0];
	_ =	sdelay $0x7  }
0x9e9: {  	[tilespmem:v2+s13+$0x0] =	vst.idx.add.f32.msk $0xffff, v1  }
0x9ea: {  	v2 =	vld [tilespmem:$0x9B0];
	_ =	sdelay $0x7  }
0x9eb: {  	[tilespmem:v2+s13+$0x0] =	vst.idx.add.f32.msk $0xffff, v1  }
0x9ec: {  	v2 =	vld [tilespmem:$0x9C0];
	_ =	sdelay $0x7  }
0x9ed: {  	[tilespmem:v2+s13+$0x0] =	vst.idx.add.f32.msk $0xffff, v1  }
0x9ee: {  	v2 =	vld [tilespmem:$0x9D0];
	_ =	sdelay $0x7  }
0x9ef: {  	[tilespmem:v2+s13+$0x0] =	vst.idx.add.f32.msk $0xffff, v1  }
0x9f0: {  	v2 =	vld [tilespmem:$0x9E0];
	_ =	sdelay $0x7  }
0x9f1: {  	[tilespmem:v2+s13+$0x0] =	vst.idx.add.f32.msk $0xffff, v1  }
0x9f2: {  	v2 =	vld [tilespmem:$0x9F0];
	_ =	sdelay $0x5  }
0x9f3: {  	s17 =	sld [smem:$0x7D7];
	_ =	sdelay $0x1  }
0x9f4: {  	[tilespmem:v2+s13+$0x0] =	vst.idx.add.f32.msk $0xffff, v1  }
0x9f5: {  	[tilespmem:s1], [sflag:$0x2] =	stream.linear.gather [hbm4b:s17+s1], $0x400, $0x38;
	[tilespmem:$0x19200] =	vst v63  }
0x9f6: {  	_ =	swait.ge [sflag:s22], $0x400  }
0x9f7: {  	s18 =	sld [smem:$0x7D8]  }
0x9f8: {  	[sflag:s22] =	ssyncset.done $0x0  }
0x9f9: {  	[sflag:s22] =	ssyncadd.s32 $0xFFFFFC00  }
0x9fa: {  	[tilespmem:s23], [sflag:$0x2] =	stream.linear.gather [hbm4b:s18+s1], $0x400, $0x38;
	[tilespmem:$0x19200] =	vst v63  }
0x9fb: {  	_ =	swait.ge [sflag:s22], $0x400  }
0x9fc: {  	s17 =	sld [smem:$0x7F2]  }
0x9fd: {  	[sflag:s22] =	ssyncset.done $0x0  }
0x9fe: {  	[sflag:s22] =	ssyncadd.s32 $0xFFFFFC00  }
0x9ff: {  	[tilespmem:s24], [sflag:$0x2] =	stream.linear.gather [hbm4b:s17+s1], $0x200, $0x38;
	[tilespmem:$0x19200] =	vst v63  }
0xa00: {  	_ =	swait.ge [sflag:s22], $0x200  }
0xa01: {  	[sflag:s22] =	ssyncset.done $0x0  }
0xa02: {  	[sflag:s22] =	ssyncadd.s32 $0xFFFFFE00  }
0xa03: {  	[tilespmem:s21], [sflag:$0x1] =	stream.indirect.gather [hbm4b:s8+s25], $0x80, s1, s25, $0xb8;
	[tilespmem:$0x19200] =	vst v63  }
0xa04: {  	_ =	swait.ge [sflag:s26], $0x2000  }
0xa05: {  	[sflag:s26] =	ssyncset.done $0x0  }
0xa06: {  	[sflag:s26] =	ssyncadd.s32 $0xFFFFE000  }
0xa07: {  	[spmem:s11] =	stream.indirect.scatter.add.f32 [tilespmem:s21], [sflag:$0x2], $0x80, s23, s25, $0xb8;
	[tilespmem:$0x19200] =	vst v63  }
0xa08: {  	_ =	swait.ge [sflag:s22], $0x2000  }
0xa09: {  	[sflag:s22] =	ssyncset.done $0x0  }
0xa0a: {  	[sflag:s22] =	ssyncadd.s32 $0xFFFFE000  }
0xa0b: {  	[tilespmem:s21], [sflag:$0x1] =	stream.indirect.gather [hbm4b:s8+s25], $0x80, s28, s25, $0xb8;
	[tilespmem:$0x19200] =	vst v63  }
0xa0c: {  	_ =	swait.ge [sflag:s26], $0x2000  }
0xa0d: {  	[sflag:s26] =	ssyncset.done $0x0  }
0xa0e: {  	[sflag:s26] =	ssyncadd.s32 $0xFFFFE000  }
0xa0f: {  	[spmem:s11] =	stream.indirect.scatter.add.f32 [tilespmem:s21], [sflag:$0x2], $0x80, s29, s25, $0xb8;
	[tilespmem:$0x19200] =	vst v63  }
0xa10: {  	_ =	swait.ge [sflag:s22], $0x2000  }
0xa11: {  	[sflag:s22] =	ssyncset.done $0x0  }
0xa12: {  	[sflag:s22] =	ssyncadd.s32 $0xFFFFE000  }
0xa13: {  	[tilespmem:s21], [sflag:$0x1] =	stream.indirect.gather [hbm4b:s8+s25], $0x80, s30, s25, $0xb8;
	[tilespmem:$0x19200] =	vst v63  }
0xa14: {  	_ =	swait.ge [sflag:s26], $0x2000  }
0xa15: {  	[sflag:s26] =	ssyncset.done $0x0  }
0xa16: {  	[sflag:s26] =	ssyncadd.s32 $0xFFFFE000  }
0xa17: {  	[spmem:s11] =	stream.indirect.scatter.add.f32 [tilespmem:s21], [sflag:$0x2], $0x80, s31, s25, $0xb8;
	[tilespmem:$0x19200] =	vst v63  }
0xa18: {  	_ =	swait.ge [sflag:s22], $0x2000  }
0xa19: {  	[sflag:s22] =	ssyncset.done $0x0  }
0xa1a: {  	[sflag:s22] =	ssyncadd.s32 $0xFFFFE000  }
0xa1b: {  	[tilespmem:s21], [sflag:$0x1] =	stream.indirect.gather [hbm4b:s8+s25], $0x80, s0, s25, $0xb8;
	[tilespmem:$0x19200] =	vst v63  }
0xa1c: {  	_ =	swait.ge [sflag:s26], $0x2000  }
0xa1d: {  	[sflag:s26] =	ssyncset.done $0x0  }
0xa1e: {  	[sflag:s26] =	ssyncadd.s32 $0xFFFFE000  }
0xa1f: {  	[spmem:s11] =	stream.indirect.scatter.add.f32 [tilespmem:s21], [sflag:$0x2], $0x80, s2, s25, $0xb8;
	[tilespmem:$0x19200] =	vst v63  }
0xa20: {  	_ =	swait.ge [sflag:s22], $0x2000  }
0xa21: {  	[sflag:s22] =	ssyncset.done $0x0  }
0xa22: {  	[sflag:s22] =	ssyncadd.s32 $0xFFFFE000  }
0xa23: {  	[tilespmem:s21], [sflag:$0x1] =	stream.indirect.gather [hbm4b:s8+s25], $0x80, s3, s25, $0xb8;
	[tilespmem:$0x19200] =	vst v63  }
0xa24: {  	_ =	swait.ge [sflag:s26], $0x2000  }
0xa25: {  	[sflag:s26] =	ssyncset.done $0x0  }
0xa26: {  	[sflag:s26] =	ssyncadd.s32 $0xFFFFE000  }
0xa27: {  	[spmem:s11] =	stream.indirect.scatter.add.f32 [tilespmem:s21], [sflag:$0x2], $0x80, s4, s25, $0xb8;
	[tilespmem:$0x19200] =	vst v63  }
0xa28: {  	_ =	swait.ge [sflag:s22], $0x2000  }
0xa29: {  	[sflag:s22] =	ssyncset.done $0x0  }
0xa2a: {  	[sflag:s22] =	ssyncadd.s32 $0xFFFFE000  }
0xa2b: {  	[tilespmem:s21], [sflag:$0x1] =	stream.indirect.gather [hbm4b:s8+s25], $0x80, s5, s25, $0xb8;
	[tilespmem:$0x19200] =	vst v63  }
0xa2c: {  	_ =	swait.ge [sflag:s26], $0x2000  }
0xa2d: {  	[sflag:s26] =	ssyncset.done $0x0  }
0xa2e: {  	[sflag:s26] =	ssyncadd.s32 $0xFFFFE000  }
0xa2f: {  	[spmem:s11] =	stream.indirect.scatter.add.f32 [tilespmem:s21], [sflag:$0x2], $0x80, s6, s25, $0xb8;
	[tilespmem:$0x19200] =	vst v63  }
0xa30: {  	_ =	swait.ge [sflag:s22], $0x2000  }
0xa31: {  	[sflag:s22] =	ssyncset.done $0x0  }
0xa32: {  	[sflag:s22] =	ssyncadd.s32 $0xFFFFE000  }
0xa33: {  	[tilespmem:s21], [sflag:$0x1] =	stream.indirect.gather [hbm4b:s8+s25], $0x80, s7, s25, $0xb8;
	[tilespmem:$0x19200] =	vst v63  }
0xa34: {  	_ =	swait.ge [sflag:s26], $0x2000  }
0xa35: {  	[sflag:s26] =	ssyncset.done $0x0  }
0xa36: {  	[sflag:s26] =	ssyncadd.s32 $0xFFFFE000  }
0xa37: {  	[spmem:s11] =	stream.indirect.scatter.add.f32 [tilespmem:s21], [sflag:$0x2], $0x80, s9, s25, $0xb8;
	[tilespmem:$0x19200] =	vst v63  }
0xa38: {  	_ =	swait.ge [sflag:s22], $0x2000  }
0xa39: {  	[sflag:s22] =	ssyncset.done $0x0  }
0xa3a: {  	[sflag:s22] =	ssyncadd.s32 $0xFFFFE000  }
0xa3b: {  	[tilespmem:s21], [sflag:$0x1] =	stream.indirect.gather [hbm4b:s8+s25], $0x80, s10, s25, $0xb8;
	[tilespmem:$0x19200] =	vst v63  }
0xa3c: {  	_ =	swait.ge [sflag:s26], $0x2000  }
0xa3d: {  	[sflag:s26] =	ssyncset.done $0x0  }
0xa3e: {  	[sflag:s26] =	ssyncadd.s32 $0xFFFFE000  }
0xa3f: {  	[spmem:s11] =	stream.indirect.scatter.add.f32 [tilespmem:s21], [sflag:$0x2], $0x80, s12, s25, $0xb8;
	[tilespmem:$0x19200] =	vst v63  }
0xa40: {  	_ =	swait.ge [sflag:s22], $0x2000  }
0xa41: {  	[sflag:s22] =	ssyncset.done $0x0  }
0xa42: {  	[sflag:s22] =	ssyncadd.s32 $0xFFFFE000  }
0xa43: {  	v2 =	vld [tilespmem:$0x800];
	_ =	sdelay $0x7  }
0xa44: {  	[tilespmem:v2+s13+$0x0] =	vst.idx.add.f32.msk $0xffff, v1  }
0xa45: {  	v2 =	vld [tilespmem:$0x810];
	_ =	sdelay $0x7  }
0xa46: {  	[tilespmem:v2+s13+$0x0] =	vst.idx.add.f32.msk $0xffff, v1  }
0xa47: {  	v2 =	vld [tilespmem:$0x820];
	_ =	sdelay $0x7  }
0xa48: {  	[tilespmem:v2+s13+$0x0] =	vst.idx.add.f32.msk $0xffff, v1  }
0xa49: {  	v2 =	vld [tilespmem:$0x830];
	_ =	sdelay $0x7  }
0xa4a: {  	[tilespmem:v2+s13+$0x0] =	vst.idx.add.f32.msk $0xffff, v1  }
0xa4b: {  	v2 =	vld [tilespmem:$0x840];
	_ =	sdelay $0x7  }
0xa4c: {  	[tilespmem:v2+s13+$0x0] =	vst.idx.add.f32.msk $0xffff, v1  }
0xa4d: {  	v2 =	vld [tilespmem:$0x850];
	_ =	sdelay $0x7  }
0xa4e: {  	[tilespmem:v2+s13+$0x0] =	vst.idx.add.f32.msk $0xffff, v1  }
0xa4f: {  	v2 =	vld [tilespmem:$0x860];
	_ =	sdelay $0x7  }
0xa50: {  	[tilespmem:v2+s13+$0x0] =	vst.idx.add.f32.msk $0xffff, v1  }
0xa51: {  	v2 =	vld [tilespmem:$0x870];
	_ =	sdelay $0x7  }
0xa52: {  	[tilespmem:v2+s13+$0x0] =	vst.idx.add.f32.msk $0xffff, v1  }
0xa53: {  	v2 =	vld [tilespmem:$0x880];
	_ =	sdelay $0x7  }
0xa54: {  	[tilespmem:v2+s13+$0x0] =	vst.idx.add.f32.msk $0xffff, v1  }
0xa55: {  	v2 =	vld [tilespmem:$0x890];
	_ =	sdelay $0x7  }
0xa56: {  	[tilespmem:v2+s13+$0x0] =	vst.idx.add.f32.msk $0xffff, v1  }
0xa57: {  	v2 =	vld [tilespmem:$0x8A0];
	_ =	sdelay $0x7  }
0xa58: {  	[tilespmem:v2+s13+$0x0] =	vst.idx.add.f32.msk $0xffff, v1  }
0xa59: {  	v2 =	vld [tilespmem:$0x8B0];
	_ =	sdelay $0x7  }
0xa5a: {  	[tilespmem:v2+s13+$0x0] =	vst.idx.add.f32.msk $0xffff, v1  }
0xa5b: {  	v2 =	vld [tilespmem:$0x8C0];
	_ =	sdelay $0x7  }
0xa5c: {  	[tilespmem:v2+s13+$0x0] =	vst.idx.add.f32.msk $0xffff, v1  }
0xa5d: {  	v2 =	vld [tilespmem:$0x8D0];
	_ =	sdelay $0x7  }
0xa5e: {  	[tilespmem:v2+s13+$0x0] =	vst.idx.add.f32.msk $0xffff, v1  }
0xa5f: {  	v2 =	vld [tilespmem:$0x8E0];
	_ =	sdelay $0x7  }
0xa60: {  	[tilespmem:v2+s13+$0x0] =	vst.idx.add.f32.msk $0xffff, v1  }
0xa61: {  	v2 =	vld [tilespmem:$0x8F0];
	_ =	sdelay $0x7  }
0xa62: {  	[tilespmem:v2+s13+$0x0] =	vst.idx.add.f32.msk $0xffff, v1  }
0xa63: {  	v2 =	vld [tilespmem:$0x900];
	_ =	sdelay $0x7  }
0xa64: {  	[tilespmem:v2+s13+$0x0] =	vst.idx.add.f32.msk $0xffff, v1  }
0xa65: {  	v2 =	vld [tilespmem:$0x910];
	_ =	sdelay $0x7  }
0xa66: {  	[tilespmem:v2+s13+$0x0] =	vst.idx.add.f32.msk $0xffff, v1  }
0xa67: {  	v2 =	vld [tilespmem:$0x920];
	_ =	sdelay $0x7  }
0xa68: {  	[tilespmem:v2+s13+$0x0] =	vst.idx.add.f32.msk $0xffff, v1  }
0xa69: {  	v2 =	vld [tilespmem:$0x930];
	_ =	sdelay $0x7  }
0xa6a: {  	[tilespmem:v2+s13+$0x0] =	vst.idx.add.f32.msk $0xffff, v1  }
0xa6b: {  	v2 =	vld [tilespmem:$0x940];
	_ =	sdelay $0x7  }
0xa6c: {  	[tilespmem:v2+s13+$0x0] =	vst.idx.add.f32.msk $0xffff, v1  }
0xa6d: {  	v2 =	vld [tilespmem:$0x950];
	_ =	sdelay $0x7  }
0xa6e: {  	[tilespmem:v2+s13+$0x0] =	vst.idx.add.f32.msk $0xffff, v1  }
0xa6f: {  	v2 =	vld [tilespmem:$0x960];
	_ =	sdelay $0x7  }
0xa70: {  	[tilespmem:v2+s13+$0x0] =	vst.idx.add.f32.msk $0xffff, v1  }
0xa71: {  	v2 =	vld [tilespmem:$0x970];
	_ =	sdelay $0x7  }
0xa72: {  	[tilespmem:v2+s13+$0x0] =	vst.idx.add.f32.msk $0xffff, v1  }
0xa73: {  	v2 =	vld [tilespmem:$0x980];
	_ =	sdelay $0x7  }
0xa74: {  	[tilespmem:v2+s13+$0x0] =	vst.idx.add.f32.msk $0xffff, v1  }
0xa75: {  	v2 =	vld [tilespmem:$0x990];
	_ =	sdelay $0x7  }
0xa76: {  	[tilespmem:v2+s13+$0x0] =	vst.idx.add.f32.msk $0xffff, v1  }
0xa77: {  	v2 =	vld [tilespmem:$0x9A0];
	_ =	sdelay $0x7  }
0xa78: {  	[tilespmem:v2+s13+$0x0] =	vst.idx.add.f32.msk $0xffff, v1  }
0xa79: {  	v2 =	vld [tilespmem:$0x9B0];
	_ =	sdelay $0x7  }
0xa7a: {  	[tilespmem:v2+s13+$0x0] =	vst.idx.add.f32.msk $0xffff, v1  }
0xa7b: {  	v2 =	vld [tilespmem:$0x9C0];
	_ =	sdelay $0x7  }
0xa7c: {  	[tilespmem:v2+s13+$0x0] =	vst.idx.add.f32.msk $0xffff, v1  }
0xa7d: {  	v2 =	vld [tilespmem:$0x9D0];
	_ =	sdelay $0x7  }
0xa7e: {  	[tilespmem:v2+s13+$0x0] =	vst.idx.add.f32.msk $0xffff, v1  }
0xa7f: {  	v2 =	vld [tilespmem:$0x9E0];
	_ =	sdelay $0x7  }
0xa80: {  	[tilespmem:v2+s13+$0x0] =	vst.idx.add.f32.msk $0xffff, v1  }
0xa81: {  	v2 =	vld [tilespmem:$0x9F0];
	_ =	sdelay $0x5  }
0xa82: {  	s18 =	sld [smem:$0x7D9];
	_ =	sdelay $0x1  }
0xa83: {  	[tilespmem:v2+s13+$0x0] =	vst.idx.add.f32.msk $0xffff, v1  }
0xa84: {  	[tilespmem:s1], [sflag:$0x2] =	stream.linear.gather [hbm4b:s18+s1], $0x400, $0x38;
	[tilespmem:$0x19200] =	vst v63  }
0xa85: {  	_ =	swait.ge [sflag:s22], $0x400  }
0xa86: {  	s17 =	sld [smem:$0x7DA]  }
0xa87: {  	[sflag:s22] =	ssyncset.done $0x0  }
0xa88: {  	[sflag:s22] =	ssyncadd.s32 $0xFFFFFC00  }
0xa89: {  	[tilespmem:s23], [sflag:$0x2] =	stream.linear.gather [hbm4b:s17+s1], $0x400, $0x38;
	[tilespmem:$0x19200] =	vst v63  }
0xa8a: {  	_ =	swait.ge [sflag:s22], $0x400  }
0xa8b: {  	s18 =	sld [smem:$0x7F3]  }
0xa8c: {  	[sflag:s22] =	ssyncset.done $0x0  }
0xa8d: {  	[sflag:s22] =	ssyncadd.s32 $0xFFFFFC00  }
0xa8e: {  	[tilespmem:s24], [sflag:$0x2] =	stream.linear.gather [hbm4b:s18+s1], $0x200, $0x38;
	[tilespmem:$0x19200] =	vst v63  }
0xa8f: {  	_ =	swait.ge [sflag:s22], $0x200  }
0xa90: {  	[sflag:s22] =	ssyncset.done $0x0  }
0xa91: {  	[sflag:s22] =	ssyncadd.s32 $0xFFFFFE00  }
0xa92: {  	[tilespmem:s21], [sflag:$0x1] =	stream.indirect.gather [hbm4b:s8+s25], $0x80, s1, s25, $0xb8;
	[tilespmem:$0x19200] =	vst v63  }
0xa93: {  	_ =	swait.ge [sflag:s26], $0x2000  }
0xa94: {  	[sflag:s26] =	ssyncset.done $0x0  }
0xa95: {  	[sflag:s26] =	ssyncadd.s32 $0xFFFFE000  }
0xa96: {  	[spmem:s11] =	stream.indirect.scatter.add.f32 [tilespmem:s21], [sflag:$0x2], $0x80, s23, s25, $0xb8;
	[tilespmem:$0x19200] =	vst v63  }
0xa97: {  	_ =	swait.ge [sflag:s22], $0x2000  }
0xa98: {  	[sflag:s22] =	ssyncset.done $0x0  }
0xa99: {  	[sflag:s22] =	ssyncadd.s32 $0xFFFFE000  }
0xa9a: {  	[tilespmem:s21], [sflag:$0x1] =	stream.indirect.gather [hbm4b:s8+s25], $0x80, s28, s25, $0xb8;
	[tilespmem:$0x19200] =	vst v63  }
0xa9b: {  	_ =	swait.ge [sflag:s26], $0x2000  }
0xa9c: {  	[sflag:s26] =	ssyncset.done $0x0  }
0xa9d: {  	[sflag:s26] =	ssyncadd.s32 $0xFFFFE000  }
0xa9e: {  	[spmem:s11] =	stream.indirect.scatter.add.f32 [tilespmem:s21], [sflag:$0x2], $0x80, s29, s25, $0xb8;
	[tilespmem:$0x19200] =	vst v63  }
0xa9f: {  	_ =	swait.ge [sflag:s22], $0x2000  }
0xaa0: {  	[sflag:s22] =	ssyncset.done $0x0  }
0xaa1: {  	[sflag:s22] =	ssyncadd.s32 $0xFFFFE000  }
0xaa2: {  	[tilespmem:s21], [sflag:$0x1] =	stream.indirect.gather [hbm4b:s8+s25], $0x80, s30, s25, $0xb8;
	[tilespmem:$0x19200] =	vst v63  }
0xaa3: {  	_ =	swait.ge [sflag:s26], $0x2000  }
0xaa4: {  	[sflag:s26] =	ssyncset.done $0x0  }
0xaa5: {  	[sflag:s26] =	ssyncadd.s32 $0xFFFFE000  }
0xaa6: {  	[spmem:s11] =	stream.indirect.scatter.add.f32 [tilespmem:s21], [sflag:$0x2], $0x80, s31, s25, $0xb8;
	[tilespmem:$0x19200] =	vst v63  }
0xaa7: {  	_ =	swait.ge [sflag:s22], $0x2000  }
0xaa8: {  	[sflag:s22] =	ssyncset.done $0x0  }
0xaa9: {  	[sflag:s22] =	ssyncadd.s32 $0xFFFFE000  }
0xaaa: {  	[tilespmem:s21], [sflag:$0x1] =	stream.indirect.gather [hbm4b:s8+s25], $0x80, s0, s25, $0xb8;
	[tilespmem:$0x19200] =	vst v63  }
0xaab: {  	_ =	swait.ge [sflag:s26], $0x2000  }
0xaac: {  	[sflag:s26] =	ssyncset.done $0x0  }
0xaad: {  	[sflag:s26] =	ssyncadd.s32 $0xFFFFE000  }
0xaae: {  	[spmem:s11] =	stream.indirect.scatter.add.f32 [tilespmem:s21], [sflag:$0x2], $0x80, s2, s25, $0xb8;
	[tilespmem:$0x19200] =	vst v63  }
0xaaf: {  	_ =	swait.ge [sflag:s22], $0x2000  }
0xab0: {  	[sflag:s22] =	ssyncset.done $0x0  }
0xab1: {  	[sflag:s22] =	ssyncadd.s32 $0xFFFFE000  }
0xab2: {  	[tilespmem:s21], [sflag:$0x1] =	stream.indirect.gather [hbm4b:s8+s25], $0x80, s3, s25, $0xb8;
	[tilespmem:$0x19200] =	vst v63  }
0xab3: {  	_ =	swait.ge [sflag:s26], $0x2000  }
0xab4: {  	[sflag:s26] =	ssyncset.done $0x0  }
0xab5: {  	[sflag:s26] =	ssyncadd.s32 $0xFFFFE000  }
0xab6: {  	[spmem:s11] =	stream.indirect.scatter.add.f32 [tilespmem:s21], [sflag:$0x2], $0x80, s4, s25, $0xb8;
	[tilespmem:$0x19200] =	vst v63  }
0xab7: {  	_ =	swait.ge [sflag:s22], $0x2000  }
0xab8: {  	[sflag:s22] =	ssyncset.done $0x0  }
0xab9: {  	[sflag:s22] =	ssyncadd.s32 $0xFFFFE000  }
0xaba: {  	[tilespmem:s21], [sflag:$0x1] =	stream.indirect.gather [hbm4b:s8+s25], $0x80, s5, s25, $0xb8;
	[tilespmem:$0x19200] =	vst v63  }
0xabb: {  	_ =	swait.ge [sflag:s26], $0x2000  }
0xabc: {  	[sflag:s26] =	ssyncset.done $0x0  }
0xabd: {  	[sflag:s26] =	ssyncadd.s32 $0xFFFFE000  }
0xabe: {  	[spmem:s11] =	stream.indirect.scatter.add.f32 [tilespmem:s21], [sflag:$0x2], $0x80, s6, s25, $0xb8;
	[tilespmem:$0x19200] =	vst v63  }
0xabf: {  	_ =	swait.ge [sflag:s22], $0x2000  }
0xac0: {  	[sflag:s22] =	ssyncset.done $0x0  }
0xac1: {  	[sflag:s22] =	ssyncadd.s32 $0xFFFFE000  }
0xac2: {  	[tilespmem:s21], [sflag:$0x1] =	stream.indirect.gather [hbm4b:s8+s25], $0x80, s7, s25, $0xb8;
	[tilespmem:$0x19200] =	vst v63  }
0xac3: {  	_ =	swait.ge [sflag:s26], $0x2000  }
0xac4: {  	[sflag:s26] =	ssyncset.done $0x0  }
0xac5: {  	[sflag:s26] =	ssyncadd.s32 $0xFFFFE000  }
0xac6: {  	[spmem:s11] =	stream.indirect.scatter.add.f32 [tilespmem:s21], [sflag:$0x2], $0x80, s9, s25, $0xb8;
	[tilespmem:$0x19200] =	vst v63  }
0xac7: {  	_ =	swait.ge [sflag:s22], $0x2000  }
0xac8: {  	[sflag:s22] =	ssyncset.done $0x0  }
0xac9: {  	[sflag:s22] =	ssyncadd.s32 $0xFFFFE000  }
0xaca: {  	[tilespmem:s21], [sflag:$0x1] =	stream.indirect.gather [hbm4b:s8+s25], $0x80, s10, s25, $0xb8;
	[tilespmem:$0x19200] =	vst v63  }
0xacb: {  	_ =	swait.ge [sflag:s26], $0x2000  }
0xacc: {  	[sflag:s26] =	ssyncset.done $0x0  }
0xacd: {  	[sflag:s26] =	ssyncadd.s32 $0xFFFFE000  }
0xace: {  	[spmem:s11] =	stream.indirect.scatter.add.f32 [tilespmem:s21], [sflag:$0x2], $0x80, s12, s25, $0xb8;
	[tilespmem:$0x19200] =	vst v63  }
0xacf: {  	_ =	swait.ge [sflag:s22], $0x2000  }
0xad0: {  	[sflag:s22] =	ssyncset.done $0x0  }
0xad1: {  	[sflag:s22] =	ssyncadd.s32 $0xFFFFE000  }
0xad2: {  	v2 =	vld [tilespmem:$0x800];
	_ =	sdelay $0x7  }
0xad3: {  	[tilespmem:v2+s13+$0x0] =	vst.idx.add.f32.msk $0xffff, v1  }
0xad4: {  	v2 =	vld [tilespmem:$0x810];
	_ =	sdelay $0x7  }
0xad5: {  	[tilespmem:v2+s13+$0x0] =	vst.idx.add.f32.msk $0xffff, v1  }
0xad6: {  	v2 =	vld [tilespmem:$0x820];
	_ =	sdelay $0x7  }
0xad7: {  	[tilespmem:v2+s13+$0x0] =	vst.idx.add.f32.msk $0xffff, v1  }
0xad8: {  	v2 =	vld [tilespmem:$0x830];
	_ =	sdelay $0x7  }
0xad9: {  	[tilespmem:v2+s13+$0x0] =	vst.idx.add.f32.msk $0xffff, v1  }
0xada: {  	v2 =	vld [tilespmem:$0x840];
	_ =	sdelay $0x7  }
0xadb: {  	[tilespmem:v2+s13+$0x0] =	vst.idx.add.f32.msk $0xffff, v1  }
0xadc: {  	v2 =	vld [tilespmem:$0x850];
	_ =	sdelay $0x7  }
0xadd: {  	[tilespmem:v2+s13+$0x0] =	vst.idx.add.f32.msk $0xffff, v1  }
0xade: {  	v2 =	vld [tilespmem:$0x860];
	_ =	sdelay $0x7  }
0xadf: {  	[tilespmem:v2+s13+$0x0] =	vst.idx.add.f32.msk $0xffff, v1  }
0xae0: {  	v2 =	vld [tilespmem:$0x870];
	_ =	sdelay $0x7  }
0xae1: {  	[tilespmem:v2+s13+$0x0] =	vst.idx.add.f32.msk $0xffff, v1  }
0xae2: {  	v2 =	vld [tilespmem:$0x880];
	_ =	sdelay $0x7  }
0xae3: {  	[tilespmem:v2+s13+$0x0] =	vst.idx.add.f32.msk $0xffff, v1  }
0xae4: {  	v2 =	vld [tilespmem:$0x890];
	_ =	sdelay $0x7  }
0xae5: {  	[tilespmem:v2+s13+$0x0] =	vst.idx.add.f32.msk $0xffff, v1  }
0xae6: {  	v2 =	vld [tilespmem:$0x8A0];
	_ =	sdelay $0x7  }
0xae7: {  	[tilespmem:v2+s13+$0x0] =	vst.idx.add.f32.msk $0xffff, v1  }
0xae8: {  	v2 =	vld [tilespmem:$0x8B0];
	_ =	sdelay $0x7  }
0xae9: {  	[tilespmem:v2+s13+$0x0] =	vst.idx.add.f32.msk $0xffff, v1  }
0xaea: {  	v2 =	vld [tilespmem:$0x8C0];
	_ =	sdelay $0x7  }
0xaeb: {  	[tilespmem:v2+s13+$0x0] =	vst.idx.add.f32.msk $0xffff, v1  }
0xaec: {  	v2 =	vld [tilespmem:$0x8D0];
	_ =	sdelay $0x7  }
0xaed: {  	[tilespmem:v2+s13+$0x0] =	vst.idx.add.f32.msk $0xffff, v1  }
0xaee: {  	v2 =	vld [tilespmem:$0x8E0];
	_ =	sdelay $0x7  }
0xaef: {  	[tilespmem:v2+s13+$0x0] =	vst.idx.add.f32.msk $0xffff, v1  }
0xaf0: {  	v2 =	vld [tilespmem:$0x8F0];
	_ =	sdelay $0x7  }
0xaf1: {  	[tilespmem:v2+s13+$0x0] =	vst.idx.add.f32.msk $0xffff, v1  }
0xaf2: {  	v2 =	vld [tilespmem:$0x900];
	_ =	sdelay $0x7  }
0xaf3: {  	[tilespmem:v2+s13+$0x0] =	vst.idx.add.f32.msk $0xffff, v1  }
0xaf4: {  	v2 =	vld [tilespmem:$0x910];
	_ =	sdelay $0x7  }
0xaf5: {  	[tilespmem:v2+s13+$0x0] =	vst.idx.add.f32.msk $0xffff, v1  }
0xaf6: {  	v2 =	vld [tilespmem:$0x920];
	_ =	sdelay $0x7  }
0xaf7: {  	[tilespmem:v2+s13+$0x0] =	vst.idx.add.f32.msk $0xffff, v1  }
0xaf8: {  	v2 =	vld [tilespmem:$0x930];
	_ =	sdelay $0x7  }
0xaf9: {  	[tilespmem:v2+s13+$0x0] =	vst.idx.add.f32.msk $0xffff, v1  }
0xafa: {  	v2 =	vld [tilespmem:$0x940];
	_ =	sdelay $0x7  }
0xafb: {  	[tilespmem:v2+s13+$0x0] =	vst.idx.add.f32.msk $0xffff, v1  }
0xafc: {  	v2 =	vld [tilespmem:$0x950];
	_ =	sdelay $0x7  }
0xafd: {  	[tilespmem:v2+s13+$0x0] =	vst.idx.add.f32.msk $0xffff, v1  }
0xafe: {  	v2 =	vld [tilespmem:$0x960];
	_ =	sdelay $0x7  }
0xaff: {  	[tilespmem:v2+s13+$0x0] =	vst.idx.add.f32.msk $0xffff, v1  }
0xb00: {  	v2 =	vld [tilespmem:$0x970];
	_ =	sdelay $0x7  }
0xb01: {  	[tilespmem:v2+s13+$0x0] =	vst.idx.add.f32.msk $0xffff, v1  }
0xb02: {  	v2 =	vld [tilespmem:$0x980];
	_ =	sdelay $0x7  }
0xb03: {  	[tilespmem:v2+s13+$0x0] =	vst.idx.add.f32.msk $0xffff, v1  }
0xb04: {  	v2 =	vld [tilespmem:$0x990];
	_ =	sdelay $0x7  }
0xb05: {  	[tilespmem:v2+s13+$0x0] =	vst.idx.add.f32.msk $0xffff, v1  }
0xb06: {  	v2 =	vld [tilespmem:$0x9A0];
	_ =	sdelay $0x7  }
0xb07: {  	[tilespmem:v2+s13+$0x0] =	vst.idx.add.f32.msk $0xffff, v1  }
0xb08: {  	v2 =	vld [tilespmem:$0x9B0];
	_ =	sdelay $0x7  }
0xb09: {  	[tilespmem:v2+s13+$0x0] =	vst.idx.add.f32.msk $0xffff, v1  }
0xb0a: {  	v2 =	vld [tilespmem:$0x9C0];
	_ =	sdelay $0x7  }
0xb0b: {  	[tilespmem:v2+s13+$0x0] =	vst.idx.add.f32.msk $0xffff, v1  }
0xb0c: {  	v2 =	vld [tilespmem:$0x9D0];
	_ =	sdelay $0x7  }
0xb0d: {  	[tilespmem:v2+s13+$0x0] =	vst.idx.add.f32.msk $0xffff, v1  }
0xb0e: {  	v2 =	vld [tilespmem:$0x9E0];
	_ =	sdelay $0x7  }
0xb0f: {  	[tilespmem:v2+s13+$0x0] =	vst.idx.add.f32.msk $0xffff, v1  }
0xb10: {  	v2 =	vld [tilespmem:$0x9F0];
	_ =	sdelay $0x5  }
0xb11: {  	s17 =	sld [smem:$0x7DD];
	_ =	sdelay $0x1  }
0xb12: {  	[tilespmem:v2+s13+$0x0] =	vst.idx.add.f32.msk $0xffff, v1  }
0xb13: {  	[tilespmem:s1], [sflag:$0x2] =	stream.linear.gather [hbm4b:s17+s1], $0x400, $0x38;
	[tilespmem:$0x19200] =	vst v63  }
0xb14: {  	_ =	swait.ge [sflag:s22], $0x400  }
0xb15: {  	s18 =	sld [smem:$0x7DE]  }
0xb16: {  	[sflag:s22] =	ssyncset.done $0x0  }
0xb17: {  	[sflag:s22] =	ssyncadd.s32 $0xFFFFFC00  }
0xb18: {  	[tilespmem:s23], [sflag:$0x2] =	stream.linear.gather [hbm4b:s18+s1], $0x400, $0x38;
	[tilespmem:$0x19200] =	vst v63  }
0xb19: {  	_ =	swait.ge [sflag:s22], $0x400  }
0xb1a: {  	s17 =	sld [smem:$0x7F4]  }
0xb1b: {  	[sflag:s22] =	ssyncset.done $0x0  }
0xb1c: {  	[sflag:s22] =	ssyncadd.s32 $0xFFFFFC00  }
0xb1d: {  	[tilespmem:s24], [sflag:$0x2] =	stream.linear.gather [hbm4b:s17+s1], $0x200, $0x38;
	[tilespmem:$0x19200] =	vst v63  }
0xb1e: {  	_ =	swait.ge [sflag:s22], $0x200  }
0xb1f: {  	[sflag:s22] =	ssyncset.done $0x0  }
0xb20: {  	[sflag:s22] =	ssyncadd.s32 $0xFFFFFE00  }
0xb21: {  	[tilespmem:s21], [sflag:$0x1] =	stream.indirect.gather [hbm4b:s8+s25], $0x80, s1, s25, $0xb8;
	[tilespmem:$0x19200] =	vst v63  }
0xb22: {  	_ =	swait.ge [sflag:s26], $0x2000  }
0xb23: {  	[sflag:s26] =	ssyncset.done $0x0  }
0xb24: {  	[sflag:s26] =	ssyncadd.s32 $0xFFFFE000  }
0xb25: {  	[spmem:s11] =	stream.indirect.scatter.add.f32 [tilespmem:s21], [sflag:$0x2], $0x80, s23, s25, $0xb8;
	[tilespmem:$0x19200] =	vst v63  }
0xb26: {  	_ =	swait.ge [sflag:s22], $0x2000  }
0xb27: {  	[sflag:s22] =	ssyncset.done $0x0  }
0xb28: {  	[sflag:s22] =	ssyncadd.s32 $0xFFFFE000  }
0xb29: {  	[tilespmem:s21], [sflag:$0x1] =	stream.indirect.gather [hbm4b:s8+s25], $0x80, s28, s25, $0xb8;
	[tilespmem:$0x19200] =	vst v63  }
0xb2a: {  	_ =	swait.ge [sflag:s26], $0x2000  }
0xb2b: {  	[sflag:s26] =	ssyncset.done $0x0  }
0xb2c: {  	[sflag:s26] =	ssyncadd.s32 $0xFFFFE000  }
0xb2d: {  	[spmem:s11] =	stream.indirect.scatter.add.f32 [tilespmem:s21], [sflag:$0x2], $0x80, s29, s25, $0xb8;
	[tilespmem:$0x19200] =	vst v63  }
0xb2e: {  	_ =	swait.ge [sflag:s22], $0x2000  }
0xb2f: {  	[sflag:s22] =	ssyncset.done $0x0  }
0xb30: {  	[sflag:s22] =	ssyncadd.s32 $0xFFFFE000  }
0xb31: {  	[tilespmem:s21], [sflag:$0x1] =	stream.indirect.gather [hbm4b:s8+s25], $0x80, s30, s25, $0xb8;
	[tilespmem:$0x19200] =	vst v63  }
0xb32: {  	_ =	swait.ge [sflag:s26], $0x2000  }
0xb33: {  	[sflag:s26] =	ssyncset.done $0x0  }
0xb34: {  	[sflag:s26] =	ssyncadd.s32 $0xFFFFE000  }
0xb35: {  	[spmem:s11] =	stream.indirect.scatter.add.f32 [tilespmem:s21], [sflag:$0x2], $0x80, s31, s25, $0xb8;
	[tilespmem:$0x19200] =	vst v63  }
0xb36: {  	_ =	swait.ge [sflag:s22], $0x2000  }
0xb37: {  	[sflag:s22] =	ssyncset.done $0x0  }
0xb38: {  	[sflag:s22] =	ssyncadd.s32 $0xFFFFE000  }
0xb39: {  	[tilespmem:s21], [sflag:$0x1] =	stream.indirect.gather [hbm4b:s8+s25], $0x80, s0, s25, $0xb8;
	[tilespmem:$0x19200] =	vst v63  }
0xb3a: {  	_ =	swait.ge [sflag:s26], $0x2000  }
0xb3b: {  	[sflag:s26] =	ssyncset.done $0x0  }
0xb3c: {  	[sflag:s26] =	ssyncadd.s32 $0xFFFFE000  }
0xb3d: {  	[spmem:s11] =	stream.indirect.scatter.add.f32 [tilespmem:s21], [sflag:$0x2], $0x80, s2, s25, $0xb8;
	[tilespmem:$0x19200] =	vst v63  }
0xb3e: {  	_ =	swait.ge [sflag:s22], $0x2000  }
0xb3f: {  	[sflag:s22] =	ssyncset.done $0x0  }
0xb40: {  	[sflag:s22] =	ssyncadd.s32 $0xFFFFE000  }
0xb41: {  	[tilespmem:s21], [sflag:$0x1] =	stream.indirect.gather [hbm4b:s8+s25], $0x80, s3, s25, $0xb8;
	[tilespmem:$0x19200] =	vst v63  }
0xb42: {  	_ =	swait.ge [sflag:s26], $0x2000  }
0xb43: {  	[sflag:s26] =	ssyncset.done $0x0  }
0xb44: {  	[sflag:s26] =	ssyncadd.s32 $0xFFFFE000  }
0xb45: {  	[spmem:s11] =	stream.indirect.scatter.add.f32 [tilespmem:s21], [sflag:$0x2], $0x80, s4, s25, $0xb8;
	[tilespmem:$0x19200] =	vst v63  }
0xb46: {  	_ =	swait.ge [sflag:s22], $0x2000  }
0xb47: {  	[sflag:s22] =	ssyncset.done $0x0  }
0xb48: {  	[sflag:s22] =	ssyncadd.s32 $0xFFFFE000  }
0xb49: {  	[tilespmem:s21], [sflag:$0x1] =	stream.indirect.gather [hbm4b:s8+s25], $0x80, s5, s25, $0xb8;
	[tilespmem:$0x19200] =	vst v63  }
0xb4a: {  	_ =	swait.ge [sflag:s26], $0x2000  }
0xb4b: {  	[sflag:s26] =	ssyncset.done $0x0  }
0xb4c: {  	[sflag:s26] =	ssyncadd.s32 $0xFFFFE000  }
0xb4d: {  	[spmem:s11] =	stream.indirect.scatter.add.f32 [tilespmem:s21], [sflag:$0x2], $0x80, s6, s25, $0xb8;
	[tilespmem:$0x19200] =	vst v63  }
0xb4e: {  	_ =	swait.ge [sflag:s22], $0x2000  }
0xb4f: {  	[sflag:s22] =	ssyncset.done $0x0  }
0xb50: {  	[sflag:s22] =	ssyncadd.s32 $0xFFFFE000  }
0xb51: {  	[tilespmem:s21], [sflag:$0x1] =	stream.indirect.gather [hbm4b:s8+s25], $0x80, s7, s25, $0xb8;
	[tilespmem:$0x19200] =	vst v63  }
0xb52: {  	_ =	swait.ge [sflag:s26], $0x2000  }
0xb53: {  	[sflag:s26] =	ssyncset.done $0x0  }
0xb54: {  	[sflag:s26] =	ssyncadd.s32 $0xFFFFE000  }
0xb55: {  	[spmem:s11] =	stream.indirect.scatter.add.f32 [tilespmem:s21], [sflag:$0x2], $0x80, s9, s25, $0xb8;
	[tilespmem:$0x19200] =	vst v63  }
0xb56: {  	_ =	swait.ge [sflag:s22], $0x2000  }
0xb57: {  	[sflag:s22] =	ssyncset.done $0x0  }
0xb58: {  	[sflag:s22] =	ssyncadd.s32 $0xFFFFE000  }
0xb59: {  	[tilespmem:s21], [sflag:$0x1] =	stream.indirect.gather [hbm4b:s8+s25], $0x80, s10, s25, $0xb8;
	[tilespmem:$0x19200] =	vst v63  }
0xb5a: {  	_ =	swait.ge [sflag:s26], $0x2000  }
0xb5b: {  	[sflag:s26] =	ssyncset.done $0x0  }
0xb5c: {  	[sflag:s26] =	ssyncadd.s32 $0xFFFFE000  }
0xb5d: {  	[spmem:s11] =	stream.indirect.scatter.add.f32 [tilespmem:s21], [sflag:$0x2], $0x80, s12, s25, $0xb8;
	[tilespmem:$0x19200] =	vst v63  }
0xb5e: {  	_ =	swait.ge [sflag:s22], $0x2000  }
0xb5f: {  	[sflag:s22] =	ssyncset.done $0x0  }
0xb60: {  	[sflag:s22] =	ssyncadd.s32 $0xFFFFE000  }
0xb61: {  	v2 =	vld [tilespmem:$0x800];
	_ =	sdelay $0x7  }
0xb62: {  	[tilespmem:v2+s13+$0x0] =	vst.idx.add.f32.msk $0xffff, v1  }
0xb63: {  	v2 =	vld [tilespmem:$0x810];
	_ =	sdelay $0x7  }
0xb64: {  	[tilespmem:v2+s13+$0x0] =	vst.idx.add.f32.msk $0xffff, v1  }
0xb65: {  	v2 =	vld [tilespmem:$0x820];
	_ =	sdelay $0x7  }
0xb66: {  	[tilespmem:v2+s13+$0x0] =	vst.idx.add.f32.msk $0xffff, v1  }
0xb67: {  	v2 =	vld [tilespmem:$0x830];
	_ =	sdelay $0x7  }
0xb68: {  	[tilespmem:v2+s13+$0x0] =	vst.idx.add.f32.msk $0xffff, v1  }
0xb69: {  	v2 =	vld [tilespmem:$0x840];
	_ =	sdelay $0x7  }
0xb6a: {  	[tilespmem:v2+s13+$0x0] =	vst.idx.add.f32.msk $0xffff, v1  }
0xb6b: {  	v2 =	vld [tilespmem:$0x850];
	_ =	sdelay $0x7  }
0xb6c: {  	[tilespmem:v2+s13+$0x0] =	vst.idx.add.f32.msk $0xffff, v1  }
0xb6d: {  	v2 =	vld [tilespmem:$0x860];
	_ =	sdelay $0x7  }
0xb6e: {  	[tilespmem:v2+s13+$0x0] =	vst.idx.add.f32.msk $0xffff, v1  }
0xb6f: {  	v2 =	vld [tilespmem:$0x870];
	_ =	sdelay $0x7  }
0xb70: {  	[tilespmem:v2+s13+$0x0] =	vst.idx.add.f32.msk $0xffff, v1  }
0xb71: {  	v2 =	vld [tilespmem:$0x880];
	_ =	sdelay $0x7  }
0xb72: {  	[tilespmem:v2+s13+$0x0] =	vst.idx.add.f32.msk $0xffff, v1  }
0xb73: {  	v2 =	vld [tilespmem:$0x890];
	_ =	sdelay $0x7  }
0xb74: {  	[tilespmem:v2+s13+$0x0] =	vst.idx.add.f32.msk $0xffff, v1  }
0xb75: {  	v2 =	vld [tilespmem:$0x8A0];
	_ =	sdelay $0x7  }
0xb76: {  	[tilespmem:v2+s13+$0x0] =	vst.idx.add.f32.msk $0xffff, v1  }
0xb77: {  	v2 =	vld [tilespmem:$0x8B0];
	_ =	sdelay $0x7  }
0xb78: {  	[tilespmem:v2+s13+$0x0] =	vst.idx.add.f32.msk $0xffff, v1  }
0xb79: {  	v2 =	vld [tilespmem:$0x8C0];
	_ =	sdelay $0x7  }
0xb7a: {  	[tilespmem:v2+s13+$0x0] =	vst.idx.add.f32.msk $0xffff, v1  }
0xb7b: {  	v2 =	vld [tilespmem:$0x8D0];
	_ =	sdelay $0x7  }
0xb7c: {  	[tilespmem:v2+s13+$0x0] =	vst.idx.add.f32.msk $0xffff, v1  }
0xb7d: {  	v2 =	vld [tilespmem:$0x8E0];
	_ =	sdelay $0x7  }
0xb7e: {  	[tilespmem:v2+s13+$0x0] =	vst.idx.add.f32.msk $0xffff, v1  }
0xb7f: {  	v2 =	vld [tilespmem:$0x8F0];
	_ =	sdelay $0x7  }
0xb80: {  	[tilespmem:v2+s13+$0x0] =	vst.idx.add.f32.msk $0xffff, v1  }
0xb81: {  	v2 =	vld [tilespmem:$0x900];
	_ =	sdelay $0x7  }
0xb82: {  	[tilespmem:v2+s13+$0x0] =	vst.idx.add.f32.msk $0xffff, v1  }
0xb83: {  	v2 =	vld [tilespmem:$0x910];
	_ =	sdelay $0x7  }
0xb84: {  	[tilespmem:v2+s13+$0x0] =	vst.idx.add.f32.msk $0xffff, v1  }
0xb85: {  	v2 =	vld [tilespmem:$0x920];
	_ =	sdelay $0x7  }
0xb86: {  	[tilespmem:v2+s13+$0x0] =	vst.idx.add.f32.msk $0xffff, v1  }
0xb87: {  	v2 =	vld [tilespmem:$0x930];
	_ =	sdelay $0x7  }
0xb88: {  	[tilespmem:v2+s13+$0x0] =	vst.idx.add.f32.msk $0xffff, v1  }
0xb89: {  	v2 =	vld [tilespmem:$0x940];
	_ =	sdelay $0x7  }
0xb8a: {  	[tilespmem:v2+s13+$0x0] =	vst.idx.add.f32.msk $0xffff, v1  }
0xb8b: {  	v2 =	vld [tilespmem:$0x950];
	_ =	sdelay $0x7  }
0xb8c: {  	[tilespmem:v2+s13+$0x0] =	vst.idx.add.f32.msk $0xffff, v1  }
0xb8d: {  	v2 =	vld [tilespmem:$0x960];
	_ =	sdelay $0x7  }
0xb8e: {  	[tilespmem:v2+s13+$0x0] =	vst.idx.add.f32.msk $0xffff, v1  }
0xb8f: {  	v2 =	vld [tilespmem:$0x970];
	_ =	sdelay $0x7  }
0xb90: {  	[tilespmem:v2+s13+$0x0] =	vst.idx.add.f32.msk $0xffff, v1  }
0xb91: {  	v2 =	vld [tilespmem:$0x980];
	_ =	sdelay $0x7  }
0xb92: {  	[tilespmem:v2+s13+$0x0] =	vst.idx.add.f32.msk $0xffff, v1  }
0xb93: {  	v2 =	vld [tilespmem:$0x990];
	_ =	sdelay $0x7  }
0xb94: {  	[tilespmem:v2+s13+$0x0] =	vst.idx.add.f32.msk $0xffff, v1  }
0xb95: {  	v2 =	vld [tilespmem:$0x9A0];
	_ =	sdelay $0x7  }
0xb96: {  	[tilespmem:v2+s13+$0x0] =	vst.idx.add.f32.msk $0xffff, v1  }
0xb97: {  	v2 =	vld [tilespmem:$0x9B0];
	_ =	sdelay $0x7  }
0xb98: {  	[tilespmem:v2+s13+$0x0] =	vst.idx.add.f32.msk $0xffff, v1  }
0xb99: {  	v2 =	vld [tilespmem:$0x9C0];
	_ =	sdelay $0x7  }
0xb9a: {  	[tilespmem:v2+s13+$0x0] =	vst.idx.add.f32.msk $0xffff, v1  }
0xb9b: {  	v2 =	vld [tilespmem:$0x9D0];
	_ =	sdelay $0x7  }
0xb9c: {  	[tilespmem:v2+s13+$0x0] =	vst.idx.add.f32.msk $0xffff, v1  }
0xb9d: {  	v2 =	vld [tilespmem:$0x9E0];
	_ =	sdelay $0x7  }
0xb9e: {  	[tilespmem:v2+s13+$0x0] =	vst.idx.add.f32.msk $0xffff, v1  }
0xb9f: {  	v2 =	vld [tilespmem:$0x9F0];
	_ =	sdelay $0x7  }
0xba0: {  	[tilespmem:v2+s13+$0x0] =	vst.idx.add.f32.msk $0xffff, v1  }
0xba1: {  	s18 =	stileid.u32;
	[bflag:$0x0] =	sbarrier.arrive $0xFFFF  }
0xba2: {  	s16 =	sshll.u32 s18, $0x6;
	s18 =	sld [smem:$0x7E0];
	_ =	sdelay $0x1  }
0xba3: {  	s16 =	sor.u32 $0x1C02, s16;
	s17 =	sshrl.u32 s15, $0x3  }
0xba4: {  	[hbm:s18], [sflag:s16] =	dma.local [spmem:s17], $0x2800  }
0xba5: {  	_ =	swait.ge [sflag:s22], $0x2800  }
0xba6: {  	s17 =	sld [smem:$0x7F5]  }
0xba7: {  	[sflag:s22] =	ssyncset.done $0x0  }
0xba8: {  	[sflag:s22] =	ssyncadd.s32 $0xFFFFD800  }
0xba9: {  	[hbm4b:s17+s1] =	stream.linear.scatter [tilespmem:s13], [sflag:$0x2], $0x2800, $0x38;
	[tilespmem:$0x19200] =	vst v63  }
0xbaa: {  	_ =	swait.ge [sflag:s22], $0x2800  }
0xbab: {  	s18 =	sld [smem:$0x7F6];
	_ =	sdelay $0x1  }
0xbac: {  	s14 =	sadd.s32 $0x1, s14  }
0xbad: {  	p0 =	sne.s32 s14, s18  }
.Ltmp1:
0xbae: {  	_ = 	snop;
	(pc) =	sbr.rel @p0 .LBB2_1-.Ltmp1, $3  }
0xbaf: {  	_ =	sdelay $0x1  }
0xbb0: {  	[sflag:s22] =	ssyncset.done $0x0  }
0xbb1: {  	[sflag:s22] =	ssyncadd.s32 $0xFFFFD800  }
0xbb2: {  	_ =	sfence.sel $0x180000  }
0xbb3: {  	[bflag:$0x0] =	sbarrier.arrive $0xFFFF  }
0xbb4: {  	_ =	strace $0x90000047  }
0xbb5: {  	s0 =	stileid.u32;
	[bflag:$0x2] =	sbarrier.arrive $0xFFFF  }
0xbb6: {  	p0 =	sne.s32 s0, $0x0;
	s0 =	rddreg [dreg:$0x4]  }
0xbb7: {  	s0 =	sadd.s32 @!p0 $0x100000, s0  }
0xbb8: {  	[sflag:s0] =	ssyncadd.tile.s32 @!p0 $0x1;
	_ =	shalt  }
.Lfunc_end2:
_tile_overlayer_lowered:
.L_overlay_start_2:
0xbb9: {  	(tag) =	ssettag $0x2  }
0xbba: {  	s0 =	rddreg [dreg:$0x0];
	s2 =	stileid.u32  }
0xbbb: {  	s1 =	rddreg [dreg:$0x1];
	p0 =	sne.s32 s2, $0x0  }
0xbbc: {  	s3 =	rddreg [dreg:$0x2];
	[bflag:$0x3] =	sbarrier.arrive $0xFFFF;
	s2 =	simm.s32 @!p0 $0x1C02  }
0xbbd: {  	[timem:s3], [sflag:s2] =	dma.local @!p0 [hbm:s0], s1  }
0xbbe: {  	s0 =	simm.s32 @!p0 $0x2  }
0xbbf: {  	_ =	swait.ge @!p0 [sflag:s0], s1  }
0xbc0: {  	s1 =	ssub.s32 @!p0 $0x0, s1;
	[sflag:s0] =	ssyncset.done @!p0 $0x0  }
0xbc1: {  	[sflag:s0] =	ssyncadd.s32 @!p0 s1  }
0xbc2: {  	[bflag:$0x3] =	sbarrier.arrive $0xFFFF  }
0xbc3: {  	_ =	shalt  }

</sc_bundles>
